<compile_context>
chip_gen: v7x
topology: tpu7x:2x2x1
jax: 0.10.2.dev20260603
libtpu: 0.0.44.dev20260713+nightly
codegen_flags: <defaults>
</compile_context>

<pallas_src>
import functools

import jax
import jax.numpy as jnp
from jax import lax
from jax.experimental import pallas as pl
from jax.experimental.pallas import tpu as pltpu
from jax.experimental.pallas import tpu_sc as plsc

L = 16


def _sc_counts():
    try:
        info = plsc.get_sparse_core_info()
        return info.num_cores, info.num_subcores
    except Exception:
        return 2, 16


def kernel(tensor, rowperm, colperm):
    B, R, C = tensor.shape
    NC, NS = _sc_counts()
    NW = NC * NS
    assert B % NW == 0 and R % 8 == 0 and C % 128 == 0
    BPW = B // NW
    RPW = BPW * R
    CH = 32
    NCH = RPW // CH
    G = C // L
    CB = C // 128
    SEG = CH * CB
    M = B * R * CB

    t_tiled = (tensor.reshape(B, R // 8, 8, CB, 128)
               .transpose(0, 1, 3, 2, 4).reshape(M, 128))
    rp = rowperm.astype(jnp.int32)
    cp = colperm.astype(jnp.int32)

    mesh = plsc.VectorSubcoreMesh(
        core_axis_name="c", subcore_axis_name="s",
        num_cores=NC, num_subcores=NS)

    @functools.partial(
        pl.kernel,
        out_type=jax.ShapeDtypeStruct((M, 128), jnp.float32),
        mesh=mesh,
        scratch_types=[
            pltpu.VMEM((R,), jnp.int32),
            pltpu.VMEM((C,), jnp.int32),
            pltpu.VMEM((RPW * CB,), jnp.int32),
            pltpu.VMEM((4, SEG, 128), jnp.float32),
            pltpu.VMEM((2, SEG, 128), jnp.float32),
            pltpu.SemaphoreType.DMA((4,)),
            pltpu.SemaphoreType.DMA((2,)),
        ],
        compiler_params=pltpu.CompilerParams(
            use_tc_tiling_on_sc=False, needs_layout_passes=False),
    )
    def run(t_hbm, rp_hbm, cp_hbm, out_hbm, rp_v, cp_v, idx_v, in_buf,
            out_buf, in_sem, out_sem):
        wid = lax.axis_index("s") * NC + lax.axis_index("c")
        seg_base = wid * RPW * CB
        pltpu.sync_copy(rp_hbm, rp_v)
        pltpu.sync_copy(cp_hbm, cp_v)

        lanes = lax.iota(jnp.int32, L)
        for bi in range(BPW):
            b = wid * BPW + bi

            def idx_body(g, carry, bi=bi, b=b):
                r = rp_v[pl.ds(g * L, L)]
                base = ((r >> 3) * (8 * CB) + (r & 7)
                        + jnp.full((L,), b * R * CB, jnp.int32))
                pos = lanes * CB + jnp.full(
                    (L,), bi * R * CB + g * L * CB, jnp.int32)
                for cb in range(CB):
                    plsc.store_scatter(idx_v, [pos + cb], base + cb * 8)
                return carry

            lax.fori_loop(0, R // L, idx_body, 0)

        cols = [cp_v[pl.ds(g * L, L)] for g in range(G)]
        zeros = jnp.zeros((L,), jnp.int32)

        def gather_in(k, slot):
            pltpu.async_copy(
                t_hbm.at[idx_v.at[pl.ds(k * SEG, SEG)]],
                in_buf.at[slot], in_sem.at[slot])

        def wait_in(k, slot):
            pltpu.make_async_copy(
                t_hbm.at[idx_v.at[pl.ds(k * SEG, SEG)]],
                in_buf.at[slot], in_sem.at[slot]).wait()

        def permute(islot, oslot):
            @plsc.parallel_loop(0, CH)
            def row_body(r):
                row = in_buf.at[islot, pl.ds(r * CB, CB)]
                orow = (r >> 3) * (8 * CB) + (r & 7)
                for cb in range(CB):
                    for g1 in range(128 // L):
                        g = cb * (128 // L) + g1
                        out_buf[oslot, orow + cb * 8, pl.ds(g1 * L, L)] = (
                            plsc.load_gather(row, [zeros, cols[g]]))

        def put_out(k, slot):
            pltpu.async_copy(
                out_buf.at[slot],
                out_hbm.at[pl.ds(seg_base + k * SEG, SEG)],
                out_sem.at[slot])

        def wait_out(k, slot):
            pltpu.make_async_copy(
                out_buf.at[slot],
                out_hbm.at[pl.ds(seg_base + k * SEG, SEG)],
                out_sem.at[slot]).wait()

        gather_in(0, 0)
        gather_in(1, 1)
        gather_in(2, 2)

        def chunk_quad(k4, carry):
            for u in range(4):
                k = k4 * 4 + u
                nxt = k + 3

                @pl.when(nxt < NCH)
                def _():
                    gather_in(nxt, (u + 3) % 4)

                wait_in(k, u)

                @pl.when(k >= 2)
                def _():
                    wait_out(k - 2, u % 2)

                permute(u, u % 2)
                put_out(k, u % 2)
            return carry

        lax.fori_loop(0, NCH // 4, chunk_quad, 0)
        wait_out(NCH - 2, 0)
        wait_out(NCH - 1, 1)

    out_tiled = run(t_tiled, rp, cp)
    return (out_tiled.reshape(B, R // 8, CB, 8, 128)
            .transpose(0, 1, 3, 2, 4).reshape(B, R, C))

# --- scband reference (transcript-rebuilt; emitter-appended) ---
"""Pipeline reference for scband-row-col-permute-70866960384550 (READ-ONLY COPY).

The authoritative reference and input builder live on the scoring server;
editing this copy changes nothing except your own understanding.
"""

import jax, jax.numpy as jnp
import numpy as np

ROW = 512
COL = 512
BATCH = 64


def setup_inputs(seed: int = 0) -> dict:
    key = jax.random.key(seed)
    k1, k2, k3 = jax.random.split(key, 3)
    tensor = jax.random.normal(k1, (BATCH, ROW, COL), dtype=jnp.float32)
    # The torch module falls back to torch.randperm(row/col) when
    # torch_butterfly is unavailable; replicate with jax.random.permutation.
    rowperm = jax.random.permutation(k2, ROW).astype(jnp.int64)
    colperm = jax.random.permutation(k3, COL).astype(jnp.int64)
    return {"tensor": tensor, "rowperm": rowperm, "colperm": colperm}


def reference(tensor, rowperm, colperm):
    # tensor[:, self.rowperm][:, :, self.colperm]
    out = jnp.take(tensor, rowperm, axis=1)
    out = jnp.take(out, colperm, axis=2)
    return out

if __name__ == "__main__":
    import jax
    _d = setup_inputs()
    print(jax.jit(kernel)(*tuple(_d.values())))

</pallas_src>

<mosaic_0001>
#map = affine_map<(d0, d1) -> (0, 0)>
#map1 = affine_map<(d0, d1) -> (0)>
module attributes {stable_mosaic.version = 14 : i64} {
  func.func @run(%arg0: i32, %arg1: i32, %arg2: memref<131072x128xf32, #tpu.memory_space<hbm>>, %arg3: memref<512xi32, #tpu.memory_space<hbm>>, %arg4: memref<512xi32, #tpu.memory_space<hbm>>, %arg5: memref<131072x128xf32, #tpu.memory_space<hbm>>, %arg6: memref<512xi32, #tpu.memory_space<vmem>>, %arg7: memref<512xi32, #tpu.memory_space<vmem>>, %arg8: memref<4096xi32, #tpu.memory_space<vmem>>, %arg9: memref<4x128x128xf32, #tpu.memory_space<vmem>>, %arg10: memref<2x128x128xf32, #tpu.memory_space<vmem>>, %arg11: memref<4x!tpu.dma_semaphore, #tpu.memory_space<semaphore_mem>>, %arg12: memref<2x!tpu.dma_semaphore, #tpu.memory_space<semaphore_mem>>) attributes {dimension_semantics = [#tpu.dimension_semantics<core_parallel>, #tpu.dimension_semantics<subcore_parallel>], iteration_bounds = array<i64: 2, 16>, scalar_prefetch = 0 : i64, scratch_operands = 7 : i64, tpu.core_type = #tpu.core_type<sc_vector_subcore>, window_params = [{transform_indices = #map}, {transform_indices = #map1}, {transform_indices = #map1}, {transform_indices = #map}]} {
    %mul3A = arith.constant 2 : i32
    %mul3A_0 = arith.muli %arg1, %mul3A : i32
    %add3A = arith.addi %mul3A_0, %arg0 : i32
    %mul3A_1 = arith.constant 1024 : i32
    %mul3A_2 = arith.muli %add3A, %mul3A_1 : i32
    %mul3A_3 = arith.constant 4 : i32
    %mul3A_4 = arith.muli %mul3A_2, %mul3A_3 : i32
    "tpu.region"() ({
      %run_scoped3A = tpu.sem_alloc : memref<!tpu.dma_semaphore, #tpu.memory_space<semaphore_mem>>
      tpu.enqueue_dma source(%arg3 : memref<512xi32, #tpu.memory_space<hbm>>) target(%arg6 : memref<512xi32, #tpu.memory_space<vmem>>) target_semaphore(%run_scoped3A : memref<!tpu.dma_semaphore, #tpu.memory_space<semaphore_mem>>)
      tpu.wait_dma2 semaphore(%run_scoped3A : memref<!tpu.dma_semaphore, #tpu.memory_space<semaphore_mem>>) src(%arg3 : memref<512xi32, #tpu.memory_space<hbm>>) dst(%arg6 : memref<512xi32, #tpu.memory_space<vmem>>)
      tpu.yield
    }) : () -> ()
    "tpu.region"() ({
      %run_scoped3A = tpu.sem_alloc : memref<!tpu.dma_semaphore, #tpu.memory_space<semaphore_mem>>
      tpu.enqueue_dma source(%arg4 : memref<512xi32, #tpu.memory_space<hbm>>) target(%arg7 : memref<512xi32, #tpu.memory_space<vmem>>) target_semaphore(%run_scoped3A : memref<!tpu.dma_semaphore, #tpu.memory_space<semaphore_mem>>)
      tpu.wait_dma2 semaphore(%run_scoped3A : memref<!tpu.dma_semaphore, #tpu.memory_space<semaphore_mem>>) src(%arg4 : memref<512xi32, #tpu.memory_space<hbm>>) dst(%arg7 : memref<512xi32, #tpu.memory_space<vmem>>)
      tpu.yield
    }) : () -> ()
    %iota3A = tpu.iota {dimensions = array<i32: 0>} : vector<16xi32>
    %mul3A_5 = arith.constant 2 : i32
    %mul3A_6 = arith.muli %add3A, %mul3A_5 : i32
    %add3A_7 = arith.constant 0 : i32
    %add3A_8 = arith.addi %mul3A_6, %add3A_7 : i32
    %scan3A = arith.constant 0 : i32
    %scan3A_9 = arith.constant 0 : i32
    %scan3A_10 = arith.constant 32 : i32
    %scan3A_11 = arith.addi %scan3A_9, %scan3A_10 : i32
    %scan3A_12 = arith.constant 1 : i32
    scf.for %scan3A_167 = %scan3A_9 to %scan3A_11 step %scan3A_12  : i32 {
      %mul3A_168 = arith.constant 16 : i32
      %mul3A_169 = arith.muli %scan3A_167, %mul3A_168 : i32
      %get3A_170 = arith.index_cast %mul3A_169 : i32 to index
      %get3A_171 = tpu.vector_load %arg6[%get3A_170] {strides = array<i32>} : memref<512xi32, #tpu.memory_space<vmem>>, vector<16xi32>,
      %shift_right_arithmetic3A = arith.constant 3 : i32
      %shift_right_arithmetic3A_172 = vector.broadcast %shift_right_arithmetic3A : i32 to vector<16xi32>
      %shift_right_arithmetic3A_173 = arith.shrsi %get3A_171, %shift_right_arithmetic3A_172 : vector<16xi32>
      %mul3A_174 = arith.constant 32 : i32
      %mul3A_175 = vector.broadcast %mul3A_174 : i32 to vector<16xi32>
      %mul3A_176 = arith.muli %shift_right_arithmetic3A_173, %mul3A_175 : vector<16xi32>
      %and3A = arith.constant 7 : i32
      %and3A_177 = vector.broadcast %and3A : i32 to vector<16xi32>
      %and3A_178 = arith.andi %get3A_171, %and3A_177 : vector<16xi32>
      %add3A_179 = arith.addi %mul3A_176, %and3A_178 : vector<16xi32>
      %mul3A_180 = arith.constant 512 : i32
      %mul3A_181 = arith.muli %add3A_8, %mul3A_180 : i32
      %mul3A_182 = arith.constant 4 : i32
      %mul3A_183 = arith.muli %mul3A_181, %mul3A_182 : i32
      %broadcast_in_dim3A_184 = vector.broadcast %mul3A_183 : i32 to vector<16xi32>
      %add3A_185 = arith.addi %add3A_179, %broadcast_in_dim3A_184 : vector<16xi32>
      %mul3A_186 = arith.constant 4 : i32
      %mul3A_187 = vector.broadcast %mul3A_186 : i32 to vector<16xi32>
      %mul3A_188 = arith.muli %iota3A, %mul3A_187 : vector<16xi32>
      %mul3A_189 = arith.constant 16 : i32
      %mul3A_190 = arith.muli %scan3A_167, %mul3A_189 : i32
      %mul3A_191 = arith.constant 4 : i32
      %mul3A_192 = arith.muli %mul3A_190, %mul3A_191 : i32
      %add3A_193 = arith.constant 0 : i32
      %add3A_194 = arith.addi %add3A_193, %mul3A_192 : i32
      %broadcast_in_dim3A_195 = vector.broadcast %add3A_194 : i32 to vector<16xi32>
      %add3A_196 = arith.addi %mul3A_188, %broadcast_in_dim3A_195 : vector<16xi32>
      %add3A_197 = arith.constant 0 : i32
      %add3A_198 = vector.broadcast %add3A_197 : i32 to vector<16xi32>
      %add3A_199 = arith.addi %add3A_196, %add3A_198 : vector<16xi32>
      %add3A_200 = arith.constant 0 : i32
      %add3A_201 = vector.broadcast %add3A_200 : i32 to vector<16xi32>
      %add3A_202 = arith.addi %add3A_185, %add3A_201 : vector<16xi32>
      tpu.vector_store_idx %arg8[%add3A_199], %add3A_202 : memref<4096xi32, #tpu.memory_space<vmem>>[vector<16xi32>], vector<16xi32>,
      %add3A_203 = arith.constant 1 : i32
      %add3A_204 = vector.broadcast %add3A_203 : i32 to vector<16xi32>
      %add3A_205 = arith.addi %add3A_196, %add3A_204 : vector<16xi32>
      %add3A_206 = arith.constant 8 : i32
      %add3A_207 = vector.broadcast %add3A_206 : i32 to vector<16xi32>
      %add3A_208 = arith.addi %add3A_185, %add3A_207 : vector<16xi32>
      tpu.vector_store_idx %arg8[%add3A_205], %add3A_208 : memref<4096xi32, #tpu.memory_space<vmem>>[vector<16xi32>], vector<16xi32>,
      %add3A_209 = arith.constant 2 : i32
      %add3A_210 = vector.broadcast %add3A_209 : i32 to vector<16xi32>
      %add3A_211 = arith.addi %add3A_196, %add3A_210 : vector<16xi32>
      %add3A_212 = arith.constant 16 : i32
      %add3A_213 = vector.broadcast %add3A_212 : i32 to vector<16xi32>
      %add3A_214 = arith.addi %add3A_185, %add3A_213 : vector<16xi32>
      tpu.vector_store_idx %arg8[%add3A_211], %add3A_214 : memref<4096xi32, #tpu.memory_space<vmem>>[vector<16xi32>], vector<16xi32>,
      %add3A_215 = arith.constant 3 : i32
      %add3A_216 = vector.broadcast %add3A_215 : i32 to vector<16xi32>
      %add3A_217 = arith.addi %add3A_196, %add3A_216 : vector<16xi32>
      %add3A_218 = arith.constant 24 : i32
      %add3A_219 = vector.broadcast %add3A_218 : i32 to vector<16xi32>
      %add3A_220 = arith.addi %add3A_185, %add3A_219 : vector<16xi32>
      tpu.vector_store_idx %arg8[%add3A_217], %add3A_220 : memref<4096xi32, #tpu.memory_space<vmem>>[vector<16xi32>], vector<16xi32>,
    }
    %scan3A_13 = arith.constant 32 : i32
    %mul3A_14 = arith.constant 2 : i32
    %mul3A_15 = arith.muli %add3A, %mul3A_14 : i32
    %add3A_16 = arith.constant 1 : i32
    %add3A_17 = arith.addi %mul3A_15, %add3A_16 : i32
    %scan3A_18 = arith.constant 0 : i32
    %scan3A_19 = arith.constant 0 : i32
    %scan3A_20 = arith.constant 32 : i32
    %scan3A_21 = arith.addi %scan3A_19, %scan3A_20 : i32
    %scan3A_22 = arith.constant 1 : i32
    scf.for %scan3A_167 = %scan3A_19 to %scan3A_21 step %scan3A_22  : i32 {
      %mul3A_168 = arith.constant 16 : i32
      %mul3A_169 = arith.muli %scan3A_167, %mul3A_168 : i32
      %get3A_170 = arith.index_cast %mul3A_169 : i32 to index
      %get3A_171 = tpu.vector_load %arg6[%get3A_170] {strides = array<i32>} : memref<512xi32, #tpu.memory_space<vmem>>, vector<16xi32>,
      %shift_right_arithmetic3A = arith.constant 3 : i32
      %shift_right_arithmetic3A_172 = vector.broadcast %shift_right_arithmetic3A : i32 to vector<16xi32>
      %shift_right_arithmetic3A_173 = arith.shrsi %get3A_171, %shift_right_arithmetic3A_172 : vector<16xi32>
      %mul3A_174 = arith.constant 32 : i32
      %mul3A_175 = vector.broadcast %mul3A_174 : i32 to vector<16xi32>
      %mul3A_176 = arith.muli %shift_right_arithmetic3A_173, %mul3A_175 : vector<16xi32>
      %and3A = arith.constant 7 : i32
      %and3A_177 = vector.broadcast %and3A : i32 to vector<16xi32>
      %and3A_178 = arith.andi %get3A_171, %and3A_177 : vector<16xi32>
      %add3A_179 = arith.addi %mul3A_176, %and3A_178 : vector<16xi32>
      %mul3A_180 = arith.constant 512 : i32
      %mul3A_181 = arith.muli %add3A_17, %mul3A_180 : i32
      %mul3A_182 = arith.constant 4 : i32
      %mul3A_183 = arith.muli %mul3A_181, %mul3A_182 : i32
      %broadcast_in_dim3A_184 = vector.broadcast %mul3A_183 : i32 to vector<16xi32>
      %add3A_185 = arith.addi %add3A_179, %broadcast_in_dim3A_184 : vector<16xi32>
      %mul3A_186 = arith.constant 4 : i32
      %mul3A_187 = vector.broadcast %mul3A_186 : i32 to vector<16xi32>
      %mul3A_188 = arith.muli %iota3A, %mul3A_187 : vector<16xi32>
      %mul3A_189 = arith.constant 16 : i32
      %mul3A_190 = arith.muli %scan3A_167, %mul3A_189 : i32
      %mul3A_191 = arith.constant 4 : i32
      %mul3A_192 = arith.muli %mul3A_190, %mul3A_191 : i32
      %add3A_193 = arith.constant 2048 : i32
      %add3A_194 = arith.addi %add3A_193, %mul3A_192 : i32
      %broadcast_in_dim3A_195 = vector.broadcast %add3A_194 : i32 to vector<16xi32>
      %add3A_196 = arith.addi %mul3A_188, %broadcast_in_dim3A_195 : vector<16xi32>
      %add3A_197 = arith.constant 0 : i32
      %add3A_198 = vector.broadcast %add3A_197 : i32 to vector<16xi32>
      %add3A_199 = arith.addi %add3A_196, %add3A_198 : vector<16xi32>
      %add3A_200 = arith.constant 0 : i32
      %add3A_201 = vector.broadcast %add3A_200 : i32 to vector<16xi32>
      %add3A_202 = arith.addi %add3A_185, %add3A_201 : vector<16xi32>
      tpu.vector_store_idx %arg8[%add3A_199], %add3A_202 : memref<4096xi32, #tpu.memory_space<vmem>>[vector<16xi32>], vector<16xi32>,
      %add3A_203 = arith.constant 1 : i32
      %add3A_204 = vector.broadcast %add3A_203 : i32 to vector<16xi32>
      %add3A_205 = arith.addi %add3A_196, %add3A_204 : vector<16xi32>
      %add3A_206 = arith.constant 8 : i32
      %add3A_207 = vector.broadcast %add3A_206 : i32 to vector<16xi32>
      %add3A_208 = arith.addi %add3A_185, %add3A_207 : vector<16xi32>
      tpu.vector_store_idx %arg8[%add3A_205], %add3A_208 : memref<4096xi32, #tpu.memory_space<vmem>>[vector<16xi32>], vector<16xi32>,
      %add3A_209 = arith.constant 2 : i32
      %add3A_210 = vector.broadcast %add3A_209 : i32 to vector<16xi32>
      %add3A_211 = arith.addi %add3A_196, %add3A_210 : vector<16xi32>
      %add3A_212 = arith.constant 16 : i32
      %add3A_213 = vector.broadcast %add3A_212 : i32 to vector<16xi32>
      %add3A_214 = arith.addi %add3A_185, %add3A_213 : vector<16xi32>
      tpu.vector_store_idx %arg8[%add3A_211], %add3A_214 : memref<4096xi32, #tpu.memory_space<vmem>>[vector<16xi32>], vector<16xi32>,
      %add3A_215 = arith.constant 3 : i32
      %add3A_216 = vector.broadcast %add3A_215 : i32 to vector<16xi32>
      %add3A_217 = arith.addi %add3A_196, %add3A_216 : vector<16xi32>
      %add3A_218 = arith.constant 24 : i32
      %add3A_219 = vector.broadcast %add3A_218 : i32 to vector<16xi32>
      %add3A_220 = arith.addi %add3A_185, %add3A_219 : vector<16xi32>
      tpu.vector_store_idx %arg8[%add3A_217], %add3A_220 : memref<4096xi32, #tpu.memory_space<vmem>>[vector<16xi32>], vector<16xi32>,
    }
    %scan3A_23 = arith.constant 32 : i32
    %get3A = arith.constant 0 : index
    %get3A_24 = tpu.vector_load %arg7[%get3A] {strides = array<i32>} : memref<512xi32, #tpu.memory_space<vmem>>, vector<16xi32>,
    %get3A_25 = arith.constant 16 : index
    %get3A_26 = tpu.vector_load %arg7[%get3A_25] {strides = array<i32>} : memref<512xi32, #tpu.memory_space<vmem>>, vector<16xi32>,
    %get3A_27 = arith.constant 32 : index
    %get3A_28 = tpu.vector_load %arg7[%get3A_27] {strides = array<i32>} : memref<512xi32, #tpu.memory_space<vmem>>, vector<16xi32>,
    %get3A_29 = arith.constant 48 : index
    %get3A_30 = tpu.vector_load %arg7[%get3A_29] {strides = array<i32>} : memref<512xi32, #tpu.memory_space<vmem>>, vector<16xi32>,
    %get3A_31 = arith.constant 64 : index
    %get3A_32 = tpu.vector_load %arg7[%get3A_31] {strides = array<i32>} : memref<512xi32, #tpu.memory_space<vmem>>, vector<16xi32>,
    %get3A_33 = arith.constant 80 : index
    %get3A_34 = tpu.vector_load %arg7[%get3A_33] {strides = array<i32>} : memref<512xi32, #tpu.memory_space<vmem>>, vector<16xi32>,
    %get3A_35 = arith.constant 96 : index
    %get3A_36 = tpu.vector_load %arg7[%get3A_35] {strides = array<i32>} : memref<512xi32, #tpu.memory_space<vmem>>, vector<16xi32>,
    %get3A_37 = arith.constant 112 : index
    %get3A_38 = tpu.vector_load %arg7[%get3A_37] {strides = array<i32>} : memref<512xi32, #tpu.memory_space<vmem>>, vector<16xi32>,
    %get3A_39 = arith.constant 128 : index
    %get3A_40 = tpu.vector_load %arg7[%get3A_39] {strides = array<i32>} : memref<512xi32, #tpu.memory_space<vmem>>, vector<16xi32>,
    %get3A_41 = arith.constant 144 : index
    %get3A_42 = tpu.vector_load %arg7[%get3A_41] {strides = array<i32>} : memref<512xi32, #tpu.memory_space<vmem>>, vector<16xi32>,
    %get3A_43 = arith.constant 160 : index
    %get3A_44 = tpu.vector_load %arg7[%get3A_43] {strides = array<i32>} : memref<512xi32, #tpu.memory_space<vmem>>, vector<16xi32>,
    %get3A_45 = arith.constant 176 : index
    %get3A_46 = tpu.vector_load %arg7[%get3A_45] {strides = array<i32>} : memref<512xi32, #tpu.memory_space<vmem>>, vector<16xi32>,
    %get3A_47 = arith.constant 192 : index
    %get3A_48 = tpu.vector_load %arg7[%get3A_47] {strides = array<i32>} : memref<512xi32, #tpu.memory_space<vmem>>, vector<16xi32>,
    %get3A_49 = arith.constant 208 : index
    %get3A_50 = tpu.vector_load %arg7[%get3A_49] {strides = array<i32>} : memref<512xi32, #tpu.memory_space<vmem>>, vector<16xi32>,
    %get3A_51 = arith.constant 224 : index
    %get3A_52 = tpu.vector_load %arg7[%get3A_51] {strides = array<i32>} : memref<512xi32, #tpu.memory_space<vmem>>, vector<16xi32>,
    %get3A_53 = arith.constant 240 : index
    %get3A_54 = tpu.vector_load %arg7[%get3A_53] {strides = array<i32>} : memref<512xi32, #tpu.memory_space<vmem>>, vector<16xi32>,
    %get3A_55 = arith.constant 256 : index
    %get3A_56 = tpu.vector_load %arg7[%get3A_55] {strides = array<i32>} : memref<512xi32, #tpu.memory_space<vmem>>, vector<16xi32>,
    %get3A_57 = arith.constant 272 : index
    %get3A_58 = tpu.vector_load %arg7[%get3A_57] {strides = array<i32>} : memref<512xi32, #tpu.memory_space<vmem>>, vector<16xi32>,
    %get3A_59 = arith.constant 288 : index
    %get3A_60 = tpu.vector_load %arg7[%get3A_59] {strides = array<i32>} : memref<512xi32, #tpu.memory_space<vmem>>, vector<16xi32>,
    %get3A_61 = arith.constant 304 : index
    %get3A_62 = tpu.vector_load %arg7[%get3A_61] {strides = array<i32>} : memref<512xi32, #tpu.memory_space<vmem>>, vector<16xi32>,
    %get3A_63 = arith.constant 320 : index
    %get3A_64 = tpu.vector_load %arg7[%get3A_63] {strides = array<i32>} : memref<512xi32, #tpu.memory_space<vmem>>, vector<16xi32>,
    %get3A_65 = arith.constant 336 : index
    %get3A_66 = tpu.vector_load %arg7[%get3A_65] {strides = array<i32>} : memref<512xi32, #tpu.memory_space<vmem>>, vector<16xi32>,
    %get3A_67 = arith.constant 352 : index
    %get3A_68 = tpu.vector_load %arg7[%get3A_67] {strides = array<i32>} : memref<512xi32, #tpu.memory_space<vmem>>, vector<16xi32>,
    %get3A_69 = arith.constant 368 : index
    %get3A_70 = tpu.vector_load %arg7[%get3A_69] {strides = array<i32>} : memref<512xi32, #tpu.memory_space<vmem>>, vector<16xi32>,
    %get3A_71 = arith.constant 384 : index
    %get3A_72 = tpu.vector_load %arg7[%get3A_71] {strides = array<i32>} : memref<512xi32, #tpu.memory_space<vmem>>, vector<16xi32>,
    %get3A_73 = arith.constant 400 : index
    %get3A_74 = tpu.vector_load %arg7[%get3A_73] {strides = array<i32>} : memref<512xi32, #tpu.memory_space<vmem>>, vector<16xi32>,
    %get3A_75 = arith.constant 416 : index
    %get3A_76 = tpu.vector_load %arg7[%get3A_75] {strides = array<i32>} : memref<512xi32, #tpu.memory_space<vmem>>, vector<16xi32>,
    %get3A_77 = arith.constant 432 : index
    %get3A_78 = tpu.vector_load %arg7[%get3A_77] {strides = array<i32>} : memref<512xi32, #tpu.memory_space<vmem>>, vector<16xi32>,
    %get3A_79 = arith.constant 448 : index
    %get3A_80 = tpu.vector_load %arg7[%get3A_79] {strides = array<i32>} : memref<512xi32, #tpu.memory_space<vmem>>, vector<16xi32>,
    %get3A_81 = arith.constant 464 : index
    %get3A_82 = tpu.vector_load %arg7[%get3A_81] {strides = array<i32>} : memref<512xi32, #tpu.memory_space<vmem>>, vector<16xi32>,
    %get3A_83 = arith.constant 480 : index
    %get3A_84 = tpu.vector_load %arg7[%get3A_83] {strides = array<i32>} : memref<512xi32, #tpu.memory_space<vmem>>, vector<16xi32>,
    %get3A_85 = arith.constant 496 : index
    %get3A_86 = tpu.vector_load %arg7[%get3A_85] {strides = array<i32>} : memref<512xi32, #tpu.memory_space<vmem>>, vector<16xi32>,
    %broadcast_in_dim3A = arith.constant 0 : i32
    %broadcast_in_dim3A_87 = vector.broadcast %broadcast_in_dim3A : i32 to vector<16xi32>
    %dma_start3A = arith.constant 0 : i32
    %dma_start3A_88 = arith.constant 0 : i32
    %dma_start3A_89 = arith.constant 0 : i32
    %dma_start3A_90 = arith.constant 0 : i32
    %dma_start3A_91 = tpu.memref_slice %arg9[%dma_start3A, %dma_start3A_89, %dma_start3A_90] : memref<4x128x128xf32, #tpu.memory_space<vmem>> -> memref<1x128x128xf32, #tpu.memory_space<vmem>>
    %dma_start3A_92 = tpu.memref_squeeze %dma_start3A_91 : memref<1x128x128xf32, #tpu.memory_space<vmem>> -> memref<128x128xf32, #tpu.memory_space<vmem>>
    %dma_start3A_93 = arith.constant 0 : i32
    %dma_start3A_94 = tpu.memref_slice %arg8[%dma_start3A_93] : memref<4096xi32, #tpu.memory_space<vmem>> -> memref<128xi32, #tpu.memory_space<vmem>>
    %dma_start3A_95 = arith.constant 0 : i32
    %dma_start3A_96 = arith.constant 0 : i32
    %dma_start3A_97 = tpu.memref_slice %arg2[%dma_start3A_95, %dma_start3A_96] : memref<131072x128xf32, #tpu.memory_space<hbm>> -> memref<131072x128xf32, #tpu.memory_space<hbm>>
    %dma_start3A_98 = tpu.memref_slice %arg11[%dma_start3A_88] : memref<4x!tpu.dma_semaphore, #tpu.memory_space<semaphore_mem>> -> memref<1x!tpu.dma_semaphore, #tpu.memory_space<semaphore_mem>>
    %dma_start3A_99 = tpu.memref_squeeze %dma_start3A_98 : memref<1x!tpu.dma_semaphore, #tpu.memory_space<semaphore_mem>> -> memref<!tpu.dma_semaphore, #tpu.memory_space<semaphore_mem>>
    tpu.enqueue_indirect_dma source(%dma_start3A_97 : memref<131072x128xf32, #tpu.memory_space<hbm>>) target(%dma_start3A_92 : memref<128x128xf32, #tpu.memory_space<vmem>>) offsets(%dma_start3A_94 : memref<128xi32, #tpu.memory_space<vmem>>) semaphore(%dma_start3A_99 : memref<!tpu.dma_semaphore, #tpu.memory_space<semaphore_mem>>)
    %dma_start3A_100 = arith.constant 1 : i32
    %dma_start3A_101 = arith.constant 1 : i32
    %dma_start3A_102 = arith.constant 0 : i32
    %dma_start3A_103 = arith.constant 0 : i32
    %dma_start3A_104 = tpu.memref_slice %arg9[%dma_start3A_100, %dma_start3A_102, %dma_start3A_103] : memref<4x128x128xf32, #tpu.memory_space<vmem>> -> memref<1x128x128xf32, #tpu.memory_space<vmem>>
    %dma_start3A_105 = tpu.memref_squeeze %dma_start3A_104 : memref<1x128x128xf32, #tpu.memory_space<vmem>> -> memref<128x128xf32, #tpu.memory_space<vmem>>
    %dma_start3A_106 = arith.constant 128 : i32
    %dma_start3A_107 = tpu.memref_slice %arg8[%dma_start3A_106] : memref<4096xi32, #tpu.memory_space<vmem>> -> memref<128xi32, #tpu.memory_space<vmem>>
    %dma_start3A_108 = arith.constant 0 : i32
    %dma_start3A_109 = arith.constant 0 : i32
    %dma_start3A_110 = tpu.memref_slice %arg2[%dma_start3A_108, %dma_start3A_109] : memref<131072x128xf32, #tpu.memory_space<hbm>> -> memref<131072x128xf32, #tpu.memory_space<hbm>>
    %dma_start3A_111 = tpu.memref_slice %arg11[%dma_start3A_101] : memref<4x!tpu.dma_semaphore, #tpu.memory_space<semaphore_mem>> -> memref<1x!tpu.dma_semaphore, #tpu.memory_space<semaphore_mem>>
    %dma_start3A_112 = tpu.memref_squeeze %dma_start3A_111 : memref<1x!tpu.dma_semaphore, #tpu.memory_space<semaphore_mem>> -> memref<!tpu.dma_semaphore, #tpu.memory_space<semaphore_mem>>
    tpu.enqueue_indirect_dma source(%dma_start3A_110 : memref<131072x128xf32, #tpu.memory_space<hbm>>) target(%dma_start3A_105 : memref<128x128xf32, #tpu.memory_space<vmem>>) offsets(%dma_start3A_107 : memref<128xi32, #tpu.memory_space<vmem>>) semaphore(%dma_start3A_112 : memref<!tpu.dma_semaphore, #tpu.memory_space<semaphore_mem>>)
    %dma_start3A_113 = arith.constant 2 : i32
    %dma_start3A_114 = arith.constant 2 : i32
    %dma_start3A_115 = arith.constant 0 : i32
    %dma_start3A_116 = arith.constant 0 : i32
    %dma_start3A_117 = tpu.memref_slice %arg9[%dma_start3A_113, %dma_start3A_115, %dma_start3A_116] : memref<4x128x128xf32, #tpu.memory_space<vmem>> -> memref<1x128x128xf32, #tpu.memory_space<vmem>>
    %dma_start3A_118 = tpu.memref_squeeze %dma_start3A_117 : memref<1x128x128xf32, #tpu.memory_space<vmem>> -> memref<128x128xf32, #tpu.memory_space<vmem>>
    %dma_start3A_119 = arith.constant 256 : i32
    %dma_start3A_120 = tpu.memref_slice %arg8[%dma_start3A_119] : memref<4096xi32, #tpu.memory_space<vmem>> -> memref<128xi32, #tpu.memory_space<vmem>>
    %dma_start3A_121 = arith.constant 0 : i32
    %dma_start3A_122 = arith.constant 0 : i32
    %dma_start3A_123 = tpu.memref_slice %arg2[%dma_start3A_121, %dma_start3A_122] : memref<131072x128xf32, #tpu.memory_space<hbm>> -> memref<131072x128xf32, #tpu.memory_space<hbm>>
    %dma_start3A_124 = tpu.memref_slice %arg11[%dma_start3A_114] : memref<4x!tpu.dma_semaphore, #tpu.memory_space<semaphore_mem>> -> memref<1x!tpu.dma_semaphore, #tpu.memory_space<semaphore_mem>>
    %dma_start3A_125 = tpu.memref_squeeze %dma_start3A_124 : memref<1x!tpu.dma_semaphore, #tpu.memory_space<semaphore_mem>> -> memref<!tpu.dma_semaphore, #tpu.memory_space<semaphore_mem>>
    tpu.enqueue_indirect_dma source(%dma_start3A_123 : memref<131072x128xf32, #tpu.memory_space<hbm>>) target(%dma_start3A_118 : memref<128x128xf32, #tpu.memory_space<vmem>>) offsets(%dma_start3A_120 : memref<128xi32, #tpu.memory_space<vmem>>) semaphore(%dma_start3A_125 : memref<!tpu.dma_semaphore, #tpu.memory_space<semaphore_mem>>)
    %scan3A_126 = arith.constant 0 : i32
    %scan3A_127 = arith.constant 0 : i32
    %scan3A_128 = arith.constant 8 : i32
    %scan3A_129 = arith.addi %scan3A_127, %scan3A_128 : i32
    %scan3A_130 = arith.constant 1 : i32
    scf.for %scan3A_167 = %scan3A_127 to %scan3A_129 step %scan3A_130  : i32 {
      %mul3A_168 = arith.constant 4 : i32
      %mul3A_169 = arith.muli %scan3A_167, %mul3A_168 : i32
      %add3A_170 = arith.constant 0 : i32
      %add3A_171 = arith.addi %mul3A_169, %add3A_170 : i32
      %add3A_172 = arith.constant 3 : i32
      %add3A_173 = arith.addi %add3A_171, %add3A_172 : i32
      %lt3A = arith.constant 32 : i32
      %lt3A_174 = arith.cmpi slt, %add3A_173, %lt3A : i32
      %convert_element_type3A = arith.extui %lt3A_174 : i1 to i32
      %cond3A = arith.constant 0 : i32
      %cond3A_175 = arith.cmpi ne, %convert_element_type3A, %cond3A : i32
      scf.if %cond3A_175 {
        %mul3A_371 = arith.constant 128 : i32
        %mul3A_372 = arith.muli %add3A_173, %mul3A_371 : i32
        %dma_start3A_373 = arith.constant 3 : i32
        %dma_start3A_374 = arith.constant 3 : i32
        %dma_start3A_375 = arith.constant 0 : i32
        %dma_start3A_376 = arith.constant 0 : i32
        %dma_start3A_377 = tpu.memref_slice %arg9[%dma_start3A_373, %dma_start3A_375, %dma_start3A_376] : memref<4x128x128xf32, #tpu.memory_space<vmem>> -> memref<1x128x128xf32, #tpu.memory_space<vmem>>
        %dma_start3A_378 = tpu.memref_squeeze %dma_start3A_377 : memref<1x128x128xf32, #tpu.memory_space<vmem>> -> memref<128x128xf32, #tpu.memory_space<vmem>>
        %dma_start3A_379 = tpu.memref_slice %arg8[%mul3A_372] : memref<4096xi32, #tpu.memory_space<vmem>> -> memref<128xi32, #tpu.memory_space<vmem>>
        %dma_start3A_380 = arith.constant 0 : i32
        %dma_start3A_381 = arith.constant 0 : i32
        %dma_start3A_382 = tpu.memref_slice %arg2[%dma_start3A_380, %dma_start3A_381] : memref<131072x128xf32, #tpu.memory_space<hbm>> -> memref<131072x128xf32, #tpu.memory_space<hbm>>
        %dma_start3A_383 = tpu.memref_slice %arg11[%dma_start3A_374] : memref<4x!tpu.dma_semaphore, #tpu.memory_space<semaphore_mem>> -> memref<1x!tpu.dma_semaphore, #tpu.memory_space<semaphore_mem>>
        %dma_start3A_384 = tpu.memref_squeeze %dma_start3A_383 : memref<1x!tpu.dma_semaphore, #tpu.memory_space<semaphore_mem>> -> memref<!tpu.dma_semaphore, #tpu.memory_space<semaphore_mem>>
        tpu.enqueue_indirect_dma source(%dma_start3A_382 : memref<131072x128xf32, #tpu.memory_space<hbm>>) target(%dma_start3A_378 : memref<128x128xf32, #tpu.memory_space<vmem>>) offsets(%dma_start3A_379 : memref<128xi32, #tpu.memory_space<vmem>>) semaphore(%dma_start3A_384 : memref<!tpu.dma_semaphore, #tpu.memory_space<semaphore_mem>>)
      } else {
      }
      %mul3A_176 = arith.constant 128 : i32
      %mul3A_177 = arith.muli %add3A_171, %mul3A_176 : i32
      %dma_wait3A_178 = arith.constant 0 : i32
      %dma_wait3A_179 = arith.constant 0 : i32
      %dma_wait3A_180 = arith.constant 0 : i32
      %dma_wait3A_181 = arith.constant 0 : i32
      %dma_wait3A_182 = tpu.memref_slice %arg9[%dma_wait3A_178, %dma_wait3A_180, %dma_wait3A_181] : memref<4x128x128xf32, #tpu.memory_space<vmem>> -> memref<1x128x128xf32, #tpu.memory_space<vmem>>
      %dma_wait3A_183 = tpu.memref_squeeze %dma_wait3A_182 : memref<1x128x128xf32, #tpu.memory_space<vmem>> -> memref<128x128xf32, #tpu.memory_space<vmem>>
      %dma_wait3A_184 = tpu.memref_slice %arg8[%mul3A_177] : memref<4096xi32, #tpu.memory_space<vmem>> -> memref<128xi32, #tpu.memory_space<vmem>>
      %dma_wait3A_185 = arith.constant 0 : i32
      %dma_wait3A_186 = arith.constant 0 : i32
      %dma_wait3A_187 = tpu.memref_slice %arg2[%dma_wait3A_185, %dma_wait3A_186] : memref<131072x128xf32, #tpu.memory_space<hbm>> -> memref<131072x128xf32, #tpu.memory_space<hbm>>
      %dma_wait3A_188 = tpu.memref_slice %arg11[%dma_wait3A_179] : memref<4x!tpu.dma_semaphore, #tpu.memory_space<semaphore_mem>> -> memref<1x!tpu.dma_semaphore, #tpu.memory_space<semaphore_mem>>
      %dma_wait3A_189 = tpu.memref_squeeze %dma_wait3A_188 : memref<1x!tpu.dma_semaphore, #tpu.memory_space<semaphore_mem>> -> memref<!tpu.dma_semaphore, #tpu.memory_space<semaphore_mem>>
      tpu.wait_indirect_dma semaphore(%dma_wait3A_189 : memref<!tpu.dma_semaphore, #tpu.memory_space<semaphore_mem>>) src(%dma_wait3A_187 : memref<131072x128xf32, #tpu.memory_space<hbm>>) dst(%dma_wait3A_183 : memref<128x128xf32, #tpu.memory_space<vmem>>)
      %ge3A = arith.constant 2 : i32
      %ge3A_190 = arith.cmpi sge, %add3A_171, %ge3A : i32
      %convert_element_type3A_191 = arith.extui %ge3A_190 : i1 to i32
      %cond3A_192 = arith.constant 0 : i32
      %cond3A_193 = arith.cmpi ne, %convert_element_type3A_191, %cond3A_192 : i32
      scf.if %cond3A_193 {
        %sub3A = arith.constant 2 : i32
        %sub3A_371 = arith.subi %add3A_171, %sub3A : i32
        %mul3A_372 = arith.constant 128 : i32
        %mul3A_373 = arith.muli %sub3A_371, %mul3A_372 : i32
        %add3A_374 = arith.addi %mul3A_4, %mul3A_373 : i32
        %dma_wait3A_375 = arith.constant 0 : i32
        %dma_wait3A_376 = arith.constant 0 : i32
        %dma_wait3A_377 = arith.constant 0 : i32
        %dma_wait3A_378 = arith.constant 0 : i32
        %dma_wait3A_379 = tpu.memref_slice %arg10[%dma_wait3A_375, %dma_wait3A_377, %dma_wait3A_378] : memref<2x128x128xf32, #tpu.memory_space<vmem>> -> memref<1x128x128xf32, #tpu.memory_space<vmem>>
        %dma_wait3A_380 = tpu.memref_squeeze %dma_wait3A_379 : memref<1x128x128xf32, #tpu.memory_space<vmem>> -> memref<128x128xf32, #tpu.memory_space<vmem>>
        %dma_wait3A_381 = arith.constant 0 : i32
        %dma_wait3A_382 = tpu.memref_slice %arg5[%add3A_374, %dma_wait3A_381] : memref<131072x128xf32, #tpu.memory_space<hbm>> -> memref<128x128xf32, #tpu.memory_space<hbm>>
        %dma_wait3A_383 = tpu.memref_slice %arg12[%dma_wait3A_376] : memref<2x!tpu.dma_semaphore, #tpu.memory_space<semaphore_mem>> -> memref<1x!tpu.dma_semaphore, #tpu.memory_space<semaphore_mem>>
        %dma_wait3A_384 = tpu.memref_squeeze %dma_wait3A_383 : memref<1x!tpu.dma_semaphore, #tpu.memory_space<semaphore_mem>> -> memref<!tpu.dma_semaphore, #tpu.memory_space<semaphore_mem>>
        %dma_wait3A_385 = arith.constant 0 : i32
        %dma_wait3A_386 = tpu.memref_slice %arg5[%add3A_374, %dma_wait3A_385] : memref<131072x128xf32, #tpu.memory_space<hbm>> -> memref<128x128xf32, #tpu.memory_space<hbm>>
        %dma_wait3A_387 = arith.constant 0 : i32
        %dma_wait3A_388 = arith.constant 0 : i32
        %dma_wait3A_389 = tpu.memref_slice %arg10[%dma_wait3A_375, %dma_wait3A_387, %dma_wait3A_388] : memref<2x128x128xf32, #tpu.memory_space<vmem>> -> memref<1x128x128xf32, #tpu.memory_space<vmem>>
        %dma_wait3A_390 = tpu.memref_squeeze %dma_wait3A_389 : memref<1x128x128xf32, #tpu.memory_space<vmem>> -> memref<128x128xf32, #tpu.memory_space<vmem>>
        tpu.wait_dma2 semaphore(%dma_wait3A_384 : memref<!tpu.dma_semaphore, #tpu.memory_space<semaphore_mem>>) src(%dma_wait3A_390 : memref<128x128xf32, #tpu.memory_space<vmem>>) dst(%dma_wait3A_386 : memref<128x128xf32, #tpu.memory_space<hbm>>)
      } else {
      }
      %parallel_loop3A = arith.constant 0 : i32
      %parallel_loop3A_194 = arith.constant 32 : i32
      %parallel_loop3A_195 = arith.constant 1 : i32
      scf.for %parallel_loop3A_371 = %parallel_loop3A to %parallel_loop3A_194 step %parallel_loop3A_195  : i32 {
        %parallel_loop3A_372 = arith.constant 4 : i32
        %parallel_loop3A_373 = arith.muli %parallel_loop3A_371, %parallel_loop3A_372 : i32
        %parallel_loop3A_374 = arith.constant 3 : i32
        %parallel_loop3A_375 = arith.shrsi %parallel_loop3A_371, %parallel_loop3A_374 : i32
        %parallel_loop3A_376 = arith.constant 32 : i32
        %parallel_loop3A_377 = arith.muli %parallel_loop3A_375, %parallel_loop3A_376 : i32
        %parallel_loop3A_378 = arith.constant 7 : i32
        %parallel_loop3A_379 = arith.andi %parallel_loop3A_371, %parallel_loop3A_378 : i32
        %parallel_loop3A_380 = arith.addi %parallel_loop3A_377, %parallel_loop3A_379 : i32
        %parallel_loop3A_381 = arith.constant 0 : i32
        %parallel_loop3A_382 = arith.constant 0 : i32
        %parallel_loop3A_383 = tpu.memref_slice %arg9[%parallel_loop3A_381, %parallel_loop3A_373, %parallel_loop3A_382] : memref<4x128x128xf32, #tpu.memory_space<vmem>> -> memref<1x4x128xf32, #tpu.memory_space<vmem>>
        %parallel_loop3A_384 = tpu.memref_squeeze %parallel_loop3A_383 : memref<1x4x128xf32, #tpu.memory_space<vmem>> -> memref<4x128xf32, #tpu.memory_space<vmem>>
        %parallel_loop3A_385 = tpu.vector_load_idx %parallel_loop3A_384[%broadcast_in_dim3A_87, %get3A_24] : memref<4x128xf32, #tpu.memory_space<vmem>>[vector<16xi32>, vector<16xi32>], vector<16xf32>,
        %parallel_loop3A_386 = arith.constant 0 : i32
        %parallel_loop3A_387 = arith.addi %parallel_loop3A_380, %parallel_loop3A_386 : i32
        %parallel_loop3A_388 = arith.constant 0 : i32
        %parallel_loop3A_389 = arith.index_cast %parallel_loop3A_388 : i32 to index
        %parallel_loop3A_390 = arith.index_cast %parallel_loop3A_387 : i32 to index
        %parallel_loop3A_391 = arith.constant 0 : index
        %parallel_loop3A_392 = tpu.vector_load %arg10[%parallel_loop3A_389, %parallel_loop3A_390, %parallel_loop3A_391] {strides = array<i32>} : memref<2x128x128xf32, #tpu.memory_space<vmem>>, vector<16xf32>,
        tpu.vector_store %arg10[%parallel_loop3A_389, %parallel_loop3A_390, %parallel_loop3A_391], %parallel_loop3A_385 {strides = array<i32>} : memref<2x128x128xf32, #tpu.memory_space<vmem>>, vector<16xf32>,
        %parallel_loop3A_393 = arith.constant 0 : i32
        %parallel_loop3A_394 = arith.constant 0 : i32
        %parallel_loop3A_395 = tpu.memref_slice %arg9[%parallel_loop3A_393, %parallel_loop3A_373, %parallel_loop3A_394] : memref<4x128x128xf32, #tpu.memory_space<vmem>> -> memref<1x4x128xf32, #tpu.memory_space<vmem>>
        %parallel_loop3A_396 = tpu.memref_squeeze %parallel_loop3A_395 : memref<1x4x128xf32, #tpu.memory_space<vmem>> -> memref<4x128xf32, #tpu.memory_space<vmem>>
        %parallel_loop3A_397 = tpu.vector_load_idx %parallel_loop3A_396[%broadcast_in_dim3A_87, %get3A_26] : memref<4x128xf32, #tpu.memory_space<vmem>>[vector<16xi32>, vector<16xi32>], vector<16xf32>,
        %parallel_loop3A_398 = arith.constant 0 : i32
        %parallel_loop3A_399 = arith.addi %parallel_loop3A_380, %parallel_loop3A_398 : i32
        %parallel_loop3A_400 = arith.constant 0 : i32
        %parallel_loop3A_401 = arith.index_cast %parallel_loop3A_400 : i32 to index
        %parallel_loop3A_402 = arith.index_cast %parallel_loop3A_399 : i32 to index
        %parallel_loop3A_403 = arith.constant 16 : index
        %parallel_loop3A_404 = tpu.vector_load %arg10[%parallel_loop3A_401, %parallel_loop3A_402, %parallel_loop3A_403] {strides = array<i32>} : memref<2x128x128xf32, #tpu.memory_space<vmem>>, vector<16xf32>,
        tpu.vector_store %arg10[%parallel_loop3A_401, %parallel_loop3A_402, %parallel_loop3A_403], %parallel_loop3A_397 {strides = array<i32>} : memref<2x128x128xf32, #tpu.memory_space<vmem>>, vector<16xf32>,
        %parallel_loop3A_405 = arith.constant 0 : i32
        %parallel_loop3A_406 = arith.constant 0 : i32
        %parallel_loop3A_407 = tpu.memref_slice %arg9[%parallel_loop3A_405, %parallel_loop3A_373, %parallel_loop3A_406] : memref<4x128x128xf32, #tpu.memory_space<vmem>> -> memref<1x4x128xf32, #tpu.memory_space<vmem>>
        %parallel_loop3A_408 = tpu.memref_squeeze %parallel_loop3A_407 : memref<1x4x128xf32, #tpu.memory_space<vmem>> -> memref<4x128xf32, #tpu.memory_space<vmem>>
        %parallel_loop3A_409 = tpu.vector_load_idx %parallel_loop3A_408[%broadcast_in_dim3A_87, %get3A_28] : memref<4x128xf32, #tpu.memory_space<vmem>>[vector<16xi32>, vector<16xi32>], vector<16xf32>,
        %parallel_loop3A_410 = arith.constant 0 : i32
        %parallel_loop3A_411 = arith.addi %parallel_loop3A_380, %parallel_loop3A_410 : i32
        %parallel_loop3A_412 = arith.constant 0 : i32
        %parallel_loop3A_413 = arith.index_cast %parallel_loop3A_412 : i32 to index
        %parallel_loop3A_414 = arith.index_cast %parallel_loop3A_411 : i32 to index
        %parallel_loop3A_415 = arith.constant 32 : index
        %parallel_loop3A_416 = tpu.vector_load %arg10[%parallel_loop3A_413, %parallel_loop3A_414, %parallel_loop3A_415] {strides = array<i32>} : memref<2x128x128xf32, #tpu.memory_space<vmem>>, vector<16xf32>,
        tpu.vector_store %arg10[%parallel_loop3A_413, %parallel_loop3A_414, %parallel_loop3A_415], %parallel_loop3A_409 {strides = array<i32>} : memref<2x128x128xf32, #tpu.memory_space<vmem>>, vector<16xf32>,
        %parallel_loop3A_417 = arith.constant 0 : i32
        %parallel_loop3A_418 = arith.constant 0 : i32
        %parallel_loop3A_419 = tpu.memref_slice %arg9[%parallel_loop3A_417, %parallel_loop3A_373, %parallel_loop3A_418] : memref<4x128x128xf32, #tpu.memory_space<vmem>> -> memref<1x4x128xf32, #tpu.memory_space<vmem>>
        %parallel_loop3A_420 = tpu.memref_squeeze %parallel_loop3A_419 : memref<1x4x128xf32, #tpu.memory_space<vmem>> -> memref<4x128xf32, #tpu.memory_space<vmem>>
        %parallel_loop3A_421 = tpu.vector_load_idx %parallel_loop3A_420[%broadcast_in_dim3A_87, %get3A_30] : memref<4x128xf32, #tpu.memory_space<vmem>>[vector<16xi32>, vector<16xi32>], vector<16xf32>,
        %parallel_loop3A_422 = arith.constant 0 : i32
        %parallel_loop3A_423 = arith.addi %parallel_loop3A_380, %parallel_loop3A_422 : i32
        %parallel_loop3A_424 = arith.constant 0 : i32
        %parallel_loop3A_425 = arith.index_cast %parallel_loop3A_424 : i32 to index
        %parallel_loop3A_426 = arith.index_cast %parallel_loop3A_423 : i32 to index
        %parallel_loop3A_427 = arith.constant 48 : index
        %parallel_loop3A_428 = tpu.vector_load %arg10[%parallel_loop3A_425, %parallel_loop3A_426, %parallel_loop3A_427] {strides = array<i32>} : memref<2x128x128xf32, #tpu.memory_space<vmem>>, vector<16xf32>,
        tpu.vector_store %arg10[%parallel_loop3A_425, %parallel_loop3A_426, %parallel_loop3A_427], %parallel_loop3A_421 {strides = array<i32>} : memref<2x128x128xf32, #tpu.memory_space<vmem>>, vector<16xf32>,
        %parallel_loop3A_429 = arith.constant 0 : i32
        %parallel_loop3A_430 = arith.constant 0 : i32
        %parallel_loop3A_431 = tpu.memref_slice %arg9[%parallel_loop3A_429, %parallel_loop3A_373, %parallel_loop3A_430] : memref<4x128x128xf32, #tpu.memory_space<vmem>> -> memref<1x4x128xf32, #tpu.memory_space<vmem>>
        %parallel_loop3A_432 = tpu.memref_squeeze %parallel_loop3A_431 : memref<1x4x128xf32, #tpu.memory_space<vmem>> -> memref<4x128xf32, #tpu.memory_space<vmem>>
        %parallel_loop3A_433 = tpu.vector_load_idx %parallel_loop3A_432[%broadcast_in_dim3A_87, %get3A_32] : memref<4x128xf32, #tpu.memory_space<vmem>>[vector<16xi32>, vector<16xi32>], vector<16xf32>,
        %parallel_loop3A_434 = arith.constant 0 : i32
        %parallel_loop3A_435 = arith.addi %parallel_loop3A_380, %parallel_loop3A_434 : i32
        %parallel_loop3A_436 = arith.constant 0 : i32
        %parallel_loop3A_437 = arith.index_cast %parallel_loop3A_436 : i32 to index
        %parallel_loop3A_438 = arith.index_cast %parallel_loop3A_435 : i32 to index
        %parallel_loop3A_439 = arith.constant 64 : index
        %parallel_loop3A_440 = tpu.vector_load %arg10[%parallel_loop3A_437, %parallel_loop3A_438, %parallel_loop3A_439] {strides = array<i32>} : memref<2x128x128xf32, #tpu.memory_space<vmem>>, vector<16xf32>,
        tpu.vector_store %arg10[%parallel_loop3A_437, %parallel_loop3A_438, %parallel_loop3A_439], %parallel_loop3A_433 {strides = array<i32>} : memref<2x128x128xf32, #tpu.memory_space<vmem>>, vector<16xf32>,
        %parallel_loop3A_441 = arith.constant 0 : i32
        %parallel_loop3A_442 = arith.constant 0 : i32
        %parallel_loop3A_443 = tpu.memref_slice %arg9[%parallel_loop3A_441, %parallel_loop3A_373, %parallel_loop3A_442] : memref<4x128x128xf32, #tpu.memory_space<vmem>> -> memref<1x4x128xf32, #tpu.memory_space<vmem>>
        %parallel_loop3A_444 = tpu.memref_squeeze %parallel_loop3A_443 : memref<1x4x128xf32, #tpu.memory_space<vmem>> -> memref<4x128xf32, #tpu.memory_space<vmem>>
        %parallel_loop3A_445 = tpu.vector_load_idx %parallel_loop3A_444[%broadcast_in_dim3A_87, %get3A_34] : memref<4x128xf32, #tpu.memory_space<vmem>>[vector<16xi32>, vector<16xi32>], vector<16xf32>,
        %parallel_loop3A_446 = arith.constant 0 : i32
        %parallel_loop3A_447 = arith.addi %parallel_loop3A_380, %parallel_loop3A_446 : i32
        %parallel_loop3A_448 = arith.constant 0 : i32
        %parallel_loop3A_449 = arith.index_cast %parallel_loop3A_448 : i32 to index
        %parallel_loop3A_450 = arith.index_cast %parallel_loop3A_447 : i32 to index
        %parallel_loop3A_451 = arith.constant 80 : index
        %parallel_loop3A_452 = tpu.vector_load %arg10[%parallel_loop3A_449, %parallel_loop3A_450, %parallel_loop3A_451] {strides = array<i32>} : memref<2x128x128xf32, #tpu.memory_space<vmem>>, vector<16xf32>,
        tpu.vector_store %arg10[%parallel_loop3A_449, %parallel_loop3A_450, %parallel_loop3A_451], %parallel_loop3A_445 {strides = array<i32>} : memref<2x128x128xf32, #tpu.memory_space<vmem>>, vector<16xf32>,
        %parallel_loop3A_453 = arith.constant 0 : i32
        %parallel_loop3A_454 = arith.constant 0 : i32
        %parallel_loop3A_455 = tpu.memref_slice %arg9[%parallel_loop3A_453, %parallel_loop3A_373, %parallel_loop3A_454] : memref<4x128x128xf32, #tpu.memory_space<vmem>> -> memref<1x4x128xf32, #tpu.memory_space<vmem>>
        %parallel_loop3A_456 = tpu.memref_squeeze %parallel_loop3A_455 : memref<1x4x128xf32, #tpu.memory_space<vmem>> -> memref<4x128xf32, #tpu.memory_space<vmem>>
        %parallel_loop3A_457 = tpu.vector_load_idx %parallel_loop3A_456[%broadcast_in_dim3A_87, %get3A_36] : memref<4x128xf32, #tpu.memory_space<vmem>>[vector<16xi32>, vector<16xi32>], vector<16xf32>,
        %parallel_loop3A_458 = arith.constant 0 : i32
        %parallel_loop3A_459 = arith.addi %parallel_loop3A_380, %parallel_loop3A_458 : i32
        %parallel_loop3A_460 = arith.constant 0 : i32
        %parallel_loop3A_461 = arith.index_cast %parallel_loop3A_460 : i32 to index
        %parallel_loop3A_462 = arith.index_cast %parallel_loop3A_459 : i32 to index
        %parallel_loop3A_463 = arith.constant 96 : index
        %parallel_loop3A_464 = tpu.vector_load %arg10[%parallel_loop3A_461, %parallel_loop3A_462, %parallel_loop3A_463] {strides = array<i32>} : memref<2x128x128xf32, #tpu.memory_space<vmem>>, vector<16xf32>,
        tpu.vector_store %arg10[%parallel_loop3A_461, %parallel_loop3A_462, %parallel_loop3A_463], %parallel_loop3A_457 {strides = array<i32>} : memref<2x128x128xf32, #tpu.memory_space<vmem>>, vector<16xf32>,
        %parallel_loop3A_465 = arith.constant 0 : i32
        %parallel_loop3A_466 = arith.constant 0 : i32
        %parallel_loop3A_467 = tpu.memref_slice %arg9[%parallel_loop3A_465, %parallel_loop3A_373, %parallel_loop3A_466] : memref<4x128x128xf32, #tpu.memory_space<vmem>> -> memref<1x4x128xf32, #tpu.memory_space<vmem>>
        %parallel_loop3A_468 = tpu.memref_squeeze %parallel_loop3A_467 : memref<1x4x128xf32, #tpu.memory_space<vmem>> -> memref<4x128xf32, #tpu.memory_space<vmem>>
        %parallel_loop3A_469 = tpu.vector_load_idx %parallel_loop3A_468[%broadcast_in_dim3A_87, %get3A_38] : memref<4x128xf32, #tpu.memory_space<vmem>>[vector<16xi32>, vector<16xi32>], vector<16xf32>,
        %parallel_loop3A_470 = arith.constant 0 : i32
        %parallel_loop3A_471 = arith.addi %parallel_loop3A_380, %parallel_loop3A_470 : i32
        %parallel_loop3A_472 = arith.constant 0 : i32
        %parallel_loop3A_473 = arith.index_cast %parallel_loop3A_472 : i32 to index
        %parallel_loop3A_474 = arith.index_cast %parallel_loop3A_471 : i32 to index
        %parallel_loop3A_475 = arith.constant 112 : index
        %parallel_loop3A_476 = tpu.vector_load %arg10[%parallel_loop3A_473, %parallel_loop3A_474, %parallel_loop3A_475] {strides = array<i32>} : memref<2x128x128xf32, #tpu.memory_space<vmem>>, vector<16xf32>,
        tpu.vector_store %arg10[%parallel_loop3A_473, %parallel_loop3A_474, %parallel_loop3A_475], %parallel_loop3A_469 {strides = array<i32>} : memref<2x128x128xf32, #tpu.memory_space<vmem>>, vector<16xf32>,
        %parallel_loop3A_477 = arith.constant 0 : i32
        %parallel_loop3A_478 = arith.constant 0 : i32
        %parallel_loop3A_479 = tpu.memref_slice %arg9[%parallel_loop3A_477, %parallel_loop3A_373, %parallel_loop3A_478] : memref<4x128x128xf32, #tpu.memory_space<vmem>> -> memref<1x4x128xf32, #tpu.memory_space<vmem>>
        %parallel_loop3A_480 = tpu.memref_squeeze %parallel_loop3A_479 : memref<1x4x128xf32, #tpu.memory_space<vmem>> -> memref<4x128xf32, #tpu.memory_space<vmem>>
        %parallel_loop3A_481 = tpu.vector_load_idx %parallel_loop3A_480[%broadcast_in_dim3A_87, %get3A_40] : memref<4x128xf32, #tpu.memory_space<vmem>>[vector<16xi32>, vector<16xi32>], vector<16xf32>,
        %parallel_loop3A_482 = arith.constant 8 : i32
        %parallel_loop3A_483 = arith.addi %parallel_loop3A_380, %parallel_loop3A_482 : i32
        %parallel_loop3A_484 = arith.constant 0 : i32
        %parallel_loop3A_485 = arith.index_cast %parallel_loop3A_484 : i32 to index
        %parallel_loop3A_486 = arith.index_cast %parallel_loop3A_483 : i32 to index
        %parallel_loop3A_487 = arith.constant 0 : index
        %parallel_loop3A_488 = tpu.vector_load %arg10[%parallel_loop3A_485, %parallel_loop3A_486, %parallel_loop3A_487] {strides = array<i32>} : memref<2x128x128xf32, #tpu.memory_space<vmem>>, vector<16xf32>,
        tpu.vector_store %arg10[%parallel_loop3A_485, %parallel_loop3A_486, %parallel_loop3A_487], %parallel_loop3A_481 {strides = array<i32>} : memref<2x128x128xf32, #tpu.memory_space<vmem>>, vector<16xf32>,
        %parallel_loop3A_489 = arith.constant 0 : i32
        %parallel_loop3A_490 = arith.constant 0 : i32
        %parallel_loop3A_491 = tpu.memref_slice %arg9[%parallel_loop3A_489, %parallel_loop3A_373, %parallel_loop3A_490] : memref<4x128x128xf32, #tpu.memory_space<vmem>> -> memref<1x4x128xf32, #tpu.memory_space<vmem>>
        %parallel_loop3A_492 = tpu.memref_squeeze %parallel_loop3A_491 : memref<1x4x128xf32, #tpu.memory_space<vmem>> -> memref<4x128xf32, #tpu.memory_space<vmem>>
        %parallel_loop3A_493 = tpu.vector_load_idx %parallel_loop3A_492[%broadcast_in_dim3A_87, %get3A_42] : memref<4x128xf32, #tpu.memory_space<vmem>>[vector<16xi32>, vector<16xi32>], vector<16xf32>,
        %parallel_loop3A_494 = arith.constant 8 : i32
        %parallel_loop3A_495 = arith.addi %parallel_loop3A_380, %parallel_loop3A_494 : i32
        %parallel_loop3A_496 = arith.constant 0 : i32
        %parallel_loop3A_497 = arith.index_cast %parallel_loop3A_496 : i32 to index
        %parallel_loop3A_498 = arith.index_cast %parallel_loop3A_495 : i32 to index
        %parallel_loop3A_499 = arith.constant 16 : index
        %parallel_loop3A_500 = tpu.vector_load %arg10[%parallel_loop3A_497, %parallel_loop3A_498, %parallel_loop3A_499] {strides = array<i32>} : memref<2x128x128xf32, #tpu.memory_space<vmem>>, vector<16xf32>,
        tpu.vector_store %arg10[%parallel_loop3A_497, %parallel_loop3A_498, %parallel_loop3A_499], %parallel_loop3A_493 {strides = array<i32>} : memref<2x128x128xf32, #tpu.memory_space<vmem>>, vector<16xf32>,
        %parallel_loop3A_501 = arith.constant 0 : i32
        %parallel_loop3A_502 = arith.constant 0 : i32
        %parallel_loop3A_503 = tpu.memref_slice %arg9[%parallel_loop3A_501, %parallel_loop3A_373, %parallel_loop3A_502] : memref<4x128x128xf32, #tpu.memory_space<vmem>> -> memref<1x4x128xf32, #tpu.memory_space<vmem>>
        %parallel_loop3A_504 = tpu.memref_squeeze %parallel_loop3A_503 : memref<1x4x128xf32, #tpu.memory_space<vmem>> -> memref<4x128xf32, #tpu.memory_space<vmem>>
        %parallel_loop3A_505 = tpu.vector_load_idx %parallel_loop3A_504[%broadcast_in_dim3A_87, %get3A_44] : memref<4x128xf32, #tpu.memory_space<vmem>>[vector<16xi32>, vector<16xi32>], vector<16xf32>,
        %parallel_loop3A_506 = arith.constant 8 : i32
        %parallel_loop3A_507 = arith.addi %parallel_loop3A_380, %parallel_loop3A_506 : i32
        %parallel_loop3A_508 = arith.constant 0 : i32
        %parallel_loop3A_509 = arith.index_cast %parallel_loop3A_508 : i32 to index
        %parallel_loop3A_510 = arith.index_cast %parallel_loop3A_507 : i32 to index
        %parallel_loop3A_511 = arith.constant 32 : index
        %parallel_loop3A_512 = tpu.vector_load %arg10[%parallel_loop3A_509, %parallel_loop3A_510, %parallel_loop3A_511] {strides = array<i32>} : memref<2x128x128xf32, #tpu.memory_space<vmem>>, vector<16xf32>,
        tpu.vector_store %arg10[%parallel_loop3A_509, %parallel_loop3A_510, %parallel_loop3A_511], %parallel_loop3A_505 {strides = array<i32>} : memref<2x128x128xf32, #tpu.memory_space<vmem>>, vector<16xf32>,
        %parallel_loop3A_513 = arith.constant 0 : i32
        %parallel_loop3A_514 = arith.constant 0 : i32
        %parallel_loop3A_515 = tpu.memref_slice %arg9[%parallel_loop3A_513, %parallel_loop3A_373, %parallel_loop3A_514] : memref<4x128x128xf32, #tpu.memory_space<vmem>> -> memref<1x4x128xf32, #tpu.memory_space<vmem>>
        %parallel_loop3A_516 = tpu.memref_squeeze %parallel_loop3A_515 : memref<1x4x128xf32, #tpu.memory_space<vmem>> -> memref<4x128xf32, #tpu.memory_space<vmem>>
        %parallel_loop3A_517 = tpu.vector_load_idx %parallel_loop3A_516[%broadcast_in_dim3A_87, %get3A_46] : memref<4x128xf32, #tpu.memory_space<vmem>>[vector<16xi32>, vector<16xi32>], vector<16xf32>,
        %parallel_loop3A_518 = arith.constant 8 : i32
        %parallel_loop3A_519 = arith.addi %parallel_loop3A_380, %parallel_loop3A_518 : i32
        %parallel_loop3A_520 = arith.constant 0 : i32
        %parallel_loop3A_521 = arith.index_cast %parallel_loop3A_520 : i32 to index
        %parallel_loop3A_522 = arith.index_cast %parallel_loop3A_519 : i32 to index
        %parallel_loop3A_523 = arith.constant 48 : index
        %parallel_loop3A_524 = tpu.vector_load %arg10[%parallel_loop3A_521, %parallel_loop3A_522, %parallel_loop3A_523] {strides = array<i32>} : memref<2x128x128xf32, #tpu.memory_space<vmem>>, vector<16xf32>,
        tpu.vector_store %arg10[%parallel_loop3A_521, %parallel_loop3A_522, %parallel_loop3A_523], %parallel_loop3A_517 {strides = array<i32>} : memref<2x128x128xf32, #tpu.memory_space<vmem>>, vector<16xf32>,
        %parallel_loop3A_525 = arith.constant 0 : i32
        %parallel_loop3A_526 = arith.constant 0 : i32
        %parallel_loop3A_527 = tpu.memref_slice %arg9[%parallel_loop3A_525, %parallel_loop3A_373, %parallel_loop3A_526] : memref<4x128x128xf32, #tpu.memory_space<vmem>> -> memref<1x4x128xf32, #tpu.memory_space<vmem>>
        %parallel_loop3A_528 = tpu.memref_squeeze %parallel_loop3A_527 : memref<1x4x128xf32, #tpu.memory_space<vmem>> -> memref<4x128xf32, #tpu.memory_space<vmem>>
        %parallel_loop3A_529 = tpu.vector_load_idx %parallel_loop3A_528[%broadcast_in_dim3A_87, %get3A_48] : memref<4x128xf32, #tpu.memory_space<vmem>>[vector<16xi32>, vector<16xi32>], vector<16xf32>,
        %parallel_loop3A_530 = arith.constant 8 : i32
        %parallel_loop3A_531 = arith.addi %parallel_loop3A_380, %parallel_loop3A_530 : i32
        %parallel_loop3A_532 = arith.constant 0 : i32
        %parallel_loop3A_533 = arith.index_cast %parallel_loop3A_532 : i32 to index
        %parallel_loop3A_534 = arith.index_cast %parallel_loop3A_531 : i32 to index
        %parallel_loop3A_535 = arith.constant 64 : index
        %parallel_loop3A_536 = tpu.vector_load %arg10[%parallel_loop3A_533, %parallel_loop3A_534, %parallel_loop3A_535] {strides = array<i32>} : memref<2x128x128xf32, #tpu.memory_space<vmem>>, vector<16xf32>,
        tpu.vector_store %arg10[%parallel_loop3A_533, %parallel_loop3A_534, %parallel_loop3A_535], %parallel_loop3A_529 {strides = array<i32>} : memref<2x128x128xf32, #tpu.memory_space<vmem>>, vector<16xf32>,
        %parallel_loop3A_537 = arith.constant 0 : i32
        %parallel_loop3A_538 = arith.constant 0 : i32
        %parallel_loop3A_539 = tpu.memref_slice %arg9[%parallel_loop3A_537, %parallel_loop3A_373, %parallel_loop3A_538] : memref<4x128x128xf32, #tpu.memory_space<vmem>> -> memref<1x4x128xf32, #tpu.memory_space<vmem>>
        %parallel_loop3A_540 = tpu.memref_squeeze %parallel_loop3A_539 : memref<1x4x128xf32, #tpu.memory_space<vmem>> -> memref<4x128xf32, #tpu.memory_space<vmem>>
        %parallel_loop3A_541 = tpu.vector_load_idx %parallel_loop3A_540[%broadcast_in_dim3A_87, %get3A_50] : memref<4x128xf32, #tpu.memory_space<vmem>>[vector<16xi32>, vector<16xi32>], vector<16xf32>,
        %parallel_loop3A_542 = arith.constant 8 : i32
        %parallel_loop3A_543 = arith.addi %parallel_loop3A_380, %parallel_loop3A_542 : i32
        %parallel_loop3A_544 = arith.constant 0 : i32
        %parallel_loop3A_545 = arith.index_cast %parallel_loop3A_544 : i32 to index
        %parallel_loop3A_546 = arith.index_cast %parallel_loop3A_543 : i32 to index
        %parallel_loop3A_547 = arith.constant 80 : index
        %parallel_loop3A_548 = tpu.vector_load %arg10[%parallel_loop3A_545, %parallel_loop3A_546, %parallel_loop3A_547] {strides = array<i32>} : memref<2x128x128xf32, #tpu.memory_space<vmem>>, vector<16xf32>,
        tpu.vector_store %arg10[%parallel_loop3A_545, %parallel_loop3A_546, %parallel_loop3A_547], %parallel_loop3A_541 {strides = array<i32>} : memref<2x128x128xf32, #tpu.memory_space<vmem>>, vector<16xf32>,
        %parallel_loop3A_549 = arith.constant 0 : i32
        %parallel_loop3A_550 = arith.constant 0 : i32
        %parallel_loop3A_551 = tpu.memref_slice %arg9[%parallel_loop3A_549, %parallel_loop3A_373, %parallel_loop3A_550] : memref<4x128x128xf32, #tpu.memory_space<vmem>> -> memref<1x4x128xf32, #tpu.memory_space<vmem>>
        %parallel_loop3A_552 = tpu.memref_squeeze %parallel_loop3A_551 : memref<1x4x128xf32, #tpu.memory_space<vmem>> -> memref<4x128xf32, #tpu.memory_space<vmem>>
        %parallel_loop3A_553 = tpu.vector_load_idx %parallel_loop3A_552[%broadcast_in_dim3A_87, %get3A_52] : memref<4x128xf32, #tpu.memory_space<vmem>>[vector<16xi32>, vector<16xi32>], vector<16xf32>,
        %parallel_loop3A_554 = arith.constant 8 : i32
        %parallel_loop3A_555 = arith.addi %parallel_loop3A_380, %parallel_loop3A_554 : i32
        %parallel_loop3A_556 = arith.constant 0 : i32
        %parallel_loop3A_557 = arith.index_cast %parallel_loop3A_556 : i32 to index
        %parallel_loop3A_558 = arith.index_cast %parallel_loop3A_555 : i32 to index
        %parallel_loop3A_559 = arith.constant 96 : index
        %parallel_loop3A_560 = tpu.vector_load %arg10[%parallel_loop3A_557, %parallel_loop3A_558, %parallel_loop3A_559] {strides = array<i32>} : memref<2x128x128xf32, #tpu.memory_space<vmem>>, vector<16xf32>,
        tpu.vector_store %arg10[%parallel_loop3A_557, %parallel_loop3A_558, %parallel_loop3A_559], %parallel_loop3A_553 {strides = array<i32>} : memref<2x128x128xf32, #tpu.memory_space<vmem>>, vector<16xf32>,
        %parallel_loop3A_561 = arith.constant 0 : i32
        %parallel_loop3A_562 = arith.constant 0 : i32
        %parallel_loop3A_563 = tpu.memref_slice %arg9[%parallel_loop3A_561, %parallel_loop3A_373, %parallel_loop3A_562] : memref<4x128x128xf32, #tpu.memory_space<vmem>> -> memref<1x4x128xf32, #tpu.memory_space<vmem>>
        %parallel_loop3A_564 = tpu.memref_squeeze %parallel_loop3A_563 : memref<1x4x128xf32, #tpu.memory_space<vmem>> -> memref<4x128xf32, #tpu.memory_space<vmem>>
        %parallel_loop3A_565 = tpu.vector_load_idx %parallel_loop3A_564[%broadcast_in_dim3A_87, %get3A_54] : memref<4x128xf32, #tpu.memory_space<vmem>>[vector<16xi32>, vector<16xi32>], vector<16xf32>,
        %parallel_loop3A_566 = arith.constant 8 : i32
        %parallel_loop3A_567 = arith.addi %parallel_loop3A_380, %parallel_loop3A_566 : i32
        %parallel_loop3A_568 = arith.constant 0 : i32
        %parallel_loop3A_569 = arith.index_cast %parallel_loop3A_568 : i32 to index
        %parallel_loop3A_570 = arith.index_cast %parallel_loop3A_567 : i32 to index
        %parallel_loop3A_571 = arith.constant 112 : index
        %parallel_loop3A_572 = tpu.vector_load %arg10[%parallel_loop3A_569, %parallel_loop3A_570, %parallel_loop3A_571] {strides = array<i32>} : memref<2x128x128xf32, #tpu.memory_space<vmem>>, vector<16xf32>,
        tpu.vector_store %arg10[%parallel_loop3A_569, %parallel_loop3A_570, %parallel_loop3A_571], %parallel_loop3A_565 {strides = array<i32>} : memref<2x128x128xf32, #tpu.memory_space<vmem>>, vector<16xf32>,
        %parallel_loop3A_573 = arith.constant 0 : i32
        %parallel_loop3A_574 = arith.constant 0 : i32
        %parallel_loop3A_575 = tpu.memref_slice %arg9[%parallel_loop3A_573, %parallel_loop3A_373, %parallel_loop3A_574] : memref<4x128x128xf32, #tpu.memory_space<vmem>> -> memref<1x4x128xf32, #tpu.memory_space<vmem>>
        %parallel_loop3A_576 = tpu.memref_squeeze %parallel_loop3A_575 : memref<1x4x128xf32, #tpu.memory_space<vmem>> -> memref<4x128xf32, #tpu.memory_space<vmem>>
        %parallel_loop3A_577 = tpu.vector_load_idx %parallel_loop3A_576[%broadcast_in_dim3A_87, %get3A_56] : memref<4x128xf32, #tpu.memory_space<vmem>>[vector<16xi32>, vector<16xi32>], vector<16xf32>,
        %parallel_loop3A_578 = arith.constant 16 : i32
        %parallel_loop3A_579 = arith.addi %parallel_loop3A_380, %parallel_loop3A_578 : i32
        %parallel_loop3A_580 = arith.constant 0 : i32
        %parallel_loop3A_581 = arith.index_cast %parallel_loop3A_580 : i32 to index
        %parallel_loop3A_582 = arith.index_cast %parallel_loop3A_579 : i32 to index
        %parallel_loop3A_583 = arith.constant 0 : index
        %parallel_loop3A_584 = tpu.vector_load %arg10[%parallel_loop3A_581, %parallel_loop3A_582, %parallel_loop3A_583] {strides = array<i32>} : memref<2x128x128xf32, #tpu.memory_space<vmem>>, vector<16xf32>,
        tpu.vector_store %arg10[%parallel_loop3A_581, %parallel_loop3A_582, %parallel_loop3A_583], %parallel_loop3A_577 {strides = array<i32>} : memref<2x128x128xf32, #tpu.memory_space<vmem>>, vector<16xf32>,
        %parallel_loop3A_585 = arith.constant 0 : i32
        %parallel_loop3A_586 = arith.constant 0 : i32
        %parallel_loop3A_587 = tpu.memref_slice %arg9[%parallel_loop3A_585, %parallel_loop3A_373, %parallel_loop3A_586] : memref<4x128x128xf32, #tpu.memory_space<vmem>> -> memref<1x4x128xf32, #tpu.memory_space<vmem>>
        %parallel_loop3A_588 = tpu.memref_squeeze %parallel_loop3A_587 : memref<1x4x128xf32, #tpu.memory_space<vmem>> -> memref<4x128xf32, #tpu.memory_space<vmem>>
        %parallel_loop3A_589 = tpu.vector_load_idx %parallel_loop3A_588[%broadcast_in_dim3A_87, %get3A_58] : memref<4x128xf32, #tpu.memory_space<vmem>>[vector<16xi32>, vector<16xi32>], vector<16xf32>,
        %parallel_loop3A_590 = arith.constant 16 : i32
        %parallel_loop3A_591 = arith.addi %parallel_loop3A_380, %parallel_loop3A_590 : i32
        %parallel_loop3A_592 = arith.constant 0 : i32
        %parallel_loop3A_593 = arith.index_cast %parallel_loop3A_592 : i32 to index
        %parallel_loop3A_594 = arith.index_cast %parallel_loop3A_591 : i32 to index
        %parallel_loop3A_595 = arith.constant 16 : index
        %parallel_loop3A_596 = tpu.vector_load %arg10[%parallel_loop3A_593, %parallel_loop3A_594, %parallel_loop3A_595] {strides = array<i32>} : memref<2x128x128xf32, #tpu.memory_space<vmem>>, vector<16xf32>,
        tpu.vector_store %arg10[%parallel_loop3A_593, %parallel_loop3A_594, %parallel_loop3A_595], %parallel_loop3A_589 {strides = array<i32>} : memref<2x128x128xf32, #tpu.memory_space<vmem>>, vector<16xf32>,
        %parallel_loop3A_597 = arith.constant 0 : i32
        %parallel_loop3A_598 = arith.constant 0 : i32
        %parallel_loop3A_599 = tpu.memref_slice %arg9[%parallel_loop3A_597, %parallel_loop3A_373, %parallel_loop3A_598] : memref<4x128x128xf32, #tpu.memory_space<vmem>> -> memref<1x4x128xf32, #tpu.memory_space<vmem>>
        %parallel_loop3A_600 = tpu.memref_squeeze %parallel_loop3A_599 : memref<1x4x128xf32, #tpu.memory_space<vmem>> -> memref<4x128xf32, #tpu.memory_space<vmem>>
        %parallel_loop3A_601 = tpu.vector_load_idx %parallel_loop3A_600[%broadcast_in_dim3A_87, %get3A_60] : memref<4x128xf32, #tpu.memory_space<vmem>>[vector<16xi32>, vector<16xi32>], vector<16xf32>,
        %parallel_loop3A_602 = arith.constant 16 : i32
        %parallel_loop3A_603 = arith.addi %parallel_loop3A_380, %parallel_loop3A_602 : i32
        %parallel_loop3A_604 = arith.constant 0 : i32
        %parallel_loop3A_605 = arith.index_cast %parallel_loop3A_604 : i32 to index
        %parallel_loop3A_606 = arith.index_cast %parallel_loop3A_603 : i32 to index
        %parallel_loop3A_607 = arith.constant 32 : index
        %parallel_loop3A_608 = tpu.vector_load %arg10[%parallel_loop3A_605, %parallel_loop3A_606, %parallel_loop3A_607] {strides = array<i32>} : memref<2x128x128xf32, #tpu.memory_space<vmem>>, vector<16xf32>,
        tpu.vector_store %arg10[%parallel_loop3A_605, %parallel_loop3A_606, %parallel_loop3A_607], %parallel_loop3A_601 {strides = array<i32>} : memref<2x128x128xf32, #tpu.memory_space<vmem>>, vector<16xf32>,
        %parallel_loop3A_609 = arith.constant 0 : i32
        %parallel_loop3A_610 = arith.constant 0 : i32
        %parallel_loop3A_611 = tpu.memref_slice %arg9[%parallel_loop3A_609, %parallel_loop3A_373, %parallel_loop3A_610] : memref<4x128x128xf32, #tpu.memory_space<vmem>> -> memref<1x4x128xf32, #tpu.memory_space<vmem>>
        %parallel_loop3A_612 = tpu.memref_squeeze %parallel_loop3A_611 : memref<1x4x128xf32, #tpu.memory_space<vmem>> -> memref<4x128xf32, #tpu.memory_space<vmem>>
        %parallel_loop3A_613 = tpu.vector_load_idx %parallel_loop3A_612[%broadcast_in_dim3A_87, %get3A_62] : memref<4x128xf32, #tpu.memory_space<vmem>>[vector<16xi32>, vector<16xi32>], vector<16xf32>,
        %parallel_loop3A_614 = arith.constant 16 : i32
        %parallel_loop3A_615 = arith.addi %parallel_loop3A_380, %parallel_loop3A_614 : i32
        %parallel_loop3A_616 = arith.constant 0 : i32
        %parallel_loop3A_617 = arith.index_cast %parallel_loop3A_616 : i32 to index
        %parallel_loop3A_618 = arith.index_cast %parallel_loop3A_615 : i32 to index
        %parallel_loop3A_619 = arith.constant 48 : index
        %parallel_loop3A_620 = tpu.vector_load %arg10[%parallel_loop3A_617, %parallel_loop3A_618, %parallel_loop3A_619] {strides = array<i32>} : memref<2x128x128xf32, #tpu.memory_space<vmem>>, vector<16xf32>,
        tpu.vector_store %arg10[%parallel_loop3A_617, %parallel_loop3A_618, %parallel_loop3A_619], %parallel_loop3A_613 {strides = array<i32>} : memref<2x128x128xf32, #tpu.memory_space<vmem>>, vector<16xf32>,
        %parallel_loop3A_621 = arith.constant 0 : i32
        %parallel_loop3A_622 = arith.constant 0 : i32
        %parallel_loop3A_623 = tpu.memref_slice %arg9[%parallel_loop3A_621, %parallel_loop3A_373, %parallel_loop3A_622] : memref<4x128x128xf32, #tpu.memory_space<vmem>> -> memref<1x4x128xf32, #tpu.memory_space<vmem>>
        %parallel_loop3A_624 = tpu.memref_squeeze %parallel_loop3A_623 : memref<1x4x128xf32, #tpu.memory_space<vmem>> -> memref<4x128xf32, #tpu.memory_space<vmem>>
        %parallel_loop3A_625 = tpu.vector_load_idx %parallel_loop3A_624[%broadcast_in_dim3A_87, %get3A_64] : memref<4x128xf32, #tpu.memory_space<vmem>>[vector<16xi32>, vector<16xi32>], vector<16xf32>,
        %parallel_loop3A_626 = arith.constant 16 : i32
        %parallel_loop3A_627 = arith.addi %parallel_loop3A_380, %parallel_loop3A_626 : i32
        %parallel_loop3A_628 = arith.constant 0 : i32
        %parallel_loop3A_629 = arith.index_cast %parallel_loop3A_628 : i32 to index
        %parallel_loop3A_630 = arith.index_cast %parallel_loop3A_627 : i32 to index
        %parallel_loop3A_631 = arith.constant 64 : index
        %parallel_loop3A_632 = tpu.vector_load %arg10[%parallel_loop3A_629, %parallel_loop3A_630, %parallel_loop3A_631] {strides = array<i32>} : memref<2x128x128xf32, #tpu.memory_space<vmem>>, vector<16xf32>,
        tpu.vector_store %arg10[%parallel_loop3A_629, %parallel_loop3A_630, %parallel_loop3A_631], %parallel_loop3A_625 {strides = array<i32>} : memref<2x128x128xf32, #tpu.memory_space<vmem>>, vector<16xf32>,
        %parallel_loop3A_633 = arith.constant 0 : i32
        %parallel_loop3A_634 = arith.constant 0 : i32
        %parallel_loop3A_635 = tpu.memref_slice %arg9[%parallel_loop3A_633, %parallel_loop3A_373, %parallel_loop3A_634] : memref<4x128x128xf32, #tpu.memory_space<vmem>> -> memref<1x4x128xf32, #tpu.memory_space<vmem>>
        %parallel_loop3A_636 = tpu.memref_squeeze %parallel_loop3A_635 : memref<1x4x128xf32, #tpu.memory_space<vmem>> -> memref<4x128xf32, #tpu.memory_space<vmem>>
        %parallel_loop3A_637 = tpu.vector_load_idx %parallel_loop3A_636[%broadcast_in_dim3A_87, %get3A_66] : memref<4x128xf32, #tpu.memory_space<vmem>>[vector<16xi32>, vector<16xi32>], vector<16xf32>,
        %parallel_loop3A_638 = arith.constant 16 : i32
        %parallel_loop3A_639 = arith.addi %parallel_loop3A_380, %parallel_loop3A_638 : i32
        %parallel_loop3A_640 = arith.constant 0 : i32
        %parallel_loop3A_641 = arith.index_cast %parallel_loop3A_640 : i32 to index
        %parallel_loop3A_642 = arith.index_cast %parallel_loop3A_639 : i32 to index
        %parallel_loop3A_643 = arith.constant 80 : index
        %parallel_loop3A_644 = tpu.vector_load %arg10[%parallel_loop3A_641, %parallel_loop3A_642, %parallel_loop3A_643] {strides = array<i32>} : memref<2x128x128xf32, #tpu.memory_space<vmem>>, vector<16xf32>,
        tpu.vector_store %arg10[%parallel_loop3A_641, %parallel_loop3A_642, %parallel_loop3A_643], %parallel_loop3A_637 {strides = array<i32>} : memref<2x128x128xf32, #tpu.memory_space<vmem>>, vector<16xf32>,
        %parallel_loop3A_645 = arith.constant 0 : i32
        %parallel_loop3A_646 = arith.constant 0 : i32
        %parallel_loop3A_647 = tpu.memref_slice %arg9[%parallel_loop3A_645, %parallel_loop3A_373, %parallel_loop3A_646] : memref<4x128x128xf32, #tpu.memory_space<vmem>> -> memref<1x4x128xf32, #tpu.memory_space<vmem>>
        %parallel_loop3A_648 = tpu.memref_squeeze %parallel_loop3A_647 : memref<1x4x128xf32, #tpu.memory_space<vmem>> -> memref<4x128xf32, #tpu.memory_space<vmem>>
        %parallel_loop3A_649 = tpu.vector_load_idx %parallel_loop3A_648[%broadcast_in_dim3A_87, %get3A_68] : memref<4x128xf32, #tpu.memory_space<vmem>>[vector<16xi32>, vector<16xi32>], vector<16xf32>,
        %parallel_loop3A_650 = arith.constant 16 : i32
        %parallel_loop3A_651 = arith.addi %parallel_loop3A_380, %parallel_loop3A_650 : i32
        %parallel_loop3A_652 = arith.constant 0 : i32
        %parallel_loop3A_653 = arith.index_cast %parallel_loop3A_652 : i32 to index
        %parallel_loop3A_654 = arith.index_cast %parallel_loop3A_651 : i32 to index
        %parallel_loop3A_655 = arith.constant 96 : index
        %parallel_loop3A_656 = tpu.vector_load %arg10[%parallel_loop3A_653, %parallel_loop3A_654, %parallel_loop3A_655] {strides = array<i32>} : memref<2x128x128xf32, #tpu.memory_space<vmem>>, vector<16xf32>,
        tpu.vector_store %arg10[%parallel_loop3A_653, %parallel_loop3A_654, %parallel_loop3A_655], %parallel_loop3A_649 {strides = array<i32>} : memref<2x128x128xf32, #tpu.memory_space<vmem>>, vector<16xf32>,
        %parallel_loop3A_657 = arith.constant 0 : i32
        %parallel_loop3A_658 = arith.constant 0 : i32
        %parallel_loop3A_659 = tpu.memref_slice %arg9[%parallel_loop3A_657, %parallel_loop3A_373, %parallel_loop3A_658] : memref<4x128x128xf32, #tpu.memory_space<vmem>> -> memref<1x4x128xf32, #tpu.memory_space<vmem>>
        %parallel_loop3A_660 = tpu.memref_squeeze %parallel_loop3A_659 : memref<1x4x128xf32, #tpu.memory_space<vmem>> -> memref<4x128xf32, #tpu.memory_space<vmem>>
        %parallel_loop3A_661 = tpu.vector_load_idx %parallel_loop3A_660[%broadcast_in_dim3A_87, %get3A_70] : memref<4x128xf32, #tpu.memory_space<vmem>>[vector<16xi32>, vector<16xi32>], vector<16xf32>,
        %parallel_loop3A_662 = arith.constant 16 : i32
        %parallel_loop3A_663 = arith.addi %parallel_loop3A_380, %parallel_loop3A_662 : i32
        %parallel_loop3A_664 = arith.constant 0 : i32
        %parallel_loop3A_665 = arith.index_cast %parallel_loop3A_664 : i32 to index
        %parallel_loop3A_666 = arith.index_cast %parallel_loop3A_663 : i32 to index
        %parallel_loop3A_667 = arith.constant 112 : index
        %parallel_loop3A_668 = tpu.vector_load %arg10[%parallel_loop3A_665, %parallel_loop3A_666, %parallel_loop3A_667] {strides = array<i32>} : memref<2x128x128xf32, #tpu.memory_space<vmem>>, vector<16xf32>,
        tpu.vector_store %arg10[%parallel_loop3A_665, %parallel_loop3A_666, %parallel_loop3A_667], %parallel_loop3A_661 {strides = array<i32>} : memref<2x128x128xf32, #tpu.memory_space<vmem>>, vector<16xf32>,
        %parallel_loop3A_669 = arith.constant 0 : i32
        %parallel_loop3A_670 = arith.constant 0 : i32
        %parallel_loop3A_671 = tpu.memref_slice %arg9[%parallel_loop3A_669, %parallel_loop3A_373, %parallel_loop3A_670] : memref<4x128x128xf32, #tpu.memory_space<vmem>> -> memref<1x4x128xf32, #tpu.memory_space<vmem>>
        %parallel_loop3A_672 = tpu.memref_squeeze %parallel_loop3A_671 : memref<1x4x128xf32, #tpu.memory_space<vmem>> -> memref<4x128xf32, #tpu.memory_space<vmem>>
        %parallel_loop3A_673 = tpu.vector_load_idx %parallel_loop3A_672[%broadcast_in_dim3A_87, %get3A_72] : memref<4x128xf32, #tpu.memory_space<vmem>>[vector<16xi32>, vector<16xi32>], vector<16xf32>,
        %parallel_loop3A_674 = arith.constant 24 : i32
        %parallel_loop3A_675 = arith.addi %parallel_loop3A_380, %parallel_loop3A_674 : i32
        %parallel_loop3A_676 = arith.constant 0 : i32
        %parallel_loop3A_677 = arith.index_cast %parallel_loop3A_676 : i32 to index
        %parallel_loop3A_678 = arith.index_cast %parallel_loop3A_675 : i32 to index
        %parallel_loop3A_679 = arith.constant 0 : index
        %parallel_loop3A_680 = tpu.vector_load %arg10[%parallel_loop3A_677, %parallel_loop3A_678, %parallel_loop3A_679] {strides = array<i32>} : memref<2x128x128xf32, #tpu.memory_space<vmem>>, vector<16xf32>,
        tpu.vector_store %arg10[%parallel_loop3A_677, %parallel_loop3A_678, %parallel_loop3A_679], %parallel_loop3A_673 {strides = array<i32>} : memref<2x128x128xf32, #tpu.memory_space<vmem>>, vector<16xf32>,
        %parallel_loop3A_681 = arith.constant 0 : i32
        %parallel_loop3A_682 = arith.constant 0 : i32
        %parallel_loop3A_683 = tpu.memref_slice %arg9[%parallel_loop3A_681, %parallel_loop3A_373, %parallel_loop3A_682] : memref<4x128x128xf32, #tpu.memory_space<vmem>> -> memref<1x4x128xf32, #tpu.memory_space<vmem>>
        %parallel_loop3A_684 = tpu.memref_squeeze %parallel_loop3A_683 : memref<1x4x128xf32, #tpu.memory_space<vmem>> -> memref<4x128xf32, #tpu.memory_space<vmem>>
        %parallel_loop3A_685 = tpu.vector_load_idx %parallel_loop3A_684[%broadcast_in_dim3A_87, %get3A_74] : memref<4x128xf32, #tpu.memory_space<vmem>>[vector<16xi32>, vector<16xi32>], vector<16xf32>,
        %parallel_loop3A_686 = arith.constant 24 : i32
        %parallel_loop3A_687 = arith.addi %parallel_loop3A_380, %parallel_loop3A_686 : i32
        %parallel_loop3A_688 = arith.constant 0 : i32
        %parallel_loop3A_689 = arith.index_cast %parallel_loop3A_688 : i32 to index
        %parallel_loop3A_690 = arith.index_cast %parallel_loop3A_687 : i32 to index
        %parallel_loop3A_691 = arith.constant 16 : index
        %parallel_loop3A_692 = tpu.vector_load %arg10[%parallel_loop3A_689, %parallel_loop3A_690, %parallel_loop3A_691] {strides = array<i32>} : memref<2x128x128xf32, #tpu.memory_space<vmem>>, vector<16xf32>,
        tpu.vector_store %arg10[%parallel_loop3A_689, %parallel_loop3A_690, %parallel_loop3A_691], %parallel_loop3A_685 {strides = array<i32>} : memref<2x128x128xf32, #tpu.memory_space<vmem>>, vector<16xf32>,
        %parallel_loop3A_693 = arith.constant 0 : i32
        %parallel_loop3A_694 = arith.constant 0 : i32
        %parallel_loop3A_695 = tpu.memref_slice %arg9[%parallel_loop3A_693, %parallel_loop3A_373, %parallel_loop3A_694] : memref<4x128x128xf32, #tpu.memory_space<vmem>> -> memref<1x4x128xf32, #tpu.memory_space<vmem>>
        %parallel_loop3A_696 = tpu.memref_squeeze %parallel_loop3A_695 : memref<1x4x128xf32, #tpu.memory_space<vmem>> -> memref<4x128xf32, #tpu.memory_space<vmem>>
        %parallel_loop3A_697 = tpu.vector_load_idx %parallel_loop3A_696[%broadcast_in_dim3A_87, %get3A_76] : memref<4x128xf32, #tpu.memory_space<vmem>>[vector<16xi32>, vector<16xi32>], vector<16xf32>,
        %parallel_loop3A_698 = arith.constant 24 : i32
        %parallel_loop3A_699 = arith.addi %parallel_loop3A_380, %parallel_loop3A_698 : i32
        %parallel_loop3A_700 = arith.constant 0 : i32
        %parallel_loop3A_701 = arith.index_cast %parallel_loop3A_700 : i32 to index
        %parallel_loop3A_702 = arith.index_cast %parallel_loop3A_699 : i32 to index
        %parallel_loop3A_703 = arith.constant 32 : index
        %parallel_loop3A_704 = tpu.vector_load %arg10[%parallel_loop3A_701, %parallel_loop3A_702, %parallel_loop3A_703] {strides = array<i32>} : memref<2x128x128xf32, #tpu.memory_space<vmem>>, vector<16xf32>,
        tpu.vector_store %arg10[%parallel_loop3A_701, %parallel_loop3A_702, %parallel_loop3A_703], %parallel_loop3A_697 {strides = array<i32>} : memref<2x128x128xf32, #tpu.memory_space<vmem>>, vector<16xf32>,
        %parallel_loop3A_705 = arith.constant 0 : i32
        %parallel_loop3A_706 = arith.constant 0 : i32
        %parallel_loop3A_707 = tpu.memref_slice %arg9[%parallel_loop3A_705, %parallel_loop3A_373, %parallel_loop3A_706] : memref<4x128x128xf32, #tpu.memory_space<vmem>> -> memref<1x4x128xf32, #tpu.memory_space<vmem>>
        %parallel_loop3A_708 = tpu.memref_squeeze %parallel_loop3A_707 : memref<1x4x128xf32, #tpu.memory_space<vmem>> -> memref<4x128xf32, #tpu.memory_space<vmem>>
        %parallel_loop3A_709 = tpu.vector_load_idx %parallel_loop3A_708[%broadcast_in_dim3A_87, %get3A_78] : memref<4x128xf32, #tpu.memory_space<vmem>>[vector<16xi32>, vector<16xi32>], vector<16xf32>,
        %parallel_loop3A_710 = arith.constant 24 : i32
        %parallel_loop3A_711 = arith.addi %parallel_loop3A_380, %parallel_loop3A_710 : i32
        %parallel_loop3A_712 = arith.constant 0 : i32
        %parallel_loop3A_713 = arith.index_cast %parallel_loop3A_712 : i32 to index
        %parallel_loop3A_714 = arith.index_cast %parallel_loop3A_711 : i32 to index
        %parallel_loop3A_715 = arith.constant 48 : index
        %parallel_loop3A_716 = tpu.vector_load %arg10[%parallel_loop3A_713, %parallel_loop3A_714, %parallel_loop3A_715] {strides = array<i32>} : memref<2x128x128xf32, #tpu.memory_space<vmem>>, vector<16xf32>,
        tpu.vector_store %arg10[%parallel_loop3A_713, %parallel_loop3A_714, %parallel_loop3A_715], %parallel_loop3A_709 {strides = array<i32>} : memref<2x128x128xf32, #tpu.memory_space<vmem>>, vector<16xf32>,
        %parallel_loop3A_717 = arith.constant 0 : i32
        %parallel_loop3A_718 = arith.constant 0 : i32
        %parallel_loop3A_719 = tpu.memref_slice %arg9[%parallel_loop3A_717, %parallel_loop3A_373, %parallel_loop3A_718] : memref<4x128x128xf32, #tpu.memory_space<vmem>> -> memref<1x4x128xf32, #tpu.memory_space<vmem>>
        %parallel_loop3A_720 = tpu.memref_squeeze %parallel_loop3A_719 : memref<1x4x128xf32, #tpu.memory_space<vmem>> -> memref<4x128xf32, #tpu.memory_space<vmem>>
        %parallel_loop3A_721 = tpu.vector_load_idx %parallel_loop3A_720[%broadcast_in_dim3A_87, %get3A_80] : memref<4x128xf32, #tpu.memory_space<vmem>>[vector<16xi32>, vector<16xi32>], vector<16xf32>,
        %parallel_loop3A_722 = arith.constant 24 : i32
        %parallel_loop3A_723 = arith.addi %parallel_loop3A_380, %parallel_loop3A_722 : i32
        %parallel_loop3A_724 = arith.constant 0 : i32
        %parallel_loop3A_725 = arith.index_cast %parallel_loop3A_724 : i32 to index
        %parallel_loop3A_726 = arith.index_cast %parallel_loop3A_723 : i32 to index
        %parallel_loop3A_727 = arith.constant 64 : index
        %parallel_loop3A_728 = tpu.vector_load %arg10[%parallel_loop3A_725, %parallel_loop3A_726, %parallel_loop3A_727] {strides = array<i32>} : memref<2x128x128xf32, #tpu.memory_space<vmem>>, vector<16xf32>,
        tpu.vector_store %arg10[%parallel_loop3A_725, %parallel_loop3A_726, %parallel_loop3A_727], %parallel_loop3A_721 {strides = array<i32>} : memref<2x128x128xf32, #tpu.memory_space<vmem>>, vector<16xf32>,
        %parallel_loop3A_729 = arith.constant 0 : i32
        %parallel_loop3A_730 = arith.constant 0 : i32
        %parallel_loop3A_731 = tpu.memref_slice %arg9[%parallel_loop3A_729, %parallel_loop3A_373, %parallel_loop3A_730] : memref<4x128x128xf32, #tpu.memory_space<vmem>> -> memref<1x4x128xf32, #tpu.memory_space<vmem>>
        %parallel_loop3A_732 = tpu.memref_squeeze %parallel_loop3A_731 : memref<1x4x128xf32, #tpu.memory_space<vmem>> -> memref<4x128xf32, #tpu.memory_space<vmem>>
        %parallel_loop3A_733 = tpu.vector_load_idx %parallel_loop3A_732[%broadcast_in_dim3A_87, %get3A_82] : memref<4x128xf32, #tpu.memory_space<vmem>>[vector<16xi32>, vector<16xi32>], vector<16xf32>,
        %parallel_loop3A_734 = arith.constant 24 : i32
        %parallel_loop3A_735 = arith.addi %parallel_loop3A_380, %parallel_loop3A_734 : i32
        %parallel_loop3A_736 = arith.constant 0 : i32
        %parallel_loop3A_737 = arith.index_cast %parallel_loop3A_736 : i32 to index
        %parallel_loop3A_738 = arith.index_cast %parallel_loop3A_735 : i32 to index
        %parallel_loop3A_739 = arith.constant 80 : index
        %parallel_loop3A_740 = tpu.vector_load %arg10[%parallel_loop3A_737, %parallel_loop3A_738, %parallel_loop3A_739] {strides = array<i32>} : memref<2x128x128xf32, #tpu.memory_space<vmem>>, vector<16xf32>,
        tpu.vector_store %arg10[%parallel_loop3A_737, %parallel_loop3A_738, %parallel_loop3A_739], %parallel_loop3A_733 {strides = array<i32>} : memref<2x128x128xf32, #tpu.memory_space<vmem>>, vector<16xf32>,
        %parallel_loop3A_741 = arith.constant 0 : i32
        %parallel_loop3A_742 = arith.constant 0 : i32
        %parallel_loop3A_743 = tpu.memref_slice %arg9[%parallel_loop3A_741, %parallel_loop3A_373, %parallel_loop3A_742] : memref<4x128x128xf32, #tpu.memory_space<vmem>> -> memref<1x4x128xf32, #tpu.memory_space<vmem>>
        %parallel_loop3A_744 = tpu.memref_squeeze %parallel_loop3A_743 : memref<1x4x128xf32, #tpu.memory_space<vmem>> -> memref<4x128xf32, #tpu.memory_space<vmem>>
        %parallel_loop3A_745 = tpu.vector_load_idx %parallel_loop3A_744[%broadcast_in_dim3A_87, %get3A_84] : memref<4x128xf32, #tpu.memory_space<vmem>>[vector<16xi32>, vector<16xi32>], vector<16xf32>,
        %parallel_loop3A_746 = arith.constant 24 : i32
        %parallel_loop3A_747 = arith.addi %parallel_loop3A_380, %parallel_loop3A_746 : i32
        %parallel_loop3A_748 = arith.constant 0 : i32
        %parallel_loop3A_749 = arith.index_cast %parallel_loop3A_748 : i32 to index
        %parallel_loop3A_750 = arith.index_cast %parallel_loop3A_747 : i32 to index
        %parallel_loop3A_751 = arith.constant 96 : index
        %parallel_loop3A_752 = tpu.vector_load %arg10[%parallel_loop3A_749, %parallel_loop3A_750, %parallel_loop3A_751] {strides = array<i32>} : memref<2x128x128xf32, #tpu.memory_space<vmem>>, vector<16xf32>,
        tpu.vector_store %arg10[%parallel_loop3A_749, %parallel_loop3A_750, %parallel_loop3A_751], %parallel_loop3A_745 {strides = array<i32>} : memref<2x128x128xf32, #tpu.memory_space<vmem>>, vector<16xf32>,
        %parallel_loop3A_753 = arith.constant 0 : i32
        %parallel_loop3A_754 = arith.constant 0 : i32
        %parallel_loop3A_755 = tpu.memref_slice %arg9[%parallel_loop3A_753, %parallel_loop3A_373, %parallel_loop3A_754] : memref<4x128x128xf32, #tpu.memory_space<vmem>> -> memref<1x4x128xf32, #tpu.memory_space<vmem>>
        %parallel_loop3A_756 = tpu.memref_squeeze %parallel_loop3A_755 : memref<1x4x128xf32, #tpu.memory_space<vmem>> -> memref<4x128xf32, #tpu.memory_space<vmem>>
        %parallel_loop3A_757 = tpu.vector_load_idx %parallel_loop3A_756[%broadcast_in_dim3A_87, %get3A_86] : memref<4x128xf32, #tpu.memory_space<vmem>>[vector<16xi32>, vector<16xi32>], vector<16xf32>,
        %parallel_loop3A_758 = arith.constant 24 : i32
        %parallel_loop3A_759 = arith.addi %parallel_loop3A_380, %parallel_loop3A_758 : i32
        %parallel_loop3A_760 = arith.constant 0 : i32
        %parallel_loop3A_761 = arith.index_cast %parallel_loop3A_760 : i32 to index
        %parallel_loop3A_762 = arith.index_cast %parallel_loop3A_759 : i32 to index
        %parallel_loop3A_763 = arith.constant 112 : index
        %parallel_loop3A_764 = tpu.vector_load %arg10[%parallel_loop3A_761, %parallel_loop3A_762, %parallel_loop3A_763] {strides = array<i32>} : memref<2x128x128xf32, #tpu.memory_space<vmem>>, vector<16xf32>,
        tpu.vector_store %arg10[%parallel_loop3A_761, %parallel_loop3A_762, %parallel_loop3A_763], %parallel_loop3A_757 {strides = array<i32>} : memref<2x128x128xf32, #tpu.memory_space<vmem>>, vector<16xf32>,
      } {sc.loop_unroll_factor = 1 : i64, sc.parallel_access}
      %mul3A_196 = arith.constant 128 : i32
      %mul3A_197 = arith.muli %add3A_171, %mul3A_196 : i32
      %add3A_198 = arith.addi %mul3A_4, %mul3A_197 : i32
      %dma_start3A_199 = arith.constant 0 : i32
      %dma_start3A_200 = arith.constant 0 : i32
      %dma_start3A_201 = arith.constant 0 : i32
      %dma_start3A_202 = arith.constant 0 : i32
      %dma_start3A_203 = tpu.memref_slice %arg10[%dma_start3A_199, %dma_start3A_201, %dma_start3A_202] : memref<2x128x128xf32, #tpu.memory_space<vmem>> -> memref<1x128x128xf32, #tpu.memory_space<vmem>>
      %dma_start3A_204 = tpu.memref_squeeze %dma_start3A_203 : memref<1x128x128xf32, #tpu.memory_space<vmem>> -> memref<128x128xf32, #tpu.memory_space<vmem>>
      %dma_start3A_205 = arith.constant 0 : i32
      %dma_start3A_206 = tpu.memref_slice %arg5[%add3A_198, %dma_start3A_205] : memref<131072x128xf32, #tpu.memory_space<hbm>> -> memref<128x128xf32, #tpu.memory_space<hbm>>
      %dma_start3A_207 = tpu.memref_slice %arg12[%dma_start3A_200] : memref<2x!tpu.dma_semaphore, #tpu.memory_space<semaphore_mem>> -> memref<1x!tpu.dma_semaphore, #tpu.memory_space<semaphore_mem>>
      %dma_start3A_208 = tpu.memref_squeeze %dma_start3A_207 : memref<1x!tpu.dma_semaphore, #tpu.memory_space<semaphore_mem>> -> memref<!tpu.dma_semaphore, #tpu.memory_space<semaphore_mem>>
      %dma_start3A_209 = arith.constant 0 : i32
      %dma_start3A_210 = tpu.memref_slice %arg5[%add3A_198, %dma_start3A_209] : memref<131072x128xf32, #tpu.memory_space<hbm>> -> memref<128x128xf32, #tpu.memory_space<hbm>>
      %dma_start3A_211 = arith.constant 0 : i32
      %dma_start3A_212 = arith.constant 0 : i32
      %dma_start3A_213 = tpu.memref_slice %arg10[%dma_start3A_199, %dma_start3A_211, %dma_start3A_212] : memref<2x128x128xf32, #tpu.memory_space<vmem>> -> memref<1x128x128xf32, #tpu.memory_space<vmem>>
      %dma_start3A_214 = tpu.memref_squeeze %dma_start3A_213 : memref<1x128x128xf32, #tpu.memory_space<vmem>> -> memref<128x128xf32, #tpu.memory_space<vmem>>
      tpu.enqueue_dma source(%dma_start3A_214 : memref<128x128xf32, #tpu.memory_space<vmem>>) target(%dma_start3A_210 : memref<128x128xf32, #tpu.memory_space<hbm>>) target_semaphore(%dma_start3A_208 : memref<!tpu.dma_semaphore, #tpu.memory_space<semaphore_mem>>)
      %mul3A_215 = arith.constant 4 : i32
      %mul3A_216 = arith.muli %scan3A_167, %mul3A_215 : i32
      %add3A_217 = arith.constant 1 : i32
      %add3A_218 = arith.addi %mul3A_216, %add3A_217 : i32
      %add3A_219 = arith.constant 3 : i32
      %add3A_220 = arith.addi %add3A_218, %add3A_219 : i32
      %lt3A_221 = arith.constant 32 : i32
      %lt3A_222 = arith.cmpi slt, %add3A_220, %lt3A_221 : i32
      %convert_element_type3A_223 = arith.extui %lt3A_222 : i1 to i32
      %cond3A_224 = arith.constant 0 : i32
      %cond3A_225 = arith.cmpi ne, %convert_element_type3A_223, %cond3A_224 : i32
      scf.if %cond3A_225 {
        %mul3A_371 = arith.constant 128 : i32
        %mul3A_372 = arith.muli %add3A_220, %mul3A_371 : i32
        %dma_start3A_373 = arith.constant 0 : i32
        %dma_start3A_374 = arith.constant 0 : i32
        %dma_start3A_375 = arith.constant 0 : i32
        %dma_start3A_376 = arith.constant 0 : i32
        %dma_start3A_377 = tpu.memref_slice %arg9[%dma_start3A_373, %dma_start3A_375, %dma_start3A_376] : memref<4x128x128xf32, #tpu.memory_space<vmem>> -> memref<1x128x128xf32, #tpu.memory_space<vmem>>
        %dma_start3A_378 = tpu.memref_squeeze %dma_start3A_377 : memref<1x128x128xf32, #tpu.memory_space<vmem>> -> memref<128x128xf32, #tpu.memory_space<vmem>>
        %dma_start3A_379 = tpu.memref_slice %arg8[%mul3A_372] : memref<4096xi32, #tpu.memory_space<vmem>> -> memref<128xi32, #tpu.memory_space<vmem>>
        %dma_start3A_380 = arith.constant 0 : i32
        %dma_start3A_381 = arith.constant 0 : i32
        %dma_start3A_382 = tpu.memref_slice %arg2[%dma_start3A_380, %dma_start3A_381] : memref<131072x128xf32, #tpu.memory_space<hbm>> -> memref<131072x128xf32, #tpu.memory_space<hbm>>
        %dma_start3A_383 = tpu.memref_slice %arg11[%dma_start3A_374] : memref<4x!tpu.dma_semaphore, #tpu.memory_space<semaphore_mem>> -> memref<1x!tpu.dma_semaphore, #tpu.memory_space<semaphore_mem>>
        %dma_start3A_384 = tpu.memref_squeeze %dma_start3A_383 : memref<1x!tpu.dma_semaphore, #tpu.memory_space<semaphore_mem>> -> memref<!tpu.dma_semaphore, #tpu.memory_space<semaphore_mem>>
        tpu.enqueue_indirect_dma source(%dma_start3A_382 : memref<131072x128xf32, #tpu.memory_space<hbm>>) target(%dma_start3A_378 : memref<128x128xf32, #tpu.memory_space<vmem>>) offsets(%dma_start3A_379 : memref<128xi32, #tpu.memory_space<vmem>>) semaphore(%dma_start3A_384 : memref<!tpu.dma_semaphore, #tpu.memory_space<semaphore_mem>>)
      } else {
      }
      %mul3A_226 = arith.constant 128 : i32
      %mul3A_227 = arith.muli %add3A_218, %mul3A_226 : i32
      %dma_wait3A_228 = arith.constant 1 : i32
      %dma_wait3A_229 = arith.constant 1 : i32
      %dma_wait3A_230 = arith.constant 0 : i32
      %dma_wait3A_231 = arith.constant 0 : i32
      %dma_wait3A_232 = tpu.memref_slice %arg9[%dma_wait3A_228, %dma_wait3A_230, %dma_wait3A_231] : memref<4x128x128xf32, #tpu.memory_space<vmem>> -> memref<1x128x128xf32, #tpu.memory_space<vmem>>
      %dma_wait3A_233 = tpu.memref_squeeze %dma_wait3A_232 : memref<1x128x128xf32, #tpu.memory_space<vmem>> -> memref<128x128xf32, #tpu.memory_space<vmem>>
      %dma_wait3A_234 = tpu.memref_slice %arg8[%mul3A_227] : memref<4096xi32, #tpu.memory_space<vmem>> -> memref<128xi32, #tpu.memory_space<vmem>>
      %dma_wait3A_235 = arith.constant 0 : i32
      %dma_wait3A_236 = arith.constant 0 : i32
      %dma_wait3A_237 = tpu.memref_slice %arg2[%dma_wait3A_235, %dma_wait3A_236] : memref<131072x128xf32, #tpu.memory_space<hbm>> -> memref<131072x128xf32, #tpu.memory_space<hbm>>
      %dma_wait3A_238 = tpu.memref_slice %arg11[%dma_wait3A_229] : memref<4x!tpu.dma_semaphore, #tpu.memory_space<semaphore_mem>> -> memref<1x!tpu.dma_semaphore, #tpu.memory_space<semaphore_mem>>
      %dma_wait3A_239 = tpu.memref_squeeze %dma_wait3A_238 : memref<1x!tpu.dma_semaphore, #tpu.memory_space<semaphore_mem>> -> memref<!tpu.dma_semaphore, #tpu.memory_space<semaphore_mem>>
      tpu.wait_indirect_dma semaphore(%dma_wait3A_239 : memref<!tpu.dma_semaphore, #tpu.memory_space<semaphore_mem>>) src(%dma_wait3A_237 : memref<131072x128xf32, #tpu.memory_space<hbm>>) dst(%dma_wait3A_233 : memref<128x128xf32, #tpu.memory_space<vmem>>)
      %ge3A_240 = arith.constant 2 : i32
      %ge3A_241 = arith.cmpi sge, %add3A_218, %ge3A_240 : i32
      %convert_element_type3A_242 = arith.extui %ge3A_241 : i1 to i32
      %cond3A_243 = arith.constant 0 : i32
      %cond3A_244 = arith.cmpi ne, %convert_element_type3A_242, %cond3A_243 : i32
      scf.if %cond3A_244 {
        %sub3A = arith.constant 2 : i32
        %sub3A_371 = arith.subi %add3A_218, %sub3A : i32
        %mul3A_372 = arith.constant 128 : i32
        %mul3A_373 = arith.muli %sub3A_371, %mul3A_372 : i32
        %add3A_374 = arith.addi %mul3A_4, %mul3A_373 : i32
        %dma_wait3A_375 = arith.constant 1 : i32
        %dma_wait3A_376 = arith.constant 1 : i32
        %dma_wait3A_377 = arith.constant 0 : i32
        %dma_wait3A_378 = arith.constant 0 : i32
        %dma_wait3A_379 = tpu.memref_slice %arg10[%dma_wait3A_375, %dma_wait3A_377, %dma_wait3A_378] : memref<2x128x128xf32, #tpu.memory_space<vmem>> -> memref<1x128x128xf32, #tpu.memory_space<vmem>>
        %dma_wait3A_380 = tpu.memref_squeeze %dma_wait3A_379 : memref<1x128x128xf32, #tpu.memory_space<vmem>> -> memref<128x128xf32, #tpu.memory_space<vmem>>
        %dma_wait3A_381 = arith.constant 0 : i32
        %dma_wait3A_382 = tpu.memref_slice %arg5[%add3A_374, %dma_wait3A_381] : memref<131072x128xf32, #tpu.memory_space<hbm>> -> memref<128x128xf32, #tpu.memory_space<hbm>>
        %dma_wait3A_383 = tpu.memref_slice %arg12[%dma_wait3A_376] : memref<2x!tpu.dma_semaphore, #tpu.memory_space<semaphore_mem>> -> memref<1x!tpu.dma_semaphore, #tpu.memory_space<semaphore_mem>>
        %dma_wait3A_384 = tpu.memref_squeeze %dma_wait3A_383 : memref<1x!tpu.dma_semaphore, #tpu.memory_space<semaphore_mem>> -> memref<!tpu.dma_semaphore, #tpu.memory_space<semaphore_mem>>
        %dma_wait3A_385 = arith.constant 0 : i32
        %dma_wait3A_386 = tpu.memref_slice %arg5[%add3A_374, %dma_wait3A_385] : memref<131072x128xf32, #tpu.memory_space<hbm>> -> memref<128x128xf32, #tpu.memory_space<hbm>>
        %dma_wait3A_387 = arith.constant 0 : i32
        %dma_wait3A_388 = arith.constant 0 : i32
        %dma_wait3A_389 = tpu.memref_slice %arg10[%dma_wait3A_375, %dma_wait3A_387, %dma_wait3A_388] : memref<2x128x128xf32, #tpu.memory_space<vmem>> -> memref<1x128x128xf32, #tpu.memory_space<vmem>>
        %dma_wait3A_390 = tpu.memref_squeeze %dma_wait3A_389 : memref<1x128x128xf32, #tpu.memory_space<vmem>> -> memref<128x128xf32, #tpu.memory_space<vmem>>
        tpu.wait_dma2 semaphore(%dma_wait3A_384 : memref<!tpu.dma_semaphore, #tpu.memory_space<semaphore_mem>>) src(%dma_wait3A_390 : memref<128x128xf32, #tpu.memory_space<vmem>>) dst(%dma_wait3A_386 : memref<128x128xf32, #tpu.memory_space<hbm>>)
      } else {
      }
      %parallel_loop3A_245 = arith.constant 0 : i32
      %parallel_loop3A_246 = arith.constant 32 : i32
      %parallel_loop3A_247 = arith.constant 1 : i32
      scf.for %parallel_loop3A_371 = %parallel_loop3A_245 to %parallel_loop3A_246 step %parallel_loop3A_247  : i32 {
        %parallel_loop3A_372 = arith.constant 4 : i32
        %parallel_loop3A_373 = arith.muli %parallel_loop3A_371, %parallel_loop3A_372 : i32
        %parallel_loop3A_374 = arith.constant 3 : i32
        %parallel_loop3A_375 = arith.shrsi %parallel_loop3A_371, %parallel_loop3A_374 : i32
        %parallel_loop3A_376 = arith.constant 32 : i32
        %parallel_loop3A_377 = arith.muli %parallel_loop3A_375, %parallel_loop3A_376 : i32
        %parallel_loop3A_378 = arith.constant 7 : i32
        %parallel_loop3A_379 = arith.andi %parallel_loop3A_371, %parallel_loop3A_378 : i32
        %parallel_loop3A_380 = arith.addi %parallel_loop3A_377, %parallel_loop3A_379 : i32
        %parallel_loop3A_381 = arith.constant 1 : i32
        %parallel_loop3A_382 = arith.constant 0 : i32
        %parallel_loop3A_383 = tpu.memref_slice %arg9[%parallel_loop3A_381, %parallel_loop3A_373, %parallel_loop3A_382] : memref<4x128x128xf32, #tpu.memory_space<vmem>> -> memref<1x4x128xf32, #tpu.memory_space<vmem>>
        %parallel_loop3A_384 = tpu.memref_squeeze %parallel_loop3A_383 : memref<1x4x128xf32, #tpu.memory_space<vmem>> -> memref<4x128xf32, #tpu.memory_space<vmem>>
        %parallel_loop3A_385 = tpu.vector_load_idx %parallel_loop3A_384[%broadcast_in_dim3A_87, %get3A_24] : memref<4x128xf32, #tpu.memory_space<vmem>>[vector<16xi32>, vector<16xi32>], vector<16xf32>,
        %parallel_loop3A_386 = arith.constant 0 : i32
        %parallel_loop3A_387 = arith.addi %parallel_loop3A_380, %parallel_loop3A_386 : i32
        %parallel_loop3A_388 = arith.constant 1 : i32
        %parallel_loop3A_389 = arith.index_cast %parallel_loop3A_388 : i32 to index
        %parallel_loop3A_390 = arith.index_cast %parallel_loop3A_387 : i32 to index
        %parallel_loop3A_391 = arith.constant 0 : index
        %parallel_loop3A_392 = tpu.vector_load %arg10[%parallel_loop3A_389, %parallel_loop3A_390, %parallel_loop3A_391] {strides = array<i32>} : memref<2x128x128xf32, #tpu.memory_space<vmem>>, vector<16xf32>,
        tpu.vector_store %arg10[%parallel_loop3A_389, %parallel_loop3A_390, %parallel_loop3A_391], %parallel_loop3A_385 {strides = array<i32>} : memref<2x128x128xf32, #tpu.memory_space<vmem>>, vector<16xf32>,
        %parallel_loop3A_393 = arith.constant 1 : i32
        %parallel_loop3A_394 = arith.constant 0 : i32
        %parallel_loop3A_395 = tpu.memref_slice %arg9[%parallel_loop3A_393, %parallel_loop3A_373, %parallel_loop3A_394] : memref<4x128x128xf32, #tpu.memory_space<vmem>> -> memref<1x4x128xf32, #tpu.memory_space<vmem>>
        %parallel_loop3A_396 = tpu.memref_squeeze %parallel_loop3A_395 : memref<1x4x128xf32, #tpu.memory_space<vmem>> -> memref<4x128xf32, #tpu.memory_space<vmem>>
        %parallel_loop3A_397 = tpu.vector_load_idx %parallel_loop3A_396[%broadcast_in_dim3A_87, %get3A_26] : memref<4x128xf32, #tpu.memory_space<vmem>>[vector<16xi32>, vector<16xi32>], vector<16xf32>,
        %parallel_loop3A_398 = arith.constant 0 : i32
        %parallel_loop3A_399 = arith.addi %parallel_loop3A_380, %parallel_loop3A_398 : i32
        %parallel_loop3A_400 = arith.constant 1 : i32
        %parallel_loop3A_401 = arith.index_cast %parallel_loop3A_400 : i32 to index
        %parallel_loop3A_402 = arith.index_cast %parallel_loop3A_399 : i32 to index
        %parallel_loop3A_403 = arith.constant 16 : index
        %parallel_loop3A_404 = tpu.vector_load %arg10[%parallel_loop3A_401, %parallel_loop3A_402, %parallel_loop3A_403] {strides = array<i32>} : memref<2x128x128xf32, #tpu.memory_space<vmem>>, vector<16xf32>,
        tpu.vector_store %arg10[%parallel_loop3A_401, %parallel_loop3A_402, %parallel_loop3A_403], %parallel_loop3A_397 {strides = array<i32>} : memref<2x128x128xf32, #tpu.memory_space<vmem>>, vector<16xf32>,
        %parallel_loop3A_405 = arith.constant 1 : i32
        %parallel_loop3A_406 = arith.constant 0 : i32
        %parallel_loop3A_407 = tpu.memref_slice %arg9[%parallel_loop3A_405, %parallel_loop3A_373, %parallel_loop3A_406] : memref<4x128x128xf32, #tpu.memory_space<vmem>> -> memref<1x4x128xf32, #tpu.memory_space<vmem>>
        %parallel_loop3A_408 = tpu.memref_squeeze %parallel_loop3A_407 : memref<1x4x128xf32, #tpu.memory_space<vmem>> -> memref<4x128xf32, #tpu.memory_space<vmem>>
        %parallel_loop3A_409 = tpu.vector_load_idx %parallel_loop3A_408[%broadcast_in_dim3A_87, %get3A_28] : memref<4x128xf32, #tpu.memory_space<vmem>>[vector<16xi32>, vector<16xi32>], vector<16xf32>,
        %parallel_loop3A_410 = arith.constant 0 : i32
        %parallel_loop3A_411 = arith.addi %parallel_loop3A_380, %parallel_loop3A_410 : i32
        %parallel_loop3A_412 = arith.constant 1 : i32
        %parallel_loop3A_413 = arith.index_cast %parallel_loop3A_412 : i32 to index
        %parallel_loop3A_414 = arith.index_cast %parallel_loop3A_411 : i32 to index
        %parallel_loop3A_415 = arith.constant 32 : index
        %parallel_loop3A_416 = tpu.vector_load %arg10[%parallel_loop3A_413, %parallel_loop3A_414, %parallel_loop3A_415] {strides = array<i32>} : memref<2x128x128xf32, #tpu.memory_space<vmem>>, vector<16xf32>,
        tpu.vector_store %arg10[%parallel_loop3A_413, %parallel_loop3A_414, %parallel_loop3A_415], %parallel_loop3A_409 {strides = array<i32>} : memref<2x128x128xf32, #tpu.memory_space<vmem>>, vector<16xf32>,
        %parallel_loop3A_417 = arith.constant 1 : i32
        %parallel_loop3A_418 = arith.constant 0 : i32
        %parallel_loop3A_419 = tpu.memref_slice %arg9[%parallel_loop3A_417, %parallel_loop3A_373, %parallel_loop3A_418] : memref<4x128x128xf32, #tpu.memory_space<vmem>> -> memref<1x4x128xf32, #tpu.memory_space<vmem>>
        %parallel_loop3A_420 = tpu.memref_squeeze %parallel_loop3A_419 : memref<1x4x128xf32, #tpu.memory_space<vmem>> -> memref<4x128xf32, #tpu.memory_space<vmem>>
        %parallel_loop3A_421 = tpu.vector_load_idx %parallel_loop3A_420[%broadcast_in_dim3A_87, %get3A_30] : memref<4x128xf32, #tpu.memory_space<vmem>>[vector<16xi32>, vector<16xi32>], vector<16xf32>,
        %parallel_loop3A_422 = arith.constant 0 : i32
        %parallel_loop3A_423 = arith.addi %parallel_loop3A_380, %parallel_loop3A_422 : i32
        %parallel_loop3A_424 = arith.constant 1 : i32
        %parallel_loop3A_425 = arith.index_cast %parallel_loop3A_424 : i32 to index
        %parallel_loop3A_426 = arith.index_cast %parallel_loop3A_423 : i32 to index
        %parallel_loop3A_427 = arith.constant 48 : index
        %parallel_loop3A_428 = tpu.vector_load %arg10[%parallel_loop3A_425, %parallel_loop3A_426, %parallel_loop3A_427] {strides = array<i32>} : memref<2x128x128xf32, #tpu.memory_space<vmem>>, vector<16xf32>,
        tpu.vector_store %arg10[%parallel_loop3A_425, %parallel_loop3A_426, %parallel_loop3A_427], %parallel_loop3A_421 {strides = array<i32>} : memref<2x128x128xf32, #tpu.memory_space<vmem>>, vector<16xf32>,
        %parallel_loop3A_429 = arith.constant 1 : i32
        %parallel_loop3A_430 = arith.constant 0 : i32
        %parallel_loop3A_431 = tpu.memref_slice %arg9[%parallel_loop3A_429, %parallel_loop3A_373, %parallel_loop3A_430] : memref<4x128x128xf32, #tpu.memory_space<vmem>> -> memref<1x4x128xf32, #tpu.memory_space<vmem>>
        %parallel_loop3A_432 = tpu.memref_squeeze %parallel_loop3A_431 : memref<1x4x128xf32, #tpu.memory_space<vmem>> -> memref<4x128xf32, #tpu.memory_space<vmem>>
        %parallel_loop3A_433 = tpu.vector_load_idx %parallel_loop3A_432[%broadcast_in_dim3A_87, %get3A_32] : memref<4x128xf32, #tpu.memory_space<vmem>>[vector<16xi32>, vector<16xi32>], vector<16xf32>,
        %parallel_loop3A_434 = arith.constant 0 : i32
        %parallel_loop3A_435 = arith.addi %parallel_loop3A_380, %parallel_loop3A_434 : i32
        %parallel_loop3A_436 = arith.constant 1 : i32
        %parallel_loop3A_437 = arith.index_cast %parallel_loop3A_436 : i32 to index
        %parallel_loop3A_438 = arith.index_cast %parallel_loop3A_435 : i32 to index
        %parallel_loop3A_439 = arith.constant 64 : index
        %parallel_loop3A_440 = tpu.vector_load %arg10[%parallel_loop3A_437, %parallel_loop3A_438, %parallel_loop3A_439] {strides = array<i32>} : memref<2x128x128xf32, #tpu.memory_space<vmem>>, vector<16xf32>,
        tpu.vector_store %arg10[%parallel_loop3A_437, %parallel_loop3A_438, %parallel_loop3A_439], %parallel_loop3A_433 {strides = array<i32>} : memref<2x128x128xf32, #tpu.memory_space<vmem>>, vector<16xf32>,
        %parallel_loop3A_441 = arith.constant 1 : i32
        %parallel_loop3A_442 = arith.constant 0 : i32
        %parallel_loop3A_443 = tpu.memref_slice %arg9[%parallel_loop3A_441, %parallel_loop3A_373, %parallel_loop3A_442] : memref<4x128x128xf32, #tpu.memory_space<vmem>> -> memref<1x4x128xf32, #tpu.memory_space<vmem>>
        %parallel_loop3A_444 = tpu.memref_squeeze %parallel_loop3A_443 : memref<1x4x128xf32, #tpu.memory_space<vmem>> -> memref<4x128xf32, #tpu.memory_space<vmem>>
        %parallel_loop3A_445 = tpu.vector_load_idx %parallel_loop3A_444[%broadcast_in_dim3A_87, %get3A_34] : memref<4x128xf32, #tpu.memory_space<vmem>>[vector<16xi32>, vector<16xi32>], vector<16xf32>,
        %parallel_loop3A_446 = arith.constant 0 : i32
        %parallel_loop3A_447 = arith.addi %parallel_loop3A_380, %parallel_loop3A_446 : i32
        %parallel_loop3A_448 = arith.constant 1 : i32
        %parallel_loop3A_449 = arith.index_cast %parallel_loop3A_448 : i32 to index
        %parallel_loop3A_450 = arith.index_cast %parallel_loop3A_447 : i32 to index
        %parallel_loop3A_451 = arith.constant 80 : index
        %parallel_loop3A_452 = tpu.vector_load %arg10[%parallel_loop3A_449, %parallel_loop3A_450, %parallel_loop3A_451] {strides = array<i32>} : memref<2x128x128xf32, #tpu.memory_space<vmem>>, vector<16xf32>,
        tpu.vector_store %arg10[%parallel_loop3A_449, %parallel_loop3A_450, %parallel_loop3A_451], %parallel_loop3A_445 {strides = array<i32>} : memref<2x128x128xf32, #tpu.memory_space<vmem>>, vector<16xf32>,
        %parallel_loop3A_453 = arith.constant 1 : i32
        %parallel_loop3A_454 = arith.constant 0 : i32
        %parallel_loop3A_455 = tpu.memref_slice %arg9[%parallel_loop3A_453, %parallel_loop3A_373, %parallel_loop3A_454] : memref<4x128x128xf32, #tpu.memory_space<vmem>> -> memref<1x4x128xf32, #tpu.memory_space<vmem>>
        %parallel_loop3A_456 = tpu.memref_squeeze %parallel_loop3A_455 : memref<1x4x128xf32, #tpu.memory_space<vmem>> -> memref<4x128xf32, #tpu.memory_space<vmem>>
        %parallel_loop3A_457 = tpu.vector_load_idx %parallel_loop3A_456[%broadcast_in_dim3A_87, %get3A_36] : memref<4x128xf32, #tpu.memory_space<vmem>>[vector<16xi32>, vector<16xi32>], vector<16xf32>,
        %parallel_loop3A_458 = arith.constant 0 : i32
        %parallel_loop3A_459 = arith.addi %parallel_loop3A_380, %parallel_loop3A_458 : i32
        %parallel_loop3A_460 = arith.constant 1 : i32
        %parallel_loop3A_461 = arith.index_cast %parallel_loop3A_460 : i32 to index
        %parallel_loop3A_462 = arith.index_cast %parallel_loop3A_459 : i32 to index
        %parallel_loop3A_463 = arith.constant 96 : index
        %parallel_loop3A_464 = tpu.vector_load %arg10[%parallel_loop3A_461, %parallel_loop3A_462, %parallel_loop3A_463] {strides = array<i32>} : memref<2x128x128xf32, #tpu.memory_space<vmem>>, vector<16xf32>,
        tpu.vector_store %arg10[%parallel_loop3A_461, %parallel_loop3A_462, %parallel_loop3A_463], %parallel_loop3A_457 {strides = array<i32>} : memref<2x128x128xf32, #tpu.memory_space<vmem>>, vector<16xf32>,
        %parallel_loop3A_465 = arith.constant 1 : i32
        %parallel_loop3A_466 = arith.constant 0 : i32
        %parallel_loop3A_467 = tpu.memref_slice %arg9[%parallel_loop3A_465, %parallel_loop3A_373, %parallel_loop3A_466] : memref<4x128x128xf32, #tpu.memory_space<vmem>> -> memref<1x4x128xf32, #tpu.memory_space<vmem>>
        %parallel_loop3A_468 = tpu.memref_squeeze %parallel_loop3A_467 : memref<1x4x128xf32, #tpu.memory_space<vmem>> -> memref<4x128xf32, #tpu.memory_space<vmem>>
        %parallel_loop3A_469 = tpu.vector_load_idx %parallel_loop3A_468[%broadcast_in_dim3A_87, %get3A_38] : memref<4x128xf32, #tpu.memory_space<vmem>>[vector<16xi32>, vector<16xi32>], vector<16xf32>,
        %parallel_loop3A_470 = arith.constant 0 : i32
        %parallel_loop3A_471 = arith.addi %parallel_loop3A_380, %parallel_loop3A_470 : i32
        %parallel_loop3A_472 = arith.constant 1 : i32
        %parallel_loop3A_473 = arith.index_cast %parallel_loop3A_472 : i32 to index
        %parallel_loop3A_474 = arith.index_cast %parallel_loop3A_471 : i32 to index
        %parallel_loop3A_475 = arith.constant 112 : index
        %parallel_loop3A_476 = tpu.vector_load %arg10[%parallel_loop3A_473, %parallel_loop3A_474, %parallel_loop3A_475] {strides = array<i32>} : memref<2x128x128xf32, #tpu.memory_space<vmem>>, vector<16xf32>,
        tpu.vector_store %arg10[%parallel_loop3A_473, %parallel_loop3A_474, %parallel_loop3A_475], %parallel_loop3A_469 {strides = array<i32>} : memref<2x128x128xf32, #tpu.memory_space<vmem>>, vector<16xf32>,
        %parallel_loop3A_477 = arith.constant 1 : i32
        %parallel_loop3A_478 = arith.constant 0 : i32
        %parallel_loop3A_479 = tpu.memref_slice %arg9[%parallel_loop3A_477, %parallel_loop3A_373, %parallel_loop3A_478] : memref<4x128x128xf32, #tpu.memory_space<vmem>> -> memref<1x4x128xf32, #tpu.memory_space<vmem>>
        %parallel_loop3A_480 = tpu.memref_squeeze %parallel_loop3A_479 : memref<1x4x128xf32, #tpu.memory_space<vmem>> -> memref<4x128xf32, #tpu.memory_space<vmem>>
        %parallel_loop3A_481 = tpu.vector_load_idx %parallel_loop3A_480[%broadcast_in_dim3A_87, %get3A_40] : memref<4x128xf32, #tpu.memory_space<vmem>>[vector<16xi32>, vector<16xi32>], vector<16xf32>,
        %parallel_loop3A_482 = arith.constant 8 : i32
        %parallel_loop3A_483 = arith.addi %parallel_loop3A_380, %parallel_loop3A_482 : i32
        %parallel_loop3A_484 = arith.constant 1 : i32
        %parallel_loop3A_485 = arith.index_cast %parallel_loop3A_484 : i32 to index
        %parallel_loop3A_486 = arith.index_cast %parallel_loop3A_483 : i32 to index
        %parallel_loop3A_487 = arith.constant 0 : index
        %parallel_loop3A_488 = tpu.vector_load %arg10[%parallel_loop3A_485, %parallel_loop3A_486, %parallel_loop3A_487] {strides = array<i32>} : memref<2x128x128xf32, #tpu.memory_space<vmem>>, vector<16xf32>,
        tpu.vector_store %arg10[%parallel_loop3A_485, %parallel_loop3A_486, %parallel_loop3A_487], %parallel_loop3A_481 {strides = array<i32>} : memref<2x128x128xf32, #tpu.memory_space<vmem>>, vector<16xf32>,
        %parallel_loop3A_489 = arith.constant 1 : i32
        %parallel_loop3A_490 = arith.constant 0 : i32
        %parallel_loop3A_491 = tpu.memref_slice %arg9[%parallel_loop3A_489, %parallel_loop3A_373, %parallel_loop3A_490] : memref<4x128x128xf32, #tpu.memory_space<vmem>> -> memref<1x4x128xf32, #tpu.memory_space<vmem>>
        %parallel_loop3A_492 = tpu.memref_squeeze %parallel_loop3A_491 : memref<1x4x128xf32, #tpu.memory_space<vmem>> -> memref<4x128xf32, #tpu.memory_space<vmem>>
        %parallel_loop3A_493 = tpu.vector_load_idx %parallel_loop3A_492[%broadcast_in_dim3A_87, %get3A_42] : memref<4x128xf32, #tpu.memory_space<vmem>>[vector<16xi32>, vector<16xi32>], vector<16xf32>,
        %parallel_loop3A_494 = arith.constant 8 : i32
        %parallel_loop3A_495 = arith.addi %parallel_loop3A_380, %parallel_loop3A_494 : i32
        %parallel_loop3A_496 = arith.constant 1 : i32
        %parallel_loop3A_497 = arith.index_cast %parallel_loop3A_496 : i32 to index
        %parallel_loop3A_498 = arith.index_cast %parallel_loop3A_495 : i32 to index
        %parallel_loop3A_499 = arith.constant 16 : index
        %parallel_loop3A_500 = tpu.vector_load %arg10[%parallel_loop3A_497, %parallel_loop3A_498, %parallel_loop3A_499] {strides = array<i32>} : memref<2x128x128xf32, #tpu.memory_space<vmem>>, vector<16xf32>,
        tpu.vector_store %arg10[%parallel_loop3A_497, %parallel_loop3A_498, %parallel_loop3A_499], %parallel_loop3A_493 {strides = array<i32>} : memref<2x128x128xf32, #tpu.memory_space<vmem>>, vector<16xf32>,
        %parallel_loop3A_501 = arith.constant 1 : i32
        %parallel_loop3A_502 = arith.constant 0 : i32
        %parallel_loop3A_503 = tpu.memref_slice %arg9[%parallel_loop3A_501, %parallel_loop3A_373, %parallel_loop3A_502] : memref<4x128x128xf32, #tpu.memory_space<vmem>> -> memref<1x4x128xf32, #tpu.memory_space<vmem>>
        %parallel_loop3A_504 = tpu.memref_squeeze %parallel_loop3A_503 : memref<1x4x128xf32, #tpu.memory_space<vmem>> -> memref<4x128xf32, #tpu.memory_space<vmem>>
        %parallel_loop3A_505 = tpu.vector_load_idx %parallel_loop3A_504[%broadcast_in_dim3A_87, %get3A_44] : memref<4x128xf32, #tpu.memory_space<vmem>>[vector<16xi32>, vector<16xi32>], vector<16xf32>,
        %parallel_loop3A_506 = arith.constant 8 : i32
        %parallel_loop3A_507 = arith.addi %parallel_loop3A_380, %parallel_loop3A_506 : i32
        %parallel_loop3A_508 = arith.constant 1 : i32
        %parallel_loop3A_509 = arith.index_cast %parallel_loop3A_508 : i32 to index
        %parallel_loop3A_510 = arith.index_cast %parallel_loop3A_507 : i32 to index
        %parallel_loop3A_511 = arith.constant 32 : index
        %parallel_loop3A_512 = tpu.vector_load %arg10[%parallel_loop3A_509, %parallel_loop3A_510, %parallel_loop3A_511] {strides = array<i32>} : memref<2x128x128xf32, #tpu.memory_space<vmem>>, vector<16xf32>,
        tpu.vector_store %arg10[%parallel_loop3A_509, %parallel_loop3A_510, %parallel_loop3A_511], %parallel_loop3A_505 {strides = array<i32>} : memref<2x128x128xf32, #tpu.memory_space<vmem>>, vector<16xf32>,
        %parallel_loop3A_513 = arith.constant 1 : i32
        %parallel_loop3A_514 = arith.constant 0 : i32
        %parallel_loop3A_515 = tpu.memref_slice %arg9[%parallel_loop3A_513, %parallel_loop3A_373, %parallel_loop3A_514] : memref<4x128x128xf32, #tpu.memory_space<vmem>> -> memref<1x4x128xf32, #tpu.memory_space<vmem>>
        %parallel_loop3A_516 = tpu.memref_squeeze %parallel_loop3A_515 : memref<1x4x128xf32, #tpu.memory_space<vmem>> -> memref<4x128xf32, #tpu.memory_space<vmem>>
        %parallel_loop3A_517 = tpu.vector_load_idx %parallel_loop3A_516[%broadcast_in_dim3A_87, %get3A_46] : memref<4x128xf32, #tpu.memory_space<vmem>>[vector<16xi32>, vector<16xi32>], vector<16xf32>,
        %parallel_loop3A_518 = arith.constant 8 : i32
        %parallel_loop3A_519 = arith.addi %parallel_loop3A_380, %parallel_loop3A_518 : i32
        %parallel_loop3A_520 = arith.constant 1 : i32
        %parallel_loop3A_521 = arith.index_cast %parallel_loop3A_520 : i32 to index
        %parallel_loop3A_522 = arith.index_cast %parallel_loop3A_519 : i32 to index
        %parallel_loop3A_523 = arith.constant 48 : index
        %parallel_loop3A_524 = tpu.vector_load %arg10[%parallel_loop3A_521, %parallel_loop3A_522, %parallel_loop3A_523] {strides = array<i32>} : memref<2x128x128xf32, #tpu.memory_space<vmem>>, vector<16xf32>,
        tpu.vector_store %arg10[%parallel_loop3A_521, %parallel_loop3A_522, %parallel_loop3A_523], %parallel_loop3A_517 {strides = array<i32>} : memref<2x128x128xf32, #tpu.memory_space<vmem>>, vector<16xf32>,
        %parallel_loop3A_525 = arith.constant 1 : i32
        %parallel_loop3A_526 = arith.constant 0 : i32
        %parallel_loop3A_527 = tpu.memref_slice %arg9[%parallel_loop3A_525, %parallel_loop3A_373, %parallel_loop3A_526] : memref<4x128x128xf32, #tpu.memory_space<vmem>> -> memref<1x4x128xf32, #tpu.memory_space<vmem>>
        %parallel_loop3A_528 = tpu.memref_squeeze %parallel_loop3A_527 : memref<1x4x128xf32, #tpu.memory_space<vmem>> -> memref<4x128xf32, #tpu.memory_space<vmem>>
        %parallel_loop3A_529 = tpu.vector_load_idx %parallel_loop3A_528[%broadcast_in_dim3A_87, %get3A_48] : memref<4x128xf32, #tpu.memory_space<vmem>>[vector<16xi32>, vector<16xi32>], vector<16xf32>,
        %parallel_loop3A_530 = arith.constant 8 : i32
        %parallel_loop3A_531 = arith.addi %parallel_loop3A_380, %parallel_loop3A_530 : i32
        %parallel_loop3A_532 = arith.constant 1 : i32
        %parallel_loop3A_533 = arith.index_cast %parallel_loop3A_532 : i32 to index
        %parallel_loop3A_534 = arith.index_cast %parallel_loop3A_531 : i32 to index
        %parallel_loop3A_535 = arith.constant 64 : index
        %parallel_loop3A_536 = tpu.vector_load %arg10[%parallel_loop3A_533, %parallel_loop3A_534, %parallel_loop3A_535] {strides = array<i32>} : memref<2x128x128xf32, #tpu.memory_space<vmem>>, vector<16xf32>,
        tpu.vector_store %arg10[%parallel_loop3A_533, %parallel_loop3A_534, %parallel_loop3A_535], %parallel_loop3A_529 {strides = array<i32>} : memref<2x128x128xf32, #tpu.memory_space<vmem>>, vector<16xf32>,
        %parallel_loop3A_537 = arith.constant 1 : i32
        %parallel_loop3A_538 = arith.constant 0 : i32
        %parallel_loop3A_539 = tpu.memref_slice %arg9[%parallel_loop3A_537, %parallel_loop3A_373, %parallel_loop3A_538] : memref<4x128x128xf32, #tpu.memory_space<vmem>> -> memref<1x4x128xf32, #tpu.memory_space<vmem>>
        %parallel_loop3A_540 = tpu.memref_squeeze %parallel_loop3A_539 : memref<1x4x128xf32, #tpu.memory_space<vmem>> -> memref<4x128xf32, #tpu.memory_space<vmem>>
        %parallel_loop3A_541 = tpu.vector_load_idx %parallel_loop3A_540[%broadcast_in_dim3A_87, %get3A_50] : memref<4x128xf32, #tpu.memory_space<vmem>>[vector<16xi32>, vector<16xi32>], vector<16xf32>,
        %parallel_loop3A_542 = arith.constant 8 : i32
        %parallel_loop3A_543 = arith.addi %parallel_loop3A_380, %parallel_loop3A_542 : i32
        %parallel_loop3A_544 = arith.constant 1 : i32
        %parallel_loop3A_545 = arith.index_cast %parallel_loop3A_544 : i32 to index
        %parallel_loop3A_546 = arith.index_cast %parallel_loop3A_543 : i32 to index
        %parallel_loop3A_547 = arith.constant 80 : index
        %parallel_loop3A_548 = tpu.vector_load %arg10[%parallel_loop3A_545, %parallel_loop3A_546, %parallel_loop3A_547] {strides = array<i32>} : memref<2x128x128xf32, #tpu.memory_space<vmem>>, vector<16xf32>,
        tpu.vector_store %arg10[%parallel_loop3A_545, %parallel_loop3A_546, %parallel_loop3A_547], %parallel_loop3A_541 {strides = array<i32>} : memref<2x128x128xf32, #tpu.memory_space<vmem>>, vector<16xf32>,
        %parallel_loop3A_549 = arith.constant 1 : i32
        %parallel_loop3A_550 = arith.constant 0 : i32
        %parallel_loop3A_551 = tpu.memref_slice %arg9[%parallel_loop3A_549, %parallel_loop3A_373, %parallel_loop3A_550] : memref<4x128x128xf32, #tpu.memory_space<vmem>> -> memref<1x4x128xf32, #tpu.memory_space<vmem>>
        %parallel_loop3A_552 = tpu.memref_squeeze %parallel_loop3A_551 : memref<1x4x128xf32, #tpu.memory_space<vmem>> -> memref<4x128xf32, #tpu.memory_space<vmem>>
        %parallel_loop3A_553 = tpu.vector_load_idx %parallel_loop3A_552[%broadcast_in_dim3A_87, %get3A_52] : memref<4x128xf32, #tpu.memory_space<vmem>>[vector<16xi32>, vector<16xi32>], vector<16xf32>,
        %parallel_loop3A_554 = arith.constant 8 : i32
        %parallel_loop3A_555 = arith.addi %parallel_loop3A_380, %parallel_loop3A_554 : i32
        %parallel_loop3A_556 = arith.constant 1 : i32
        %parallel_loop3A_557 = arith.index_cast %parallel_loop3A_556 : i32 to index
        %parallel_loop3A_558 = arith.index_cast %parallel_loop3A_555 : i32 to index
        %parallel_loop3A_559 = arith.constant 96 : index
        %parallel_loop3A_560 = tpu.vector_load %arg10[%parallel_loop3A_557, %parallel_loop3A_558, %parallel_loop3A_559] {strides = array<i32>} : memref<2x128x128xf32, #tpu.memory_space<vmem>>, vector<16xf32>,
        tpu.vector_store %arg10[%parallel_loop3A_557, %parallel_loop3A_558, %parallel_loop3A_559], %parallel_loop3A_553 {strides = array<i32>} : memref<2x128x128xf32, #tpu.memory_space<vmem>>, vector<16xf32>,
        %parallel_loop3A_561 = arith.constant 1 : i32
        %parallel_loop3A_562 = arith.constant 0 : i32
        %parallel_loop3A_563 = tpu.memref_slice %arg9[%parallel_loop3A_561, %parallel_loop3A_373, %parallel_loop3A_562] : memref<4x128x128xf32, #tpu.memory_space<vmem>> -> memref<1x4x128xf32, #tpu.memory_space<vmem>>
        %parallel_loop3A_564 = tpu.memref_squeeze %parallel_loop3A_563 : memref<1x4x128xf32, #tpu.memory_space<vmem>> -> memref<4x128xf32, #tpu.memory_space<vmem>>
        %parallel_loop3A_565 = tpu.vector_load_idx %parallel_loop3A_564[%broadcast_in_dim3A_87, %get3A_54] : memref<4x128xf32, #tpu.memory_space<vmem>>[vector<16xi32>, vector<16xi32>], vector<16xf32>,
        %parallel_loop3A_566 = arith.constant 8 : i32
        %parallel_loop3A_567 = arith.addi %parallel_loop3A_380, %parallel_loop3A_566 : i32
        %parallel_loop3A_568 = arith.constant 1 : i32
        %parallel_loop3A_569 = arith.index_cast %parallel_loop3A_568 : i32 to index
        %parallel_loop3A_570 = arith.index_cast %parallel_loop3A_567 : i32 to index
        %parallel_loop3A_571 = arith.constant 112 : index
        %parallel_loop3A_572 = tpu.vector_load %arg10[%parallel_loop3A_569, %parallel_loop3A_570, %parallel_loop3A_571] {strides = array<i32>} : memref<2x128x128xf32, #tpu.memory_space<vmem>>, vector<16xf32>,
        tpu.vector_store %arg10[%parallel_loop3A_569, %parallel_loop3A_570, %parallel_loop3A_571], %parallel_loop3A_565 {strides = array<i32>} : memref<2x128x128xf32, #tpu.memory_space<vmem>>, vector<16xf32>,
        %parallel_loop3A_573 = arith.constant 1 : i32
        %parallel_loop3A_574 = arith.constant 0 : i32
        %parallel_loop3A_575 = tpu.memref_slice %arg9[%parallel_loop3A_573, %parallel_loop3A_373, %parallel_loop3A_574] : memref<4x128x128xf32, #tpu.memory_space<vmem>> -> memref<1x4x128xf32, #tpu.memory_space<vmem>>
        %parallel_loop3A_576 = tpu.memref_squeeze %parallel_loop3A_575 : memref<1x4x128xf32, #tpu.memory_space<vmem>> -> memref<4x128xf32, #tpu.memory_space<vmem>>
        %parallel_loop3A_577 = tpu.vector_load_idx %parallel_loop3A_576[%broadcast_in_dim3A_87, %get3A_56] : memref<4x128xf32, #tpu.memory_space<vmem>>[vector<16xi32>, vector<16xi32>], vector<16xf32>,
        %parallel_loop3A_578 = arith.constant 16 : i32
        %parallel_loop3A_579 = arith.addi %parallel_loop3A_380, %parallel_loop3A_578 : i32
        %parallel_loop3A_580 = arith.constant 1 : i32
        %parallel_loop3A_581 = arith.index_cast %parallel_loop3A_580 : i32 to index
        %parallel_loop3A_582 = arith.index_cast %parallel_loop3A_579 : i32 to index
        %parallel_loop3A_583 = arith.constant 0 : index
        %parallel_loop3A_584 = tpu.vector_load %arg10[%parallel_loop3A_581, %parallel_loop3A_582, %parallel_loop3A_583] {strides = array<i32>} : memref<2x128x128xf32, #tpu.memory_space<vmem>>, vector<16xf32>,
        tpu.vector_store %arg10[%parallel_loop3A_581, %parallel_loop3A_582, %parallel_loop3A_583], %parallel_loop3A_577 {strides = array<i32>} : memref<2x128x128xf32, #tpu.memory_space<vmem>>, vector<16xf32>,
        %parallel_loop3A_585 = arith.constant 1 : i32
        %parallel_loop3A_586 = arith.constant 0 : i32
        %parallel_loop3A_587 = tpu.memref_slice %arg9[%parallel_loop3A_585, %parallel_loop3A_373, %parallel_loop3A_586] : memref<4x128x128xf32, #tpu.memory_space<vmem>> -> memref<1x4x128xf32, #tpu.memory_space<vmem>>
        %parallel_loop3A_588 = tpu.memref_squeeze %parallel_loop3A_587 : memref<1x4x128xf32, #tpu.memory_space<vmem>> -> memref<4x128xf32, #tpu.memory_space<vmem>>
        %parallel_loop3A_589 = tpu.vector_load_idx %parallel_loop3A_588[%broadcast_in_dim3A_87, %get3A_58] : memref<4x128xf32, #tpu.memory_space<vmem>>[vector<16xi32>, vector<16xi32>], vector<16xf32>,
        %parallel_loop3A_590 = arith.constant 16 : i32
        %parallel_loop3A_591 = arith.addi %parallel_loop3A_380, %parallel_loop3A_590 : i32
        %parallel_loop3A_592 = arith.constant 1 : i32
        %parallel_loop3A_593 = arith.index_cast %parallel_loop3A_592 : i32 to index
        %parallel_loop3A_594 = arith.index_cast %parallel_loop3A_591 : i32 to index
        %parallel_loop3A_595 = arith.constant 16 : index
        %parallel_loop3A_596 = tpu.vector_load %arg10[%parallel_loop3A_593, %parallel_loop3A_594, %parallel_loop3A_595] {strides = array<i32>} : memref<2x128x128xf32, #tpu.memory_space<vmem>>, vector<16xf32>,
        tpu.vector_store %arg10[%parallel_loop3A_593, %parallel_loop3A_594, %parallel_loop3A_595], %parallel_loop3A_589 {strides = array<i32>} : memref<2x128x128xf32, #tpu.memory_space<vmem>>, vector<16xf32>,
        %parallel_loop3A_597 = arith.constant 1 : i32
        %parallel_loop3A_598 = arith.constant 0 : i32
        %parallel_loop3A_599 = tpu.memref_slice %arg9[%parallel_loop3A_597, %parallel_loop3A_373, %parallel_loop3A_598] : memref<4x128x128xf32, #tpu.memory_space<vmem>> -> memref<1x4x128xf32, #tpu.memory_space<vmem>>
        %parallel_loop3A_600 = tpu.memref_squeeze %parallel_loop3A_599 : memref<1x4x128xf32, #tpu.memory_space<vmem>> -> memref<4x128xf32, #tpu.memory_space<vmem>>
        %parallel_loop3A_601 = tpu.vector_load_idx %parallel_loop3A_600[%broadcast_in_dim3A_87, %get3A_60] : memref<4x128xf32, #tpu.memory_space<vmem>>[vector<16xi32>, vector<16xi32>], vector<16xf32>,
        %parallel_loop3A_602 = arith.constant 16 : i32
        %parallel_loop3A_603 = arith.addi %parallel_loop3A_380, %parallel_loop3A_602 : i32
        %parallel_loop3A_604 = arith.constant 1 : i32
        %parallel_loop3A_605 = arith.index_cast %parallel_loop3A_604 : i32 to index
        %parallel_loop3A_606 = arith.index_cast %parallel_loop3A_603 : i32 to index
        %parallel_loop3A_607 = arith.constant 32 : index
        %parallel_loop3A_608 = tpu.vector_load %arg10[%parallel_loop3A_605, %parallel_loop3A_606, %parallel_loop3A_607] {strides = array<i32>} : memref<2x128x128xf32, #tpu.memory_space<vmem>>, vector<16xf32>,
        tpu.vector_store %arg10[%parallel_loop3A_605, %parallel_loop3A_606, %parallel_loop3A_607], %parallel_loop3A_601 {strides = array<i32>} : memref<2x128x128xf32, #tpu.memory_space<vmem>>, vector<16xf32>,
        %parallel_loop3A_609 = arith.constant 1 : i32
        %parallel_loop3A_610 = arith.constant 0 : i32
        %parallel_loop3A_611 = tpu.memref_slice %arg9[%parallel_loop3A_609, %parallel_loop3A_373, %parallel_loop3A_610] : memref<4x128x128xf32, #tpu.memory_space<vmem>> -> memref<1x4x128xf32, #tpu.memory_space<vmem>>
        %parallel_loop3A_612 = tpu.memref_squeeze %parallel_loop3A_611 : memref<1x4x128xf32, #tpu.memory_space<vmem>> -> memref<4x128xf32, #tpu.memory_space<vmem>>
        %parallel_loop3A_613 = tpu.vector_load_idx %parallel_loop3A_612[%broadcast_in_dim3A_87, %get3A_62] : memref<4x128xf32, #tpu.memory_space<vmem>>[vector<16xi32>, vector<16xi32>], vector<16xf32>,
        %parallel_loop3A_614 = arith.constant 16 : i32
        %parallel_loop3A_615 = arith.addi %parallel_loop3A_380, %parallel_loop3A_614 : i32
        %parallel_loop3A_616 = arith.constant 1 : i32
        %parallel_loop3A_617 = arith.index_cast %parallel_loop3A_616 : i32 to index
        %parallel_loop3A_618 = arith.index_cast %parallel_loop3A_615 : i32 to index
        %parallel_loop3A_619 = arith.constant 48 : index
        %parallel_loop3A_620 = tpu.vector_load %arg10[%parallel_loop3A_617, %parallel_loop3A_618, %parallel_loop3A_619] {strides = array<i32>} : memref<2x128x128xf32, #tpu.memory_space<vmem>>, vector<16xf32>,
        tpu.vector_store %arg10[%parallel_loop3A_617, %parallel_loop3A_618, %parallel_loop3A_619], %parallel_loop3A_613 {strides = array<i32>} : memref<2x128x128xf32, #tpu.memory_space<vmem>>, vector<16xf32>,
        %parallel_loop3A_621 = arith.constant 1 : i32
        %parallel_loop3A_622 = arith.constant 0 : i32
        %parallel_loop3A_623 = tpu.memref_slice %arg9[%parallel_loop3A_621, %parallel_loop3A_373, %parallel_loop3A_622] : memref<4x128x128xf32, #tpu.memory_space<vmem>> -> memref<1x4x128xf32, #tpu.memory_space<vmem>>
        %parallel_loop3A_624 = tpu.memref_squeeze %parallel_loop3A_623 : memref<1x4x128xf32, #tpu.memory_space<vmem>> -> memref<4x128xf32, #tpu.memory_space<vmem>>
        %parallel_loop3A_625 = tpu.vector_load_idx %parallel_loop3A_624[%broadcast_in_dim3A_87, %get3A_64] : memref<4x128xf32, #tpu.memory_space<vmem>>[vector<16xi32>, vector<16xi32>], vector<16xf32>,
        %parallel_loop3A_626 = arith.constant 16 : i32
        %parallel_loop3A_627 = arith.addi %parallel_loop3A_380, %parallel_loop3A_626 : i32
        %parallel_loop3A_628 = arith.constant 1 : i32
        %parallel_loop3A_629 = arith.index_cast %parallel_loop3A_628 : i32 to index
        %parallel_loop3A_630 = arith.index_cast %parallel_loop3A_627 : i32 to index
        %parallel_loop3A_631 = arith.constant 64 : index
        %parallel_loop3A_632 = tpu.vector_load %arg10[%parallel_loop3A_629, %parallel_loop3A_630, %parallel_loop3A_631] {strides = array<i32>} : memref<2x128x128xf32, #tpu.memory_space<vmem>>, vector<16xf32>,
        tpu.vector_store %arg10[%parallel_loop3A_629, %parallel_loop3A_630, %parallel_loop3A_631], %parallel_loop3A_625 {strides = array<i32>} : memref<2x128x128xf32, #tpu.memory_space<vmem>>, vector<16xf32>,
        %parallel_loop3A_633 = arith.constant 1 : i32
        %parallel_loop3A_634 = arith.constant 0 : i32
        %parallel_loop3A_635 = tpu.memref_slice %arg9[%parallel_loop3A_633, %parallel_loop3A_373, %parallel_loop3A_634] : memref<4x128x128xf32, #tpu.memory_space<vmem>> -> memref<1x4x128xf32, #tpu.memory_space<vmem>>
        %parallel_loop3A_636 = tpu.memref_squeeze %parallel_loop3A_635 : memref<1x4x128xf32, #tpu.memory_space<vmem>> -> memref<4x128xf32, #tpu.memory_space<vmem>>
        %parallel_loop3A_637 = tpu.vector_load_idx %parallel_loop3A_636[%broadcast_in_dim3A_87, %get3A_66] : memref<4x128xf32, #tpu.memory_space<vmem>>[vector<16xi32>, vector<16xi32>], vector<16xf32>,
        %parallel_loop3A_638 = arith.constant 16 : i32
        %parallel_loop3A_639 = arith.addi %parallel_loop3A_380, %parallel_loop3A_638 : i32
        %parallel_loop3A_640 = arith.constant 1 : i32
        %parallel_loop3A_641 = arith.index_cast %parallel_loop3A_640 : i32 to index
        %parallel_loop3A_642 = arith.index_cast %parallel_loop3A_639 : i32 to index
        %parallel_loop3A_643 = arith.constant 80 : index
        %parallel_loop3A_644 = tpu.vector_load %arg10[%parallel_loop3A_641, %parallel_loop3A_642, %parallel_loop3A_643] {strides = array<i32>} : memref<2x128x128xf32, #tpu.memory_space<vmem>>, vector<16xf32>,
        tpu.vector_store %arg10[%parallel_loop3A_641, %parallel_loop3A_642, %parallel_loop3A_643], %parallel_loop3A_637 {strides = array<i32>} : memref<2x128x128xf32, #tpu.memory_space<vmem>>, vector<16xf32>,
        %parallel_loop3A_645 = arith.constant 1 : i32
        %parallel_loop3A_646 = arith.constant 0 : i32
        %parallel_loop3A_647 = tpu.memref_slice %arg9[%parallel_loop3A_645, %parallel_loop3A_373, %parallel_loop3A_646] : memref<4x128x128xf32, #tpu.memory_space<vmem>> -> memref<1x4x128xf32, #tpu.memory_space<vmem>>
        %parallel_loop3A_648 = tpu.memref_squeeze %parallel_loop3A_647 : memref<1x4x128xf32, #tpu.memory_space<vmem>> -> memref<4x128xf32, #tpu.memory_space<vmem>>
        %parallel_loop3A_649 = tpu.vector_load_idx %parallel_loop3A_648[%broadcast_in_dim3A_87, %get3A_68] : memref<4x128xf32, #tpu.memory_space<vmem>>[vector<16xi32>, vector<16xi32>], vector<16xf32>,
        %parallel_loop3A_650 = arith.constant 16 : i32
        %parallel_loop3A_651 = arith.addi %parallel_loop3A_380, %parallel_loop3A_650 : i32
        %parallel_loop3A_652 = arith.constant 1 : i32
        %parallel_loop3A_653 = arith.index_cast %parallel_loop3A_652 : i32 to index
        %parallel_loop3A_654 = arith.index_cast %parallel_loop3A_651 : i32 to index
        %parallel_loop3A_655 = arith.constant 96 : index
        %parallel_loop3A_656 = tpu.vector_load %arg10[%parallel_loop3A_653, %parallel_loop3A_654, %parallel_loop3A_655] {strides = array<i32>} : memref<2x128x128xf32, #tpu.memory_space<vmem>>, vector<16xf32>,
        tpu.vector_store %arg10[%parallel_loop3A_653, %parallel_loop3A_654, %parallel_loop3A_655], %parallel_loop3A_649 {strides = array<i32>} : memref<2x128x128xf32, #tpu.memory_space<vmem>>, vector<16xf32>,
        %parallel_loop3A_657 = arith.constant 1 : i32
        %parallel_loop3A_658 = arith.constant 0 : i32
        %parallel_loop3A_659 = tpu.memref_slice %arg9[%parallel_loop3A_657, %parallel_loop3A_373, %parallel_loop3A_658] : memref<4x128x128xf32, #tpu.memory_space<vmem>> -> memref<1x4x128xf32, #tpu.memory_space<vmem>>
        %parallel_loop3A_660 = tpu.memref_squeeze %parallel_loop3A_659 : memref<1x4x128xf32, #tpu.memory_space<vmem>> -> memref<4x128xf32, #tpu.memory_space<vmem>>
        %parallel_loop3A_661 = tpu.vector_load_idx %parallel_loop3A_660[%broadcast_in_dim3A_87, %get3A_70] : memref<4x128xf32, #tpu.memory_space<vmem>>[vector<16xi32>, vector<16xi32>], vector<16xf32>,
        %parallel_loop3A_662 = arith.constant 16 : i32
        %parallel_loop3A_663 = arith.addi %parallel_loop3A_380, %parallel_loop3A_662 : i32
        %parallel_loop3A_664 = arith.constant 1 : i32
        %parallel_loop3A_665 = arith.index_cast %parallel_loop3A_664 : i32 to index
        %parallel_loop3A_666 = arith.index_cast %parallel_loop3A_663 : i32 to index
        %parallel_loop3A_667 = arith.constant 112 : index
        %parallel_loop3A_668 = tpu.vector_load %arg10[%parallel_loop3A_665, %parallel_loop3A_666, %parallel_loop3A_667] {strides = array<i32>} : memref<2x128x128xf32, #tpu.memory_space<vmem>>, vector<16xf32>,
        tpu.vector_store %arg10[%parallel_loop3A_665, %parallel_loop3A_666, %parallel_loop3A_667], %parallel_loop3A_661 {strides = array<i32>} : memref<2x128x128xf32, #tpu.memory_space<vmem>>, vector<16xf32>,
        %parallel_loop3A_669 = arith.constant 1 : i32
        %parallel_loop3A_670 = arith.constant 0 : i32
        %parallel_loop3A_671 = tpu.memref_slice %arg9[%parallel_loop3A_669, %parallel_loop3A_373, %parallel_loop3A_670] : memref<4x128x128xf32, #tpu.memory_space<vmem>> -> memref<1x4x128xf32, #tpu.memory_space<vmem>>
        %parallel_loop3A_672 = tpu.memref_squeeze %parallel_loop3A_671 : memref<1x4x128xf32, #tpu.memory_space<vmem>> -> memref<4x128xf32, #tpu.memory_space<vmem>>
        %parallel_loop3A_673 = tpu.vector_load_idx %parallel_loop3A_672[%broadcast_in_dim3A_87, %get3A_72] : memref<4x128xf32, #tpu.memory_space<vmem>>[vector<16xi32>, vector<16xi32>], vector<16xf32>,
        %parallel_loop3A_674 = arith.constant 24 : i32
        %parallel_loop3A_675 = arith.addi %parallel_loop3A_380, %parallel_loop3A_674 : i32
        %parallel_loop3A_676 = arith.constant 1 : i32
        %parallel_loop3A_677 = arith.index_cast %parallel_loop3A_676 : i32 to index
        %parallel_loop3A_678 = arith.index_cast %parallel_loop3A_675 : i32 to index
        %parallel_loop3A_679 = arith.constant 0 : index
        %parallel_loop3A_680 = tpu.vector_load %arg10[%parallel_loop3A_677, %parallel_loop3A_678, %parallel_loop3A_679] {strides = array<i32>} : memref<2x128x128xf32, #tpu.memory_space<vmem>>, vector<16xf32>,
        tpu.vector_store %arg10[%parallel_loop3A_677, %parallel_loop3A_678, %parallel_loop3A_679], %parallel_loop3A_673 {strides = array<i32>} : memref<2x128x128xf32, #tpu.memory_space<vmem>>, vector<16xf32>,
        %parallel_loop3A_681 = arith.constant 1 : i32
        %parallel_loop3A_682 = arith.constant 0 : i32
        %parallel_loop3A_683 = tpu.memref_slice %arg9[%parallel_loop3A_681, %parallel_loop3A_373, %parallel_loop3A_682] : memref<4x128x128xf32, #tpu.memory_space<vmem>> -> memref<1x4x128xf32, #tpu.memory_space<vmem>>
        %parallel_loop3A_684 = tpu.memref_squeeze %parallel_loop3A_683 : memref<1x4x128xf32, #tpu.memory_space<vmem>> -> memref<4x128xf32, #tpu.memory_space<vmem>>
        %parallel_loop3A_685 = tpu.vector_load_idx %parallel_loop3A_684[%broadcast_in_dim3A_87, %get3A_74] : memref<4x128xf32, #tpu.memory_space<vmem>>[vector<16xi32>, vector<16xi32>], vector<16xf32>,
        %parallel_loop3A_686 = arith.constant 24 : i32
        %parallel_loop3A_687 = arith.addi %parallel_loop3A_380, %parallel_loop3A_686 : i32
        %parallel_loop3A_688 = arith.constant 1 : i32
        %parallel_loop3A_689 = arith.index_cast %parallel_loop3A_688 : i32 to index
        %parallel_loop3A_690 = arith.index_cast %parallel_loop3A_687 : i32 to index
        %parallel_loop3A_691 = arith.constant 16 : index
        %parallel_loop3A_692 = tpu.vector_load %arg10[%parallel_loop3A_689, %parallel_loop3A_690, %parallel_loop3A_691] {strides = array<i32>} : memref<2x128x128xf32, #tpu.memory_space<vmem>>, vector<16xf32>,
        tpu.vector_store %arg10[%parallel_loop3A_689, %parallel_loop3A_690, %parallel_loop3A_691], %parallel_loop3A_685 {strides = array<i32>} : memref<2x128x128xf32, #tpu.memory_space<vmem>>, vector<16xf32>,
        %parallel_loop3A_693 = arith.constant 1 : i32
        %parallel_loop3A_694 = arith.constant 0 : i32
        %parallel_loop3A_695 = tpu.memref_slice %arg9[%parallel_loop3A_693, %parallel_loop3A_373, %parallel_loop3A_694] : memref<4x128x128xf32, #tpu.memory_space<vmem>> -> memref<1x4x128xf32, #tpu.memory_space<vmem>>
        %parallel_loop3A_696 = tpu.memref_squeeze %parallel_loop3A_695 : memref<1x4x128xf32, #tpu.memory_space<vmem>> -> memref<4x128xf32, #tpu.memory_space<vmem>>
        %parallel_loop3A_697 = tpu.vector_load_idx %parallel_loop3A_696[%broadcast_in_dim3A_87, %get3A_76] : memref<4x128xf32, #tpu.memory_space<vmem>>[vector<16xi32>, vector<16xi32>], vector<16xf32>,
        %parallel_loop3A_698 = arith.constant 24 : i32
        %parallel_loop3A_699 = arith.addi %parallel_loop3A_380, %parallel_loop3A_698 : i32
        %parallel_loop3A_700 = arith.constant 1 : i32
        %parallel_loop3A_701 = arith.index_cast %parallel_loop3A_700 : i32 to index
        %parallel_loop3A_702 = arith.index_cast %parallel_loop3A_699 : i32 to index
        %parallel_loop3A_703 = arith.constant 32 : index
        %parallel_loop3A_704 = tpu.vector_load %arg10[%parallel_loop3A_701, %parallel_loop3A_702, %parallel_loop3A_703] {strides = array<i32>} : memref<2x128x128xf32, #tpu.memory_space<vmem>>, vector<16xf32>,
        tpu.vector_store %arg10[%parallel_loop3A_701, %parallel_loop3A_702, %parallel_loop3A_703], %parallel_loop3A_697 {strides = array<i32>} : memref<2x128x128xf32, #tpu.memory_space<vmem>>, vector<16xf32>,
        %parallel_loop3A_705 = arith.constant 1 : i32
        %parallel_loop3A_706 = arith.constant 0 : i32
        %parallel_loop3A_707 = tpu.memref_slice %arg9[%parallel_loop3A_705, %parallel_loop3A_373, %parallel_loop3A_706] : memref<4x128x128xf32, #tpu.memory_space<vmem>> -> memref<1x4x128xf32, #tpu.memory_space<vmem>>
        %parallel_loop3A_708 = tpu.memref_squeeze %parallel_loop3A_707 : memref<1x4x128xf32, #tpu.memory_space<vmem>> -> memref<4x128xf32, #tpu.memory_space<vmem>>
        %parallel_loop3A_709 = tpu.vector_load_idx %parallel_loop3A_708[%broadcast_in_dim3A_87, %get3A_78] : memref<4x128xf32, #tpu.memory_space<vmem>>[vector<16xi32>, vector<16xi32>], vector<16xf32>,
        %parallel_loop3A_710 = arith.constant 24 : i32
        %parallel_loop3A_711 = arith.addi %parallel_loop3A_380, %parallel_loop3A_710 : i32
        %parallel_loop3A_712 = arith.constant 1 : i32
        %parallel_loop3A_713 = arith.index_cast %parallel_loop3A_712 : i32 to index
        %parallel_loop3A_714 = arith.index_cast %parallel_loop3A_711 : i32 to index
        %parallel_loop3A_715 = arith.constant 48 : index
        %parallel_loop3A_716 = tpu.vector_load %arg10[%parallel_loop3A_713, %parallel_loop3A_714, %parallel_loop3A_715] {strides = array<i32>} : memref<2x128x128xf32, #tpu.memory_space<vmem>>, vector<16xf32>,
        tpu.vector_store %arg10[%parallel_loop3A_713, %parallel_loop3A_714, %parallel_loop3A_715], %parallel_loop3A_709 {strides = array<i32>} : memref<2x128x128xf32, #tpu.memory_space<vmem>>, vector<16xf32>,
        %parallel_loop3A_717 = arith.constant 1 : i32
        %parallel_loop3A_718 = arith.constant 0 : i32
        %parallel_loop3A_719 = tpu.memref_slice %arg9[%parallel_loop3A_717, %parallel_loop3A_373, %parallel_loop3A_718] : memref<4x128x128xf32, #tpu.memory_space<vmem>> -> memref<1x4x128xf32, #tpu.memory_space<vmem>>
        %parallel_loop3A_720 = tpu.memref_squeeze %parallel_loop3A_719 : memref<1x4x128xf32, #tpu.memory_space<vmem>> -> memref<4x128xf32, #tpu.memory_space<vmem>>
        %parallel_loop3A_721 = tpu.vector_load_idx %parallel_loop3A_720[%broadcast_in_dim3A_87, %get3A_80] : memref<4x128xf32, #tpu.memory_space<vmem>>[vector<16xi32>, vector<16xi32>], vector<16xf32>,
        %parallel_loop3A_722 = arith.constant 24 : i32
        %parallel_loop3A_723 = arith.addi %parallel_loop3A_380, %parallel_loop3A_722 : i32
        %parallel_loop3A_724 = arith.constant 1 : i32
        %parallel_loop3A_725 = arith.index_cast %parallel_loop3A_724 : i32 to index
        %parallel_loop3A_726 = arith.index_cast %parallel_loop3A_723 : i32 to index
        %parallel_loop3A_727 = arith.constant 64 : index
        %parallel_loop3A_728 = tpu.vector_load %arg10[%parallel_loop3A_725, %parallel_loop3A_726, %parallel_loop3A_727] {strides = array<i32>} : memref<2x128x128xf32, #tpu.memory_space<vmem>>, vector<16xf32>,
        tpu.vector_store %arg10[%parallel_loop3A_725, %parallel_loop3A_726, %parallel_loop3A_727], %parallel_loop3A_721 {strides = array<i32>} : memref<2x128x128xf32, #tpu.memory_space<vmem>>, vector<16xf32>,
        %parallel_loop3A_729 = arith.constant 1 : i32
        %parallel_loop3A_730 = arith.constant 0 : i32
        %parallel_loop3A_731 = tpu.memref_slice %arg9[%parallel_loop3A_729, %parallel_loop3A_373, %parallel_loop3A_730] : memref<4x128x128xf32, #tpu.memory_space<vmem>> -> memref<1x4x128xf32, #tpu.memory_space<vmem>>
        %parallel_loop3A_732 = tpu.memref_squeeze %parallel_loop3A_731 : memref<1x4x128xf32, #tpu.memory_space<vmem>> -> memref<4x128xf32, #tpu.memory_space<vmem>>
        %parallel_loop3A_733 = tpu.vector_load_idx %parallel_loop3A_732[%broadcast_in_dim3A_87, %get3A_82] : memref<4x128xf32, #tpu.memory_space<vmem>>[vector<16xi32>, vector<16xi32>], vector<16xf32>,
        %parallel_loop3A_734 = arith.constant 24 : i32
        %parallel_loop3A_735 = arith.addi %parallel_loop3A_380, %parallel_loop3A_734 : i32
        %parallel_loop3A_736 = arith.constant 1 : i32
        %parallel_loop3A_737 = arith.index_cast %parallel_loop3A_736 : i32 to index
        %parallel_loop3A_738 = arith.index_cast %parallel_loop3A_735 : i32 to index
        %parallel_loop3A_739 = arith.constant 80 : index
        %parallel_loop3A_740 = tpu.vector_load %arg10[%parallel_loop3A_737, %parallel_loop3A_738, %parallel_loop3A_739] {strides = array<i32>} : memref<2x128x128xf32, #tpu.memory_space<vmem>>, vector<16xf32>,
        tpu.vector_store %arg10[%parallel_loop3A_737, %parallel_loop3A_738, %parallel_loop3A_739], %parallel_loop3A_733 {strides = array<i32>} : memref<2x128x128xf32, #tpu.memory_space<vmem>>, vector<16xf32>,
        %parallel_loop3A_741 = arith.constant 1 : i32
        %parallel_loop3A_742 = arith.constant 0 : i32
        %parallel_loop3A_743 = tpu.memref_slice %arg9[%parallel_loop3A_741, %parallel_loop3A_373, %parallel_loop3A_742] : memref<4x128x128xf32, #tpu.memory_space<vmem>> -> memref<1x4x128xf32, #tpu.memory_space<vmem>>
        %parallel_loop3A_744 = tpu.memref_squeeze %parallel_loop3A_743 : memref<1x4x128xf32, #tpu.memory_space<vmem>> -> memref<4x128xf32, #tpu.memory_space<vmem>>
        %parallel_loop3A_745 = tpu.vector_load_idx %parallel_loop3A_744[%broadcast_in_dim3A_87, %get3A_84] : memref<4x128xf32, #tpu.memory_space<vmem>>[vector<16xi32>, vector<16xi32>], vector<16xf32>,
        %parallel_loop3A_746 = arith.constant 24 : i32
        %parallel_loop3A_747 = arith.addi %parallel_loop3A_380, %parallel_loop3A_746 : i32
        %parallel_loop3A_748 = arith.constant 1 : i32
        %parallel_loop3A_749 = arith.index_cast %parallel_loop3A_748 : i32 to index
        %parallel_loop3A_750 = arith.index_cast %parallel_loop3A_747 : i32 to index
        %parallel_loop3A_751 = arith.constant 96 : index
        %parallel_loop3A_752 = tpu.vector_load %arg10[%parallel_loop3A_749, %parallel_loop3A_750, %parallel_loop3A_751] {strides = array<i32>} : memref<2x128x128xf32, #tpu.memory_space<vmem>>, vector<16xf32>,
        tpu.vector_store %arg10[%parallel_loop3A_749, %parallel_loop3A_750, %parallel_loop3A_751], %parallel_loop3A_745 {strides = array<i32>} : memref<2x128x128xf32, #tpu.memory_space<vmem>>, vector<16xf32>,
        %parallel_loop3A_753 = arith.constant 1 : i32
        %parallel_loop3A_754 = arith.constant 0 : i32
        %parallel_loop3A_755 = tpu.memref_slice %arg9[%parallel_loop3A_753, %parallel_loop3A_373, %parallel_loop3A_754] : memref<4x128x128xf32, #tpu.memory_space<vmem>> -> memref<1x4x128xf32, #tpu.memory_space<vmem>>
        %parallel_loop3A_756 = tpu.memref_squeeze %parallel_loop3A_755 : memref<1x4x128xf32, #tpu.memory_space<vmem>> -> memref<4x128xf32, #tpu.memory_space<vmem>>
        %parallel_loop3A_757 = tpu.vector_load_idx %parallel_loop3A_756[%broadcast_in_dim3A_87, %get3A_86] : memref<4x128xf32, #tpu.memory_space<vmem>>[vector<16xi32>, vector<16xi32>], vector<16xf32>,
        %parallel_loop3A_758 = arith.constant 24 : i32
        %parallel_loop3A_759 = arith.addi %parallel_loop3A_380, %parallel_loop3A_758 : i32
        %parallel_loop3A_760 = arith.constant 1 : i32
        %parallel_loop3A_761 = arith.index_cast %parallel_loop3A_760 : i32 to index
        %parallel_loop3A_762 = arith.index_cast %parallel_loop3A_759 : i32 to index
        %parallel_loop3A_763 = arith.constant 112 : index
        %parallel_loop3A_764 = tpu.vector_load %arg10[%parallel_loop3A_761, %parallel_loop3A_762, %parallel_loop3A_763] {strides = array<i32>} : memref<2x128x128xf32, #tpu.memory_space<vmem>>, vector<16xf32>,
        tpu.vector_store %arg10[%parallel_loop3A_761, %parallel_loop3A_762, %parallel_loop3A_763], %parallel_loop3A_757 {strides = array<i32>} : memref<2x128x128xf32, #tpu.memory_space<vmem>>, vector<16xf32>,
      } {sc.loop_unroll_factor = 1 : i64, sc.parallel_access}
      %mul3A_248 = arith.constant 128 : i32
      %mul3A_249 = arith.muli %add3A_218, %mul3A_248 : i32
      %add3A_250 = arith.addi %mul3A_4, %mul3A_249 : i32
      %dma_start3A_251 = arith.constant 1 : i32
      %dma_start3A_252 = arith.constant 1 : i32
      %dma_start3A_253 = arith.constant 0 : i32
      %dma_start3A_254 = arith.constant 0 : i32
      %dma_start3A_255 = tpu.memref_slice %arg10[%dma_start3A_251, %dma_start3A_253, %dma_start3A_254] : memref<2x128x128xf32, #tpu.memory_space<vmem>> -> memref<1x128x128xf32, #tpu.memory_space<vmem>>
      %dma_start3A_256 = tpu.memref_squeeze %dma_start3A_255 : memref<1x128x128xf32, #tpu.memory_space<vmem>> -> memref<128x128xf32, #tpu.memory_space<vmem>>
      %dma_start3A_257 = arith.constant 0 : i32
      %dma_start3A_258 = tpu.memref_slice %arg5[%add3A_250, %dma_start3A_257] : memref<131072x128xf32, #tpu.memory_space<hbm>> -> memref<128x128xf32, #tpu.memory_space<hbm>>
      %dma_start3A_259 = tpu.memref_slice %arg12[%dma_start3A_252] : memref<2x!tpu.dma_semaphore, #tpu.memory_space<semaphore_mem>> -> memref<1x!tpu.dma_semaphore, #tpu.memory_space<semaphore_mem>>
      %dma_start3A_260 = tpu.memref_squeeze %dma_start3A_259 : memref<1x!tpu.dma_semaphore, #tpu.memory_space<semaphore_mem>> -> memref<!tpu.dma_semaphore, #tpu.memory_space<semaphore_mem>>
      %dma_start3A_261 = arith.constant 0 : i32
      %dma_start3A_262 = tpu.memref_slice %arg5[%add3A_250, %dma_start3A_261] : memref<131072x128xf32, #tpu.memory_space<hbm>> -> memref<128x128xf32, #tpu.memory_space<hbm>>
      %dma_start3A_263 = arith.constant 0 : i32
      %dma_start3A_264 = arith.constant 0 : i32
      %dma_start3A_265 = tpu.memref_slice %arg10[%dma_start3A_251, %dma_start3A_263, %dma_start3A_264] : memref<2x128x128xf32, #tpu.memory_space<vmem>> -> memref<1x128x128xf32, #tpu.memory_space<vmem>>
      %dma_start3A_266 = tpu.memref_squeeze %dma_start3A_265 : memref<1x128x128xf32, #tpu.memory_space<vmem>> -> memref<128x128xf32, #tpu.memory_space<vmem>>
      tpu.enqueue_dma source(%dma_start3A_266 : memref<128x128xf32, #tpu.memory_space<vmem>>) target(%dma_start3A_262 : memref<128x128xf32, #tpu.memory_space<hbm>>) target_semaphore(%dma_start3A_260 : memref<!tpu.dma_semaphore, #tpu.memory_space<semaphore_mem>>)
      %mul3A_267 = arith.constant 4 : i32
      %mul3A_268 = arith.muli %scan3A_167, %mul3A_267 : i32
      %add3A_269 = arith.constant 2 : i32
      %add3A_270 = arith.addi %mul3A_268, %add3A_269 : i32
      %add3A_271 = arith.constant 3 : i32
      %add3A_272 = arith.addi %add3A_270, %add3A_271 : i32
      %lt3A_273 = arith.constant 32 : i32
      %lt3A_274 = arith.cmpi slt, %add3A_272, %lt3A_273 : i32
      %convert_element_type3A_275 = arith.extui %lt3A_274 : i1 to i32
      %cond3A_276 = arith.constant 0 : i32
      %cond3A_277 = arith.cmpi ne, %convert_element_type3A_275, %cond3A_276 : i32
      scf.if %cond3A_277 {
        %mul3A_371 = arith.constant 128 : i32
        %mul3A_372 = arith.muli %add3A_272, %mul3A_371 : i32
        %dma_start3A_373 = arith.constant 1 : i32
        %dma_start3A_374 = arith.constant 1 : i32
        %dma_start3A_375 = arith.constant 0 : i32
        %dma_start3A_376 = arith.constant 0 : i32
        %dma_start3A_377 = tpu.memref_slice %arg9[%dma_start3A_373, %dma_start3A_375, %dma_start3A_376] : memref<4x128x128xf32, #tpu.memory_space<vmem>> -> memref<1x128x128xf32, #tpu.memory_space<vmem>>
        %dma_start3A_378 = tpu.memref_squeeze %dma_start3A_377 : memref<1x128x128xf32, #tpu.memory_space<vmem>> -> memref<128x128xf32, #tpu.memory_space<vmem>>
        %dma_start3A_379 = tpu.memref_slice %arg8[%mul3A_372] : memref<4096xi32, #tpu.memory_space<vmem>> -> memref<128xi32, #tpu.memory_space<vmem>>
        %dma_start3A_380 = arith.constant 0 : i32
        %dma_start3A_381 = arith.constant 0 : i32
        %dma_start3A_382 = tpu.memref_slice %arg2[%dma_start3A_380, %dma_start3A_381] : memref<131072x128xf32, #tpu.memory_space<hbm>> -> memref<131072x128xf32, #tpu.memory_space<hbm>>
        %dma_start3A_383 = tpu.memref_slice %arg11[%dma_start3A_374] : memref<4x!tpu.dma_semaphore, #tpu.memory_space<semaphore_mem>> -> memref<1x!tpu.dma_semaphore, #tpu.memory_space<semaphore_mem>>
        %dma_start3A_384 = tpu.memref_squeeze %dma_start3A_383 : memref<1x!tpu.dma_semaphore, #tpu.memory_space<semaphore_mem>> -> memref<!tpu.dma_semaphore, #tpu.memory_space<semaphore_mem>>
        tpu.enqueue_indirect_dma source(%dma_start3A_382 : memref<131072x128xf32, #tpu.memory_space<hbm>>) target(%dma_start3A_378 : memref<128x128xf32, #tpu.memory_space<vmem>>) offsets(%dma_start3A_379 : memref<128xi32, #tpu.memory_space<vmem>>) semaphore(%dma_start3A_384 : memref<!tpu.dma_semaphore, #tpu.memory_space<semaphore_mem>>)
      } else {
      }
      %mul3A_278 = arith.constant 128 : i32
      %mul3A_279 = arith.muli %add3A_270, %mul3A_278 : i32
      %dma_wait3A_280 = arith.constant 2 : i32
      %dma_wait3A_281 = arith.constant 2 : i32
      %dma_wait3A_282 = arith.constant 0 : i32
      %dma_wait3A_283 = arith.constant 0 : i32
      %dma_wait3A_284 = tpu.memref_slice %arg9[%dma_wait3A_280, %dma_wait3A_282, %dma_wait3A_283] : memref<4x128x128xf32, #tpu.memory_space<vmem>> -> memref<1x128x128xf32, #tpu.memory_space<vmem>>
      %dma_wait3A_285 = tpu.memref_squeeze %dma_wait3A_284 : memref<1x128x128xf32, #tpu.memory_space<vmem>> -> memref<128x128xf32, #tpu.memory_space<vmem>>
      %dma_wait3A_286 = tpu.memref_slice %arg8[%mul3A_279] : memref<4096xi32, #tpu.memory_space<vmem>> -> memref<128xi32, #tpu.memory_space<vmem>>
      %dma_wait3A_287 = arith.constant 0 : i32
      %dma_wait3A_288 = arith.constant 0 : i32
      %dma_wait3A_289 = tpu.memref_slice %arg2[%dma_wait3A_287, %dma_wait3A_288] : memref<131072x128xf32, #tpu.memory_space<hbm>> -> memref<131072x128xf32, #tpu.memory_space<hbm>>
      %dma_wait3A_290 = tpu.memref_slice %arg11[%dma_wait3A_281] : memref<4x!tpu.dma_semaphore, #tpu.memory_space<semaphore_mem>> -> memref<1x!tpu.dma_semaphore, #tpu.memory_space<semaphore_mem>>
      %dma_wait3A_291 = tpu.memref_squeeze %dma_wait3A_290 : memref<1x!tpu.dma_semaphore, #tpu.memory_space<semaphore_mem>> -> memref<!tpu.dma_semaphore, #tpu.memory_space<semaphore_mem>>
      tpu.wait_indirect_dma semaphore(%dma_wait3A_291 : memref<!tpu.dma_semaphore, #tpu.memory_space<semaphore_mem>>) src(%dma_wait3A_289 : memref<131072x128xf32, #tpu.memory_space<hbm>>) dst(%dma_wait3A_285 : memref<128x128xf32, #tpu.memory_space<vmem>>)
      %ge3A_292 = arith.constant 2 : i32
      %ge3A_293 = arith.cmpi sge, %add3A_270, %ge3A_292 : i32
      %convert_element_type3A_294 = arith.extui %ge3A_293 : i1 to i32
      %cond3A_295 = arith.constant 0 : i32
      %cond3A_296 = arith.cmpi ne, %convert_element_type3A_294, %cond3A_295 : i32
      scf.if %cond3A_296 {
        %sub3A = arith.constant 2 : i32
        %sub3A_371 = arith.subi %add3A_270, %sub3A : i32
        %mul3A_372 = arith.constant 128 : i32
        %mul3A_373 = arith.muli %sub3A_371, %mul3A_372 : i32
        %add3A_374 = arith.addi %mul3A_4, %mul3A_373 : i32
        %dma_wait3A_375 = arith.constant 0 : i32
        %dma_wait3A_376 = arith.constant 0 : i32
        %dma_wait3A_377 = arith.constant 0 : i32
        %dma_wait3A_378 = arith.constant 0 : i32
        %dma_wait3A_379 = tpu.memref_slice %arg10[%dma_wait3A_375, %dma_wait3A_377, %dma_wait3A_378] : memref<2x128x128xf32, #tpu.memory_space<vmem>> -> memref<1x128x128xf32, #tpu.memory_space<vmem>>
        %dma_wait3A_380 = tpu.memref_squeeze %dma_wait3A_379 : memref<1x128x128xf32, #tpu.memory_space<vmem>> -> memref<128x128xf32, #tpu.memory_space<vmem>>
        %dma_wait3A_381 = arith.constant 0 : i32
        %dma_wait3A_382 = tpu.memref_slice %arg5[%add3A_374, %dma_wait3A_381] : memref<131072x128xf32, #tpu.memory_space<hbm>> -> memref<128x128xf32, #tpu.memory_space<hbm>>
        %dma_wait3A_383 = tpu.memref_slice %arg12[%dma_wait3A_376] : memref<2x!tpu.dma_semaphore, #tpu.memory_space<semaphore_mem>> -> memref<1x!tpu.dma_semaphore, #tpu.memory_space<semaphore_mem>>
        %dma_wait3A_384 = tpu.memref_squeeze %dma_wait3A_383 : memref<1x!tpu.dma_semaphore, #tpu.memory_space<semaphore_mem>> -> memref<!tpu.dma_semaphore, #tpu.memory_space<semaphore_mem>>
        %dma_wait3A_385 = arith.constant 0 : i32
        %dma_wait3A_386 = tpu.memref_slice %arg5[%add3A_374, %dma_wait3A_385] : memref<131072x128xf32, #tpu.memory_space<hbm>> -> memref<128x128xf32, #tpu.memory_space<hbm>>
        %dma_wait3A_387 = arith.constant 0 : i32
        %dma_wait3A_388 = arith.constant 0 : i32
        %dma_wait3A_389 = tpu.memref_slice %arg10[%dma_wait3A_375, %dma_wait3A_387, %dma_wait3A_388] : memref<2x128x128xf32, #tpu.memory_space<vmem>> -> memref<1x128x128xf32, #tpu.memory_space<vmem>>
        %dma_wait3A_390 = tpu.memref_squeeze %dma_wait3A_389 : memref<1x128x128xf32, #tpu.memory_space<vmem>> -> memref<128x128xf32, #tpu.memory_space<vmem>>
        tpu.wait_dma2 semaphore(%dma_wait3A_384 : memref<!tpu.dma_semaphore, #tpu.memory_space<semaphore_mem>>) src(%dma_wait3A_390 : memref<128x128xf32, #tpu.memory_space<vmem>>) dst(%dma_wait3A_386 : memref<128x128xf32, #tpu.memory_space<hbm>>)
      } else {
      }
      %parallel_loop3A_297 = arith.constant 0 : i32
      %parallel_loop3A_298 = arith.constant 32 : i32
      %parallel_loop3A_299 = arith.constant 1 : i32
      scf.for %parallel_loop3A_371 = %parallel_loop3A_297 to %parallel_loop3A_298 step %parallel_loop3A_299  : i32 {
        %parallel_loop3A_372 = arith.constant 4 : i32
        %parallel_loop3A_373 = arith.muli %parallel_loop3A_371, %parallel_loop3A_372 : i32
        %parallel_loop3A_374 = arith.constant 3 : i32
        %parallel_loop3A_375 = arith.shrsi %parallel_loop3A_371, %parallel_loop3A_374 : i32
        %parallel_loop3A_376 = arith.constant 32 : i32
        %parallel_loop3A_377 = arith.muli %parallel_loop3A_375, %parallel_loop3A_376 : i32
        %parallel_loop3A_378 = arith.constant 7 : i32
        %parallel_loop3A_379 = arith.andi %parallel_loop3A_371, %parallel_loop3A_378 : i32
        %parallel_loop3A_380 = arith.addi %parallel_loop3A_377, %parallel_loop3A_379 : i32
        %parallel_loop3A_381 = arith.constant 2 : i32
        %parallel_loop3A_382 = arith.constant 0 : i32
        %parallel_loop3A_383 = tpu.memref_slice %arg9[%parallel_loop3A_381, %parallel_loop3A_373, %parallel_loop3A_382] : memref<4x128x128xf32, #tpu.memory_space<vmem>> -> memref<1x4x128xf32, #tpu.memory_space<vmem>>
        %parallel_loop3A_384 = tpu.memref_squeeze %parallel_loop3A_383 : memref<1x4x128xf32, #tpu.memory_space<vmem>> -> memref<4x128xf32, #tpu.memory_space<vmem>>
        %parallel_loop3A_385 = tpu.vector_load_idx %parallel_loop3A_384[%broadcast_in_dim3A_87, %get3A_24] : memref<4x128xf32, #tpu.memory_space<vmem>>[vector<16xi32>, vector<16xi32>], vector<16xf32>,
        %parallel_loop3A_386 = arith.constant 0 : i32
        %parallel_loop3A_387 = arith.addi %parallel_loop3A_380, %parallel_loop3A_386 : i32
        %parallel_loop3A_388 = arith.constant 0 : i32
        %parallel_loop3A_389 = arith.index_cast %parallel_loop3A_388 : i32 to index
        %parallel_loop3A_390 = arith.index_cast %parallel_loop3A_387 : i32 to index
        %parallel_loop3A_391 = arith.constant 0 : index
        %parallel_loop3A_392 = tpu.vector_load %arg10[%parallel_loop3A_389, %parallel_loop3A_390, %parallel_loop3A_391] {strides = array<i32>} : memref<2x128x128xf32, #tpu.memory_space<vmem>>, vector<16xf32>,
        tpu.vector_store %arg10[%parallel_loop3A_389, %parallel_loop3A_390, %parallel_loop3A_391], %parallel_loop3A_385 {strides = array<i32>} : memref<2x128x128xf32, #tpu.memory_space<vmem>>, vector<16xf32>,
        %parallel_loop3A_393 = arith.constant 2 : i32
        %parallel_loop3A_394 = arith.constant 0 : i32
        %parallel_loop3A_395 = tpu.memref_slice %arg9[%parallel_loop3A_393, %parallel_loop3A_373, %parallel_loop3A_394] : memref<4x128x128xf32, #tpu.memory_space<vmem>> -> memref<1x4x128xf32, #tpu.memory_space<vmem>>
        %parallel_loop3A_396 = tpu.memref_squeeze %parallel_loop3A_395 : memref<1x4x128xf32, #tpu.memory_space<vmem>> -> memref<4x128xf32, #tpu.memory_space<vmem>>
        %parallel_loop3A_397 = tpu.vector_load_idx %parallel_loop3A_396[%broadcast_in_dim3A_87, %get3A_26] : memref<4x128xf32, #tpu.memory_space<vmem>>[vector<16xi32>, vector<16xi32>], vector<16xf32>,
        %parallel_loop3A_398 = arith.constant 0 : i32
        %parallel_loop3A_399 = arith.addi %parallel_loop3A_380, %parallel_loop3A_398 : i32
        %parallel_loop3A_400 = arith.constant 0 : i32
        %parallel_loop3A_401 = arith.index_cast %parallel_loop3A_400 : i32 to index
        %parallel_loop3A_402 = arith.index_cast %parallel_loop3A_399 : i32 to index
        %parallel_loop3A_403 = arith.constant 16 : index
        %parallel_loop3A_404 = tpu.vector_load %arg10[%parallel_loop3A_401, %parallel_loop3A_402, %parallel_loop3A_403] {strides = array<i32>} : memref<2x128x128xf32, #tpu.memory_space<vmem>>, vector<16xf32>,
        tpu.vector_store %arg10[%parallel_loop3A_401, %parallel_loop3A_402, %parallel_loop3A_403], %parallel_loop3A_397 {strides = array<i32>} : memref<2x128x128xf32, #tpu.memory_space<vmem>>, vector<16xf32>,
        %parallel_loop3A_405 = arith.constant 2 : i32
        %parallel_loop3A_406 = arith.constant 0 : i32
        %parallel_loop3A_407 = tpu.memref_slice %arg9[%parallel_loop3A_405, %parallel_loop3A_373, %parallel_loop3A_406] : memref<4x128x128xf32, #tpu.memory_space<vmem>> -> memref<1x4x128xf32, #tpu.memory_space<vmem>>
        %parallel_loop3A_408 = tpu.memref_squeeze %parallel_loop3A_407 : memref<1x4x128xf32, #tpu.memory_space<vmem>> -> memref<4x128xf32, #tpu.memory_space<vmem>>
        %parallel_loop3A_409 = tpu.vector_load_idx %parallel_loop3A_408[%broadcast_in_dim3A_87, %get3A_28] : memref<4x128xf32, #tpu.memory_space<vmem>>[vector<16xi32>, vector<16xi32>], vector<16xf32>,
        %parallel_loop3A_410 = arith.constant 0 : i32
        %parallel_loop3A_411 = arith.addi %parallel_loop3A_380, %parallel_loop3A_410 : i32
        %parallel_loop3A_412 = arith.constant 0 : i32
        %parallel_loop3A_413 = arith.index_cast %parallel_loop3A_412 : i32 to index
        %parallel_loop3A_414 = arith.index_cast %parallel_loop3A_411 : i32 to index
        %parallel_loop3A_415 = arith.constant 32 : index
        %parallel_loop3A_416 = tpu.vector_load %arg10[%parallel_loop3A_413, %parallel_loop3A_414, %parallel_loop3A_415] {strides = array<i32>} : memref<2x128x128xf32, #tpu.memory_space<vmem>>, vector<16xf32>,
        tpu.vector_store %arg10[%parallel_loop3A_413, %parallel_loop3A_414, %parallel_loop3A_415], %parallel_loop3A_409 {strides = array<i32>} : memref<2x128x128xf32, #tpu.memory_space<vmem>>, vector<16xf32>,
        %parallel_loop3A_417 = arith.constant 2 : i32
        %parallel_loop3A_418 = arith.constant 0 : i32
        %parallel_loop3A_419 = tpu.memref_slice %arg9[%parallel_loop3A_417, %parallel_loop3A_373, %parallel_loop3A_418] : memref<4x128x128xf32, #tpu.memory_space<vmem>> -> memref<1x4x128xf32, #tpu.memory_space<vmem>>
        %parallel_loop3A_420 = tpu.memref_squeeze %parallel_loop3A_419 : memref<1x4x128xf32, #tpu.memory_space<vmem>> -> memref<4x128xf32, #tpu.memory_space<vmem>>
        %parallel_loop3A_421 = tpu.vector_load_idx %parallel_loop3A_420[%broadcast_in_dim3A_87, %get3A_30] : memref<4x128xf32, #tpu.memory_space<vmem>>[vector<16xi32>, vector<16xi32>], vector<16xf32>,
        %parallel_loop3A_422 = arith.constant 0 : i32
        %parallel_loop3A_423 = arith.addi %parallel_loop3A_380, %parallel_loop3A_422 : i32
        %parallel_loop3A_424 = arith.constant 0 : i32
        %parallel_loop3A_425 = arith.index_cast %parallel_loop3A_424 : i32 to index
        %parallel_loop3A_426 = arith.index_cast %parallel_loop3A_423 : i32 to index
        %parallel_loop3A_427 = arith.constant 48 : index
        %parallel_loop3A_428 = tpu.vector_load %arg10[%parallel_loop3A_425, %parallel_loop3A_426, %parallel_loop3A_427] {strides = array<i32>} : memref<2x128x128xf32, #tpu.memory_space<vmem>>, vector<16xf32>,
        tpu.vector_store %arg10[%parallel_loop3A_425, %parallel_loop3A_426, %parallel_loop3A_427], %parallel_loop3A_421 {strides = array<i32>} : memref<2x128x128xf32, #tpu.memory_space<vmem>>, vector<16xf32>,
        %parallel_loop3A_429 = arith.constant 2 : i32
        %parallel_loop3A_430 = arith.constant 0 : i32
        %parallel_loop3A_431 = tpu.memref_slice %arg9[%parallel_loop3A_429, %parallel_loop3A_373, %parallel_loop3A_430] : memref<4x128x128xf32, #tpu.memory_space<vmem>> -> memref<1x4x128xf32, #tpu.memory_space<vmem>>
        %parallel_loop3A_432 = tpu.memref_squeeze %parallel_loop3A_431 : memref<1x4x128xf32, #tpu.memory_space<vmem>> -> memref<4x128xf32, #tpu.memory_space<vmem>>
        %parallel_loop3A_433 = tpu.vector_load_idx %parallel_loop3A_432[%broadcast_in_dim3A_87, %get3A_32] : memref<4x128xf32, #tpu.memory_space<vmem>>[vector<16xi32>, vector<16xi32>], vector<16xf32>,
        %parallel_loop3A_434 = arith.constant 0 : i32
        %parallel_loop3A_435 = arith.addi %parallel_loop3A_380, %parallel_loop3A_434 : i32
        %parallel_loop3A_436 = arith.constant 0 : i32
        %parallel_loop3A_437 = arith.index_cast %parallel_loop3A_436 : i32 to index
        %parallel_loop3A_438 = arith.index_cast %parallel_loop3A_435 : i32 to index
        %parallel_loop3A_439 = arith.constant 64 : index
        %parallel_loop3A_440 = tpu.vector_load %arg10[%parallel_loop3A_437, %parallel_loop3A_438, %parallel_loop3A_439] {strides = array<i32>} : memref<2x128x128xf32, #tpu.memory_space<vmem>>, vector<16xf32>,
        tpu.vector_store %arg10[%parallel_loop3A_437, %parallel_loop3A_438, %parallel_loop3A_439], %parallel_loop3A_433 {strides = array<i32>} : memref<2x128x128xf32, #tpu.memory_space<vmem>>, vector<16xf32>,
        %parallel_loop3A_441 = arith.constant 2 : i32
        %parallel_loop3A_442 = arith.constant 0 : i32
        %parallel_loop3A_443 = tpu.memref_slice %arg9[%parallel_loop3A_441, %parallel_loop3A_373, %parallel_loop3A_442] : memref<4x128x128xf32, #tpu.memory_space<vmem>> -> memref<1x4x128xf32, #tpu.memory_space<vmem>>
        %parallel_loop3A_444 = tpu.memref_squeeze %parallel_loop3A_443 : memref<1x4x128xf32, #tpu.memory_space<vmem>> -> memref<4x128xf32, #tpu.memory_space<vmem>>
        %parallel_loop3A_445 = tpu.vector_load_idx %parallel_loop3A_444[%broadcast_in_dim3A_87, %get3A_34] : memref<4x128xf32, #tpu.memory_space<vmem>>[vector<16xi32>, vector<16xi32>], vector<16xf32>,
        %parallel_loop3A_446 = arith.constant 0 : i32
        %parallel_loop3A_447 = arith.addi %parallel_loop3A_380, %parallel_loop3A_446 : i32
        %parallel_loop3A_448 = arith.constant 0 : i32
        %parallel_loop3A_449 = arith.index_cast %parallel_loop3A_448 : i32 to index
        %parallel_loop3A_450 = arith.index_cast %parallel_loop3A_447 : i32 to index
        %parallel_loop3A_451 = arith.constant 80 : index
        %parallel_loop3A_452 = tpu.vector_load %arg10[%parallel_loop3A_449, %parallel_loop3A_450, %parallel_loop3A_451] {strides = array<i32>} : memref<2x128x128xf32, #tpu.memory_space<vmem>>, vector<16xf32>,
        tpu.vector_store %arg10[%parallel_loop3A_449, %parallel_loop3A_450, %parallel_loop3A_451], %parallel_loop3A_445 {strides = array<i32>} : memref<2x128x128xf32, #tpu.memory_space<vmem>>, vector<16xf32>,
        %parallel_loop3A_453 = arith.constant 2 : i32
        %parallel_loop3A_454 = arith.constant 0 : i32
        %parallel_loop3A_455 = tpu.memref_slice %arg9[%parallel_loop3A_453, %parallel_loop3A_373, %parallel_loop3A_454] : memref<4x128x128xf32, #tpu.memory_space<vmem>> -> memref<1x4x128xf32, #tpu.memory_space<vmem>>
        %parallel_loop3A_456 = tpu.memref_squeeze %parallel_loop3A_455 : memref<1x4x128xf32, #tpu.memory_space<vmem>> -> memref<4x128xf32, #tpu.memory_space<vmem>>
        %parallel_loop3A_457 = tpu.vector_load_idx %parallel_loop3A_456[%broadcast_in_dim3A_87, %get3A_36] : memref<4x128xf32, #tpu.memory_space<vmem>>[vector<16xi32>, vector<16xi32>], vector<16xf32>,
        %parallel_loop3A_458 = arith.constant 0 : i32
        %parallel_loop3A_459 = arith.addi %parallel_loop3A_380, %parallel_loop3A_458 : i32
        %parallel_loop3A_460 = arith.constant 0 : i32
        %parallel_loop3A_461 = arith.index_cast %parallel_loop3A_460 : i32 to index
        %parallel_loop3A_462 = arith.index_cast %parallel_loop3A_459 : i32 to index
        %parallel_loop3A_463 = arith.constant 96 : index
        %parallel_loop3A_464 = tpu.vector_load %arg10[%parallel_loop3A_461, %parallel_loop3A_462, %parallel_loop3A_463] {strides = array<i32>} : memref<2x128x128xf32, #tpu.memory_space<vmem>>, vector<16xf32>,
        tpu.vector_store %arg10[%parallel_loop3A_461, %parallel_loop3A_462, %parallel_loop3A_463], %parallel_loop3A_457 {strides = array<i32>} : memref<2x128x128xf32, #tpu.memory_space<vmem>>, vector<16xf32>,
        %parallel_loop3A_465 = arith.constant 2 : i32
        %parallel_loop3A_466 = arith.constant 0 : i32
        %parallel_loop3A_467 = tpu.memref_slice %arg9[%parallel_loop3A_465, %parallel_loop3A_373, %parallel_loop3A_466] : memref<4x128x128xf32, #tpu.memory_space<vmem>> -> memref<1x4x128xf32, #tpu.memory_space<vmem>>
        %parallel_loop3A_468 = tpu.memref_squeeze %parallel_loop3A_467 : memref<1x4x128xf32, #tpu.memory_space<vmem>> -> memref<4x128xf32, #tpu.memory_space<vmem>>
        %parallel_loop3A_469 = tpu.vector_load_idx %parallel_loop3A_468[%broadcast_in_dim3A_87, %get3A_38] : memref<4x128xf32, #tpu.memory_space<vmem>>[vector<16xi32>, vector<16xi32>], vector<16xf32>,
        %parallel_loop3A_470 = arith.constant 0 : i32
        %parallel_loop3A_471 = arith.addi %parallel_loop3A_380, %parallel_loop3A_470 : i32
        %parallel_loop3A_472 = arith.constant 0 : i32
        %parallel_loop3A_473 = arith.index_cast %parallel_loop3A_472 : i32 to index
        %parallel_loop3A_474 = arith.index_cast %parallel_loop3A_471 : i32 to index
        %parallel_loop3A_475 = arith.constant 112 : index
        %parallel_loop3A_476 = tpu.vector_load %arg10[%parallel_loop3A_473, %parallel_loop3A_474, %parallel_loop3A_475] {strides = array<i32>} : memref<2x128x128xf32, #tpu.memory_space<vmem>>, vector<16xf32>,
        tpu.vector_store %arg10[%parallel_loop3A_473, %parallel_loop3A_474, %parallel_loop3A_475], %parallel_loop3A_469 {strides = array<i32>} : memref<2x128x128xf32, #tpu.memory_space<vmem>>, vector<16xf32>,
        %parallel_loop3A_477 = arith.constant 2 : i32
        %parallel_loop3A_478 = arith.constant 0 : i32
        %parallel_loop3A_479 = tpu.memref_slice %arg9[%parallel_loop3A_477, %parallel_loop3A_373, %parallel_loop3A_478] : memref<4x128x128xf32, #tpu.memory_space<vmem>> -> memref<1x4x128xf32, #tpu.memory_space<vmem>>
        %parallel_loop3A_480 = tpu.memref_squeeze %parallel_loop3A_479 : memref<1x4x128xf32, #tpu.memory_space<vmem>> -> memref<4x128xf32, #tpu.memory_space<vmem>>
        %parallel_loop3A_481 = tpu.vector_load_idx %parallel_loop3A_480[%broadcast_in_dim3A_87, %get3A_40] : memref<4x128xf32, #tpu.memory_space<vmem>>[vector<16xi32>, vector<16xi32>], vector<16xf32>,
        %parallel_loop3A_482 = arith.constant 8 : i32
        %parallel_loop3A_483 = arith.addi %parallel_loop3A_380, %parallel_loop3A_482 : i32
        %parallel_loop3A_484 = arith.constant 0 : i32
        %parallel_loop3A_485 = arith.index_cast %parallel_loop3A_484 : i32 to index
        %parallel_loop3A_486 = arith.index_cast %parallel_loop3A_483 : i32 to index
        %parallel_loop3A_487 = arith.constant 0 : index
        %parallel_loop3A_488 = tpu.vector_load %arg10[%parallel_loop3A_485, %parallel_loop3A_486, %parallel_loop3A_487] {strides = array<i32>} : memref<2x128x128xf32, #tpu.memory_space<vmem>>, vector<16xf32>,
        tpu.vector_store %arg10[%parallel_loop3A_485, %parallel_loop3A_486, %parallel_loop3A_487], %parallel_loop3A_481 {strides = array<i32>} : memref<2x128x128xf32, #tpu.memory_space<vmem>>, vector<16xf32>,
        %parallel_loop3A_489 = arith.constant 2 : i32
        %parallel_loop3A_490 = arith.constant 0 : i32
        %parallel_loop3A_491 = tpu.memref_slice %arg9[%parallel_loop3A_489, %parallel_loop3A_373, %parallel_loop3A_490] : memref<4x128x128xf32, #tpu.memory_space<vmem>> -> memref<1x4x128xf32, #tpu.memory_space<vmem>>
        %parallel_loop3A_492 = tpu.memref_squeeze %parallel_loop3A_491 : memref<1x4x128xf32, #tpu.memory_space<vmem>> -> memref<4x128xf32, #tpu.memory_space<vmem>>
        %parallel_loop3A_493 = tpu.vector_load_idx %parallel_loop3A_492[%broadcast_in_dim3A_87, %get3A_42] : memref<4x128xf32, #tpu.memory_space<vmem>>[vector<16xi32>, vector<16xi32>], vector<16xf32>,
        %parallel_loop3A_494 = arith.constant 8 : i32
        %parallel_loop3A_495 = arith.addi %parallel_loop3A_380, %parallel_loop3A_494 : i32
        %parallel_loop3A_496 = arith.constant 0 : i32
        %parallel_loop3A_497 = arith.index_cast %parallel_loop3A_496 : i32 to index
        %parallel_loop3A_498 = arith.index_cast %parallel_loop3A_495 : i32 to index
        %parallel_loop3A_499 = arith.constant 16 : index
        %parallel_loop3A_500 = tpu.vector_load %arg10[%parallel_loop3A_497, %parallel_loop3A_498, %parallel_loop3A_499] {strides = array<i32>} : memref<2x128x128xf32, #tpu.memory_space<vmem>>, vector<16xf32>,
        tpu.vector_store %arg10[%parallel_loop3A_497, %parallel_loop3A_498, %parallel_loop3A_499], %parallel_loop3A_493 {strides = array<i32>} : memref<2x128x128xf32, #tpu.memory_space<vmem>>, vector<16xf32>,
        %parallel_loop3A_501 = arith.constant 2 : i32
        %parallel_loop3A_502 = arith.constant 0 : i32
        %parallel_loop3A_503 = tpu.memref_slice %arg9[%parallel_loop3A_501, %parallel_loop3A_373, %parallel_loop3A_502] : memref<4x128x128xf32, #tpu.memory_space<vmem>> -> memref<1x4x128xf32, #tpu.memory_space<vmem>>
        %parallel_loop3A_504 = tpu.memref_squeeze %parallel_loop3A_503 : memref<1x4x128xf32, #tpu.memory_space<vmem>> -> memref<4x128xf32, #tpu.memory_space<vmem>>
        %parallel_loop3A_505 = tpu.vector_load_idx %parallel_loop3A_504[%broadcast_in_dim3A_87, %get3A_44] : memref<4x128xf32, #tpu.memory_space<vmem>>[vector<16xi32>, vector<16xi32>], vector<16xf32>,
        %parallel_loop3A_506 = arith.constant 8 : i32
        %parallel_loop3A_507 = arith.addi %parallel_loop3A_380, %parallel_loop3A_506 : i32
        %parallel_loop3A_508 = arith.constant 0 : i32
        %parallel_loop3A_509 = arith.index_cast %parallel_loop3A_508 : i32 to index
        %parallel_loop3A_510 = arith.index_cast %parallel_loop3A_507 : i32 to index
        %parallel_loop3A_511 = arith.constant 32 : index
        %parallel_loop3A_512 = tpu.vector_load %arg10[%parallel_loop3A_509, %parallel_loop3A_510, %parallel_loop3A_511] {strides = array<i32>} : memref<2x128x128xf32, #tpu.memory_space<vmem>>, vector<16xf32>,
        tpu.vector_store %arg10[%parallel_loop3A_509, %parallel_loop3A_510, %parallel_loop3A_511], %parallel_loop3A_505 {strides = array<i32>} : memref<2x128x128xf32, #tpu.memory_space<vmem>>, vector<16xf32>,
        %parallel_loop3A_513 = arith.constant 2 : i32
        %parallel_loop3A_514 = arith.constant 0 : i32
        %parallel_loop3A_515 = tpu.memref_slice %arg9[%parallel_loop3A_513, %parallel_loop3A_373, %parallel_loop3A_514] : memref<4x128x128xf32, #tpu.memory_space<vmem>> -> memref<1x4x128xf32, #tpu.memory_space<vmem>>
        %parallel_loop3A_516 = tpu.memref_squeeze %parallel_loop3A_515 : memref<1x4x128xf32, #tpu.memory_space<vmem>> -> memref<4x128xf32, #tpu.memory_space<vmem>>
        %parallel_loop3A_517 = tpu.vector_load_idx %parallel_loop3A_516[%broadcast_in_dim3A_87, %get3A_46] : memref<4x128xf32, #tpu.memory_space<vmem>>[vector<16xi32>, vector<16xi32>], vector<16xf32>,
        %parallel_loop3A_518 = arith.constant 8 : i32
        %parallel_loop3A_519 = arith.addi %parallel_loop3A_380, %parallel_loop3A_518 : i32
        %parallel_loop3A_520 = arith.constant 0 : i32
        %parallel_loop3A_521 = arith.index_cast %parallel_loop3A_520 : i32 to index
        %parallel_loop3A_522 = arith.index_cast %parallel_loop3A_519 : i32 to index
        %parallel_loop3A_523 = arith.constant 48 : index
        %parallel_loop3A_524 = tpu.vector_load %arg10[%parallel_loop3A_521, %parallel_loop3A_522, %parallel_loop3A_523] {strides = array<i32>} : memref<2x128x128xf32, #tpu.memory_space<vmem>>, vector<16xf32>,
        tpu.vector_store %arg10[%parallel_loop3A_521, %parallel_loop3A_522, %parallel_loop3A_523], %parallel_loop3A_517 {strides = array<i32>} : memref<2x128x128xf32, #tpu.memory_space<vmem>>, vector<16xf32>,
        %parallel_loop3A_525 = arith.constant 2 : i32
        %parallel_loop3A_526 = arith.constant 0 : i32
        %parallel_loop3A_527 = tpu.memref_slice %arg9[%parallel_loop3A_525, %parallel_loop3A_373, %parallel_loop3A_526] : memref<4x128x128xf32, #tpu.memory_space<vmem>> -> memref<1x4x128xf32, #tpu.memory_space<vmem>>
        %parallel_loop3A_528 = tpu.memref_squeeze %parallel_loop3A_527 : memref<1x4x128xf32, #tpu.memory_space<vmem>> -> memref<4x128xf32, #tpu.memory_space<vmem>>
        %parallel_loop3A_529 = tpu.vector_load_idx %parallel_loop3A_528[%broadcast_in_dim3A_87, %get3A_48] : memref<4x128xf32, #tpu.memory_space<vmem>>[vector<16xi32>, vector<16xi32>], vector<16xf32>,
        %parallel_loop3A_530 = arith.constant 8 : i32
        %parallel_loop3A_531 = arith.addi %parallel_loop3A_380, %parallel_loop3A_530 : i32
        %parallel_loop3A_532 = arith.constant 0 : i32
        %parallel_loop3A_533 = arith.index_cast %parallel_loop3A_532 : i32 to index
        %parallel_loop3A_534 = arith.index_cast %parallel_loop3A_531 : i32 to index
        %parallel_loop3A_535 = arith.constant 64 : index
        %parallel_loop3A_536 = tpu.vector_load %arg10[%parallel_loop3A_533, %parallel_loop3A_534, %parallel_loop3A_535] {strides = array<i32>} : memref<2x128x128xf32, #tpu.memory_space<vmem>>, vector<16xf32>,
        tpu.vector_store %arg10[%parallel_loop3A_533, %parallel_loop3A_534, %parallel_loop3A_535], %parallel_loop3A_529 {strides = array<i32>} : memref<2x128x128xf32, #tpu.memory_space<vmem>>, vector<16xf32>,
        %parallel_loop3A_537 = arith.constant 2 : i32
        %parallel_loop3A_538 = arith.constant 0 : i32
        %parallel_loop3A_539 = tpu.memref_slice %arg9[%parallel_loop3A_537, %parallel_loop3A_373, %parallel_loop3A_538] : memref<4x128x128xf32, #tpu.memory_space<vmem>> -> memref<1x4x128xf32, #tpu.memory_space<vmem>>
        %parallel_loop3A_540 = tpu.memref_squeeze %parallel_loop3A_539 : memref<1x4x128xf32, #tpu.memory_space<vmem>> -> memref<4x128xf32, #tpu.memory_space<vmem>>
        %parallel_loop3A_541 = tpu.vector_load_idx %parallel_loop3A_540[%broadcast_in_dim3A_87, %get3A_50] : memref<4x128xf32, #tpu.memory_space<vmem>>[vector<16xi32>, vector<16xi32>], vector<16xf32>,
        %parallel_loop3A_542 = arith.constant 8 : i32
        %parallel_loop3A_543 = arith.addi %parallel_loop3A_380, %parallel_loop3A_542 : i32
        %parallel_loop3A_544 = arith.constant 0 : i32
        %parallel_loop3A_545 = arith.index_cast %parallel_loop3A_544 : i32 to index
        %parallel_loop3A_546 = arith.index_cast %parallel_loop3A_543 : i32 to index
        %parallel_loop3A_547 = arith.constant 80 : index
        %parallel_loop3A_548 = tpu.vector_load %arg10[%parallel_loop3A_545, %parallel_loop3A_546, %parallel_loop3A_547] {strides = array<i32>} : memref<2x128x128xf32, #tpu.memory_space<vmem>>, vector<16xf32>,
        tpu.vector_store %arg10[%parallel_loop3A_545, %parallel_loop3A_546, %parallel_loop3A_547], %parallel_loop3A_541 {strides = array<i32>} : memref<2x128x128xf32, #tpu.memory_space<vmem>>, vector<16xf32>,
        %parallel_loop3A_549 = arith.constant 2 : i32
        %parallel_loop3A_550 = arith.constant 0 : i32
        %parallel_loop3A_551 = tpu.memref_slice %arg9[%parallel_loop3A_549, %parallel_loop3A_373, %parallel_loop3A_550] : memref<4x128x128xf32, #tpu.memory_space<vmem>> -> memref<1x4x128xf32, #tpu.memory_space<vmem>>
        %parallel_loop3A_552 = tpu.memref_squeeze %parallel_loop3A_551 : memref<1x4x128xf32, #tpu.memory_space<vmem>> -> memref<4x128xf32, #tpu.memory_space<vmem>>
        %parallel_loop3A_553 = tpu.vector_load_idx %parallel_loop3A_552[%broadcast_in_dim3A_87, %get3A_52] : memref<4x128xf32, #tpu.memory_space<vmem>>[vector<16xi32>, vector<16xi32>], vector<16xf32>,
        %parallel_loop3A_554 = arith.constant 8 : i32
        %parallel_loop3A_555 = arith.addi %parallel_loop3A_380, %parallel_loop3A_554 : i32
        %parallel_loop3A_556 = arith.constant 0 : i32
        %parallel_loop3A_557 = arith.index_cast %parallel_loop3A_556 : i32 to index
        %parallel_loop3A_558 = arith.index_cast %parallel_loop3A_555 : i32 to index
        %parallel_loop3A_559 = arith.constant 96 : index
        %parallel_loop3A_560 = tpu.vector_load %arg10[%parallel_loop3A_557, %parallel_loop3A_558, %parallel_loop3A_559] {strides = array<i32>} : memref<2x128x128xf32, #tpu.memory_space<vmem>>, vector<16xf32>,
        tpu.vector_store %arg10[%parallel_loop3A_557, %parallel_loop3A_558, %parallel_loop3A_559], %parallel_loop3A_553 {strides = array<i32>} : memref<2x128x128xf32, #tpu.memory_space<vmem>>, vector<16xf32>,
        %parallel_loop3A_561 = arith.constant 2 : i32
        %parallel_loop3A_562 = arith.constant 0 : i32
        %parallel_loop3A_563 = tpu.memref_slice %arg9[%parallel_loop3A_561, %parallel_loop3A_373, %parallel_loop3A_562] : memref<4x128x128xf32, #tpu.memory_space<vmem>> -> memref<1x4x128xf32, #tpu.memory_space<vmem>>
        %parallel_loop3A_564 = tpu.memref_squeeze %parallel_loop3A_563 : memref<1x4x128xf32, #tpu.memory_space<vmem>> -> memref<4x128xf32, #tpu.memory_space<vmem>>
        %parallel_loop3A_565 = tpu.vector_load_idx %parallel_loop3A_564[%broadcast_in_dim3A_87, %get3A_54] : memref<4x128xf32, #tpu.memory_space<vmem>>[vector<16xi32>, vector<16xi32>], vector<16xf32>,
        %parallel_loop3A_566 = arith.constant 8 : i32
        %parallel_loop3A_567 = arith.addi %parallel_loop3A_380, %parallel_loop3A_566 : i32
        %parallel_loop3A_568 = arith.constant 0 : i32
        %parallel_loop3A_569 = arith.index_cast %parallel_loop3A_568 : i32 to index
        %parallel_loop3A_570 = arith.index_cast %parallel_loop3A_567 : i32 to index
        %parallel_loop3A_571 = arith.constant 112 : index
        %parallel_loop3A_572 = tpu.vector_load %arg10[%parallel_loop3A_569, %parallel_loop3A_570, %parallel_loop3A_571] {strides = array<i32>} : memref<2x128x128xf32, #tpu.memory_space<vmem>>, vector<16xf32>,
        tpu.vector_store %arg10[%parallel_loop3A_569, %parallel_loop3A_570, %parallel_loop3A_571], %parallel_loop3A_565 {strides = array<i32>} : memref<2x128x128xf32, #tpu.memory_space<vmem>>, vector<16xf32>,
        %parallel_loop3A_573 = arith.constant 2 : i32
        %parallel_loop3A_574 = arith.constant 0 : i32
        %parallel_loop3A_575 = tpu.memref_slice %arg9[%parallel_loop3A_573, %parallel_loop3A_373, %parallel_loop3A_574] : memref<4x128x128xf32, #tpu.memory_space<vmem>> -> memref<1x4x128xf32, #tpu.memory_space<vmem>>
        %parallel_loop3A_576 = tpu.memref_squeeze %parallel_loop3A_575 : memref<1x4x128xf32, #tpu.memory_space<vmem>> -> memref<4x128xf32, #tpu.memory_space<vmem>>
        %parallel_loop3A_577 = tpu.vector_load_idx %parallel_loop3A_576[%broadcast_in_dim3A_87, %get3A_56] : memref<4x128xf32, #tpu.memory_space<vmem>>[vector<16xi32>, vector<16xi32>], vector<16xf32>,
        %parallel_loop3A_578 = arith.constant 16 : i32
        %parallel_loop3A_579 = arith.addi %parallel_loop3A_380, %parallel_loop3A_578 : i32
        %parallel_loop3A_580 = arith.constant 0 : i32
        %parallel_loop3A_581 = arith.index_cast %parallel_loop3A_580 : i32 to index
        %parallel_loop3A_582 = arith.index_cast %parallel_loop3A_579 : i32 to index
        %parallel_loop3A_583 = arith.constant 0 : index
        %parallel_loop3A_584 = tpu.vector_load %arg10[%parallel_loop3A_581, %parallel_loop3A_582, %parallel_loop3A_583] {strides = array<i32>} : memref<2x128x128xf32, #tpu.memory_space<vmem>>, vector<16xf32>,
        tpu.vector_store %arg10[%parallel_loop3A_581, %parallel_loop3A_582, %parallel_loop3A_583], %parallel_loop3A_577 {strides = array<i32>} : memref<2x128x128xf32, #tpu.memory_space<vmem>>, vector<16xf32>,
        %parallel_loop3A_585 = arith.constant 2 : i32
        %parallel_loop3A_586 = arith.constant 0 : i32
        %parallel_loop3A_587 = tpu.memref_slice %arg9[%parallel_loop3A_585, %parallel_loop3A_373, %parallel_loop3A_586] : memref<4x128x128xf32, #tpu.memory_space<vmem>> -> memref<1x4x128xf32, #tpu.memory_space<vmem>>
        %parallel_loop3A_588 = tpu.memref_squeeze %parallel_loop3A_587 : memref<1x4x128xf32, #tpu.memory_space<vmem>> -> memref<4x128xf32, #tpu.memory_space<vmem>>
        %parallel_loop3A_589 = tpu.vector_load_idx %parallel_loop3A_588[%broadcast_in_dim3A_87, %get3A_58] : memref<4x128xf32, #tpu.memory_space<vmem>>[vector<16xi32>, vector<16xi32>], vector<16xf32>,
        %parallel_loop3A_590 = arith.constant 16 : i32
        %parallel_loop3A_591 = arith.addi %parallel_loop3A_380, %parallel_loop3A_590 : i32
        %parallel_loop3A_592 = arith.constant 0 : i32
        %parallel_loop3A_593 = arith.index_cast %parallel_loop3A_592 : i32 to index
        %parallel_loop3A_594 = arith.index_cast %parallel_loop3A_591 : i32 to index
        %parallel_loop3A_595 = arith.constant 16 : index
        %parallel_loop3A_596 = tpu.vector_load %arg10[%parallel_loop3A_593, %parallel_loop3A_594, %parallel_loop3A_595] {strides = array<i32>} : memref<2x128x128xf32, #tpu.memory_space<vmem>>, vector<16xf32>,
        tpu.vector_store %arg10[%parallel_loop3A_593, %parallel_loop3A_594, %parallel_loop3A_595], %parallel_loop3A_589 {strides = array<i32>} : memref<2x128x128xf32, #tpu.memory_space<vmem>>, vector<16xf32>,
        %parallel_loop3A_597 = arith.constant 2 : i32
        %parallel_loop3A_598 = arith.constant 0 : i32
        %parallel_loop3A_599 = tpu.memref_slice %arg9[%parallel_loop3A_597, %parallel_loop3A_373, %parallel_loop3A_598] : memref<4x128x128xf32, #tpu.memory_space<vmem>> -> memref<1x4x128xf32, #tpu.memory_space<vmem>>
        %parallel_loop3A_600 = tpu.memref_squeeze %parallel_loop3A_599 : memref<1x4x128xf32, #tpu.memory_space<vmem>> -> memref<4x128xf32, #tpu.memory_space<vmem>>
        %parallel_loop3A_601 = tpu.vector_load_idx %parallel_loop3A_600[%broadcast_in_dim3A_87, %get3A_60] : memref<4x128xf32, #tpu.memory_space<vmem>>[vector<16xi32>, vector<16xi32>], vector<16xf32>,
        %parallel_loop3A_602 = arith.constant 16 : i32
        %parallel_loop3A_603 = arith.addi %parallel_loop3A_380, %parallel_loop3A_602 : i32
        %parallel_loop3A_604 = arith.constant 0 : i32
        %parallel_loop3A_605 = arith.index_cast %parallel_loop3A_604 : i32 to index
        %parallel_loop3A_606 = arith.index_cast %parallel_loop3A_603 : i32 to index
        %parallel_loop3A_607 = arith.constant 32 : index
        %parallel_loop3A_608 = tpu.vector_load %arg10[%parallel_loop3A_605, %parallel_loop3A_606, %parallel_loop3A_607] {strides = array<i32>} : memref<2x128x128xf32, #tpu.memory_space<vmem>>, vector<16xf32>,
        tpu.vector_store %arg10[%parallel_loop3A_605, %parallel_loop3A_606, %parallel_loop3A_607], %parallel_loop3A_601 {strides = array<i32>} : memref<2x128x128xf32, #tpu.memory_space<vmem>>, vector<16xf32>,
        %parallel_loop3A_609 = arith.constant 2 : i32
        %parallel_loop3A_610 = arith.constant 0 : i32
        %parallel_loop3A_611 = tpu.memref_slice %arg9[%parallel_loop3A_609, %parallel_loop3A_373, %parallel_loop3A_610] : memref<4x128x128xf32, #tpu.memory_space<vmem>> -> memref<1x4x128xf32, #tpu.memory_space<vmem>>
        %parallel_loop3A_612 = tpu.memref_squeeze %parallel_loop3A_611 : memref<1x4x128xf32, #tpu.memory_space<vmem>> -> memref<4x128xf32, #tpu.memory_space<vmem>>
        %parallel_loop3A_613 = tpu.vector_load_idx %parallel_loop3A_612[%broadcast_in_dim3A_87, %get3A_62] : memref<4x128xf32, #tpu.memory_space<vmem>>[vector<16xi32>, vector<16xi32>], vector<16xf32>,
        %parallel_loop3A_614 = arith.constant 16 : i32
        %parallel_loop3A_615 = arith.addi %parallel_loop3A_380, %parallel_loop3A_614 : i32
        %parallel_loop3A_616 = arith.constant 0 : i32
        %parallel_loop3A_617 = arith.index_cast %parallel_loop3A_616 : i32 to index
        %parallel_loop3A_618 = arith.index_cast %parallel_loop3A_615 : i32 to index
        %parallel_loop3A_619 = arith.constant 48 : index
        %parallel_loop3A_620 = tpu.vector_load %arg10[%parallel_loop3A_617, %parallel_loop3A_618, %parallel_loop3A_619] {strides = array<i32>} : memref<2x128x128xf32, #tpu.memory_space<vmem>>, vector<16xf32>,
        tpu.vector_store %arg10[%parallel_loop3A_617, %parallel_loop3A_618, %parallel_loop3A_619], %parallel_loop3A_613 {strides = array<i32>} : memref<2x128x128xf32, #tpu.memory_space<vmem>>, vector<16xf32>,
        %parallel_loop3A_621 = arith.constant 2 : i32
        %parallel_loop3A_622 = arith.constant 0 : i32
        %parallel_loop3A_623 = tpu.memref_slice %arg9[%parallel_loop3A_621, %parallel_loop3A_373, %parallel_loop3A_622] : memref<4x128x128xf32, #tpu.memory_space<vmem>> -> memref<1x4x128xf32, #tpu.memory_space<vmem>>
        %parallel_loop3A_624 = tpu.memref_squeeze %parallel_loop3A_623 : memref<1x4x128xf32, #tpu.memory_space<vmem>> -> memref<4x128xf32, #tpu.memory_space<vmem>>
        %parallel_loop3A_625 = tpu.vector_load_idx %parallel_loop3A_624[%broadcast_in_dim3A_87, %get3A_64] : memref<4x128xf32, #tpu.memory_space<vmem>>[vector<16xi32>, vector<16xi32>], vector<16xf32>,
        %parallel_loop3A_626 = arith.constant 16 : i32
        %parallel_loop3A_627 = arith.addi %parallel_loop3A_380, %parallel_loop3A_626 : i32
        %parallel_loop3A_628 = arith.constant 0 : i32
        %parallel_loop3A_629 = arith.index_cast %parallel_loop3A_628 : i32 to index
        %parallel_loop3A_630 = arith.index_cast %parallel_loop3A_627 : i32 to index
        %parallel_loop3A_631 = arith.constant 64 : index
        %parallel_loop3A_632 = tpu.vector_load %arg10[%parallel_loop3A_629, %parallel_loop3A_630, %parallel_loop3A_631] {strides = array<i32>} : memref<2x128x128xf32, #tpu.memory_space<vmem>>, vector<16xf32>,
        tpu.vector_store %arg10[%parallel_loop3A_629, %parallel_loop3A_630, %parallel_loop3A_631], %parallel_loop3A_625 {strides = array<i32>} : memref<2x128x128xf32, #tpu.memory_space<vmem>>, vector<16xf32>,
        %parallel_loop3A_633 = arith.constant 2 : i32
        %parallel_loop3A_634 = arith.constant 0 : i32
        %parallel_loop3A_635 = tpu.memref_slice %arg9[%parallel_loop3A_633, %parallel_loop3A_373, %parallel_loop3A_634] : memref<4x128x128xf32, #tpu.memory_space<vmem>> -> memref<1x4x128xf32, #tpu.memory_space<vmem>>
        %parallel_loop3A_636 = tpu.memref_squeeze %parallel_loop3A_635 : memref<1x4x128xf32, #tpu.memory_space<vmem>> -> memref<4x128xf32, #tpu.memory_space<vmem>>
        %parallel_loop3A_637 = tpu.vector_load_idx %parallel_loop3A_636[%broadcast_in_dim3A_87, %get3A_66] : memref<4x128xf32, #tpu.memory_space<vmem>>[vector<16xi32>, vector<16xi32>], vector<16xf32>,
        %parallel_loop3A_638 = arith.constant 16 : i32
        %parallel_loop3A_639 = arith.addi %parallel_loop3A_380, %parallel_loop3A_638 : i32
        %parallel_loop3A_640 = arith.constant 0 : i32
        %parallel_loop3A_641 = arith.index_cast %parallel_loop3A_640 : i32 to index
        %parallel_loop3A_642 = arith.index_cast %parallel_loop3A_639 : i32 to index
        %parallel_loop3A_643 = arith.constant 80 : index
        %parallel_loop3A_644 = tpu.vector_load %arg10[%parallel_loop3A_641, %parallel_loop3A_642, %parallel_loop3A_643] {strides = array<i32>} : memref<2x128x128xf32, #tpu.memory_space<vmem>>, vector<16xf32>,
        tpu.vector_store %arg10[%parallel_loop3A_641, %parallel_loop3A_642, %parallel_loop3A_643], %parallel_loop3A_637 {strides = array<i32>} : memref<2x128x128xf32, #tpu.memory_space<vmem>>, vector<16xf32>,
        %parallel_loop3A_645 = arith.constant 2 : i32
        %parallel_loop3A_646 = arith.constant 0 : i32
        %parallel_loop3A_647 = tpu.memref_slice %arg9[%parallel_loop3A_645, %parallel_loop3A_373, %parallel_loop3A_646] : memref<4x128x128xf32, #tpu.memory_space<vmem>> -> memref<1x4x128xf32, #tpu.memory_space<vmem>>
        %parallel_loop3A_648 = tpu.memref_squeeze %parallel_loop3A_647 : memref<1x4x128xf32, #tpu.memory_space<vmem>> -> memref<4x128xf32, #tpu.memory_space<vmem>>
        %parallel_loop3A_649 = tpu.vector_load_idx %parallel_loop3A_648[%broadcast_in_dim3A_87, %get3A_68] : memref<4x128xf32, #tpu.memory_space<vmem>>[vector<16xi32>, vector<16xi32>], vector<16xf32>,
        %parallel_loop3A_650 = arith.constant 16 : i32
        %parallel_loop3A_651 = arith.addi %parallel_loop3A_380, %parallel_loop3A_650 : i32
        %parallel_loop3A_652 = arith.constant 0 : i32
        %parallel_loop3A_653 = arith.index_cast %parallel_loop3A_652 : i32 to index
        %parallel_loop3A_654 = arith.index_cast %parallel_loop3A_651 : i32 to index
        %parallel_loop3A_655 = arith.constant 96 : index
        %parallel_loop3A_656 = tpu.vector_load %arg10[%parallel_loop3A_653, %parallel_loop3A_654, %parallel_loop3A_655] {strides = array<i32>} : memref<2x128x128xf32, #tpu.memory_space<vmem>>, vector<16xf32>,
        tpu.vector_store %arg10[%parallel_loop3A_653, %parallel_loop3A_654, %parallel_loop3A_655], %parallel_loop3A_649 {strides = array<i32>} : memref<2x128x128xf32, #tpu.memory_space<vmem>>, vector<16xf32>,
        %parallel_loop3A_657 = arith.constant 2 : i32
        %parallel_loop3A_658 = arith.constant 0 : i32
        %parallel_loop3A_659 = tpu.memref_slice %arg9[%parallel_loop3A_657, %parallel_loop3A_373, %parallel_loop3A_658] : memref<4x128x128xf32, #tpu.memory_space<vmem>> -> memref<1x4x128xf32, #tpu.memory_space<vmem>>
        %parallel_loop3A_660 = tpu.memref_squeeze %parallel_loop3A_659 : memref<1x4x128xf32, #tpu.memory_space<vmem>> -> memref<4x128xf32, #tpu.memory_space<vmem>>
        %parallel_loop3A_661 = tpu.vector_load_idx %parallel_loop3A_660[%broadcast_in_dim3A_87, %get3A_70] : memref<4x128xf32, #tpu.memory_space<vmem>>[vector<16xi32>, vector<16xi32>], vector<16xf32>,
        %parallel_loop3A_662 = arith.constant 16 : i32
        %parallel_loop3A_663 = arith.addi %parallel_loop3A_380, %parallel_loop3A_662 : i32
        %parallel_loop3A_664 = arith.constant 0 : i32
        %parallel_loop3A_665 = arith.index_cast %parallel_loop3A_664 : i32 to index
        %parallel_loop3A_666 = arith.index_cast %parallel_loop3A_663 : i32 to index
        %parallel_loop3A_667 = arith.constant 112 : index
        %parallel_loop3A_668 = tpu.vector_load %arg10[%parallel_loop3A_665, %parallel_loop3A_666, %parallel_loop3A_667] {strides = array<i32>} : memref<2x128x128xf32, #tpu.memory_space<vmem>>, vector<16xf32>,
        tpu.vector_store %arg10[%parallel_loop3A_665, %parallel_loop3A_666, %parallel_loop3A_667], %parallel_loop3A_661 {strides = array<i32>} : memref<2x128x128xf32, #tpu.memory_space<vmem>>, vector<16xf32>,
        %parallel_loop3A_669 = arith.constant 2 : i32
        %parallel_loop3A_670 = arith.constant 0 : i32
        %parallel_loop3A_671 = tpu.memref_slice %arg9[%parallel_loop3A_669, %parallel_loop3A_373, %parallel_loop3A_670] : memref<4x128x128xf32, #tpu.memory_space<vmem>> -> memref<1x4x128xf32, #tpu.memory_space<vmem>>
        %parallel_loop3A_672 = tpu.memref_squeeze %parallel_loop3A_671 : memref<1x4x128xf32, #tpu.memory_space<vmem>> -> memref<4x128xf32, #tpu.memory_space<vmem>>
        %parallel_loop3A_673 = tpu.vector_load_idx %parallel_loop3A_672[%broadcast_in_dim3A_87, %get3A_72] : memref<4x128xf32, #tpu.memory_space<vmem>>[vector<16xi32>, vector<16xi32>], vector<16xf32>,
        %parallel_loop3A_674 = arith.constant 24 : i32
        %parallel_loop3A_675 = arith.addi %parallel_loop3A_380, %parallel_loop3A_674 : i32
        %parallel_loop3A_676 = arith.constant 0 : i32
        %parallel_loop3A_677 = arith.index_cast %parallel_loop3A_676 : i32 to index
        %parallel_loop3A_678 = arith.index_cast %parallel_loop3A_675 : i32 to index
        %parallel_loop3A_679 = arith.constant 0 : index
        %parallel_loop3A_680 = tpu.vector_load %arg10[%parallel_loop3A_677, %parallel_loop3A_678, %parallel_loop3A_679] {strides = array<i32>} : memref<2x128x128xf32, #tpu.memory_space<vmem>>, vector<16xf32>,
        tpu.vector_store %arg10[%parallel_loop3A_677, %parallel_loop3A_678, %parallel_loop3A_679], %parallel_loop3A_673 {strides = array<i32>} : memref<2x128x128xf32, #tpu.memory_space<vmem>>, vector<16xf32>,
        %parallel_loop3A_681 = arith.constant 2 : i32
        %parallel_loop3A_682 = arith.constant 0 : i32
        %parallel_loop3A_683 = tpu.memref_slice %arg9[%parallel_loop3A_681, %parallel_loop3A_373, %parallel_loop3A_682] : memref<4x128x128xf32, #tpu.memory_space<vmem>> -> memref<1x4x128xf32, #tpu.memory_space<vmem>>
        %parallel_loop3A_684 = tpu.memref_squeeze %parallel_loop3A_683 : memref<1x4x128xf32, #tpu.memory_space<vmem>> -> memref<4x128xf32, #tpu.memory_space<vmem>>
        %parallel_loop3A_685 = tpu.vector_load_idx %parallel_loop3A_684[%broadcast_in_dim3A_87, %get3A_74] : memref<4x128xf32, #tpu.memory_space<vmem>>[vector<16xi32>, vector<16xi32>], vector<16xf32>,
        %parallel_loop3A_686 = arith.constant 24 : i32
        %parallel_loop3A_687 = arith.addi %parallel_loop3A_380, %parallel_loop3A_686 : i32
        %parallel_loop3A_688 = arith.constant 0 : i32
        %parallel_loop3A_689 = arith.index_cast %parallel_loop3A_688 : i32 to index
        %parallel_loop3A_690 = arith.index_cast %parallel_loop3A_687 : i32 to index
        %parallel_loop3A_691 = arith.constant 16 : index
        %parallel_loop3A_692 = tpu.vector_load %arg10[%parallel_loop3A_689, %parallel_loop3A_690, %parallel_loop3A_691] {strides = array<i32>} : memref<2x128x128xf32, #tpu.memory_space<vmem>>, vector<16xf32>,
        tpu.vector_store %arg10[%parallel_loop3A_689, %parallel_loop3A_690, %parallel_loop3A_691], %parallel_loop3A_685 {strides = array<i32>} : memref<2x128x128xf32, #tpu.memory_space<vmem>>, vector<16xf32>,
        %parallel_loop3A_693 = arith.constant 2 : i32
        %parallel_loop3A_694 = arith.constant 0 : i32
        %parallel_loop3A_695 = tpu.memref_slice %arg9[%parallel_loop3A_693, %parallel_loop3A_373, %parallel_loop3A_694] : memref<4x128x128xf32, #tpu.memory_space<vmem>> -> memref<1x4x128xf32, #tpu.memory_space<vmem>>
        %parallel_loop3A_696 = tpu.memref_squeeze %parallel_loop3A_695 : memref<1x4x128xf32, #tpu.memory_space<vmem>> -> memref<4x128xf32, #tpu.memory_space<vmem>>
        %parallel_loop3A_697 = tpu.vector_load_idx %parallel_loop3A_696[%broadcast_in_dim3A_87, %get3A_76] : memref<4x128xf32, #tpu.memory_space<vmem>>[vector<16xi32>, vector<16xi32>], vector<16xf32>,
        %parallel_loop3A_698 = arith.constant 24 : i32
        %parallel_loop3A_699 = arith.addi %parallel_loop3A_380, %parallel_loop3A_698 : i32
        %parallel_loop3A_700 = arith.constant 0 : i32
        %parallel_loop3A_701 = arith.index_cast %parallel_loop3A_700 : i32 to index
        %parallel_loop3A_702 = arith.index_cast %parallel_loop3A_699 : i32 to index
        %parallel_loop3A_703 = arith.constant 32 : index
        %parallel_loop3A_704 = tpu.vector_load %arg10[%parallel_loop3A_701, %parallel_loop3A_702, %parallel_loop3A_703] {strides = array<i32>} : memref<2x128x128xf32, #tpu.memory_space<vmem>>, vector<16xf32>,
        tpu.vector_store %arg10[%parallel_loop3A_701, %parallel_loop3A_702, %parallel_loop3A_703], %parallel_loop3A_697 {strides = array<i32>} : memref<2x128x128xf32, #tpu.memory_space<vmem>>, vector<16xf32>,
        %parallel_loop3A_705 = arith.constant 2 : i32
        %parallel_loop3A_706 = arith.constant 0 : i32
        %parallel_loop3A_707 = tpu.memref_slice %arg9[%parallel_loop3A_705, %parallel_loop3A_373, %parallel_loop3A_706] : memref<4x128x128xf32, #tpu.memory_space<vmem>> -> memref<1x4x128xf32, #tpu.memory_space<vmem>>
        %parallel_loop3A_708 = tpu.memref_squeeze %parallel_loop3A_707 : memref<1x4x128xf32, #tpu.memory_space<vmem>> -> memref<4x128xf32, #tpu.memory_space<vmem>>
        %parallel_loop3A_709 = tpu.vector_load_idx %parallel_loop3A_708[%broadcast_in_dim3A_87, %get3A_78] : memref<4x128xf32, #tpu.memory_space<vmem>>[vector<16xi32>, vector<16xi32>], vector<16xf32>,
        %parallel_loop3A_710 = arith.constant 24 : i32
        %parallel_loop3A_711 = arith.addi %parallel_loop3A_380, %parallel_loop3A_710 : i32
        %parallel_loop3A_712 = arith.constant 0 : i32
        %parallel_loop3A_713 = arith.index_cast %parallel_loop3A_712 : i32 to index
        %parallel_loop3A_714 = arith.index_cast %parallel_loop3A_711 : i32 to index
        %parallel_loop3A_715 = arith.constant 48 : index
        %parallel_loop3A_716 = tpu.vector_load %arg10[%parallel_loop3A_713, %parallel_loop3A_714, %parallel_loop3A_715] {strides = array<i32>} : memref<2x128x128xf32, #tpu.memory_space<vmem>>, vector<16xf32>,
        tpu.vector_store %arg10[%parallel_loop3A_713, %parallel_loop3A_714, %parallel_loop3A_715], %parallel_loop3A_709 {strides = array<i32>} : memref<2x128x128xf32, #tpu.memory_space<vmem>>, vector<16xf32>,
        %parallel_loop3A_717 = arith.constant 2 : i32
        %parallel_loop3A_718 = arith.constant 0 : i32
        %parallel_loop3A_719 = tpu.memref_slice %arg9[%parallel_loop3A_717, %parallel_loop3A_373, %parallel_loop3A_718] : memref<4x128x128xf32, #tpu.memory_space<vmem>> -> memref<1x4x128xf32, #tpu.memory_space<vmem>>
        %parallel_loop3A_720 = tpu.memref_squeeze %parallel_loop3A_719 : memref<1x4x128xf32, #tpu.memory_space<vmem>> -> memref<4x128xf32, #tpu.memory_space<vmem>>
        %parallel_loop3A_721 = tpu.vector_load_idx %parallel_loop3A_720[%broadcast_in_dim3A_87, %get3A_80] : memref<4x128xf32, #tpu.memory_space<vmem>>[vector<16xi32>, vector<16xi32>], vector<16xf32>,
        %parallel_loop3A_722 = arith.constant 24 : i32
        %parallel_loop3A_723 = arith.addi %parallel_loop3A_380, %parallel_loop3A_722 : i32
        %parallel_loop3A_724 = arith.constant 0 : i32
        %parallel_loop3A_725 = arith.index_cast %parallel_loop3A_724 : i32 to index
        %parallel_loop3A_726 = arith.index_cast %parallel_loop3A_723 : i32 to index
        %parallel_loop3A_727 = arith.constant 64 : index
        %parallel_loop3A_728 = tpu.vector_load %arg10[%parallel_loop3A_725, %parallel_loop3A_726, %parallel_loop3A_727] {strides = array<i32>} : memref<2x128x128xf32, #tpu.memory_space<vmem>>, vector<16xf32>,
        tpu.vector_store %arg10[%parallel_loop3A_725, %parallel_loop3A_726, %parallel_loop3A_727], %parallel_loop3A_721 {strides = array<i32>} : memref<2x128x128xf32, #tpu.memory_space<vmem>>, vector<16xf32>,
        %parallel_loop3A_729 = arith.constant 2 : i32
        %parallel_loop3A_730 = arith.constant 0 : i32
        %parallel_loop3A_731 = tpu.memref_slice %arg9[%parallel_loop3A_729, %parallel_loop3A_373, %parallel_loop3A_730] : memref<4x128x128xf32, #tpu.memory_space<vmem>> -> memref<1x4x128xf32, #tpu.memory_space<vmem>>
        %parallel_loop3A_732 = tpu.memref_squeeze %parallel_loop3A_731 : memref<1x4x128xf32, #tpu.memory_space<vmem>> -> memref<4x128xf32, #tpu.memory_space<vmem>>
        %parallel_loop3A_733 = tpu.vector_load_idx %parallel_loop3A_732[%broadcast_in_dim3A_87, %get3A_82] : memref<4x128xf32, #tpu.memory_space<vmem>>[vector<16xi32>, vector<16xi32>], vector<16xf32>,
        %parallel_loop3A_734 = arith.constant 24 : i32
        %parallel_loop3A_735 = arith.addi %parallel_loop3A_380, %parallel_loop3A_734 : i32
        %parallel_loop3A_736 = arith.constant 0 : i32
        %parallel_loop3A_737 = arith.index_cast %parallel_loop3A_736 : i32 to index
        %parallel_loop3A_738 = arith.index_cast %parallel_loop3A_735 : i32 to index
        %parallel_loop3A_739 = arith.constant 80 : index
        %parallel_loop3A_740 = tpu.vector_load %arg10[%parallel_loop3A_737, %parallel_loop3A_738, %parallel_loop3A_739] {strides = array<i32>} : memref<2x128x128xf32, #tpu.memory_space<vmem>>, vector<16xf32>,
        tpu.vector_store %arg10[%parallel_loop3A_737, %parallel_loop3A_738, %parallel_loop3A_739], %parallel_loop3A_733 {strides = array<i32>} : memref<2x128x128xf32, #tpu.memory_space<vmem>>, vector<16xf32>,
        %parallel_loop3A_741 = arith.constant 2 : i32
        %parallel_loop3A_742 = arith.constant 0 : i32
        %parallel_loop3A_743 = tpu.memref_slice %arg9[%parallel_loop3A_741, %parallel_loop3A_373, %parallel_loop3A_742] : memref<4x128x128xf32, #tpu.memory_space<vmem>> -> memref<1x4x128xf32, #tpu.memory_space<vmem>>
        %parallel_loop3A_744 = tpu.memref_squeeze %parallel_loop3A_743 : memref<1x4x128xf32, #tpu.memory_space<vmem>> -> memref<4x128xf32, #tpu.memory_space<vmem>>
        %parallel_loop3A_745 = tpu.vector_load_idx %parallel_loop3A_744[%broadcast_in_dim3A_87, %get3A_84] : memref<4x128xf32, #tpu.memory_space<vmem>>[vector<16xi32>, vector<16xi32>], vector<16xf32>,
        %parallel_loop3A_746 = arith.constant 24 : i32
        %parallel_loop3A_747 = arith.addi %parallel_loop3A_380, %parallel_loop3A_746 : i32
        %parallel_loop3A_748 = arith.constant 0 : i32
        %parallel_loop3A_749 = arith.index_cast %parallel_loop3A_748 : i32 to index
        %parallel_loop3A_750 = arith.index_cast %parallel_loop3A_747 : i32 to index
        %parallel_loop3A_751 = arith.constant 96 : index
        %parallel_loop3A_752 = tpu.vector_load %arg10[%parallel_loop3A_749, %parallel_loop3A_750, %parallel_loop3A_751] {strides = array<i32>} : memref<2x128x128xf32, #tpu.memory_space<vmem>>, vector<16xf32>,
        tpu.vector_store %arg10[%parallel_loop3A_749, %parallel_loop3A_750, %parallel_loop3A_751], %parallel_loop3A_745 {strides = array<i32>} : memref<2x128x128xf32, #tpu.memory_space<vmem>>, vector<16xf32>,
        %parallel_loop3A_753 = arith.constant 2 : i32
        %parallel_loop3A_754 = arith.constant 0 : i32
        %parallel_loop3A_755 = tpu.memref_slice %arg9[%parallel_loop3A_753, %parallel_loop3A_373, %parallel_loop3A_754] : memref<4x128x128xf32, #tpu.memory_space<vmem>> -> memref<1x4x128xf32, #tpu.memory_space<vmem>>
        %parallel_loop3A_756 = tpu.memref_squeeze %parallel_loop3A_755 : memref<1x4x128xf32, #tpu.memory_space<vmem>> -> memref<4x128xf32, #tpu.memory_space<vmem>>
        %parallel_loop3A_757 = tpu.vector_load_idx %parallel_loop3A_756[%broadcast_in_dim3A_87, %get3A_86] : memref<4x128xf32, #tpu.memory_space<vmem>>[vector<16xi32>, vector<16xi32>], vector<16xf32>,
        %parallel_loop3A_758 = arith.constant 24 : i32
        %parallel_loop3A_759 = arith.addi %parallel_loop3A_380, %parallel_loop3A_758 : i32
        %parallel_loop3A_760 = arith.constant 0 : i32
        %parallel_loop3A_761 = arith.index_cast %parallel_loop3A_760 : i32 to index
        %parallel_loop3A_762 = arith.index_cast %parallel_loop3A_759 : i32 to index
        %parallel_loop3A_763 = arith.constant 112 : index
        %parallel_loop3A_764 = tpu.vector_load %arg10[%parallel_loop3A_761, %parallel_loop3A_762, %parallel_loop3A_763] {strides = array<i32>} : memref<2x128x128xf32, #tpu.memory_space<vmem>>, vector<16xf32>,
        tpu.vector_store %arg10[%parallel_loop3A_761, %parallel_loop3A_762, %parallel_loop3A_763], %parallel_loop3A_757 {strides = array<i32>} : memref<2x128x128xf32, #tpu.memory_space<vmem>>, vector<16xf32>,
      } {sc.loop_unroll_factor = 1 : i64, sc.parallel_access}
      %mul3A_300 = arith.constant 128 : i32
      %mul3A_301 = arith.muli %add3A_270, %mul3A_300 : i32
      %add3A_302 = arith.addi %mul3A_4, %mul3A_301 : i32
      %dma_start3A_303 = arith.constant 0 : i32
      %dma_start3A_304 = arith.constant 0 : i32
      %dma_start3A_305 = arith.constant 0 : i32
      %dma_start3A_306 = arith.constant 0 : i32
      %dma_start3A_307 = tpu.memref_slice %arg10[%dma_start3A_303, %dma_start3A_305, %dma_start3A_306] : memref<2x128x128xf32, #tpu.memory_space<vmem>> -> memref<1x128x128xf32, #tpu.memory_space<vmem>>
      %dma_start3A_308 = tpu.memref_squeeze %dma_start3A_307 : memref<1x128x128xf32, #tpu.memory_space<vmem>> -> memref<128x128xf32, #tpu.memory_space<vmem>>
      %dma_start3A_309 = arith.constant 0 : i32
      %dma_start3A_310 = tpu.memref_slice %arg5[%add3A_302, %dma_start3A_309] : memref<131072x128xf32, #tpu.memory_space<hbm>> -> memref<128x128xf32, #tpu.memory_space<hbm>>
      %dma_start3A_311 = tpu.memref_slice %arg12[%dma_start3A_304] : memref<2x!tpu.dma_semaphore, #tpu.memory_space<semaphore_mem>> -> memref<1x!tpu.dma_semaphore, #tpu.memory_space<semaphore_mem>>
      %dma_start3A_312 = tpu.memref_squeeze %dma_start3A_311 : memref<1x!tpu.dma_semaphore, #tpu.memory_space<semaphore_mem>> -> memref<!tpu.dma_semaphore, #tpu.memory_space<semaphore_mem>>
      %dma_start3A_313 = arith.constant 0 : i32
      %dma_start3A_314 = tpu.memref_slice %arg5[%add3A_302, %dma_start3A_313] : memref<131072x128xf32, #tpu.memory_space<hbm>> -> memref<128x128xf32, #tpu.memory_space<hbm>>
      %dma_start3A_315 = arith.constant 0 : i32
      %dma_start3A_316 = arith.constant 0 : i32
      %dma_start3A_317 = tpu.memref_slice %arg10[%dma_start3A_303, %dma_start3A_315, %dma_start3A_316] : memref<2x128x128xf32, #tpu.memory_space<vmem>> -> memref<1x128x128xf32, #tpu.memory_space<vmem>>
      %dma_start3A_318 = tpu.memref_squeeze %dma_start3A_317 : memref<1x128x128xf32, #tpu.memory_space<vmem>> -> memref<128x128xf32, #tpu.memory_space<vmem>>
      tpu.enqueue_dma source(%dma_start3A_318 : memref<128x128xf32, #tpu.memory_space<vmem>>) target(%dma_start3A_314 : memref<128x128xf32, #tpu.memory_space<hbm>>) target_semaphore(%dma_start3A_312 : memref<!tpu.dma_semaphore, #tpu.memory_space<semaphore_mem>>)
      %mul3A_319 = arith.constant 4 : i32
      %mul3A_320 = arith.muli %scan3A_167, %mul3A_319 : i32
      %add3A_321 = arith.constant 3 : i32
      %add3A_322 = arith.addi %mul3A_320, %add3A_321 : i32
      %add3A_323 = arith.constant 3 : i32
      %add3A_324 = arith.addi %add3A_322, %add3A_323 : i32
      %lt3A_325 = arith.constant 32 : i32
      %lt3A_326 = arith.cmpi slt, %add3A_324, %lt3A_325 : i32
      %convert_element_type3A_327 = arith.extui %lt3A_326 : i1 to i32
      %cond3A_328 = arith.constant 0 : i32
      %cond3A_329 = arith.cmpi ne, %convert_element_type3A_327, %cond3A_328 : i32
      scf.if %cond3A_329 {
        %mul3A_371 = arith.constant 128 : i32
        %mul3A_372 = arith.muli %add3A_324, %mul3A_371 : i32
        %dma_start3A_373 = arith.constant 2 : i32
        %dma_start3A_374 = arith.constant 2 : i32
        %dma_start3A_375 = arith.constant 0 : i32
        %dma_start3A_376 = arith.constant 0 : i32
        %dma_start3A_377 = tpu.memref_slice %arg9[%dma_start3A_373, %dma_start3A_375, %dma_start3A_376] : memref<4x128x128xf32, #tpu.memory_space<vmem>> -> memref<1x128x128xf32, #tpu.memory_space<vmem>>
        %dma_start3A_378 = tpu.memref_squeeze %dma_start3A_377 : memref<1x128x128xf32, #tpu.memory_space<vmem>> -> memref<128x128xf32, #tpu.memory_space<vmem>>
        %dma_start3A_379 = tpu.memref_slice %arg8[%mul3A_372] : memref<4096xi32, #tpu.memory_space<vmem>> -> memref<128xi32, #tpu.memory_space<vmem>>
        %dma_start3A_380 = arith.constant 0 : i32
        %dma_start3A_381 = arith.constant 0 : i32
        %dma_start3A_382 = tpu.memref_slice %arg2[%dma_start3A_380, %dma_start3A_381] : memref<131072x128xf32, #tpu.memory_space<hbm>> -> memref<131072x128xf32, #tpu.memory_space<hbm>>
        %dma_start3A_383 = tpu.memref_slice %arg11[%dma_start3A_374] : memref<4x!tpu.dma_semaphore, #tpu.memory_space<semaphore_mem>> -> memref<1x!tpu.dma_semaphore, #tpu.memory_space<semaphore_mem>>
        %dma_start3A_384 = tpu.memref_squeeze %dma_start3A_383 : memref<1x!tpu.dma_semaphore, #tpu.memory_space<semaphore_mem>> -> memref<!tpu.dma_semaphore, #tpu.memory_space<semaphore_mem>>
        tpu.enqueue_indirect_dma source(%dma_start3A_382 : memref<131072x128xf32, #tpu.memory_space<hbm>>) target(%dma_start3A_378 : memref<128x128xf32, #tpu.memory_space<vmem>>) offsets(%dma_start3A_379 : memref<128xi32, #tpu.memory_space<vmem>>) semaphore(%dma_start3A_384 : memref<!tpu.dma_semaphore, #tpu.memory_space<semaphore_mem>>)
      } else {
      }
      %mul3A_330 = arith.constant 128 : i32
      %mul3A_331 = arith.muli %add3A_322, %mul3A_330 : i32
      %dma_wait3A_332 = arith.constant 3 : i32
      %dma_wait3A_333 = arith.constant 3 : i32
      %dma_wait3A_334 = arith.constant 0 : i32
      %dma_wait3A_335 = arith.constant 0 : i32
      %dma_wait3A_336 = tpu.memref_slice %arg9[%dma_wait3A_332, %dma_wait3A_334, %dma_wait3A_335] : memref<4x128x128xf32, #tpu.memory_space<vmem>> -> memref<1x128x128xf32, #tpu.memory_space<vmem>>
      %dma_wait3A_337 = tpu.memref_squeeze %dma_wait3A_336 : memref<1x128x128xf32, #tpu.memory_space<vmem>> -> memref<128x128xf32, #tpu.memory_space<vmem>>
      %dma_wait3A_338 = tpu.memref_slice %arg8[%mul3A_331] : memref<4096xi32, #tpu.memory_space<vmem>> -> memref<128xi32, #tpu.memory_space<vmem>>
      %dma_wait3A_339 = arith.constant 0 : i32
      %dma_wait3A_340 = arith.constant 0 : i32
      %dma_wait3A_341 = tpu.memref_slice %arg2[%dma_wait3A_339, %dma_wait3A_340] : memref<131072x128xf32, #tpu.memory_space<hbm>> -> memref<131072x128xf32, #tpu.memory_space<hbm>>
      %dma_wait3A_342 = tpu.memref_slice %arg11[%dma_wait3A_333] : memref<4x!tpu.dma_semaphore, #tpu.memory_space<semaphore_mem>> -> memref<1x!tpu.dma_semaphore, #tpu.memory_space<semaphore_mem>>
      %dma_wait3A_343 = tpu.memref_squeeze %dma_wait3A_342 : memref<1x!tpu.dma_semaphore, #tpu.memory_space<semaphore_mem>> -> memref<!tpu.dma_semaphore, #tpu.memory_space<semaphore_mem>>
      tpu.wait_indirect_dma semaphore(%dma_wait3A_343 : memref<!tpu.dma_semaphore, #tpu.memory_space<semaphore_mem>>) src(%dma_wait3A_341 : memref<131072x128xf32, #tpu.memory_space<hbm>>) dst(%dma_wait3A_337 : memref<128x128xf32, #tpu.memory_space<vmem>>)
      %ge3A_344 = arith.constant 2 : i32
      %ge3A_345 = arith.cmpi sge, %add3A_322, %ge3A_344 : i32
      %convert_element_type3A_346 = arith.extui %ge3A_345 : i1 to i32
      %cond3A_347 = arith.constant 0 : i32
      %cond3A_348 = arith.cmpi ne, %convert_element_type3A_346, %cond3A_347 : i32
      scf.if %cond3A_348 {
        %sub3A = arith.constant 2 : i32
        %sub3A_371 = arith.subi %add3A_322, %sub3A : i32
        %mul3A_372 = arith.constant 128 : i32
        %mul3A_373 = arith.muli %sub3A_371, %mul3A_372 : i32
        %add3A_374 = arith.addi %mul3A_4, %mul3A_373 : i32
        %dma_wait3A_375 = arith.constant 1 : i32
        %dma_wait3A_376 = arith.constant 1 : i32
        %dma_wait3A_377 = arith.constant 0 : i32
        %dma_wait3A_378 = arith.constant 0 : i32
        %dma_wait3A_379 = tpu.memref_slice %arg10[%dma_wait3A_375, %dma_wait3A_377, %dma_wait3A_378] : memref<2x128x128xf32, #tpu.memory_space<vmem>> -> memref<1x128x128xf32, #tpu.memory_space<vmem>>
        %dma_wait3A_380 = tpu.memref_squeeze %dma_wait3A_379 : memref<1x128x128xf32, #tpu.memory_space<vmem>> -> memref<128x128xf32, #tpu.memory_space<vmem>>
        %dma_wait3A_381 = arith.constant 0 : i32
        %dma_wait3A_382 = tpu.memref_slice %arg5[%add3A_374, %dma_wait3A_381] : memref<131072x128xf32, #tpu.memory_space<hbm>> -> memref<128x128xf32, #tpu.memory_space<hbm>>
        %dma_wait3A_383 = tpu.memref_slice %arg12[%dma_wait3A_376] : memref<2x!tpu.dma_semaphore, #tpu.memory_space<semaphore_mem>> -> memref<1x!tpu.dma_semaphore, #tpu.memory_space<semaphore_mem>>
        %dma_wait3A_384 = tpu.memref_squeeze %dma_wait3A_383 : memref<1x!tpu.dma_semaphore, #tpu.memory_space<semaphore_mem>> -> memref<!tpu.dma_semaphore, #tpu.memory_space<semaphore_mem>>
        %dma_wait3A_385 = arith.constant 0 : i32
        %dma_wait3A_386 = tpu.memref_slice %arg5[%add3A_374, %dma_wait3A_385] : memref<131072x128xf32, #tpu.memory_space<hbm>> -> memref<128x128xf32, #tpu.memory_space<hbm>>
        %dma_wait3A_387 = arith.constant 0 : i32
        %dma_wait3A_388 = arith.constant 0 : i32
        %dma_wait3A_389 = tpu.memref_slice %arg10[%dma_wait3A_375, %dma_wait3A_387, %dma_wait3A_388] : memref<2x128x128xf32, #tpu.memory_space<vmem>> -> memref<1x128x128xf32, #tpu.memory_space<vmem>>
        %dma_wait3A_390 = tpu.memref_squeeze %dma_wait3A_389 : memref<1x128x128xf32, #tpu.memory_space<vmem>> -> memref<128x128xf32, #tpu.memory_space<vmem>>
        tpu.wait_dma2 semaphore(%dma_wait3A_384 : memref<!tpu.dma_semaphore, #tpu.memory_space<semaphore_mem>>) src(%dma_wait3A_390 : memref<128x128xf32, #tpu.memory_space<vmem>>) dst(%dma_wait3A_386 : memref<128x128xf32, #tpu.memory_space<hbm>>)
      } else {
      }
      %parallel_loop3A_349 = arith.constant 0 : i32
      %parallel_loop3A_350 = arith.constant 32 : i32
      %parallel_loop3A_351 = arith.constant 1 : i32
      scf.for %parallel_loop3A_371 = %parallel_loop3A_349 to %parallel_loop3A_350 step %parallel_loop3A_351  : i32 {
        %parallel_loop3A_372 = arith.constant 4 : i32
        %parallel_loop3A_373 = arith.muli %parallel_loop3A_371, %parallel_loop3A_372 : i32
        %parallel_loop3A_374 = arith.constant 3 : i32
        %parallel_loop3A_375 = arith.shrsi %parallel_loop3A_371, %parallel_loop3A_374 : i32
        %parallel_loop3A_376 = arith.constant 32 : i32
        %parallel_loop3A_377 = arith.muli %parallel_loop3A_375, %parallel_loop3A_376 : i32
        %parallel_loop3A_378 = arith.constant 7 : i32
        %parallel_loop3A_379 = arith.andi %parallel_loop3A_371, %parallel_loop3A_378 : i32
        %parallel_loop3A_380 = arith.addi %parallel_loop3A_377, %parallel_loop3A_379 : i32
        %parallel_loop3A_381 = arith.constant 3 : i32
        %parallel_loop3A_382 = arith.constant 0 : i32
        %parallel_loop3A_383 = tpu.memref_slice %arg9[%parallel_loop3A_381, %parallel_loop3A_373, %parallel_loop3A_382] : memref<4x128x128xf32, #tpu.memory_space<vmem>> -> memref<1x4x128xf32, #tpu.memory_space<vmem>>
        %parallel_loop3A_384 = tpu.memref_squeeze %parallel_loop3A_383 : memref<1x4x128xf32, #tpu.memory_space<vmem>> -> memref<4x128xf32, #tpu.memory_space<vmem>>
        %parallel_loop3A_385 = tpu.vector_load_idx %parallel_loop3A_384[%broadcast_in_dim3A_87, %get3A_24] : memref<4x128xf32, #tpu.memory_space<vmem>>[vector<16xi32>, vector<16xi32>], vector<16xf32>,
        %parallel_loop3A_386 = arith.constant 0 : i32
        %parallel_loop3A_387 = arith.addi %parallel_loop3A_380, %parallel_loop3A_386 : i32
        %parallel_loop3A_388 = arith.constant 1 : i32
        %parallel_loop3A_389 = arith.index_cast %parallel_loop3A_388 : i32 to index
        %parallel_loop3A_390 = arith.index_cast %parallel_loop3A_387 : i32 to index
        %parallel_loop3A_391 = arith.constant 0 : index
        %parallel_loop3A_392 = tpu.vector_load %arg10[%parallel_loop3A_389, %parallel_loop3A_390, %parallel_loop3A_391] {strides = array<i32>} : memref<2x128x128xf32, #tpu.memory_space<vmem>>, vector<16xf32>,
        tpu.vector_store %arg10[%parallel_loop3A_389, %parallel_loop3A_390, %parallel_loop3A_391], %parallel_loop3A_385 {strides = array<i32>} : memref<2x128x128xf32, #tpu.memory_space<vmem>>, vector<16xf32>,
        %parallel_loop3A_393 = arith.constant 3 : i32
        %parallel_loop3A_394 = arith.constant 0 : i32
        %parallel_loop3A_395 = tpu.memref_slice %arg9[%parallel_loop3A_393, %parallel_loop3A_373, %parallel_loop3A_394] : memref<4x128x128xf32, #tpu.memory_space<vmem>> -> memref<1x4x128xf32, #tpu.memory_space<vmem>>
        %parallel_loop3A_396 = tpu.memref_squeeze %parallel_loop3A_395 : memref<1x4x128xf32, #tpu.memory_space<vmem>> -> memref<4x128xf32, #tpu.memory_space<vmem>>
        %parallel_loop3A_397 = tpu.vector_load_idx %parallel_loop3A_396[%broadcast_in_dim3A_87, %get3A_26] : memref<4x128xf32, #tpu.memory_space<vmem>>[vector<16xi32>, vector<16xi32>], vector<16xf32>,
        %parallel_loop3A_398 = arith.constant 0 : i32
        %parallel_loop3A_399 = arith.addi %parallel_loop3A_380, %parallel_loop3A_398 : i32
        %parallel_loop3A_400 = arith.constant 1 : i32
        %parallel_loop3A_401 = arith.index_cast %parallel_loop3A_400 : i32 to index
        %parallel_loop3A_402 = arith.index_cast %parallel_loop3A_399 : i32 to index
        %parallel_loop3A_403 = arith.constant 16 : index
        %parallel_loop3A_404 = tpu.vector_load %arg10[%parallel_loop3A_401, %parallel_loop3A_402, %parallel_loop3A_403] {strides = array<i32>} : memref<2x128x128xf32, #tpu.memory_space<vmem>>, vector<16xf32>,
        tpu.vector_store %arg10[%parallel_loop3A_401, %parallel_loop3A_402, %parallel_loop3A_403], %parallel_loop3A_397 {strides = array<i32>} : memref<2x128x128xf32, #tpu.memory_space<vmem>>, vector<16xf32>,
        %parallel_loop3A_405 = arith.constant 3 : i32
        %parallel_loop3A_406 = arith.constant 0 : i32
        %parallel_loop3A_407 = tpu.memref_slice %arg9[%parallel_loop3A_405, %parallel_loop3A_373, %parallel_loop3A_406] : memref<4x128x128xf32, #tpu.memory_space<vmem>> -> memref<1x4x128xf32, #tpu.memory_space<vmem>>
        %parallel_loop3A_408 = tpu.memref_squeeze %parallel_loop3A_407 : memref<1x4x128xf32, #tpu.memory_space<vmem>> -> memref<4x128xf32, #tpu.memory_space<vmem>>
        %parallel_loop3A_409 = tpu.vector_load_idx %parallel_loop3A_408[%broadcast_in_dim3A_87, %get3A_28] : memref<4x128xf32, #tpu.memory_space<vmem>>[vector<16xi32>, vector<16xi32>], vector<16xf32>,
        %parallel_loop3A_410 = arith.constant 0 : i32
        %parallel_loop3A_411 = arith.addi %parallel_loop3A_380, %parallel_loop3A_410 : i32
        %parallel_loop3A_412 = arith.constant 1 : i32
        %parallel_loop3A_413 = arith.index_cast %parallel_loop3A_412 : i32 to index
        %parallel_loop3A_414 = arith.index_cast %parallel_loop3A_411 : i32 to index
        %parallel_loop3A_415 = arith.constant 32 : index
        %parallel_loop3A_416 = tpu.vector_load %arg10[%parallel_loop3A_413, %parallel_loop3A_414, %parallel_loop3A_415] {strides = array<i32>} : memref<2x128x128xf32, #tpu.memory_space<vmem>>, vector<16xf32>,
        tpu.vector_store %arg10[%parallel_loop3A_413, %parallel_loop3A_414, %parallel_loop3A_415], %parallel_loop3A_409 {strides = array<i32>} : memref<2x128x128xf32, #tpu.memory_space<vmem>>, vector<16xf32>,
        %parallel_loop3A_417 = arith.constant 3 : i32
        %parallel_loop3A_418 = arith.constant 0 : i32
        %parallel_loop3A_419 = tpu.memref_slice %arg9[%parallel_loop3A_417, %parallel_loop3A_373, %parallel_loop3A_418] : memref<4x128x128xf32, #tpu.memory_space<vmem>> -> memref<1x4x128xf32, #tpu.memory_space<vmem>>
        %parallel_loop3A_420 = tpu.memref_squeeze %parallel_loop3A_419 : memref<1x4x128xf32, #tpu.memory_space<vmem>> -> memref<4x128xf32, #tpu.memory_space<vmem>>
        %parallel_loop3A_421 = tpu.vector_load_idx %parallel_loop3A_420[%broadcast_in_dim3A_87, %get3A_30] : memref<4x128xf32, #tpu.memory_space<vmem>>[vector<16xi32>, vector<16xi32>], vector<16xf32>,
        %parallel_loop3A_422 = arith.constant 0 : i32
        %parallel_loop3A_423 = arith.addi %parallel_loop3A_380, %parallel_loop3A_422 : i32
        %parallel_loop3A_424 = arith.constant 1 : i32
        %parallel_loop3A_425 = arith.index_cast %parallel_loop3A_424 : i32 to index
        %parallel_loop3A_426 = arith.index_cast %parallel_loop3A_423 : i32 to index
        %parallel_loop3A_427 = arith.constant 48 : index
        %parallel_loop3A_428 = tpu.vector_load %arg10[%parallel_loop3A_425, %parallel_loop3A_426, %parallel_loop3A_427] {strides = array<i32>} : memref<2x128x128xf32, #tpu.memory_space<vmem>>, vector<16xf32>,
        tpu.vector_store %arg10[%parallel_loop3A_425, %parallel_loop3A_426, %parallel_loop3A_427], %parallel_loop3A_421 {strides = array<i32>} : memref<2x128x128xf32, #tpu.memory_space<vmem>>, vector<16xf32>,
        %parallel_loop3A_429 = arith.constant 3 : i32
        %parallel_loop3A_430 = arith.constant 0 : i32
        %parallel_loop3A_431 = tpu.memref_slice %arg9[%parallel_loop3A_429, %parallel_loop3A_373, %parallel_loop3A_430] : memref<4x128x128xf32, #tpu.memory_space<vmem>> -> memref<1x4x128xf32, #tpu.memory_space<vmem>>
        %parallel_loop3A_432 = tpu.memref_squeeze %parallel_loop3A_431 : memref<1x4x128xf32, #tpu.memory_space<vmem>> -> memref<4x128xf32, #tpu.memory_space<vmem>>
        %parallel_loop3A_433 = tpu.vector_load_idx %parallel_loop3A_432[%broadcast_in_dim3A_87, %get3A_32] : memref<4x128xf32, #tpu.memory_space<vmem>>[vector<16xi32>, vector<16xi32>], vector<16xf32>,
        %parallel_loop3A_434 = arith.constant 0 : i32
        %parallel_loop3A_435 = arith.addi %parallel_loop3A_380, %parallel_loop3A_434 : i32
        %parallel_loop3A_436 = arith.constant 1 : i32
        %parallel_loop3A_437 = arith.index_cast %parallel_loop3A_436 : i32 to index
        %parallel_loop3A_438 = arith.index_cast %parallel_loop3A_435 : i32 to index
        %parallel_loop3A_439 = arith.constant 64 : index
        %parallel_loop3A_440 = tpu.vector_load %arg10[%parallel_loop3A_437, %parallel_loop3A_438, %parallel_loop3A_439] {strides = array<i32>} : memref<2x128x128xf32, #tpu.memory_space<vmem>>, vector<16xf32>,
        tpu.vector_store %arg10[%parallel_loop3A_437, %parallel_loop3A_438, %parallel_loop3A_439], %parallel_loop3A_433 {strides = array<i32>} : memref<2x128x128xf32, #tpu.memory_space<vmem>>, vector<16xf32>,
        %parallel_loop3A_441 = arith.constant 3 : i32
        %parallel_loop3A_442 = arith.constant 0 : i32
        %parallel_loop3A_443 = tpu.memref_slice %arg9[%parallel_loop3A_441, %parallel_loop3A_373, %parallel_loop3A_442] : memref<4x128x128xf32, #tpu.memory_space<vmem>> -> memref<1x4x128xf32, #tpu.memory_space<vmem>>
        %parallel_loop3A_444 = tpu.memref_squeeze %parallel_loop3A_443 : memref<1x4x128xf32, #tpu.memory_space<vmem>> -> memref<4x128xf32, #tpu.memory_space<vmem>>
        %parallel_loop3A_445 = tpu.vector_load_idx %parallel_loop3A_444[%broadcast_in_dim3A_87, %get3A_34] : memref<4x128xf32, #tpu.memory_space<vmem>>[vector<16xi32>, vector<16xi32>], vector<16xf32>,
        %parallel_loop3A_446 = arith.constant 0 : i32
        %parallel_loop3A_447 = arith.addi %parallel_loop3A_380, %parallel_loop3A_446 : i32
        %parallel_loop3A_448 = arith.constant 1 : i32
        %parallel_loop3A_449 = arith.index_cast %parallel_loop3A_448 : i32 to index
        %parallel_loop3A_450 = arith.index_cast %parallel_loop3A_447 : i32 to index
        %parallel_loop3A_451 = arith.constant 80 : index
        %parallel_loop3A_452 = tpu.vector_load %arg10[%parallel_loop3A_449, %parallel_loop3A_450, %parallel_loop3A_451] {strides = array<i32>} : memref<2x128x128xf32, #tpu.memory_space<vmem>>, vector<16xf32>,
        tpu.vector_store %arg10[%parallel_loop3A_449, %parallel_loop3A_450, %parallel_loop3A_451], %parallel_loop3A_445 {strides = array<i32>} : memref<2x128x128xf32, #tpu.memory_space<vmem>>, vector<16xf32>,
        %parallel_loop3A_453 = arith.constant 3 : i32
        %parallel_loop3A_454 = arith.constant 0 : i32
        %parallel_loop3A_455 = tpu.memref_slice %arg9[%parallel_loop3A_453, %parallel_loop3A_373, %parallel_loop3A_454] : memref<4x128x128xf32, #tpu.memory_space<vmem>> -> memref<1x4x128xf32, #tpu.memory_space<vmem>>
        %parallel_loop3A_456 = tpu.memref_squeeze %parallel_loop3A_455 : memref<1x4x128xf32, #tpu.memory_space<vmem>> -> memref<4x128xf32, #tpu.memory_space<vmem>>
        %parallel_loop3A_457 = tpu.vector_load_idx %parallel_loop3A_456[%broadcast_in_dim3A_87, %get3A_36] : memref<4x128xf32, #tpu.memory_space<vmem>>[vector<16xi32>, vector<16xi32>], vector<16xf32>,
        %parallel_loop3A_458 = arith.constant 0 : i32
        %parallel_loop3A_459 = arith.addi %parallel_loop3A_380, %parallel_loop3A_458 : i32
        %parallel_loop3A_460 = arith.constant 1 : i32
        %parallel_loop3A_461 = arith.index_cast %parallel_loop3A_460 : i32 to index
        %parallel_loop3A_462 = arith.index_cast %parallel_loop3A_459 : i32 to index
        %parallel_loop3A_463 = arith.constant 96 : index
        %parallel_loop3A_464 = tpu.vector_load %arg10[%parallel_loop3A_461, %parallel_loop3A_462, %parallel_loop3A_463] {strides = array<i32>} : memref<2x128x128xf32, #tpu.memory_space<vmem>>, vector<16xf32>,
        tpu.vector_store %arg10[%parallel_loop3A_461, %parallel_loop3A_462, %parallel_loop3A_463], %parallel_loop3A_457 {strides = array<i32>} : memref<2x128x128xf32, #tpu.memory_space<vmem>>, vector<16xf32>,
        %parallel_loop3A_465 = arith.constant 3 : i32
        %parallel_loop3A_466 = arith.constant 0 : i32
        %parallel_loop3A_467 = tpu.memref_slice %arg9[%parallel_loop3A_465, %parallel_loop3A_373, %parallel_loop3A_466] : memref<4x128x128xf32, #tpu.memory_space<vmem>> -> memref<1x4x128xf32, #tpu.memory_space<vmem>>
        %parallel_loop3A_468 = tpu.memref_squeeze %parallel_loop3A_467 : memref<1x4x128xf32, #tpu.memory_space<vmem>> -> memref<4x128xf32, #tpu.memory_space<vmem>>
        %parallel_loop3A_469 = tpu.vector_load_idx %parallel_loop3A_468[%broadcast_in_dim3A_87, %get3A_38] : memref<4x128xf32, #tpu.memory_space<vmem>>[vector<16xi32>, vector<16xi32>], vector<16xf32>,
        %parallel_loop3A_470 = arith.constant 0 : i32
        %parallel_loop3A_471 = arith.addi %parallel_loop3A_380, %parallel_loop3A_470 : i32
        %parallel_loop3A_472 = arith.constant 1 : i32
        %parallel_loop3A_473 = arith.index_cast %parallel_loop3A_472 : i32 to index
        %parallel_loop3A_474 = arith.index_cast %parallel_loop3A_471 : i32 to index
        %parallel_loop3A_475 = arith.constant 112 : index
        %parallel_loop3A_476 = tpu.vector_load %arg10[%parallel_loop3A_473, %parallel_loop3A_474, %parallel_loop3A_475] {strides = array<i32>} : memref<2x128x128xf32, #tpu.memory_space<vmem>>, vector<16xf32>,
        tpu.vector_store %arg10[%parallel_loop3A_473, %parallel_loop3A_474, %parallel_loop3A_475], %parallel_loop3A_469 {strides = array<i32>} : memref<2x128x128xf32, #tpu.memory_space<vmem>>, vector<16xf32>,
        %parallel_loop3A_477 = arith.constant 3 : i32
        %parallel_loop3A_478 = arith.constant 0 : i32
        %parallel_loop3A_479 = tpu.memref_slice %arg9[%parallel_loop3A_477, %parallel_loop3A_373, %parallel_loop3A_478] : memref<4x128x128xf32, #tpu.memory_space<vmem>> -> memref<1x4x128xf32, #tpu.memory_space<vmem>>
        %parallel_loop3A_480 = tpu.memref_squeeze %parallel_loop3A_479 : memref<1x4x128xf32, #tpu.memory_space<vmem>> -> memref<4x128xf32, #tpu.memory_space<vmem>>
        %parallel_loop3A_481 = tpu.vector_load_idx %parallel_loop3A_480[%broadcast_in_dim3A_87, %get3A_40] : memref<4x128xf32, #tpu.memory_space<vmem>>[vector<16xi32>, vector<16xi32>], vector<16xf32>,
        %parallel_loop3A_482 = arith.constant 8 : i32
        %parallel_loop3A_483 = arith.addi %parallel_loop3A_380, %parallel_loop3A_482 : i32
        %parallel_loop3A_484 = arith.constant 1 : i32
        %parallel_loop3A_485 = arith.index_cast %parallel_loop3A_484 : i32 to index
        %parallel_loop3A_486 = arith.index_cast %parallel_loop3A_483 : i32 to index
        %parallel_loop3A_487 = arith.constant 0 : index
        %parallel_loop3A_488 = tpu.vector_load %arg10[%parallel_loop3A_485, %parallel_loop3A_486, %parallel_loop3A_487] {strides = array<i32>} : memref<2x128x128xf32, #tpu.memory_space<vmem>>, vector<16xf32>,
        tpu.vector_store %arg10[%parallel_loop3A_485, %parallel_loop3A_486, %parallel_loop3A_487], %parallel_loop3A_481 {strides = array<i32>} : memref<2x128x128xf32, #tpu.memory_space<vmem>>, vector<16xf32>,
        %parallel_loop3A_489 = arith.constant 3 : i32
        %parallel_loop3A_490 = arith.constant 0 : i32
        %parallel_loop3A_491 = tpu.memref_slice %arg9[%parallel_loop3A_489, %parallel_loop3A_373, %parallel_loop3A_490] : memref<4x128x128xf32, #tpu.memory_space<vmem>> -> memref<1x4x128xf32, #tpu.memory_space<vmem>>
        %parallel_loop3A_492 = tpu.memref_squeeze %parallel_loop3A_491 : memref<1x4x128xf32, #tpu.memory_space<vmem>> -> memref<4x128xf32, #tpu.memory_space<vmem>>
        %parallel_loop3A_493 = tpu.vector_load_idx %parallel_loop3A_492[%broadcast_in_dim3A_87, %get3A_42] : memref<4x128xf32, #tpu.memory_space<vmem>>[vector<16xi32>, vector<16xi32>], vector<16xf32>,
        %parallel_loop3A_494 = arith.constant 8 : i32
        %parallel_loop3A_495 = arith.addi %parallel_loop3A_380, %parallel_loop3A_494 : i32
        %parallel_loop3A_496 = arith.constant 1 : i32
        %parallel_loop3A_497 = arith.index_cast %parallel_loop3A_496 : i32 to index
        %parallel_loop3A_498 = arith.index_cast %parallel_loop3A_495 : i32 to index
        %parallel_loop3A_499 = arith.constant 16 : index
        %parallel_loop3A_500 = tpu.vector_load %arg10[%parallel_loop3A_497, %parallel_loop3A_498, %parallel_loop3A_499] {strides = array<i32>} : memref<2x128x128xf32, #tpu.memory_space<vmem>>, vector<16xf32>,
        tpu.vector_store %arg10[%parallel_loop3A_497, %parallel_loop3A_498, %parallel_loop3A_499], %parallel_loop3A_493 {strides = array<i32>} : memref<2x128x128xf32, #tpu.memory_space<vmem>>, vector<16xf32>,
        %parallel_loop3A_501 = arith.constant 3 : i32
        %parallel_loop3A_502 = arith.constant 0 : i32
        %parallel_loop3A_503 = tpu.memref_slice %arg9[%parallel_loop3A_501, %parallel_loop3A_373, %parallel_loop3A_502] : memref<4x128x128xf32, #tpu.memory_space<vmem>> -> memref<1x4x128xf32, #tpu.memory_space<vmem>>
        %parallel_loop3A_504 = tpu.memref_squeeze %parallel_loop3A_503 : memref<1x4x128xf32, #tpu.memory_space<vmem>> -> memref<4x128xf32, #tpu.memory_space<vmem>>
        %parallel_loop3A_505 = tpu.vector_load_idx %parallel_loop3A_504[%broadcast_in_dim3A_87, %get3A_44] : memref<4x128xf32, #tpu.memory_space<vmem>>[vector<16xi32>, vector<16xi32>], vector<16xf32>,
        %parallel_loop3A_506 = arith.constant 8 : i32
        %parallel_loop3A_507 = arith.addi %parallel_loop3A_380, %parallel_loop3A_506 : i32
        %parallel_loop3A_508 = arith.constant 1 : i32
        %parallel_loop3A_509 = arith.index_cast %parallel_loop3A_508 : i32 to index
        %parallel_loop3A_510 = arith.index_cast %parallel_loop3A_507 : i32 to index
        %parallel_loop3A_511 = arith.constant 32 : index
        %parallel_loop3A_512 = tpu.vector_load %arg10[%parallel_loop3A_509, %parallel_loop3A_510, %parallel_loop3A_511] {strides = array<i32>} : memref<2x128x128xf32, #tpu.memory_space<vmem>>, vector<16xf32>,
        tpu.vector_store %arg10[%parallel_loop3A_509, %parallel_loop3A_510, %parallel_loop3A_511], %parallel_loop3A_505 {strides = array<i32>} : memref<2x128x128xf32, #tpu.memory_space<vmem>>, vector<16xf32>,
        %parallel_loop3A_513 = arith.constant 3 : i32
        %parallel_loop3A_514 = arith.constant 0 : i32
        %parallel_loop3A_515 = tpu.memref_slice %arg9[%parallel_loop3A_513, %parallel_loop3A_373, %parallel_loop3A_514] : memref<4x128x128xf32, #tpu.memory_space<vmem>> -> memref<1x4x128xf32, #tpu.memory_space<vmem>>
        %parallel_loop3A_516 = tpu.memref_squeeze %parallel_loop3A_515 : memref<1x4x128xf32, #tpu.memory_space<vmem>> -> memref<4x128xf32, #tpu.memory_space<vmem>>
        %parallel_loop3A_517 = tpu.vector_load_idx %parallel_loop3A_516[%broadcast_in_dim3A_87, %get3A_46] : memref<4x128xf32, #tpu.memory_space<vmem>>[vector<16xi32>, vector<16xi32>], vector<16xf32>,
        %parallel_loop3A_518 = arith.constant 8 : i32
        %parallel_loop3A_519 = arith.addi %parallel_loop3A_380, %parallel_loop3A_518 : i32
        %parallel_loop3A_520 = arith.constant 1 : i32
        %parallel_loop3A_521 = arith.index_cast %parallel_loop3A_520 : i32 to index
        %parallel_loop3A_522 = arith.index_cast %parallel_loop3A_519 : i32 to index
        %parallel_loop3A_523 = arith.constant 48 : index
        %parallel_loop3A_524 = tpu.vector_load %arg10[%parallel_loop3A_521, %parallel_loop3A_522, %parallel_loop3A_523] {strides = array<i32>} : memref<2x128x128xf32, #tpu.memory_space<vmem>>, vector<16xf32>,
        tpu.vector_store %arg10[%parallel_loop3A_521, %parallel_loop3A_522, %parallel_loop3A_523], %parallel_loop3A_517 {strides = array<i32>} : memref<2x128x128xf32, #tpu.memory_space<vmem>>, vector<16xf32>,
        %parallel_loop3A_525 = arith.constant 3 : i32
        %parallel_loop3A_526 = arith.constant 0 : i32
        %parallel_loop3A_527 = tpu.memref_slice %arg9[%parallel_loop3A_525, %parallel_loop3A_373, %parallel_loop3A_526] : memref<4x128x128xf32, #tpu.memory_space<vmem>> -> memref<1x4x128xf32, #tpu.memory_space<vmem>>
        %parallel_loop3A_528 = tpu.memref_squeeze %parallel_loop3A_527 : memref<1x4x128xf32, #tpu.memory_space<vmem>> -> memref<4x128xf32, #tpu.memory_space<vmem>>
        %parallel_loop3A_529 = tpu.vector_load_idx %parallel_loop3A_528[%broadcast_in_dim3A_87, %get3A_48] : memref<4x128xf32, #tpu.memory_space<vmem>>[vector<16xi32>, vector<16xi32>], vector<16xf32>,
        %parallel_loop3A_530 = arith.constant 8 : i32
        %parallel_loop3A_531 = arith.addi %parallel_loop3A_380, %parallel_loop3A_530 : i32
        %parallel_loop3A_532 = arith.constant 1 : i32
        %parallel_loop3A_533 = arith.index_cast %parallel_loop3A_532 : i32 to index
        %parallel_loop3A_534 = arith.index_cast %parallel_loop3A_531 : i32 to index
        %parallel_loop3A_535 = arith.constant 64 : index
        %parallel_loop3A_536 = tpu.vector_load %arg10[%parallel_loop3A_533, %parallel_loop3A_534, %parallel_loop3A_535] {strides = array<i32>} : memref<2x128x128xf32, #tpu.memory_space<vmem>>, vector<16xf32>,
        tpu.vector_store %arg10[%parallel_loop3A_533, %parallel_loop3A_534, %parallel_loop3A_535], %parallel_loop3A_529 {strides = array<i32>} : memref<2x128x128xf32, #tpu.memory_space<vmem>>, vector<16xf32>,
        %parallel_loop3A_537 = arith.constant 3 : i32
        %parallel_loop3A_538 = arith.constant 0 : i32
        %parallel_loop3A_539 = tpu.memref_slice %arg9[%parallel_loop3A_537, %parallel_loop3A_373, %parallel_loop3A_538] : memref<4x128x128xf32, #tpu.memory_space<vmem>> -> memref<1x4x128xf32, #tpu.memory_space<vmem>>
        %parallel_loop3A_540 = tpu.memref_squeeze %parallel_loop3A_539 : memref<1x4x128xf32, #tpu.memory_space<vmem>> -> memref<4x128xf32, #tpu.memory_space<vmem>>
        %parallel_loop3A_541 = tpu.vector_load_idx %parallel_loop3A_540[%broadcast_in_dim3A_87, %get3A_50] : memref<4x128xf32, #tpu.memory_space<vmem>>[vector<16xi32>, vector<16xi32>], vector<16xf32>,
        %parallel_loop3A_542 = arith.constant 8 : i32
        %parallel_loop3A_543 = arith.addi %parallel_loop3A_380, %parallel_loop3A_542 : i32
        %parallel_loop3A_544 = arith.constant 1 : i32
        %parallel_loop3A_545 = arith.index_cast %parallel_loop3A_544 : i32 to index
        %parallel_loop3A_546 = arith.index_cast %parallel_loop3A_543 : i32 to index
        %parallel_loop3A_547 = arith.constant 80 : index
        %parallel_loop3A_548 = tpu.vector_load %arg10[%parallel_loop3A_545, %parallel_loop3A_546, %parallel_loop3A_547] {strides = array<i32>} : memref<2x128x128xf32, #tpu.memory_space<vmem>>, vector<16xf32>,
        tpu.vector_store %arg10[%parallel_loop3A_545, %parallel_loop3A_546, %parallel_loop3A_547], %parallel_loop3A_541 {strides = array<i32>} : memref<2x128x128xf32, #tpu.memory_space<vmem>>, vector<16xf32>,
        %parallel_loop3A_549 = arith.constant 3 : i32
        %parallel_loop3A_550 = arith.constant 0 : i32
        %parallel_loop3A_551 = tpu.memref_slice %arg9[%parallel_loop3A_549, %parallel_loop3A_373, %parallel_loop3A_550] : memref<4x128x128xf32, #tpu.memory_space<vmem>> -> memref<1x4x128xf32, #tpu.memory_space<vmem>>
        %parallel_loop3A_552 = tpu.memref_squeeze %parallel_loop3A_551 : memref<1x4x128xf32, #tpu.memory_space<vmem>> -> memref<4x128xf32, #tpu.memory_space<vmem>>
        %parallel_loop3A_553 = tpu.vector_load_idx %parallel_loop3A_552[%broadcast_in_dim3A_87, %get3A_52] : memref<4x128xf32, #tpu.memory_space<vmem>>[vector<16xi32>, vector<16xi32>], vector<16xf32>,
        %parallel_loop3A_554 = arith.constant 8 : i32
        %parallel_loop3A_555 = arith.addi %parallel_loop3A_380, %parallel_loop3A_554 : i32
        %parallel_loop3A_556 = arith.constant 1 : i32
        %parallel_loop3A_557 = arith.index_cast %parallel_loop3A_556 : i32 to index
        %parallel_loop3A_558 = arith.index_cast %parallel_loop3A_555 : i32 to index
        %parallel_loop3A_559 = arith.constant 96 : index
        %parallel_loop3A_560 = tpu.vector_load %arg10[%parallel_loop3A_557, %parallel_loop3A_558, %parallel_loop3A_559] {strides = array<i32>} : memref<2x128x128xf32, #tpu.memory_space<vmem>>, vector<16xf32>,
        tpu.vector_store %arg10[%parallel_loop3A_557, %parallel_loop3A_558, %parallel_loop3A_559], %parallel_loop3A_553 {strides = array<i32>} : memref<2x128x128xf32, #tpu.memory_space<vmem>>, vector<16xf32>,
        %parallel_loop3A_561 = arith.constant 3 : i32
        %parallel_loop3A_562 = arith.constant 0 : i32
        %parallel_loop3A_563 = tpu.memref_slice %arg9[%parallel_loop3A_561, %parallel_loop3A_373, %parallel_loop3A_562] : memref<4x128x128xf32, #tpu.memory_space<vmem>> -> memref<1x4x128xf32, #tpu.memory_space<vmem>>
        %parallel_loop3A_564 = tpu.memref_squeeze %parallel_loop3A_563 : memref<1x4x128xf32, #tpu.memory_space<vmem>> -> memref<4x128xf32, #tpu.memory_space<vmem>>
        %parallel_loop3A_565 = tpu.vector_load_idx %parallel_loop3A_564[%broadcast_in_dim3A_87, %get3A_54] : memref<4x128xf32, #tpu.memory_space<vmem>>[vector<16xi32>, vector<16xi32>], vector<16xf32>,
        %parallel_loop3A_566 = arith.constant 8 : i32
        %parallel_loop3A_567 = arith.addi %parallel_loop3A_380, %parallel_loop3A_566 : i32
        %parallel_loop3A_568 = arith.constant 1 : i32
        %parallel_loop3A_569 = arith.index_cast %parallel_loop3A_568 : i32 to index
        %parallel_loop3A_570 = arith.index_cast %parallel_loop3A_567 : i32 to index
        %parallel_loop3A_571 = arith.constant 112 : index
        %parallel_loop3A_572 = tpu.vector_load %arg10[%parallel_loop3A_569, %parallel_loop3A_570, %parallel_loop3A_571] {strides = array<i32>} : memref<2x128x128xf32, #tpu.memory_space<vmem>>, vector<16xf32>,
        tpu.vector_store %arg10[%parallel_loop3A_569, %parallel_loop3A_570, %parallel_loop3A_571], %parallel_loop3A_565 {strides = array<i32>} : memref<2x128x128xf32, #tpu.memory_space<vmem>>, vector<16xf32>,
        %parallel_loop3A_573 = arith.constant 3 : i32
        %parallel_loop3A_574 = arith.constant 0 : i32
        %parallel_loop3A_575 = tpu.memref_slice %arg9[%parallel_loop3A_573, %parallel_loop3A_373, %parallel_loop3A_574] : memref<4x128x128xf32, #tpu.memory_space<vmem>> -> memref<1x4x128xf32, #tpu.memory_space<vmem>>
        %parallel_loop3A_576 = tpu.memref_squeeze %parallel_loop3A_575 : memref<1x4x128xf32, #tpu.memory_space<vmem>> -> memref<4x128xf32, #tpu.memory_space<vmem>>
        %parallel_loop3A_577 = tpu.vector_load_idx %parallel_loop3A_576[%broadcast_in_dim3A_87, %get3A_56] : memref<4x128xf32, #tpu.memory_space<vmem>>[vector<16xi32>, vector<16xi32>], vector<16xf32>,
        %parallel_loop3A_578 = arith.constant 16 : i32
        %parallel_loop3A_579 = arith.addi %parallel_loop3A_380, %parallel_loop3A_578 : i32
        %parallel_loop3A_580 = arith.constant 1 : i32
        %parallel_loop3A_581 = arith.index_cast %parallel_loop3A_580 : i32 to index
        %parallel_loop3A_582 = arith.index_cast %parallel_loop3A_579 : i32 to index
        %parallel_loop3A_583 = arith.constant 0 : index
        %parallel_loop3A_584 = tpu.vector_load %arg10[%parallel_loop3A_581, %parallel_loop3A_582, %parallel_loop3A_583] {strides = array<i32>} : memref<2x128x128xf32, #tpu.memory_space<vmem>>, vector<16xf32>,
        tpu.vector_store %arg10[%parallel_loop3A_581, %parallel_loop3A_582, %parallel_loop3A_583], %parallel_loop3A_577 {strides = array<i32>} : memref<2x128x128xf32, #tpu.memory_space<vmem>>, vector<16xf32>,
        %parallel_loop3A_585 = arith.constant 3 : i32
        %parallel_loop3A_586 = arith.constant 0 : i32
        %parallel_loop3A_587 = tpu.memref_slice %arg9[%parallel_loop3A_585, %parallel_loop3A_373, %parallel_loop3A_586] : memref<4x128x128xf32, #tpu.memory_space<vmem>> -> memref<1x4x128xf32, #tpu.memory_space<vmem>>
        %parallel_loop3A_588 = tpu.memref_squeeze %parallel_loop3A_587 : memref<1x4x128xf32, #tpu.memory_space<vmem>> -> memref<4x128xf32, #tpu.memory_space<vmem>>
        %parallel_loop3A_589 = tpu.vector_load_idx %parallel_loop3A_588[%broadcast_in_dim3A_87, %get3A_58] : memref<4x128xf32, #tpu.memory_space<vmem>>[vector<16xi32>, vector<16xi32>], vector<16xf32>,
        %parallel_loop3A_590 = arith.constant 16 : i32
        %parallel_loop3A_591 = arith.addi %parallel_loop3A_380, %parallel_loop3A_590 : i32
        %parallel_loop3A_592 = arith.constant 1 : i32
        %parallel_loop3A_593 = arith.index_cast %parallel_loop3A_592 : i32 to index
        %parallel_loop3A_594 = arith.index_cast %parallel_loop3A_591 : i32 to index
        %parallel_loop3A_595 = arith.constant 16 : index
        %parallel_loop3A_596 = tpu.vector_load %arg10[%parallel_loop3A_593, %parallel_loop3A_594, %parallel_loop3A_595] {strides = array<i32>} : memref<2x128x128xf32, #tpu.memory_space<vmem>>, vector<16xf32>,
        tpu.vector_store %arg10[%parallel_loop3A_593, %parallel_loop3A_594, %parallel_loop3A_595], %parallel_loop3A_589 {strides = array<i32>} : memref<2x128x128xf32, #tpu.memory_space<vmem>>, vector<16xf32>,
        %parallel_loop3A_597 = arith.constant 3 : i32
        %parallel_loop3A_598 = arith.constant 0 : i32
        %parallel_loop3A_599 = tpu.memref_slice %arg9[%parallel_loop3A_597, %parallel_loop3A_373, %parallel_loop3A_598] : memref<4x128x128xf32, #tpu.memory_space<vmem>> -> memref<1x4x128xf32, #tpu.memory_space<vmem>>
        %parallel_loop3A_600 = tpu.memref_squeeze %parallel_loop3A_599 : memref<1x4x128xf32, #tpu.memory_space<vmem>> -> memref<4x128xf32, #tpu.memory_space<vmem>>
        %parallel_loop3A_601 = tpu.vector_load_idx %parallel_loop3A_600[%broadcast_in_dim3A_87, %get3A_60] : memref<4x128xf32, #tpu.memory_space<vmem>>[vector<16xi32>, vector<16xi32>], vector<16xf32>,
        %parallel_loop3A_602 = arith.constant 16 : i32
        %parallel_loop3A_603 = arith.addi %parallel_loop3A_380, %parallel_loop3A_602 : i32
        %parallel_loop3A_604 = arith.constant 1 : i32
        %parallel_loop3A_605 = arith.index_cast %parallel_loop3A_604 : i32 to index
        %parallel_loop3A_606 = arith.index_cast %parallel_loop3A_603 : i32 to index
        %parallel_loop3A_607 = arith.constant 32 : index
        %parallel_loop3A_608 = tpu.vector_load %arg10[%parallel_loop3A_605, %parallel_loop3A_606, %parallel_loop3A_607] {strides = array<i32>} : memref<2x128x128xf32, #tpu.memory_space<vmem>>, vector<16xf32>,
        tpu.vector_store %arg10[%parallel_loop3A_605, %parallel_loop3A_606, %parallel_loop3A_607], %parallel_loop3A_601 {strides = array<i32>} : memref<2x128x128xf32, #tpu.memory_space<vmem>>, vector<16xf32>,
        %parallel_loop3A_609 = arith.constant 3 : i32
        %parallel_loop3A_610 = arith.constant 0 : i32
        %parallel_loop3A_611 = tpu.memref_slice %arg9[%parallel_loop3A_609, %parallel_loop3A_373, %parallel_loop3A_610] : memref<4x128x128xf32, #tpu.memory_space<vmem>> -> memref<1x4x128xf32, #tpu.memory_space<vmem>>
        %parallel_loop3A_612 = tpu.memref_squeeze %parallel_loop3A_611 : memref<1x4x128xf32, #tpu.memory_space<vmem>> -> memref<4x128xf32, #tpu.memory_space<vmem>>
        %parallel_loop3A_613 = tpu.vector_load_idx %parallel_loop3A_612[%broadcast_in_dim3A_87, %get3A_62] : memref<4x128xf32, #tpu.memory_space<vmem>>[vector<16xi32>, vector<16xi32>], vector<16xf32>,
        %parallel_loop3A_614 = arith.constant 16 : i32
        %parallel_loop3A_615 = arith.addi %parallel_loop3A_380, %parallel_loop3A_614 : i32
        %parallel_loop3A_616 = arith.constant 1 : i32
        %parallel_loop3A_617 = arith.index_cast %parallel_loop3A_616 : i32 to index
        %parallel_loop3A_618 = arith.index_cast %parallel_loop3A_615 : i32 to index
        %parallel_loop3A_619 = arith.constant 48 : index
        %parallel_loop3A_620 = tpu.vector_load %arg10[%parallel_loop3A_617, %parallel_loop3A_618, %parallel_loop3A_619] {strides = array<i32>} : memref<2x128x128xf32, #tpu.memory_space<vmem>>, vector<16xf32>,
        tpu.vector_store %arg10[%parallel_loop3A_617, %parallel_loop3A_618, %parallel_loop3A_619], %parallel_loop3A_613 {strides = array<i32>} : memref<2x128x128xf32, #tpu.memory_space<vmem>>, vector<16xf32>,
        %parallel_loop3A_621 = arith.constant 3 : i32
        %parallel_loop3A_622 = arith.constant 0 : i32
        %parallel_loop3A_623 = tpu.memref_slice %arg9[%parallel_loop3A_621, %parallel_loop3A_373, %parallel_loop3A_622] : memref<4x128x128xf32, #tpu.memory_space<vmem>> -> memref<1x4x128xf32, #tpu.memory_space<vmem>>
        %parallel_loop3A_624 = tpu.memref_squeeze %parallel_loop3A_623 : memref<1x4x128xf32, #tpu.memory_space<vmem>> -> memref<4x128xf32, #tpu.memory_space<vmem>>
        %parallel_loop3A_625 = tpu.vector_load_idx %parallel_loop3A_624[%broadcast_in_dim3A_87, %get3A_64] : memref<4x128xf32, #tpu.memory_space<vmem>>[vector<16xi32>, vector<16xi32>], vector<16xf32>,
        %parallel_loop3A_626 = arith.constant 16 : i32
        %parallel_loop3A_627 = arith.addi %parallel_loop3A_380, %parallel_loop3A_626 : i32
        %parallel_loop3A_628 = arith.constant 1 : i32
        %parallel_loop3A_629 = arith.index_cast %parallel_loop3A_628 : i32 to index
        %parallel_loop3A_630 = arith.index_cast %parallel_loop3A_627 : i32 to index
        %parallel_loop3A_631 = arith.constant 64 : index
        %parallel_loop3A_632 = tpu.vector_load %arg10[%parallel_loop3A_629, %parallel_loop3A_630, %parallel_loop3A_631] {strides = array<i32>} : memref<2x128x128xf32, #tpu.memory_space<vmem>>, vector<16xf32>,
        tpu.vector_store %arg10[%parallel_loop3A_629, %parallel_loop3A_630, %parallel_loop3A_631], %parallel_loop3A_625 {strides = array<i32>} : memref<2x128x128xf32, #tpu.memory_space<vmem>>, vector<16xf32>,
        %parallel_loop3A_633 = arith.constant 3 : i32
        %parallel_loop3A_634 = arith.constant 0 : i32
        %parallel_loop3A_635 = tpu.memref_slice %arg9[%parallel_loop3A_633, %parallel_loop3A_373, %parallel_loop3A_634] : memref<4x128x128xf32, #tpu.memory_space<vmem>> -> memref<1x4x128xf32, #tpu.memory_space<vmem>>
        %parallel_loop3A_636 = tpu.memref_squeeze %parallel_loop3A_635 : memref<1x4x128xf32, #tpu.memory_space<vmem>> -> memref<4x128xf32, #tpu.memory_space<vmem>>
        %parallel_loop3A_637 = tpu.vector_load_idx %parallel_loop3A_636[%broadcast_in_dim3A_87, %get3A_66] : memref<4x128xf32, #tpu.memory_space<vmem>>[vector<16xi32>, vector<16xi32>], vector<16xf32>,
        %parallel_loop3A_638 = arith.constant 16 : i32
        %parallel_loop3A_639 = arith.addi %parallel_loop3A_380, %parallel_loop3A_638 : i32
        %parallel_loop3A_640 = arith.constant 1 : i32
        %parallel_loop3A_641 = arith.index_cast %parallel_loop3A_640 : i32 to index
        %parallel_loop3A_642 = arith.index_cast %parallel_loop3A_639 : i32 to index
        %parallel_loop3A_643 = arith.constant 80 : index
        %parallel_loop3A_644 = tpu.vector_load %arg10[%parallel_loop3A_641, %parallel_loop3A_642, %parallel_loop3A_643] {strides = array<i32>} : memref<2x128x128xf32, #tpu.memory_space<vmem>>, vector<16xf32>,
        tpu.vector_store %arg10[%parallel_loop3A_641, %parallel_loop3A_642, %parallel_loop3A_643], %parallel_loop3A_637 {strides = array<i32>} : memref<2x128x128xf32, #tpu.memory_space<vmem>>, vector<16xf32>,
        %parallel_loop3A_645 = arith.constant 3 : i32
        %parallel_loop3A_646 = arith.constant 0 : i32
        %parallel_loop3A_647 = tpu.memref_slice %arg9[%parallel_loop3A_645, %parallel_loop3A_373, %parallel_loop3A_646] : memref<4x128x128xf32, #tpu.memory_space<vmem>> -> memref<1x4x128xf32, #tpu.memory_space<vmem>>
        %parallel_loop3A_648 = tpu.memref_squeeze %parallel_loop3A_647 : memref<1x4x128xf32, #tpu.memory_space<vmem>> -> memref<4x128xf32, #tpu.memory_space<vmem>>
        %parallel_loop3A_649 = tpu.vector_load_idx %parallel_loop3A_648[%broadcast_in_dim3A_87, %get3A_68] : memref<4x128xf32, #tpu.memory_space<vmem>>[vector<16xi32>, vector<16xi32>], vector<16xf32>,
        %parallel_loop3A_650 = arith.constant 16 : i32
        %parallel_loop3A_651 = arith.addi %parallel_loop3A_380, %parallel_loop3A_650 : i32
        %parallel_loop3A_652 = arith.constant 1 : i32
        %parallel_loop3A_653 = arith.index_cast %parallel_loop3A_652 : i32 to index
        %parallel_loop3A_654 = arith.index_cast %parallel_loop3A_651 : i32 to index
        %parallel_loop3A_655 = arith.constant 96 : index
        %parallel_loop3A_656 = tpu.vector_load %arg10[%parallel_loop3A_653, %parallel_loop3A_654, %parallel_loop3A_655] {strides = array<i32>} : memref<2x128x128xf32, #tpu.memory_space<vmem>>, vector<16xf32>,
        tpu.vector_store %arg10[%parallel_loop3A_653, %parallel_loop3A_654, %parallel_loop3A_655], %parallel_loop3A_649 {strides = array<i32>} : memref<2x128x128xf32, #tpu.memory_space<vmem>>, vector<16xf32>,
        %parallel_loop3A_657 = arith.constant 3 : i32
        %parallel_loop3A_658 = arith.constant 0 : i32
        %parallel_loop3A_659 = tpu.memref_slice %arg9[%parallel_loop3A_657, %parallel_loop3A_373, %parallel_loop3A_658] : memref<4x128x128xf32, #tpu.memory_space<vmem>> -> memref<1x4x128xf32, #tpu.memory_space<vmem>>
        %parallel_loop3A_660 = tpu.memref_squeeze %parallel_loop3A_659 : memref<1x4x128xf32, #tpu.memory_space<vmem>> -> memref<4x128xf32, #tpu.memory_space<vmem>>
        %parallel_loop3A_661 = tpu.vector_load_idx %parallel_loop3A_660[%broadcast_in_dim3A_87, %get3A_70] : memref<4x128xf32, #tpu.memory_space<vmem>>[vector<16xi32>, vector<16xi32>], vector<16xf32>,
        %parallel_loop3A_662 = arith.constant 16 : i32
        %parallel_loop3A_663 = arith.addi %parallel_loop3A_380, %parallel_loop3A_662 : i32
        %parallel_loop3A_664 = arith.constant 1 : i32
        %parallel_loop3A_665 = arith.index_cast %parallel_loop3A_664 : i32 to index
        %parallel_loop3A_666 = arith.index_cast %parallel_loop3A_663 : i32 to index
        %parallel_loop3A_667 = arith.constant 112 : index
        %parallel_loop3A_668 = tpu.vector_load %arg10[%parallel_loop3A_665, %parallel_loop3A_666, %parallel_loop3A_667] {strides = array<i32>} : memref<2x128x128xf32, #tpu.memory_space<vmem>>, vector<16xf32>,
        tpu.vector_store %arg10[%parallel_loop3A_665, %parallel_loop3A_666, %parallel_loop3A_667], %parallel_loop3A_661 {strides = array<i32>} : memref<2x128x128xf32, #tpu.memory_space<vmem>>, vector<16xf32>,
        %parallel_loop3A_669 = arith.constant 3 : i32
        %parallel_loop3A_670 = arith.constant 0 : i32
        %parallel_loop3A_671 = tpu.memref_slice %arg9[%parallel_loop3A_669, %parallel_loop3A_373, %parallel_loop3A_670] : memref<4x128x128xf32, #tpu.memory_space<vmem>> -> memref<1x4x128xf32, #tpu.memory_space<vmem>>
        %parallel_loop3A_672 = tpu.memref_squeeze %parallel_loop3A_671 : memref<1x4x128xf32, #tpu.memory_space<vmem>> -> memref<4x128xf32, #tpu.memory_space<vmem>>
        %parallel_loop3A_673 = tpu.vector_load_idx %parallel_loop3A_672[%broadcast_in_dim3A_87, %get3A_72] : memref<4x128xf32, #tpu.memory_space<vmem>>[vector<16xi32>, vector<16xi32>], vector<16xf32>,
        %parallel_loop3A_674 = arith.constant 24 : i32
        %parallel_loop3A_675 = arith.addi %parallel_loop3A_380, %parallel_loop3A_674 : i32
        %parallel_loop3A_676 = arith.constant 1 : i32
        %parallel_loop3A_677 = arith.index_cast %parallel_loop3A_676 : i32 to index
        %parallel_loop3A_678 = arith.index_cast %parallel_loop3A_675 : i32 to index
        %parallel_loop3A_679 = arith.constant 0 : index
        %parallel_loop3A_680 = tpu.vector_load %arg10[%parallel_loop3A_677, %parallel_loop3A_678, %parallel_loop3A_679] {strides = array<i32>} : memref<2x128x128xf32, #tpu.memory_space<vmem>>, vector<16xf32>,
        tpu.vector_store %arg10[%parallel_loop3A_677, %parallel_loop3A_678, %parallel_loop3A_679], %parallel_loop3A_673 {strides = array<i32>} : memref<2x128x128xf32, #tpu.memory_space<vmem>>, vector<16xf32>,
        %parallel_loop3A_681 = arith.constant 3 : i32
        %parallel_loop3A_682 = arith.constant 0 : i32
        %parallel_loop3A_683 = tpu.memref_slice %arg9[%parallel_loop3A_681, %parallel_loop3A_373, %parallel_loop3A_682] : memref<4x128x128xf32, #tpu.memory_space<vmem>> -> memref<1x4x128xf32, #tpu.memory_space<vmem>>
        %parallel_loop3A_684 = tpu.memref_squeeze %parallel_loop3A_683 : memref<1x4x128xf32, #tpu.memory_space<vmem>> -> memref<4x128xf32, #tpu.memory_space<vmem>>
        %parallel_loop3A_685 = tpu.vector_load_idx %parallel_loop3A_684[%broadcast_in_dim3A_87, %get3A_74] : memref<4x128xf32, #tpu.memory_space<vmem>>[vector<16xi32>, vector<16xi32>], vector<16xf32>,
        %parallel_loop3A_686 = arith.constant 24 : i32
        %parallel_loop3A_687 = arith.addi %parallel_loop3A_380, %parallel_loop3A_686 : i32
        %parallel_loop3A_688 = arith.constant 1 : i32
        %parallel_loop3A_689 = arith.index_cast %parallel_loop3A_688 : i32 to index
        %parallel_loop3A_690 = arith.index_cast %parallel_loop3A_687 : i32 to index
        %parallel_loop3A_691 = arith.constant 16 : index
        %parallel_loop3A_692 = tpu.vector_load %arg10[%parallel_loop3A_689, %parallel_loop3A_690, %parallel_loop3A_691] {strides = array<i32>} : memref<2x128x128xf32, #tpu.memory_space<vmem>>, vector<16xf32>,
        tpu.vector_store %arg10[%parallel_loop3A_689, %parallel_loop3A_690, %parallel_loop3A_691], %parallel_loop3A_685 {strides = array<i32>} : memref<2x128x128xf32, #tpu.memory_space<vmem>>, vector<16xf32>,
        %parallel_loop3A_693 = arith.constant 3 : i32
        %parallel_loop3A_694 = arith.constant 0 : i32
        %parallel_loop3A_695 = tpu.memref_slice %arg9[%parallel_loop3A_693, %parallel_loop3A_373, %parallel_loop3A_694] : memref<4x128x128xf32, #tpu.memory_space<vmem>> -> memref<1x4x128xf32, #tpu.memory_space<vmem>>
        %parallel_loop3A_696 = tpu.memref_squeeze %parallel_loop3A_695 : memref<1x4x128xf32, #tpu.memory_space<vmem>> -> memref<4x128xf32, #tpu.memory_space<vmem>>
        %parallel_loop3A_697 = tpu.vector_load_idx %parallel_loop3A_696[%broadcast_in_dim3A_87, %get3A_76] : memref<4x128xf32, #tpu.memory_space<vmem>>[vector<16xi32>, vector<16xi32>], vector<16xf32>,
        %parallel_loop3A_698 = arith.constant 24 : i32
        %parallel_loop3A_699 = arith.addi %parallel_loop3A_380, %parallel_loop3A_698 : i32
        %parallel_loop3A_700 = arith.constant 1 : i32
        %parallel_loop3A_701 = arith.index_cast %parallel_loop3A_700 : i32 to index
        %parallel_loop3A_702 = arith.index_cast %parallel_loop3A_699 : i32 to index
        %parallel_loop3A_703 = arith.constant 32 : index
        %parallel_loop3A_704 = tpu.vector_load %arg10[%parallel_loop3A_701, %parallel_loop3A_702, %parallel_loop3A_703] {strides = array<i32>} : memref<2x128x128xf32, #tpu.memory_space<vmem>>, vector<16xf32>,
        tpu.vector_store %arg10[%parallel_loop3A_701, %parallel_loop3A_702, %parallel_loop3A_703], %parallel_loop3A_697 {strides = array<i32>} : memref<2x128x128xf32, #tpu.memory_space<vmem>>, vector<16xf32>,
        %parallel_loop3A_705 = arith.constant 3 : i32
        %parallel_loop3A_706 = arith.constant 0 : i32
        %parallel_loop3A_707 = tpu.memref_slice %arg9[%parallel_loop3A_705, %parallel_loop3A_373, %parallel_loop3A_706] : memref<4x128x128xf32, #tpu.memory_space<vmem>> -> memref<1x4x128xf32, #tpu.memory_space<vmem>>
        %parallel_loop3A_708 = tpu.memref_squeeze %parallel_loop3A_707 : memref<1x4x128xf32, #tpu.memory_space<vmem>> -> memref<4x128xf32, #tpu.memory_space<vmem>>
        %parallel_loop3A_709 = tpu.vector_load_idx %parallel_loop3A_708[%broadcast_in_dim3A_87, %get3A_78] : memref<4x128xf32, #tpu.memory_space<vmem>>[vector<16xi32>, vector<16xi32>], vector<16xf32>,
        %parallel_loop3A_710 = arith.constant 24 : i32
        %parallel_loop3A_711 = arith.addi %parallel_loop3A_380, %parallel_loop3A_710 : i32
        %parallel_loop3A_712 = arith.constant 1 : i32
        %parallel_loop3A_713 = arith.index_cast %parallel_loop3A_712 : i32 to index
        %parallel_loop3A_714 = arith.index_cast %parallel_loop3A_711 : i32 to index
        %parallel_loop3A_715 = arith.constant 48 : index
        %parallel_loop3A_716 = tpu.vector_load %arg10[%parallel_loop3A_713, %parallel_loop3A_714, %parallel_loop3A_715] {strides = array<i32>} : memref<2x128x128xf32, #tpu.memory_space<vmem>>, vector<16xf32>,
        tpu.vector_store %arg10[%parallel_loop3A_713, %parallel_loop3A_714, %parallel_loop3A_715], %parallel_loop3A_709 {strides = array<i32>} : memref<2x128x128xf32, #tpu.memory_space<vmem>>, vector<16xf32>,
        %parallel_loop3A_717 = arith.constant 3 : i32
        %parallel_loop3A_718 = arith.constant 0 : i32
        %parallel_loop3A_719 = tpu.memref_slice %arg9[%parallel_loop3A_717, %parallel_loop3A_373, %parallel_loop3A_718] : memref<4x128x128xf32, #tpu.memory_space<vmem>> -> memref<1x4x128xf32, #tpu.memory_space<vmem>>
        %parallel_loop3A_720 = tpu.memref_squeeze %parallel_loop3A_719 : memref<1x4x128xf32, #tpu.memory_space<vmem>> -> memref<4x128xf32, #tpu.memory_space<vmem>>
        %parallel_loop3A_721 = tpu.vector_load_idx %parallel_loop3A_720[%broadcast_in_dim3A_87, %get3A_80] : memref<4x128xf32, #tpu.memory_space<vmem>>[vector<16xi32>, vector<16xi32>], vector<16xf32>,
        %parallel_loop3A_722 = arith.constant 24 : i32
        %parallel_loop3A_723 = arith.addi %parallel_loop3A_380, %parallel_loop3A_722 : i32
        %parallel_loop3A_724 = arith.constant 1 : i32
        %parallel_loop3A_725 = arith.index_cast %parallel_loop3A_724 : i32 to index
        %parallel_loop3A_726 = arith.index_cast %parallel_loop3A_723 : i32 to index
        %parallel_loop3A_727 = arith.constant 64 : index
        %parallel_loop3A_728 = tpu.vector_load %arg10[%parallel_loop3A_725, %parallel_loop3A_726, %parallel_loop3A_727] {strides = array<i32>} : memref<2x128x128xf32, #tpu.memory_space<vmem>>, vector<16xf32>,
        tpu.vector_store %arg10[%parallel_loop3A_725, %parallel_loop3A_726, %parallel_loop3A_727], %parallel_loop3A_721 {strides = array<i32>} : memref<2x128x128xf32, #tpu.memory_space<vmem>>, vector<16xf32>,
        %parallel_loop3A_729 = arith.constant 3 : i32
        %parallel_loop3A_730 = arith.constant 0 : i32
        %parallel_loop3A_731 = tpu.memref_slice %arg9[%parallel_loop3A_729, %parallel_loop3A_373, %parallel_loop3A_730] : memref<4x128x128xf32, #tpu.memory_space<vmem>> -> memref<1x4x128xf32, #tpu.memory_space<vmem>>
        %parallel_loop3A_732 = tpu.memref_squeeze %parallel_loop3A_731 : memref<1x4x128xf32, #tpu.memory_space<vmem>> -> memref<4x128xf32, #tpu.memory_space<vmem>>
        %parallel_loop3A_733 = tpu.vector_load_idx %parallel_loop3A_732[%broadcast_in_dim3A_87, %get3A_82] : memref<4x128xf32, #tpu.memory_space<vmem>>[vector<16xi32>, vector<16xi32>], vector<16xf32>,
        %parallel_loop3A_734 = arith.constant 24 : i32
        %parallel_loop3A_735 = arith.addi %parallel_loop3A_380, %parallel_loop3A_734 : i32
        %parallel_loop3A_736 = arith.constant 1 : i32
        %parallel_loop3A_737 = arith.index_cast %parallel_loop3A_736 : i32 to index
        %parallel_loop3A_738 = arith.index_cast %parallel_loop3A_735 : i32 to index
        %parallel_loop3A_739 = arith.constant 80 : index
        %parallel_loop3A_740 = tpu.vector_load %arg10[%parallel_loop3A_737, %parallel_loop3A_738, %parallel_loop3A_739] {strides = array<i32>} : memref<2x128x128xf32, #tpu.memory_space<vmem>>, vector<16xf32>,
        tpu.vector_store %arg10[%parallel_loop3A_737, %parallel_loop3A_738, %parallel_loop3A_739], %parallel_loop3A_733 {strides = array<i32>} : memref<2x128x128xf32, #tpu.memory_space<vmem>>, vector<16xf32>,
        %parallel_loop3A_741 = arith.constant 3 : i32
        %parallel_loop3A_742 = arith.constant 0 : i32
        %parallel_loop3A_743 = tpu.memref_slice %arg9[%parallel_loop3A_741, %parallel_loop3A_373, %parallel_loop3A_742] : memref<4x128x128xf32, #tpu.memory_space<vmem>> -> memref<1x4x128xf32, #tpu.memory_space<vmem>>
        %parallel_loop3A_744 = tpu.memref_squeeze %parallel_loop3A_743 : memref<1x4x128xf32, #tpu.memory_space<vmem>> -> memref<4x128xf32, #tpu.memory_space<vmem>>
        %parallel_loop3A_745 = tpu.vector_load_idx %parallel_loop3A_744[%broadcast_in_dim3A_87, %get3A_84] : memref<4x128xf32, #tpu.memory_space<vmem>>[vector<16xi32>, vector<16xi32>], vector<16xf32>,
        %parallel_loop3A_746 = arith.constant 24 : i32
        %parallel_loop3A_747 = arith.addi %parallel_loop3A_380, %parallel_loop3A_746 : i32
        %parallel_loop3A_748 = arith.constant 1 : i32
        %parallel_loop3A_749 = arith.index_cast %parallel_loop3A_748 : i32 to index
        %parallel_loop3A_750 = arith.index_cast %parallel_loop3A_747 : i32 to index
        %parallel_loop3A_751 = arith.constant 96 : index
        %parallel_loop3A_752 = tpu.vector_load %arg10[%parallel_loop3A_749, %parallel_loop3A_750, %parallel_loop3A_751] {strides = array<i32>} : memref<2x128x128xf32, #tpu.memory_space<vmem>>, vector<16xf32>,
        tpu.vector_store %arg10[%parallel_loop3A_749, %parallel_loop3A_750, %parallel_loop3A_751], %parallel_loop3A_745 {strides = array<i32>} : memref<2x128x128xf32, #tpu.memory_space<vmem>>, vector<16xf32>,
        %parallel_loop3A_753 = arith.constant 3 : i32
        %parallel_loop3A_754 = arith.constant 0 : i32
        %parallel_loop3A_755 = tpu.memref_slice %arg9[%parallel_loop3A_753, %parallel_loop3A_373, %parallel_loop3A_754] : memref<4x128x128xf32, #tpu.memory_space<vmem>> -> memref<1x4x128xf32, #tpu.memory_space<vmem>>
        %parallel_loop3A_756 = tpu.memref_squeeze %parallel_loop3A_755 : memref<1x4x128xf32, #tpu.memory_space<vmem>> -> memref<4x128xf32, #tpu.memory_space<vmem>>
        %parallel_loop3A_757 = tpu.vector_load_idx %parallel_loop3A_756[%broadcast_in_dim3A_87, %get3A_86] : memref<4x128xf32, #tpu.memory_space<vmem>>[vector<16xi32>, vector<16xi32>], vector<16xf32>,
        %parallel_loop3A_758 = arith.constant 24 : i32
        %parallel_loop3A_759 = arith.addi %parallel_loop3A_380, %parallel_loop3A_758 : i32
        %parallel_loop3A_760 = arith.constant 1 : i32
        %parallel_loop3A_761 = arith.index_cast %parallel_loop3A_760 : i32 to index
        %parallel_loop3A_762 = arith.index_cast %parallel_loop3A_759 : i32 to index
        %parallel_loop3A_763 = arith.constant 112 : index
        %parallel_loop3A_764 = tpu.vector_load %arg10[%parallel_loop3A_761, %parallel_loop3A_762, %parallel_loop3A_763] {strides = array<i32>} : memref<2x128x128xf32, #tpu.memory_space<vmem>>, vector<16xf32>,
        tpu.vector_store %arg10[%parallel_loop3A_761, %parallel_loop3A_762, %parallel_loop3A_763], %parallel_loop3A_757 {strides = array<i32>} : memref<2x128x128xf32, #tpu.memory_space<vmem>>, vector<16xf32>,
      } {sc.loop_unroll_factor = 1 : i64, sc.parallel_access}
      %mul3A_352 = arith.constant 128 : i32
      %mul3A_353 = arith.muli %add3A_322, %mul3A_352 : i32
      %add3A_354 = arith.addi %mul3A_4, %mul3A_353 : i32
      %dma_start3A_355 = arith.constant 1 : i32
      %dma_start3A_356 = arith.constant 1 : i32
      %dma_start3A_357 = arith.constant 0 : i32
      %dma_start3A_358 = arith.constant 0 : i32
      %dma_start3A_359 = tpu.memref_slice %arg10[%dma_start3A_355, %dma_start3A_357, %dma_start3A_358] : memref<2x128x128xf32, #tpu.memory_space<vmem>> -> memref<1x128x128xf32, #tpu.memory_space<vmem>>
      %dma_start3A_360 = tpu.memref_squeeze %dma_start3A_359 : memref<1x128x128xf32, #tpu.memory_space<vmem>> -> memref<128x128xf32, #tpu.memory_space<vmem>>
      %dma_start3A_361 = arith.constant 0 : i32
      %dma_start3A_362 = tpu.memref_slice %arg5[%add3A_354, %dma_start3A_361] : memref<131072x128xf32, #tpu.memory_space<hbm>> -> memref<128x128xf32, #tpu.memory_space<hbm>>
      %dma_start3A_363 = tpu.memref_slice %arg12[%dma_start3A_356] : memref<2x!tpu.dma_semaphore, #tpu.memory_space<semaphore_mem>> -> memref<1x!tpu.dma_semaphore, #tpu.memory_space<semaphore_mem>>
      %dma_start3A_364 = tpu.memref_squeeze %dma_start3A_363 : memref<1x!tpu.dma_semaphore, #tpu.memory_space<semaphore_mem>> -> memref<!tpu.dma_semaphore, #tpu.memory_space<semaphore_mem>>
      %dma_start3A_365 = arith.constant 0 : i32
      %dma_start3A_366 = tpu.memref_slice %arg5[%add3A_354, %dma_start3A_365] : memref<131072x128xf32, #tpu.memory_space<hbm>> -> memref<128x128xf32, #tpu.memory_space<hbm>>
      %dma_start3A_367 = arith.constant 0 : i32
      %dma_start3A_368 = arith.constant 0 : i32
      %dma_start3A_369 = tpu.memref_slice %arg10[%dma_start3A_355, %dma_start3A_367, %dma_start3A_368] : memref<2x128x128xf32, #tpu.memory_space<vmem>> -> memref<1x128x128xf32, #tpu.memory_space<vmem>>
      %dma_start3A_370 = tpu.memref_squeeze %dma_start3A_369 : memref<1x128x128xf32, #tpu.memory_space<vmem>> -> memref<128x128xf32, #tpu.memory_space<vmem>>
      tpu.enqueue_dma source(%dma_start3A_370 : memref<128x128xf32, #tpu.memory_space<vmem>>) target(%dma_start3A_366 : memref<128x128xf32, #tpu.memory_space<hbm>>) target_semaphore(%dma_start3A_364 : memref<!tpu.dma_semaphore, #tpu.memory_space<semaphore_mem>>)
    }
    %scan3A_131 = arith.constant 8 : i32
    %add3A_132 = arith.constant 3840 : i32
    %add3A_133 = arith.addi %mul3A_4, %add3A_132 : i32
    %dma_wait3A = arith.constant 0 : i32
    %dma_wait3A_134 = arith.constant 0 : i32
    %dma_wait3A_135 = arith.constant 0 : i32
    %dma_wait3A_136 = arith.constant 0 : i32
    %dma_wait3A_137 = tpu.memref_slice %arg10[%dma_wait3A, %dma_wait3A_135, %dma_wait3A_136] : memref<2x128x128xf32, #tpu.memory_space<vmem>> -> memref<1x128x128xf32, #tpu.memory_space<vmem>>
    %dma_wait3A_138 = tpu.memref_squeeze %dma_wait3A_137 : memref<1x128x128xf32, #tpu.memory_space<vmem>> -> memref<128x128xf32, #tpu.memory_space<vmem>>
    %dma_wait3A_139 = arith.constant 0 : i32
    %dma_wait3A_140 = tpu.memref_slice %arg5[%add3A_133, %dma_wait3A_139] : memref<131072x128xf32, #tpu.memory_space<hbm>> -> memref<128x128xf32, #tpu.memory_space<hbm>>
    %dma_wait3A_141 = tpu.memref_slice %arg12[%dma_wait3A_134] : memref<2x!tpu.dma_semaphore, #tpu.memory_space<semaphore_mem>> -> memref<1x!tpu.dma_semaphore, #tpu.memory_space<semaphore_mem>>
    %dma_wait3A_142 = tpu.memref_squeeze %dma_wait3A_141 : memref<1x!tpu.dma_semaphore, #tpu.memory_space<semaphore_mem>> -> memref<!tpu.dma_semaphore, #tpu.memory_space<semaphore_mem>>
    %dma_wait3A_143 = arith.constant 0 : i32
    %dma_wait3A_144 = tpu.memref_slice %arg5[%add3A_133, %dma_wait3A_143] : memref<131072x128xf32, #tpu.memory_space<hbm>> -> memref<128x128xf32, #tpu.memory_space<hbm>>
    %dma_wait3A_145 = arith.constant 0 : i32
    %dma_wait3A_146 = arith.constant 0 : i32
    %dma_wait3A_147 = tpu.memref_slice %arg10[%dma_wait3A, %dma_wait3A_145, %dma_wait3A_146] : memref<2x128x128xf32, #tpu.memory_space<vmem>> -> memref<1x128x128xf32, #tpu.memory_space<vmem>>
    %dma_wait3A_148 = tpu.memref_squeeze %dma_wait3A_147 : memref<1x128x128xf32, #tpu.memory_space<vmem>> -> memref<128x128xf32, #tpu.memory_space<vmem>>
    tpu.wait_dma2 semaphore(%dma_wait3A_142 : memref<!tpu.dma_semaphore, #tpu.memory_space<semaphore_mem>>) src(%dma_wait3A_148 : memref<128x128xf32, #tpu.memory_space<vmem>>) dst(%dma_wait3A_144 : memref<128x128xf32, #tpu.memory_space<hbm>>)
    %add3A_149 = arith.constant 3968 : i32
    %add3A_150 = arith.addi %mul3A_4, %add3A_149 : i32
    %dma_wait3A_151 = arith.constant 1 : i32
    %dma_wait3A_152 = arith.constant 1 : i32
    %dma_wait3A_153 = arith.constant 0 : i32
    %dma_wait3A_154 = arith.constant 0 : i32
    %dma_wait3A_155 = tpu.memref_slice %arg10[%dma_wait3A_151, %dma_wait3A_153, %dma_wait3A_154] : memref<2x128x128xf32, #tpu.memory_space<vmem>> -> memref<1x128x128xf32, #tpu.memory_space<vmem>>
    %dma_wait3A_156 = tpu.memref_squeeze %dma_wait3A_155 : memref<1x128x128xf32, #tpu.memory_space<vmem>> -> memref<128x128xf32, #tpu.memory_space<vmem>>
    %dma_wait3A_157 = arith.constant 0 : i32
    %dma_wait3A_158 = tpu.memref_slice %arg5[%add3A_150, %dma_wait3A_157] : memref<131072x128xf32, #tpu.memory_space<hbm>> -> memref<128x128xf32, #tpu.memory_space<hbm>>
    %dma_wait3A_159 = tpu.memref_slice %arg12[%dma_wait3A_152] : memref<2x!tpu.dma_semaphore, #tpu.memory_space<semaphore_mem>> -> memref<1x!tpu.dma_semaphore, #tpu.memory_space<semaphore_mem>>
    %dma_wait3A_160 = tpu.memref_squeeze %dma_wait3A_159 : memref<1x!tpu.dma_semaphore, #tpu.memory_space<semaphore_mem>> -> memref<!tpu.dma_semaphore, #tpu.memory_space<semaphore_mem>>
    %dma_wait3A_161 = arith.constant 0 : i32
    %dma_wait3A_162 = tpu.memref_slice %arg5[%add3A_150, %dma_wait3A_161] : memref<131072x128xf32, #tpu.memory_space<hbm>> -> memref<128x128xf32, #tpu.memory_space<hbm>>
    %dma_wait3A_163 = arith.constant 0 : i32
    %dma_wait3A_164 = arith.constant 0 : i32
    %dma_wait3A_165 = tpu.memref_slice %arg10[%dma_wait3A_151, %dma_wait3A_163, %dma_wait3A_164] : memref<2x128x128xf32, #tpu.memory_space<vmem>> -> memref<1x128x128xf32, #tpu.memory_space<vmem>>
    %dma_wait3A_166 = tpu.memref_squeeze %dma_wait3A_165 : memref<1x128x128xf32, #tpu.memory_space<vmem>> -> memref<128x128xf32, #tpu.memory_space<vmem>>
    tpu.wait_dma2 semaphore(%dma_wait3A_160 : memref<!tpu.dma_semaphore, #tpu.memory_space<semaphore_mem>>) src(%dma_wait3A_166 : memref<128x128xf32, #tpu.memory_space<vmem>>) dst(%dma_wait3A_162 : memref<128x128xf32, #tpu.memory_space<hbm>>)
    return
  }
}

</mosaic_0001>

<sc_bundles>
// kernel: kernel.3.cloned.1.call-start
scs
__scs_entry_jumppad:
0x0: {  	(pc) =	sbr.rel $0x88, $3  }
0x1: {  	(tag) =	ssettag $0x0;
	lr =	simm.s32 $0x1  }
0x2: {  	[smem:$0x3F9E] =	sst lr;
	_ =	strace $0xD0000000  }
0x3: {  	_ = 	snop  }
0x4: {  	_ = 	snop  }
0x5: {  	_ = 	snop  }
0x6: {  	_ = 	snop  }
0x7: {  	_ = 	snop  }
__scs_overlays_trampoline_lowered:
0x8: {  	[smem:$0x3FAD] =	sst s0  }
0x9: {  	[smem:$0x3FAE] =	sst s1  }
0xa: {  	[smem:$0x3FAF] =	sst s2  }
0xb: {  	[smem:$0x3FB0] =	sst s3  }
0xc: {  	[smem:$0x3FB1] =	sst s4  }
0xd: {  	[smem:$0x3FB2] =	sst s5  }
0xe: {  	[smem:$0x3FB3] =	sst s6  }
0xf: {  	[smem:$0x3FB4] =	sst s7  }
0x10: {  	[smem:$0x3FB5] =	sst s8  }
0x11: {  	[smem:$0x3FB6] =	sst s9;
	s0 =	simm.s32 @!p0 $0x0  }
0x12: {  	s1 =	sld [smem:$0x3F9C];
	s0 =	simm.s32 @p0 $0x1  }
0x13: {  	[smem:$0x3FB7] =	sst s0;
	s0 =	simm.s32 @!p1 $0x0  }
0x14: {  	s2 =	sld [smem:$0x3F9B];
	s0 =	simm.s32 @p1 $0x1  }
0x15: {  	[smem:$0x3FB8] =	sst s0;
	s0 =	simm.s32 @!p2 $0x0  }
0x16: {  	s3 =	sld [smem:$0x3FDB];
	s0 =	simm.s32 @p2 $0x1  }
0x17: {  	s4 =	simm.s32 $0x1BF5;
	[smem:$0x3FBA] =	sst s0  }
0x18: {  	s0 =	sld [smem:$0x3F9D];
	_ =	swait.ge [sflag:s4], $0x0  }
0x19: {  	s7 =	sld [smem:$0x3F9E]  }
0x1a: {  	s8 =	sadd.s32 $0xFFFFE003, lr  }
0x1b: {  	s9 =	sadd.s32 $0xFFFFFEF7, lr;
	s5 =	simm.s32 $0xFFFFFFFF;
	p2 =	slt.u32 s8, $0xFFFFF086  }
0x1c: {  	p1 =	slt.u32 s9, $0xF7A;
	s5 =	simm.s32 @!p2 $0x0  }
0x1d: {  	s5 =	simm.s32 @p1 $0x1;
	p0 =	seq.s32 s7, s2  }
0x1e: {  	s7 =	smul.u32 @!p0 $0xF7A, s2;
	p2 =	seq.s32 @!p0 s5, $0x0  }
0x1f: {  	s9 =	smul.u32 $0xF7A, s1;
	s8 =	simm.s32 @!p0 $0x1BF5;
	p2 =	por !p2, p0  }
0x20: {  	[sflag:s8] =	ssyncset.s32 @!p0 $0xFFFFF086;
	s6 =	sadd.s32 @!p0 s3, s7;
	s7 =	simm.s32 @!p0 $0x108  }
0x21: {  	s3 =	sadd.s32 s3, s9;
	s6 =	sadd.s32 @!p0 $0x88, s6;
	s7 =	simm.s32 @p2 $0x1082  }
0x22: {  	[simem:s7], [sflag:s8] =	dma.local @!p0 [hbm:s6], $0xF7A  }
0x23: {  	s9 =	sor.u32 $0xD0000000, s2;
	s6 =	simm.s32 $0x108;
	_ =	swait.ge @!p0 [sflag:s8], $0x0  }
0x24: {  	s3 =	sadd.s32 $0x88, s3;
	s6 =	simm.s32 @!p1 $0x1082;
	[sflag:s4] =	ssyncset.s32 $0xFFFFF086  }
0x25: {  	[simem:s6], [sflag:s4] =	dma.local [hbm:s3], $0xF7A  }
0x26: {  	[smem:$0x3F9E] =	sst s1;
	(tag) =	ssettag s2;
	_ =	strace s9  }
0x27: {  	s1 =	sld [smem:$0x3FAE]  }
0x28: {  	s2 =	sld [smem:$0x3FAF]  }
0x29: {  	s4 =	sld [smem:$0x3FB1]  }
0x2a: {  	p0 =	seq.s32 s5, $0x0;
	s5 =	sld [smem:$0x3FB2]  }
0x2b: {  	s6 =	sld [smem:$0x3FB3]  }
0x2c: {  	s7 =	sld [smem:$0x3FB4]  }
0x2d: {  	s3 =	simm.s32 $0x108;
	s8 =	sld [smem:$0x3FB5]  }
0x2e: {  	s3 =	simm.s32 @!p0 $0x1082;
	s9 =	sld [smem:$0x3FB6]  }
0x2f: {  	lr =	sadd.s32 s0, s3;
	s0 =	sld [smem:$0x3FAD]  }
0x30: {  	s3 =	sld [smem:$0x3FB0]  }
0x31: {  	[smem:$0x3FB9] =	sst s10  }
0x32: {  	s10 =	sld [smem:$0x3FB7];
	_ =	sdelay $0x3  }
0x33: {  	p0 =	seq.s32 s10, $0x1;
	s10 =	sld [smem:$0x3FB9];
	_ =	sdelay $0x3  }
0x34: {  	[smem:$0x3FB9] =	sst s10  }
0x35: {  	s10 =	sld [smem:$0x3FB8];
	_ =	sdelay $0x3  }
0x36: {  	p1 =	seq.s32 s10, $0x1;
	s10 =	sld [smem:$0x3FB9];
	_ =	sdelay $0x3  }
0x37: {  	[smem:$0x3FB9] =	sst s10  }
0x38: {  	s10 =	sld [smem:$0x3FBA]  }
0x39: {  	_ = 	snop;
	(pc) =	sbr.ind lr, $3  }
0x3a: {  	_ = 	snop  }
0x3b: {  	_ = 	snop  }
0x3c: {  	p2 =	seq.s32 s10, $0x1;
	s10 =	sld [smem:$0x3FB9]  }
0x3d: {  	_ =	shalt  }
0x3e: {  	_ =	shalt  }
0x3f: {  	_ =	shalt  }
0x40: {  	_ =	shalt  }
0x41: {  	_ =	shalt  }
0x42: {  	_ =	shalt  }
0x43: {  	_ =	shalt  }
0x44: {  	_ =	shalt  }
0x45: {  	_ =	shalt  }
0x46: {  	_ =	shalt  }
0x47: {  	_ =	shalt  }
0x48: {  	_ =	shalt  }
0x49: {  	_ =	shalt  }
0x4a: {  	_ =	shalt  }
0x4b: {  	_ =	shalt  }
0x4c: {  	_ =	shalt  }
0x4d: {  	_ =	shalt  }
0x4e: {  	_ =	shalt  }
0x4f: {  	_ =	shalt  }
0x50: {  	_ =	shalt  }
0x51: {  	_ =	shalt  }
0x52: {  	_ =	shalt  }
0x53: {  	_ =	shalt  }
0x54: {  	_ =	shalt  }
0x55: {  	_ =	shalt  }
0x56: {  	_ =	shalt  }
0x57: {  	_ =	shalt  }
0x58: {  	_ =	shalt  }
0x59: {  	_ =	shalt  }
0x5a: {  	_ =	shalt  }
0x5b: {  	_ =	shalt  }
0x5c: {  	_ =	shalt  }
0x5d: {  	_ =	shalt  }
0x5e: {  	_ =	shalt  }
0x5f: {  	_ =	shalt  }
0x60: {  	_ =	shalt  }
0x61: {  	_ =	shalt  }
0x62: {  	_ =	shalt  }
0x63: {  	_ =	shalt  }
0x64: {  	_ =	shalt  }
0x65: {  	_ =	shalt  }
0x66: {  	_ =	shalt  }
0x67: {  	_ =	shalt  }
0x68: {  	_ =	shalt  }
0x69: {  	_ =	shalt  }
0x6a: {  	_ =	shalt  }
0x6b: {  	_ =	shalt  }
0x6c: {  	_ =	shalt  }
0x6d: {  	_ =	shalt  }
0x6e: {  	_ =	shalt  }
0x6f: {  	_ =	shalt  }
0x70: {  	_ =	shalt  }
0x71: {  	_ =	shalt  }
0x72: {  	_ =	shalt  }
0x73: {  	_ =	shalt  }
0x74: {  	_ =	shalt  }
0x75: {  	_ =	shalt  }
0x76: {  	_ =	shalt  }
0x77: {  	_ =	shalt  }
0x78: {  	_ =	shalt  }
0x79: {  	_ =	shalt  }
0x7a: {  	_ =	shalt  }
0x7b: {  	_ =	shalt  }
0x7c: {  	_ =	shalt  }
0x7d: {  	_ =	shalt  }
0x7e: {  	_ =	shalt  }
0x7f: {  	_ =	shalt  }
0x80: {  	_ =	shalt  }
0x81: {  	_ =	shalt  }
0x82: {  	_ =	shalt  }
0x83: {  	_ =	shalt  }
0x84: {  	_ =	shalt  }
0x85: {  	_ =	shalt  }
0x86: {  	_ =	shalt  }
0x87: {  	_ =	shalt  }
.Lfunc_end0:
.L_simem_size_0:
called_computation_lowered:
.L_overlay_start_0:
0x88: {  	s2 =	sld [smem:$0x3FD9]  }
0x89: {  	s3 =	sld [smem:$0x3FFE];
	_ =	sdelay $0x1  }
0x8a: {  	s1 =	srdreg.scid  }
0x8b: {  	s0 =	sand.u32 $0x1, s1  }
0x8c: {  	s18 =	sshll.u32 s0, $0xA;
	s2 =	sadd.s32 s3, s2  }
0x8d: {  	s2 =	sadd.s32 s2, s18  }
0x8e: {  	[smem:$0x3FC5] =	sst s2  }
0x8f: {  	_ = 	snop  }
0x90: {  	s2 =	sld [smem:$0x3FC9]  }
0x91: {  	s19 =	sld [smem:$0x3FC8]  }
0x92: {  	s4 =	sld [smem:$0x3FC7]  }
0x93: {  	s5 =	sld [smem:$0x3FD0];
	(tm) =	ssettm $0x1  }
0x94: {  	s6 =	sld [smem:$0x3FFB];
	_ =	sdelay $0x3  }
0x95: {  	_ =	strace s6  }
0x96: {  	s6 =	sld [smem:$0x3FFC];
	_ =	sdelay $0x3  }
0x97: {  	_ =	strace s6  }
0x98: {  	s6 =	sld [smem:$0x3FFD];
	_ =	sdelay $0x3  }
0x99: {  	_ =	strace s6  }
0x9a: {  	_ =	strace $0x8FFFFFFF  }
0x9b: {  	s20 =	sld [smem:$0x3FDB];
	_ =	sdelay $0x1  }
0x9c: {  	s7 =	simm.s32 $_scs_section_size  }
0x9d: {  	s8 =	simm.s32 $_size__tile_overlayer_lowered;
	s9 =	simm.s32 $_tile_overlayer_lowered  }
0x9e: {  	s23 =	simm.s32 $0x1BFF;
	s22 =	sshll.u32 s9, $0x1;
	s6 =	sadd.s32 s7, s20  }
0x9f: {  	s10 =	simm.s32 $0x0;
	s21 =	sshll.u32 s8, $0x1;
	s8 =	sadd.s32 s22, s6  }
0xa0: {  	[timem:s10], [sflag:s23] =	dma.local [hbm:s8], s21  }
0xa1: {  	_ =	swait.ge [sflag:s23], s21  }
0xa2: {  	s7 =	ssub.s32 $0x0, s21;
	[sflag:s23] =	ssyncset.done $0x0  }
0xa3: {  	[sflag:s23] =	ssyncadd.s32 s7;
	_ =	sdelay $0x1  }
0xa4: {  	s24 =	simm.s32 $0x1B8B  }
0xa5: {  	_ =	swait.ge [sflag:s24], $0x1  }
0xa6: {  	[sflag:s24] =	ssyncset.done $0x0  }
0xa7: {  	s25 =	simm.s32 $0x1B8E;
	[sflag:s24] =	ssyncadd.s32 $0xFFFFFFFF  }
0xa8: {  	s26 =	simm.s32 $execute0_lowered;
	[smem:$0x3FD2] =	sst s25  }
0xa9: {  	s7 =	sshll.u32 s26, $0x1;
	_ =	strace $0x80000046;
	[dreg:$0x1] =	wrdreg $0xFFFFFFFF  }
0xaa: {  	s28 =	simm.s32 $_size_execute0_lowered;
	s6 =	sadd.s32 s6, s7;
	[dreg:$0x0] =	wrdreg $0x0  }
0xab: {  	s7 =	sshll.u32 s28, $0x1;
	[dreg:$0x2] =	wrdreg s6  }
0xac: {  	[dreg:$0x3] =	wrdreg s7  }
0xad: {  	[dreg:$0x4] =	wrdreg $0xC0  }
0xae: {  	_ =	task [dreg:s10], $0x5FFFF  }
0xaf: {  	[dreg:$0x1] =	wrdreg $0xFFFFFFFF  }
0xb0: {  	[dreg:$0x0] =	wrdreg $0x60  }
0xb1: {  	[dreg:$0x2] =	wrdreg s2  }
0xb2: {  	[dreg:$0x3] =	wrdreg s19  }
0xb3: {  	[dreg:$0x4] =	wrdreg s4  }
0xb4: {  	[dreg:$0x5] =	wrdreg s5  }
0xb5: {  	[dreg:$0x6] =	wrdreg $0x9  }
0xb6: {  	_ =	task.clear_ibuf [dreg:s10], $0x7FFFF;
	_ =	strace $0x90000046  }
0xb7: {  	s29 =	simm.s32 $0x9;
	_ =	strace $0x80000048  }
0xb8: {  	_ =	swait.ge [sflag:s29], $0x1  }
0xb9: {  	[sflag:s29] =	ssyncadd.s32 $0xFFFFFFFF  }
0xba: {  	_ =	strace $0x90000048  }
0xbb: {  	_ =	sfence  }
0xbc: {  	s30 =	sld [smem:$0x0];
	_ =	sdelay $0x2  }
0xbd: {  	s31 =	sshll.u32 s1, $0xD;
	s1 =	sshrl.u32 s1, $0x2  }
0xbe: {  	s3 =	sand.u32 $0x4000, s31;
	s1 =	sadd.s32 s1, s30  }
0xbf: {  	s0 =	sor.u32 s3, s0;
	s1 =	sshll.u32 s1, $0x11  }
0xc0: {  	s0 =	sor.u32 s1, s0  }
0xc1: {  	s0 =	sadd.s32 $0x8F2B, s0  }
0xc2: {  	[sflag:s0] =	ssyncadd.remote.s32 $0x1  }
0xc3: {  	_ =	sfence.sel $0xFFFF  }
0xc4: {  	[dreg:$0x0] =	wrdreg $0xFFFFFFFF;
	(pc) =	sbr.abs _section_cstart, $3  }
0xc5: {  	[dreg:$0x1] =	wrdreg $0xFFFFFFFF  }
0xc6: {  	_ =	task.clear_ibuf [dreg:s10], $0x2FFFF;
	_ =	strace $0x9FFFFFFF  }
0xc7: {  	(tm) =	ssettm $0x7FFFFFFF  }
tec
execute0_lowered:
.L_overlay_start_1:
0x0: {  	(tag) =	ssettag $0x1  }
0x1: {  	s1 =	rddreg [dreg:$0x0]  }
0x2: {  	s30 =	rddreg [dreg:$0x3]  }
0x3: {  	s0 =	srdreg.scid;
	s2 =	stileid.u32  }
0x4: {  	s6 =	simm.s32 $0x0;
	s12 =	simm.s32 $0x400;
	s22 =	simm.s32 $0x11400  }
0x5: {  	s23 =	simm.s32 $0x6;
	s20 =	simm.s32 $0x15400;
	s25 =	simm.s32 $0x3  }
0x6: {  	s28 =	simm.s32 $0x4;
	s0 =	sand.u32 $0x1, s0;
	s2 =	sshll.u32 s2, $0x1  }
0x7: {  	v0 =	vlaneseq.u32;
	[smem:$0x7FF] =	sst s6;
	s3 =	ssub.s32 $0x2, s0;
	s0 =	sor.u32 s0, s2  }
0x8: {  	v1 =	vand.u32 $0x1, v0;
	v0 =	vmul.u32 $0x4, v0;
	_ =	strace $0x80000047;
	s26 =	sshrl.u32 s3, $0x1;
	s4 =	sshll.u32 s0, $0xC  }
0x9: {  	v3 =	vmul.u32 $0x4, v1;
	s0 =	sshll.u32 s0, $0x10;
	s2 =	ssub.s32 s3, s26;
	s29 =	sor.u32 $0x800, s4  }
0xa: {  	v4 =	vor.u32 $0x1, v0;
	v5 =	vor.u32 $0x2, v0;
	v6 =	vor.u32 $0x3, v0;
	s8 =	sadd.s32 s30, s0;
	[dreg:$0x5] =	wrdreg s4;
	s31 =	smax.u32 s2, $0x1  }
0xb: {  	v1 =	vmov s4;
	v3 =	vor.u32 $0xFFFFFFF8, v3;
	s26 =	simm.s32 $0x5;
	v2 =	vmov s29;
	s2 =	simm.s32 $0x0;
	[dreg:$0x6] =	wrdreg s31  }
.LBB2_1:
0xc: {  	[dreg:$0x7] =	wrdreg s2  }
0xd: {  	s0 =	rddreg [dreg:$0x1];
	s24 =	simm.s32 $0x7  }
0xe: {  	[tilespmem:s6], [sflag:$0x7] =	stream.linear.gather [hbm4b:s0+s6], $0x200, $0x38;
	[tilespmem:$0x19400] =	vst v63  }
0xf: {  	_ =	swait.ge [sflag:s24], $0x200  }
0x10: {  	[sflag:s24] =	ssyncset.done $0x0  }
0x11: {  	[sflag:s24] =	ssyncadd.s32 $0xFFFFFE00  }
0x12: {  	s3 =	simm.s32 $0x200;
	s29 =	rddreg [dreg:$0x2]  }
0x13: {  	[tilespmem:s3], [sflag:$0x7] =	stream.linear.gather [hbm4b:s29+s6], $0x200, $0x38;
	[tilespmem:$0x19400] =	vst v63  }
0x14: {  	_ =	swait.ge [sflag:s24], $0x200  }
0x15: {  	[sflag:s24] =	ssyncset.done $0x0  }
0x16: {  	s31 =	simm.s32 $0x0;
	[sflag:s24] =	ssyncadd.s32 $0xFFFFFE00  }
0x17: {  	v7 =	vld [tilespmem:s31+$0x0];
	_ =	sdelay $0x2  }
0x18: {  	v8 =	vor.u32 s6, v0  }
0x19: {  	v8 =	vand.u32 v3, v8  }
0x1a: {  	v10 =	vor.u32 s6, v4;
	v9 =	vshll.u32 v7, $0x2  }
0x1b: {  	v7 =	vand.u32 $0x7, v7;
	v9 =	vand.u32 $0xFFFFFFE0, v9  }
0x1c: {  	v7 =	vor.u32 v7, v9  }
0x1d: {  	v11 =	vor.u32 s6, v5;
	v9 =	vadd.s32 v1, v7  }
0x1e: {  	[tilespmem:v8+s12+$0x0] =	vst.idx.msk $0xffff, v9;
	v7 =	vor.u32 $0x8, v9  }
0x1f: {  	[tilespmem:v10+s12+$0x0] =	vst.idx.msk $0xffff, v7;
	v7 =	vor.u32 s6, v6;
	_ =	sdelay $0x1  }
0x20: {  	v8 =	vor.u32 $0x10, v9  }
0x21: {  	s2 =	simm.s32 $0x80;
	s0 =	simm.s32 $0x40;
	[tilespmem:v11+s12+$0x0] =	vst.idx.msk $0xffff, v8;
	v8 =	vor.u32 $0x18, v9  }
.LBB2_2:
0x22: {  	p0 =	sne.s32 s2, $0x7C0  }
0x23: {  	s3 =	sshra.s32 s0, $0x2;
	[tilespmem:v7+s12+$0x0] =	vst.idx.msk $0xffff, v8;
	s4 =	smov.u32 s2;
	s2 =	sadd.s32 $0x40, s2  }
0x24: {  	v7 =	vld [tilespmem:s3+$0x0];
	_ =	sdelay $0x2  }
0x25: {  	v8 =	vor.u32 s0, v0  }
0x26: {  	v8 =	vand.u32 v3, v8  }
0x27: {  	v10 =	vor.u32 s0, v4;
	v9 =	vshll.u32 v7, $0x2  }
0x28: {  	v11 =	vor.u32 s0, v5;
	v7 =	vand.u32 $0x7, v7;
	v9 =	vand.u32 $0xFFFFFFE0, v9  }
.Ltmp0:
0x29: {  	v9 =	vor.u32 v7, v9;
	v7 =	vor.u32 s0, v6;
	s0 =	smov.u32 s4;
	(pc) =	sbr.rel @p0 .LBB2_2-.Ltmp0, $4  }
0x2a: {  	v9 =	vadd.s32 v1, v9  }
0x2b: {  	[tilespmem:v8+s12+$0x0] =	vst.idx.msk $0xffff, v9;
	v8 =	vor.u32 $0x8, v9  }
0x2c: {  	[tilespmem:v10+s12+$0x0] =	vst.idx.msk $0xffff, v8;
	v8 =	vor.u32 $0x10, v9  }
0x2d: {  	[tilespmem:v11+s12+$0x0] =	vst.idx.msk $0xffff, v8;
	v8 =	vor.u32 $0x18, v9  }
0x2e: {  	_ =	sdelay $0x3  }
0x2f: {  	s2 =	sshra.s32 s0, $0x2;
	[tilespmem:v7+s12+$0x0] =	vst.idx.msk $0xffff, v8  }
0x30: {  	v7 =	vld [tilespmem:s2+$0x0];
	_ =	sdelay $0x2  }
0x31: {  	v8 =	vor.u32 s0, v0  }
0x32: {  	v8 =	vand.u32 v3, v8  }
0x33: {  	v10 =	vor.u32 s0, v4;
	v9 =	vshll.u32 v7, $0x2  }
0x34: {  	v11 =	vor.u32 s0, v5;
	v7 =	vand.u32 $0x7, v7;
	v9 =	vand.u32 $0xFFFFFFE0, v9  }
0x35: {  	v7 =	vor.u32 v7, v9;
	v9 =	vor.u32 s0, v6  }
0x36: {  	v7 =	vadd.s32 v1, v7  }
0x37: {  	[tilespmem:v8+s12+$0x0] =	vst.idx.msk $0xffff, v7;
	v8 =	vor.u32 $0x8, v7  }
0x38: {  	[tilespmem:v10+s12+$0x0] =	vst.idx.msk $0xffff, v8;
	v8 =	vor.u32 $0x10, v7  }
0x39: {  	v7 =	vor.u32 $0x18, v7;
	[tilespmem:v11+s12+$0x0] =	vst.idx.msk $0xffff, v8  }
0x3a: {  	s31 =	simm.s32 $0x0;
	[tilespmem:v9+s12+$0x0] =	vst.idx.msk $0xffff, v7  }
0x3b: {  	v7 =	vld [tilespmem:s31+$0x0];
	_ =	sdelay $0x1  }
0x3c: {  	s3 =	simm.s32 $0x800  }
0x3d: {  	v8 =	vor.u32 s3, v0  }
0x3e: {  	v8 =	vand.u32 v3, v8  }
0x3f: {  	v10 =	vor.u32 s3, v4;
	v9 =	vshll.u32 v7, $0x2  }
0x40: {  	v7 =	vand.u32 $0x7, v7;
	v9 =	vand.u32 $0xFFFFFFE0, v9  }
0x41: {  	v7 =	vor.u32 v7, v9  }
0x42: {  	v11 =	vor.u32 s3, v5;
	v9 =	vadd.s32 v2, v7  }
0x43: {  	[tilespmem:v8+s12+$0x0] =	vst.idx.msk $0xffff, v9;
	v7 =	vor.u32 $0x8, v9  }
0x44: {  	[tilespmem:v10+s12+$0x0] =	vst.idx.msk $0xffff, v7;
	v7 =	vor.u32 s3, v6;
	_ =	sdelay $0x1  }
0x45: {  	v8 =	vor.u32 $0x10, v9  }
0x46: {  	s2 =	simm.s32 $0x80;
	s0 =	simm.s32 $0x40;
	[tilespmem:v11+s12+$0x0] =	vst.idx.msk $0xffff, v8;
	v8 =	vor.u32 $0x18, v9  }
.LBB2_4:
0x47: {  	p0 =	sne.s32 s2, $0x7C0  }
0x48: {  	s3 =	sshra.s32 s0, $0x2;
	[tilespmem:v7+s12+$0x0] =	vst.idx.msk $0xffff, v8;
	s4 =	smov.u32 s2;
	s2 =	sadd.s32 $0x40, s2  }
0x49: {  	v7 =	vld [tilespmem:s3+$0x0];
	_ =	sdelay $0x1  }
0x4a: {  	s3 =	sadd.s32 $0x800, s0;
	s0 =	smov.u32 s4  }
0x4b: {  	v8 =	vor.u32 s3, v0  }
0x4c: {  	v8 =	vand.u32 v3, v8  }
0x4d: {  	v10 =	vor.u32 s3, v4;
	v9 =	vshll.u32 v7, $0x2  }
0x4e: {  	v11 =	vor.u32 s3, v5;
	v7 =	vand.u32 $0x7, v7;
	v9 =	vand.u32 $0xFFFFFFE0, v9  }
.Ltmp1:
0x4f: {  	v9 =	vor.u32 v7, v9;
	v7 =	vor.u32 s3, v6;
	(pc) =	sbr.rel @p0 .LBB2_4-.Ltmp1, $4  }
0x50: {  	v9 =	vadd.s32 v2, v9  }
0x51: {  	[tilespmem:v8+s12+$0x0] =	vst.idx.msk $0xffff, v9;
	v8 =	vor.u32 $0x8, v9  }
0x52: {  	[tilespmem:v10+s12+$0x0] =	vst.idx.msk $0xffff, v8;
	v8 =	vor.u32 $0x10, v9  }
0x53: {  	[tilespmem:v11+s12+$0x0] =	vst.idx.msk $0xffff, v8;
	v8 =	vor.u32 $0x18, v9  }
0x54: {  	_ =	sdelay $0x3  }
0x55: {  	s2 =	sshra.s32 s0, $0x2;
	[tilespmem:v7+s12+$0x0] =	vst.idx.msk $0xffff, v8  }
0x56: {  	v7 =	vld [tilespmem:s2+$0x0];
	_ =	sdelay $0x1  }
0x57: {  	s17 =	sadd.s32 $0x800, s0  }
0x58: {  	v8 =	vor.u32 s17, v0  }
0x59: {  	v8 =	vand.u32 v3, v8  }
0x5a: {  	v10 =	vor.u32 s17, v4;
	v9 =	vshll.u32 v7, $0x2  }
0x5b: {  	v11 =	vor.u32 s17, v5;
	v7 =	vand.u32 $0x7, v7;
	v9 =	vand.u32 $0xFFFFFFE0, v9  }
0x5c: {  	v7 =	vor.u32 v7, v9;
	v9 =	vor.u32 s17, v6  }
0x5d: {  	v7 =	vadd.s32 v2, v7  }
0x5e: {  	[tilespmem:v8+s12+$0x0] =	vst.idx.msk $0xffff, v7;
	v8 =	vor.u32 $0x8, v7  }
0x5f: {  	[tilespmem:v10+s12+$0x0] =	vst.idx.msk $0xffff, v8;
	v8 =	vor.u32 $0x10, v7  }
0x60: {  	v7 =	vor.u32 $0x18, v7;
	[tilespmem:v11+s12+$0x0] =	vst.idx.msk $0xffff, v8  }
0x61: {  	[tilespmem:v9+s12+$0x0] =	vst.idx.msk $0xffff, v7  }
0x62: {  	v7 =	vld [tilespmem:$0x200]  }
0x63: {  	v8 =	vld [tilespmem:$0x210]  }
0x64: {  	v9 =	vld [tilespmem:$0x220]  }
0x65: {  	v10 =	vld [tilespmem:$0x230]  }
0x66: {  	v11 =	vld [tilespmem:$0x240]  }
0x67: {  	v12 =	vld [tilespmem:$0x250]  }
0x68: {  	v13 =	vld [tilespmem:$0x260]  }
0x69: {  	v14 =	vld [tilespmem:$0x270]  }
0x6a: {  	v15 =	vld [tilespmem:$0x280]  }
0x6b: {  	v16 =	vld [tilespmem:$0x290]  }
0x6c: {  	v17 =	vld [tilespmem:$0x2A0]  }
0x6d: {  	v18 =	vld [tilespmem:$0x2B0]  }
0x6e: {  	v19 =	vld [tilespmem:$0x2C0]  }
0x6f: {  	v20 =	vld [tilespmem:$0x2D0]  }
0x70: {  	v21 =	vld [tilespmem:$0x2E0]  }
0x71: {  	v22 =	vld [tilespmem:$0x2F0]  }
0x72: {  	v23 =	vld [tilespmem:$0x300]  }
0x73: {  	v24 =	vld [tilespmem:$0x310]  }
0x74: {  	v25 =	vld [tilespmem:$0x320]  }
0x75: {  	v26 =	vld [tilespmem:$0x330]  }
0x76: {  	v27 =	vld [tilespmem:$0x340]  }
0x77: {  	v28 =	vld [tilespmem:$0x350]  }
0x78: {  	v29 =	vld [tilespmem:$0x360]  }
0x79: {  	v30 =	vld [tilespmem:$0x370]  }
0x7a: {  	v31 =	vld [tilespmem:$0x380]  }
0x7b: {  	v32 =	vld [tilespmem:$0x390]  }
0x7c: {  	v33 =	vld [tilespmem:$0x3A0]  }
0x7d: {  	v34 =	vld [tilespmem:$0x3B0]  }
0x7e: {  	v35 =	vld [tilespmem:$0x3C0]  }
0x7f: {  	v36 =	vld [tilespmem:$0x3D0]  }
0x80: {  	s18 =	simm.s32 $0x80;
	s19 =	simm.s32 $0x1400;
	v37 =	vld [tilespmem:$0x3E0]  }
0x81: {  	v38 =	vld [tilespmem:$0x3F0];
	[tilespmem:s19], [sflag:$0x1] =	stream.indirect.gather [hbm4b:s1+s18], $0x80, s12, s18, $0xb8  }
0x82: {  	s21 =	simm.s32 $0x480;
	s3 =	simm.s32 $0x5400  }
0x83: {  	[tilespmem:s3], [sflag:$0x2] =	stream.indirect.gather [hbm4b:s1+s18], $0x80, s21, s18, $0xb8;
	[tilespmem:$0x19400] =	vst v63  }
0x84: {  	s24 =	simm.s32 $0x500;
	s29 =	simm.s32 $0x9400;
	s31 =	simm.s32 $0x0  }
0x85: {  	[tilespmem:s29], [sflag:$0x3] =	stream.indirect.gather [hbm4b:s1+s18], $0x80, s24, s18, $0xb8;
	[tilespmem:$0x19400] =	vst v63  }
.LBB2_6:
0x86: {  	s0 =	sshllo.u32 s31, $0x2  }
0x87: {  	s2 =	sshll.u32 s0, $0x7  }
0x88: {  	s3 =	simm.s32 $0x80;
	s2 =	sand.u32 $0x3FFFFF80, s2  }
0x89: {  	s4 =	simm.s32 $0xD400;
	s9 =	simm.s32 $0x1;
	s2 =	sadd.s32 $0x400, s2  }
0x8a: {  	[tilespmem:s4], [sflag:$0x4] =	stream.indirect.gather [hbm4b:s1+s3], $0x80, s2, s3, $0xb8;
	[tilespmem:$0x19400] =	vst v63  }
0x8b: {  	_ =	swait.ge [sflag:s9], $0x4000  }
0x8c: {  	p0 =	seq.s32 s31, $0x0;
	[sflag:s9] =	ssyncset.done $0x0  }
0x8d: {  	s2 =	simm.s32 @!p0 $0x5;
	[sflag:s9] =	ssyncadd.s32 $0xFFFFC000  }
0x8e: {  	_ =	swait.ge @!p0 [sflag:s2], $0x4000  }
0x8f: {  	[sflag:s2] =	ssyncset.done @!p0 $0x0  }
0x90: {  	s16 =	simm.s32 $0x1400;
	[sflag:s2] =	ssyncadd.s32 @!p0 $0xFFFFC000  }
0x91: {  	v39 =	vld.idx.msk [tilespmem:v7+s16+$0x0], $0xffff  }
0x92: {  	s10 =	simm.s32 $0x0  }
0x93: {  	s11 =	sand.u32 $0x60, s10;
	s3 =	sand.u32 $0x7, s10  }
0x94: {  	s2 =	sor.u32 s3, s11  }
0x95: {  	s15 =	sshll.u32 s2, $0x7  }
0x96: {  	[tilespmem:s15+$0x11400] =	vst v39  }
0x97: {  	v39 =	vld.idx.msk [tilespmem:v8+s16+$0x0], $0xffff;
	_ =	sdelay $0x4  }
0x98: {  	[tilespmem:s15+$0x11410] =	vst v39  }
0x99: {  	v39 =	vld.idx.msk [tilespmem:v9+s16+$0x0], $0xffff;
	_ =	sdelay $0x4  }
0x9a: {  	[tilespmem:s15+$0x11420] =	vst v39  }
0x9b: {  	v39 =	vld.idx.msk [tilespmem:v10+s16+$0x0], $0xffff;
	_ =	sdelay $0x4  }
0x9c: {  	[tilespmem:s15+$0x11430] =	vst v39  }
0x9d: {  	v39 =	vld.idx.msk [tilespmem:v11+s16+$0x0], $0xffff;
	_ =	sdelay $0x1  }
0x9e: {  	s3 =	simm.s32 $0x1600  }
0x9f: {  	v40 =	vld.idx.msk [tilespmem:v7+s3+$0x0], $0xffff  }
0xa0: {  	s13 =	simm.s32 $0x1;
	s14 =	simm.s32 $0x4  }
0xa1: {  	s4 =	sand.u32 $0x60, s14;
	s2 =	sand.u32 $0x7, s13;
	[tilespmem:s15+$0x11440] =	vst v39  }
0xa2: {  	s2 =	sor.u32 s2, s4;
	v39 =	vld.idx.msk [tilespmem:v12+s16+$0x0], $0xffff  }
0xa3: {  	s2 =	sshll.u32 s2, $0x7  }
0xa4: {  	[tilespmem:s2+$0x11400] =	vst v40  }
0xa5: {  	v40 =	vld.idx.msk [tilespmem:v8+s3+$0x0], $0xffff;
	_ =	sdelay $0x1  }
0xa6: {  	[tilespmem:s15+$0x11450] =	vst v39  }
0xa7: {  	v39 =	vld.idx.msk [tilespmem:v13+s16+$0x0], $0xffff;
	_ =	sdelay $0x1  }
0xa8: {  	[tilespmem:s2+$0x11410] =	vst v40  }
0xa9: {  	v40 =	vld.idx.msk [tilespmem:v9+s3+$0x0], $0xffff;
	_ =	sdelay $0x1  }
0xaa: {  	[tilespmem:s15+$0x11460] =	vst v39  }
0xab: {  	v39 =	vld.idx.msk [tilespmem:v14+s16+$0x0], $0xffff;
	_ =	sdelay $0x1  }
0xac: {  	[tilespmem:s2+$0x11420] =	vst v40  }
0xad: {  	v40 =	vld.idx.msk [tilespmem:v10+s3+$0x0], $0xffff;
	_ =	sdelay $0x1  }
0xae: {  	[tilespmem:s15+$0x11470] =	vst v39  }
0xaf: {  	v39 =	vld.idx.msk [tilespmem:v15+s16+$0x0], $0xffff;
	_ =	sdelay $0x1  }
0xb0: {  	[tilespmem:s2+$0x11430] =	vst v40  }
0xb1: {  	v40 =	vld.idx.msk [tilespmem:v11+s3+$0x0], $0xffff;
	_ =	sdelay $0x1  }
0xb2: {  	[tilespmem:s15+$0x11800] =	vst v39  }
0xb3: {  	s4 =	simm.s32 $0x1800;
	v39 =	vld.idx.msk [tilespmem:v16+s16+$0x0], $0xffff  }
0xb4: {  	v41 =	vld.idx.msk [tilespmem:v7+s4+$0x0], $0xffff  }
0xb5: {  	s5 =	simm.s32 $0x2;
	s7 =	simm.s32 $0x8;
	[tilespmem:s2+$0x11440] =	vst v40  }
0xb6: {  	s7 =	sand.u32 $0x60, s7;
	s5 =	sand.u32 $0x7, s5;
	v40 =	vld.idx.msk [tilespmem:v12+s3+$0x0], $0xffff  }
0xb7: {  	s5 =	sor.u32 s5, s7  }
0xb8: {  	s11 =	sshll.u32 s5, $0x7;
	[tilespmem:s15+$0x11810] =	vst v39  }
0xb9: {  	[tilespmem:s11+$0x11400] =	vst v41;
	v39 =	vld.idx.msk [tilespmem:v17+s16+$0x0], $0xffff  }
0xba: {  	v41 =	vld.idx.msk [tilespmem:v8+s4+$0x0], $0xffff  }
0xbb: {  	[tilespmem:s2+$0x11450] =	vst v40  }
0xbc: {  	v40 =	vld.idx.msk [tilespmem:v13+s3+$0x0], $0xffff;
	_ =	sdelay $0x1  }
0xbd: {  	[tilespmem:s15+$0x11820] =	vst v39  }
0xbe: {  	[tilespmem:s11+$0x11410] =	vst v41;
	v39 =	vld.idx.msk [tilespmem:v18+s16+$0x0], $0xffff  }
0xbf: {  	v41 =	vld.idx.msk [tilespmem:v9+s4+$0x0], $0xffff  }
0xc0: {  	[tilespmem:s2+$0x11460] =	vst v40  }
0xc1: {  	v40 =	vld.idx.msk [tilespmem:v14+s3+$0x0], $0xffff;
	_ =	sdelay $0x1  }
0xc2: {  	[tilespmem:s15+$0x11830] =	vst v39  }
0xc3: {  	[tilespmem:s11+$0x11420] =	vst v41;
	v39 =	vld.idx.msk [tilespmem:v19+s16+$0x0], $0xffff  }
0xc4: {  	v41 =	vld.idx.msk [tilespmem:v10+s4+$0x0], $0xffff  }
0xc5: {  	[tilespmem:s2+$0x11470] =	vst v40  }
0xc6: {  	v40 =	vld.idx.msk [tilespmem:v15+s3+$0x0], $0xffff;
	_ =	sdelay $0x1  }
0xc7: {  	[tilespmem:s15+$0x11840] =	vst v39  }
0xc8: {  	[tilespmem:s11+$0x11430] =	vst v41;
	v39 =	vld.idx.msk [tilespmem:v20+s16+$0x0], $0xffff  }
0xc9: {  	v41 =	vld.idx.msk [tilespmem:v11+s4+$0x0], $0xffff  }
0xca: {  	[tilespmem:s2+$0x11800] =	vst v40  }
0xcb: {  	s18 =	simm.s32 $0x1A00;
	v40 =	vld.idx.msk [tilespmem:v16+s3+$0x0], $0xffff  }
0xcc: {  	v42 =	vld.idx.msk [tilespmem:v7+s18+$0x0], $0xffff  }
0xcd: {  	s17 =	simm.s32 $0x3;
	s19 =	simm.s32 $0xC;
	[tilespmem:s15+$0x11850] =	vst v39  }
0xce: {  	s7 =	sand.u32 $0x60, s19;
	s5 =	sand.u32 $0x7, s17;
	[tilespmem:s11+$0x11440] =	vst v41;
	v39 =	vld.idx.msk [tilespmem:v21+s16+$0x0], $0xffff  }
0xcf: {  	s5 =	sor.u32 s5, s7;
	v41 =	vld.idx.msk [tilespmem:v12+s4+$0x0], $0xffff  }
0xd0: {  	s17 =	sshll.u32 s5, $0x7;
	[tilespmem:s2+$0x11810] =	vst v40  }
0xd1: {  	[tilespmem:s17+$0x11400] =	vst v42;
	v40 =	vld.idx.msk [tilespmem:v17+s3+$0x0], $0xffff  }
0xd2: {  	v42 =	vld.idx.msk [tilespmem:v8+s18+$0x0], $0xffff  }
0xd3: {  	[tilespmem:s15+$0x11860] =	vst v39  }
0xd4: {  	[tilespmem:s11+$0x11450] =	vst v41;
	v39 =	vld.idx.msk [tilespmem:v22+s16+$0x0], $0xffff  }
0xd5: {  	v41 =	vld.idx.msk [tilespmem:v13+s4+$0x0], $0xffff  }
0xd6: {  	[tilespmem:s2+$0x11820] =	vst v40  }
0xd7: {  	[tilespmem:s17+$0x11410] =	vst v42;
	v40 =	vld.idx.msk [tilespmem:v18+s3+$0x0], $0xffff  }
0xd8: {  	v42 =	vld.idx.msk [tilespmem:v9+s18+$0x0], $0xffff  }
0xd9: {  	[tilespmem:s15+$0x11870] =	vst v39  }
0xda: {  	[tilespmem:s11+$0x11460] =	vst v41;
	v39 =	vld.idx.msk [tilespmem:v23+s16+$0x0], $0xffff  }
0xdb: {  	v41 =	vld.idx.msk [tilespmem:v14+s4+$0x0], $0xffff  }
0xdc: {  	[tilespmem:s2+$0x11830] =	vst v40  }
0xdd: {  	[tilespmem:s17+$0x11420] =	vst v42;
	v40 =	vld.idx.msk [tilespmem:v19+s3+$0x0], $0xffff  }
0xde: {  	v42 =	vld.idx.msk [tilespmem:v10+s18+$0x0], $0xffff  }
0xdf: {  	[tilespmem:s15+$0x11C00] =	vst v39  }
0xe0: {  	[tilespmem:s11+$0x11470] =	vst v41;
	v39 =	vld.idx.msk [tilespmem:v24+s16+$0x0], $0xffff  }
0xe1: {  	v41 =	vld.idx.msk [tilespmem:v15+s4+$0x0], $0xffff  }
0xe2: {  	[tilespmem:s2+$0x11840] =	vst v40  }
0xe3: {  	[tilespmem:s17+$0x11430] =	vst v42;
	v40 =	vld.idx.msk [tilespmem:v20+s3+$0x0], $0xffff  }
0xe4: {  	v42 =	vld.idx.msk [tilespmem:v11+s18+$0x0], $0xffff  }
0xe5: {  	[tilespmem:s15+$0x11C10] =	vst v39  }
0xe6: {  	[tilespmem:s11+$0x11800] =	vst v41;
	v39 =	vld.idx.msk [tilespmem:v25+s16+$0x0], $0xffff  }
0xe7: {  	s9 =	simm.s32 $0x1C00;
	v41 =	vld.idx.msk [tilespmem:v16+s4+$0x0], $0xffff  }
0xe8: {  	v43 =	vld.idx.msk [tilespmem:v7+s9+$0x0], $0xffff;
	[tilespmem:s2+$0x11850] =	vst v40  }
0xe9: {  	s21 =	simm.s32 $0x4;
	s24 =	simm.s32 $0x10;
	[tilespmem:s17+$0x11440] =	vst v42;
	v40 =	vld.idx.msk [tilespmem:v21+s3+$0x0], $0xffff  }
0xea: {  	s7 =	sand.u32 $0x60, s24;
	s5 =	sand.u32 $0x7, s21;
	v42 =	vld.idx.msk [tilespmem:v12+s18+$0x0], $0xffff  }
0xeb: {  	s5 =	sor.u32 s5, s7;
	[tilespmem:s15+$0x11C20] =	vst v39  }
0xec: {  	s10 =	sshll.u32 s5, $0x7;
	[tilespmem:s11+$0x11810] =	vst v41;
	v39 =	vld.idx.msk [tilespmem:v26+s16+$0x0], $0xffff  }
0xed: {  	[tilespmem:s10+$0x11400] =	vst v43;
	v41 =	vld.idx.msk [tilespmem:v17+s4+$0x0], $0xffff  }
0xee: {  	v43 =	vld.idx.msk [tilespmem:v8+s9+$0x0], $0xffff;
	[tilespmem:s2+$0x11860] =	vst v40  }
0xef: {  	[tilespmem:s17+$0x11450] =	vst v42;
	v40 =	vld.idx.msk [tilespmem:v22+s3+$0x0], $0xffff  }
0xf0: {  	v42 =	vld.idx.msk [tilespmem:v13+s18+$0x0], $0xffff  }
0xf1: {  	[tilespmem:s15+$0x11C30] =	vst v39  }
0xf2: {  	[tilespmem:s11+$0x11820] =	vst v41;
	v39 =	vld.idx.msk [tilespmem:v27+s16+$0x0], $0xffff  }
0xf3: {  	[tilespmem:s10+$0x11410] =	vst v43;
	v41 =	vld.idx.msk [tilespmem:v18+s4+$0x0], $0xffff  }
0xf4: {  	v43 =	vld.idx.msk [tilespmem:v9+s9+$0x0], $0xffff;
	[tilespmem:s2+$0x11870] =	vst v40  }
0xf5: {  	[tilespmem:s17+$0x11460] =	vst v42;
	v40 =	vld.idx.msk [tilespmem:v23+s3+$0x0], $0xffff  }
0xf6: {  	v42 =	vld.idx.msk [tilespmem:v14+s18+$0x0], $0xffff  }
0xf7: {  	[tilespmem:s15+$0x11C40] =	vst v39  }
0xf8: {  	[tilespmem:s11+$0x11830] =	vst v41;
	v39 =	vld.idx.msk [tilespmem:v28+s16+$0x0], $0xffff  }
0xf9: {  	[tilespmem:s10+$0x11420] =	vst v43;
	v41 =	vld.idx.msk [tilespmem:v19+s4+$0x0], $0xffff  }
0xfa: {  	v43 =	vld.idx.msk [tilespmem:v10+s9+$0x0], $0xffff;
	[tilespmem:s2+$0x11C00] =	vst v40  }
0xfb: {  	[tilespmem:s17+$0x11470] =	vst v42;
	v40 =	vld.idx.msk [tilespmem:v24+s3+$0x0], $0xffff  }
0xfc: {  	s14 =	simm.s32 $0x1E00;
	v42 =	vld.idx.msk [tilespmem:v15+s18+$0x0], $0xffff  }
0xfd: {  	v44 =	vld.idx.msk [tilespmem:v7+s14+$0x0], $0xffff;
	[tilespmem:s15+$0x11C50] =	vst v39  }
0xfe: {  	s29 =	simm.s32 $0x5;
	s5 =	simm.s32 $0x14;
	[tilespmem:s11+$0x11840] =	vst v41;
	v39 =	vld.idx.msk [tilespmem:v29+s16+$0x0], $0xffff  }
0xff: {  	s7 =	sand.u32 $0x7, s29;
	s13 =	sand.u32 $0x60, s5;
	[tilespmem:s10+$0x11430] =	vst v43;
	v41 =	vld.idx.msk [tilespmem:v20+s4+$0x0], $0xffff  }
0x100: {  	s7 =	sor.u32 s7, s13;
	v43 =	vld.idx.msk [tilespmem:v11+s9+$0x0], $0xffff;
	[tilespmem:s2+$0x11C10] =	vst v40  }
0x101: {  	s13 =	sshll.u32 s7, $0x7;
	[tilespmem:s17+$0x11800] =	vst v42;
	v40 =	vld.idx.msk [tilespmem:v25+s3+$0x0], $0xffff  }
0x102: {  	[tilespmem:s13+$0x11400] =	vst v44;
	v42 =	vld.idx.msk [tilespmem:v16+s18+$0x0], $0xffff  }
0x103: {  	v44 =	vld.idx.msk [tilespmem:v8+s14+$0x0], $0xffff;
	[tilespmem:s15+$0x11C60] =	vst v39  }
0x104: {  	[tilespmem:s11+$0x11850] =	vst v41;
	v39 =	vld.idx.msk [tilespmem:v30+s16+$0x0], $0xffff  }
0x105: {  	[tilespmem:s10+$0x11440] =	vst v43;
	v41 =	vld.idx.msk [tilespmem:v21+s4+$0x0], $0xffff  }
0x106: {  	v43 =	vld.idx.msk [tilespmem:v12+s9+$0x0], $0xffff;
	[tilespmem:s2+$0x11C20] =	vst v40  }
0x107: {  	[tilespmem:s17+$0x11810] =	vst v42;
	v40 =	vld.idx.msk [tilespmem:v26+s3+$0x0], $0xffff  }
0x108: {  	[tilespmem:s13+$0x11410] =	vst v44;
	v42 =	vld.idx.msk [tilespmem:v17+s18+$0x0], $0xffff  }
0x109: {  	v44 =	vld.idx.msk [tilespmem:v9+s14+$0x0], $0xffff;
	[tilespmem:s15+$0x11C70] =	vst v39  }
0x10a: {  	[tilespmem:s11+$0x11860] =	vst v41;
	v39 =	vld.idx.msk [tilespmem:v31+s16+$0x0], $0xffff  }
0x10b: {  	[tilespmem:s10+$0x11450] =	vst v43;
	v41 =	vld.idx.msk [tilespmem:v22+s4+$0x0], $0xffff  }
0x10c: {  	v43 =	vld.idx.msk [tilespmem:v13+s9+$0x0], $0xffff;
	[tilespmem:s2+$0x11C30] =	vst v40  }
0x10d: {  	[tilespmem:s17+$0x11820] =	vst v42;
	v40 =	vld.idx.msk [tilespmem:v27+s3+$0x0], $0xffff  }
0x10e: {  	[tilespmem:s13+$0x11420] =	vst v44;
	v42 =	vld.idx.msk [tilespmem:v18+s18+$0x0], $0xffff  }
0x10f: {  	v44 =	vld.idx.msk [tilespmem:v10+s14+$0x0], $0xffff;
	[tilespmem:s15+$0x12000] =	vst v39  }
0x110: {  	[tilespmem:s11+$0x11870] =	vst v41;
	v39 =	vld.idx.msk [tilespmem:v32+s16+$0x0], $0xffff  }
0x111: {  	[tilespmem:s10+$0x11460] =	vst v43;
	v41 =	vld.idx.msk [tilespmem:v23+s4+$0x0], $0xffff  }
0x112: {  	v43 =	vld.idx.msk [tilespmem:v14+s9+$0x0], $0xffff;
	[tilespmem:s2+$0x11C40] =	vst v40  }
0x113: {  	[tilespmem:s17+$0x11830] =	vst v42;
	v40 =	vld.idx.msk [tilespmem:v28+s3+$0x0], $0xffff  }
0x114: {  	s19 =	simm.s32 $0x2000;
	[tilespmem:s13+$0x11430] =	vst v44;
	v42 =	vld.idx.msk [tilespmem:v19+s18+$0x0], $0xffff  }
0x115: {  	v44 =	vld.idx.msk [tilespmem:v7+s19+$0x0], $0xffff;
	[tilespmem:s15+$0x12010] =	vst v39  }
0x116: {  	[tilespmem:s11+$0x11C00] =	vst v41;
	v39 =	vld.idx.msk [tilespmem:v33+s16+$0x0], $0xffff  }
0x117: {  	[tilespmem:s10+$0x11470] =	vst v43;
	v45 =	vld.idx.msk [tilespmem:v24+s4+$0x0], $0xffff  }
0x118: {  	v46 =	vld.idx.msk [tilespmem:v15+s9+$0x0], $0xffff;
	[tilespmem:s2+$0x11C50] =	vst v40  }
0x119: {  	[tilespmem:s17+$0x11840] =	vst v42;
	v47 =	vld.idx.msk [tilespmem:v29+s3+$0x0], $0xffff  }
0x11a: {  	v41 =	vld.idx.msk [tilespmem:v20+s18+$0x0], $0xffff  }
0x11b: {  	v43 =	vld.idx.msk [tilespmem:v11+s14+$0x0], $0xffff;
	[tilespmem:s15+$0x12020] =	vst v39  }
0x11c: {  	[tilespmem:s11+$0x11C10] =	vst v45;
	v40 =	vld.idx.msk [tilespmem:v34+s16+$0x0], $0xffff  }
0x11d: {  	[tilespmem:s10+$0x11800] =	vst v46;
	v39 =	vld.idx.msk [tilespmem:v25+s4+$0x0], $0xffff  }
0x11e: {  	s21 =	simm.s32 $0x7;
	s7 =	simm.s32 $0x6;
	v42 =	vld.idx.msk [tilespmem:v16+s9+$0x0], $0xffff;
	[tilespmem:s2+$0x11C60] =	vst v47  }
.LBB2_7:
0x11f: {  	p1 =	sne.s32 s21, $0x1F;
	[tilespmem:s17+$0x11850] =	vst v41;
	v41 =	vld.idx.msk [tilespmem:v30+s3+$0x0], $0xffff;
	s24 =	smov.u32 s10;
	s10 =	smov.u32 s13  }
0x120: {  	s5 =	sadd.s32 $0x4, s5;
	[tilespmem:s10+$0x11440] =	vst v43;
	v43 =	vld.idx.msk [tilespmem:v21+s18+$0x0], $0xffff  }
0x121: {  	s29 =	sand.u32 $0x7, s7;
	s7 =	smov.u32 s21;
	s13 =	sand.u32 $0x60, s5;
	v45 =	vld.idx.msk [tilespmem:v12+s14+$0x0], $0xffff;
	[tilespmem:s15+$0x12030] =	vst v40  }
0x122: {  	s13 =	sor.u32 s29, s13;
	[tilespmem:s11+$0x11C20] =	vst v39;
	v39 =	vld.idx.msk [tilespmem:v35+s16+$0x0], $0xffff  }
0x123: {  	s13 =	sshll.u32 s13, $0x7;
	[tilespmem:s24+$0x11810] =	vst v42;
	v40 =	vld.idx.msk [tilespmem:v26+s4+$0x0], $0xffff  }
0x124: {  	[tilespmem:s13+$0x11400] =	vst v44;
	v42 =	vld.idx.msk [tilespmem:v17+s9+$0x0], $0xffff  }
0x125: {  	v44 =	vld.idx.msk [tilespmem:v8+s19+$0x0], $0xffff;
	[tilespmem:s2+$0x11C70] =	vst v41  }
0x126: {  	[tilespmem:s17+$0x11860] =	vst v43;
	v41 =	vld.idx.msk [tilespmem:v31+s3+$0x0], $0xffff  }
0x127: {  	[tilespmem:s10+$0x11450] =	vst v45;
	v43 =	vld.idx.msk [tilespmem:v22+s18+$0x0], $0xffff  }
0x128: {  	v45 =	vld.idx.msk [tilespmem:v13+s14+$0x0], $0xffff;
	[tilespmem:s15+$0x12040] =	vst v39  }
0x129: {  	[tilespmem:s11+$0x11C30] =	vst v40;
	v39 =	vld.idx.msk [tilespmem:v36+s16+$0x0], $0xffff  }
0x12a: {  	[tilespmem:s24+$0x11820] =	vst v42;
	v40 =	vld.idx.msk [tilespmem:v27+s4+$0x0], $0xffff  }
0x12b: {  	[tilespmem:s13+$0x11410] =	vst v44;
	v42 =	vld.idx.msk [tilespmem:v18+s9+$0x0], $0xffff  }
0x12c: {  	v44 =	vld.idx.msk [tilespmem:v9+s19+$0x0], $0xffff;
	[tilespmem:s2+$0x12000] =	vst v41  }
0x12d: {  	[tilespmem:s17+$0x11870] =	vst v43;
	v41 =	vld.idx.msk [tilespmem:v32+s3+$0x0], $0xffff  }
0x12e: {  	[tilespmem:s10+$0x11460] =	vst v45;
	v43 =	vld.idx.msk [tilespmem:v23+s18+$0x0], $0xffff  }
0x12f: {  	v45 =	vld.idx.msk [tilespmem:v14+s14+$0x0], $0xffff;
	[tilespmem:s15+$0x12050] =	vst v39  }
0x130: {  	[tilespmem:s11+$0x11C40] =	vst v40;
	v39 =	vld.idx.msk [tilespmem:v37+s16+$0x0], $0xffff  }
0x131: {  	[tilespmem:s24+$0x11830] =	vst v42;
	v40 =	vld.idx.msk [tilespmem:v28+s4+$0x0], $0xffff  }
0x132: {  	[tilespmem:s13+$0x11420] =	vst v44;
	v42 =	vld.idx.msk [tilespmem:v19+s9+$0x0], $0xffff  }
0x133: {  	v44 =	vld.idx.msk [tilespmem:v10+s19+$0x0], $0xffff;
	[tilespmem:s2+$0x12010] =	vst v41  }
0x134: {  	[tilespmem:s17+$0x11C00] =	vst v43;
	v46 =	vld.idx.msk [tilespmem:v33+s3+$0x0], $0xffff  }
0x135: {  	[tilespmem:s10+$0x11470] =	vst v45;
	v45 =	vld.idx.msk [tilespmem:v24+s18+$0x0], $0xffff  }
0x136: {  	v47 =	vld.idx.msk [tilespmem:v15+s14+$0x0], $0xffff;
	[tilespmem:s15+$0x12060] =	vst v39  }
0x137: {  	[tilespmem:s11+$0x11C50] =	vst v40;
	v48 =	vld.idx.msk [tilespmem:v38+s16+$0x0], $0xffff;
	s16 =	smov.u32 s3;
	s3 =	smov.u32 s4;
	s4 =	smov.u32 s18  }
0x138: {  	s18 =	smov.u32 s9;
	s9 =	smov.u32 s14;
	s14 =	smov.u32 s19;
	[tilespmem:s24+$0x11840] =	vst v42;
	v49 =	vld.idx.msk [tilespmem:v29+s3+$0x0], $0xffff  }
0x139: {  	[tilespmem:s13+$0x11430] =	vst v44;
	v41 =	vld.idx.msk [tilespmem:v20+s18+$0x0], $0xffff  }
.Ltmp2:
0x13a: {  	v43 =	vld.idx.msk [tilespmem:v11+s19+$0x0], $0xffff;
	[tilespmem:s2+$0x12020] =	vst v46;
	(pc) =	sbr.rel @p1 .LBB2_7-.Ltmp2, $4  }
0x13b: {  	[tilespmem:s17+$0x11C10] =	vst v45;
	v40 =	vld.idx.msk [tilespmem:v34+s16+$0x0], $0xffff  }
0x13c: {  	[tilespmem:s10+$0x11800] =	vst v47;
	v39 =	vld.idx.msk [tilespmem:v25+s4+$0x0], $0xffff  }
0x13d: {  	s19 =	sadd.s32 $0x200, s19;
	v42 =	vld.idx.msk [tilespmem:v16+s9+$0x0], $0xffff;
	[tilespmem:s15+$0x12070] =	vst v48;
	s15 =	smov.u32 s2;
	s2 =	smov.u32 s11  }
0x13e: {  	s21 =	sadd.s32 $0x1, s21;
	s11 =	smov.u32 s17;
	s17 =	smov.u32 s24;
	v44 =	vld.idx.msk [tilespmem:v7+s19+$0x0], $0xffff;
	[tilespmem:s2+$0x11C60] =	vst v49  }
0x13f: {  	s5 =	sadd.s32 $0x4, s5  }
0x140: {  	s7 =	sand.u32 $0x7, s7;
	s5 =	sand.u32 $0x60, s5  }
0x141: {  	s5 =	sor.u32 s7, s5  }
0x142: {  	s5 =	sshll.u32 s5, $0x7  }
0x143: {  	[tilespmem:s5+$0x11400] =	vst v44  }
0x144: {  	v44 =	vld.idx.msk [tilespmem:v8+s19+$0x0], $0xffff;
	_ =	sdelay $0x4  }
0x145: {  	[tilespmem:s5+$0x11410] =	vst v44  }
0x146: {  	v44 =	vld.idx.msk [tilespmem:v9+s19+$0x0], $0xffff;
	_ =	sdelay $0x4  }
0x147: {  	[tilespmem:s5+$0x11420] =	vst v44  }
0x148: {  	v44 =	vld.idx.msk [tilespmem:v10+s19+$0x0], $0xffff;
	_ =	sdelay $0x4  }
0x149: {  	[tilespmem:s5+$0x11430] =	vst v44  }
0x14a: {  	v44 =	vld.idx.msk [tilespmem:v11+s19+$0x0], $0xffff;
	_ =	sdelay $0x3  }
0x14b: {  	[tilespmem:s13+$0x11440] =	vst v43  }
0x14c: {  	v43 =	vld.idx.msk [tilespmem:v12+s14+$0x0], $0xffff;
	[tilespmem:s5+$0x11440] =	vst v44  }
0x14d: {  	v44 =	vld.idx.msk [tilespmem:v12+s19+$0x0], $0xffff;
	_ =	sdelay $0x3  }
0x14e: {  	[tilespmem:s13+$0x11450] =	vst v43  }
0x14f: {  	v43 =	vld.idx.msk [tilespmem:v13+s14+$0x0], $0xffff;
	[tilespmem:s5+$0x11450] =	vst v44  }
0x150: {  	v44 =	vld.idx.msk [tilespmem:v13+s19+$0x0], $0xffff;
	_ =	sdelay $0x3  }
0x151: {  	[tilespmem:s13+$0x11460] =	vst v43  }
0x152: {  	v43 =	vld.idx.msk [tilespmem:v14+s14+$0x0], $0xffff;
	[tilespmem:s5+$0x11460] =	vst v44  }
0x153: {  	v44 =	vld.idx.msk [tilespmem:v14+s19+$0x0], $0xffff;
	_ =	sdelay $0x3  }
0x154: {  	[tilespmem:s13+$0x11470] =	vst v43  }
0x155: {  	v43 =	vld.idx.msk [tilespmem:v15+s14+$0x0], $0xffff;
	[tilespmem:s5+$0x11470] =	vst v44  }
0x156: {  	v44 =	vld.idx.msk [tilespmem:v15+s19+$0x0], $0xffff;
	_ =	sdelay $0x3  }
0x157: {  	[tilespmem:s13+$0x11800] =	vst v43  }
0x158: {  	v43 =	vld.idx.msk [tilespmem:v16+s14+$0x0], $0xffff;
	[tilespmem:s5+$0x11800] =	vst v44  }
0x159: {  	v44 =	vld.idx.msk [tilespmem:v16+s19+$0x0], $0xffff;
	_ =	sdelay $0x2  }
0x15a: {  	[tilespmem:s10+$0x11810] =	vst v42  }
0x15b: {  	v42 =	vld.idx.msk [tilespmem:v17+s9+$0x0], $0xffff;
	[tilespmem:s13+$0x11810] =	vst v43  }
0x15c: {  	v43 =	vld.idx.msk [tilespmem:v17+s14+$0x0], $0xffff;
	[tilespmem:s5+$0x11810] =	vst v44  }
0x15d: {  	v44 =	vld.idx.msk [tilespmem:v17+s19+$0x0], $0xffff;
	_ =	sdelay $0x2  }
0x15e: {  	[tilespmem:s10+$0x11820] =	vst v42  }
0x15f: {  	v42 =	vld.idx.msk [tilespmem:v18+s9+$0x0], $0xffff;
	[tilespmem:s13+$0x11820] =	vst v43  }
0x160: {  	v43 =	vld.idx.msk [tilespmem:v18+s14+$0x0], $0xffff;
	[tilespmem:s5+$0x11820] =	vst v44  }
0x161: {  	v44 =	vld.idx.msk [tilespmem:v18+s19+$0x0], $0xffff;
	_ =	sdelay $0x2  }
0x162: {  	[tilespmem:s10+$0x11830] =	vst v42  }
0x163: {  	v42 =	vld.idx.msk [tilespmem:v19+s9+$0x0], $0xffff;
	[tilespmem:s13+$0x11830] =	vst v43  }
0x164: {  	v43 =	vld.idx.msk [tilespmem:v19+s14+$0x0], $0xffff;
	[tilespmem:s5+$0x11830] =	vst v44  }
0x165: {  	v44 =	vld.idx.msk [tilespmem:v19+s19+$0x0], $0xffff;
	_ =	sdelay $0x2  }
0x166: {  	[tilespmem:s10+$0x11840] =	vst v42  }
0x167: {  	v42 =	vld.idx.msk [tilespmem:v20+s9+$0x0], $0xffff;
	[tilespmem:s13+$0x11840] =	vst v43  }
0x168: {  	v43 =	vld.idx.msk [tilespmem:v20+s14+$0x0], $0xffff;
	[tilespmem:s5+$0x11840] =	vst v44  }
0x169: {  	v44 =	vld.idx.msk [tilespmem:v20+s19+$0x0], $0xffff  }
0x16a: {  	[tilespmem:s17+$0x11850] =	vst v41  }
0x16b: {  	v41 =	vld.idx.msk [tilespmem:v21+s18+$0x0], $0xffff  }
0x16c: {  	[tilespmem:s10+$0x11850] =	vst v42  }
0x16d: {  	v42 =	vld.idx.msk [tilespmem:v21+s9+$0x0], $0xffff;
	[tilespmem:s13+$0x11850] =	vst v43  }
0x16e: {  	v43 =	vld.idx.msk [tilespmem:v21+s14+$0x0], $0xffff;
	[tilespmem:s5+$0x11850] =	vst v44  }
0x16f: {  	v44 =	vld.idx.msk [tilespmem:v21+s19+$0x0], $0xffff  }
0x170: {  	[tilespmem:s17+$0x11860] =	vst v41  }
0x171: {  	v41 =	vld.idx.msk [tilespmem:v22+s18+$0x0], $0xffff  }
0x172: {  	[tilespmem:s10+$0x11860] =	vst v42  }
0x173: {  	v42 =	vld.idx.msk [tilespmem:v22+s9+$0x0], $0xffff;
	[tilespmem:s13+$0x11860] =	vst v43  }
0x174: {  	v43 =	vld.idx.msk [tilespmem:v22+s14+$0x0], $0xffff;
	[tilespmem:s5+$0x11860] =	vst v44  }
0x175: {  	v44 =	vld.idx.msk [tilespmem:v22+s19+$0x0], $0xffff  }
0x176: {  	[tilespmem:s17+$0x11870] =	vst v41  }
0x177: {  	v41 =	vld.idx.msk [tilespmem:v23+s18+$0x0], $0xffff  }
0x178: {  	[tilespmem:s10+$0x11870] =	vst v42  }
0x179: {  	v42 =	vld.idx.msk [tilespmem:v23+s9+$0x0], $0xffff;
	[tilespmem:s13+$0x11870] =	vst v43  }
0x17a: {  	v43 =	vld.idx.msk [tilespmem:v23+s14+$0x0], $0xffff;
	[tilespmem:s5+$0x11870] =	vst v44  }
0x17b: {  	v44 =	vld.idx.msk [tilespmem:v23+s19+$0x0], $0xffff  }
0x17c: {  	[tilespmem:s17+$0x11C00] =	vst v41  }
0x17d: {  	v41 =	vld.idx.msk [tilespmem:v24+s18+$0x0], $0xffff  }
0x17e: {  	[tilespmem:s10+$0x11C00] =	vst v42  }
0x17f: {  	v42 =	vld.idx.msk [tilespmem:v24+s9+$0x0], $0xffff;
	[tilespmem:s13+$0x11C00] =	vst v43  }
0x180: {  	v43 =	vld.idx.msk [tilespmem:v24+s14+$0x0], $0xffff;
	[tilespmem:s5+$0x11C00] =	vst v44  }
0x181: {  	v44 =	vld.idx.msk [tilespmem:v24+s19+$0x0], $0xffff  }
0x182: {  	[tilespmem:s17+$0x11C10] =	vst v41  }
0x183: {  	v41 =	vld.idx.msk [tilespmem:v25+s18+$0x0], $0xffff  }
0x184: {  	[tilespmem:s10+$0x11C10] =	vst v42  }
0x185: {  	v42 =	vld.idx.msk [tilespmem:v25+s9+$0x0], $0xffff;
	[tilespmem:s13+$0x11C10] =	vst v43  }
0x186: {  	v43 =	vld.idx.msk [tilespmem:v25+s14+$0x0], $0xffff;
	[tilespmem:s5+$0x11C10] =	vst v44  }
0x187: {  	[tilespmem:s11+$0x11C20] =	vst v39;
	v54 =	vld.idx.msk [tilespmem:v25+s19+$0x0], $0xffff  }
0x188: {  	v39 =	vld.idx.msk [tilespmem:v26+s4+$0x0], $0xffff;
	[tilespmem:s17+$0x11C20] =	vst v41  }
0x189: {  	[tilespmem:s15+$0x12030] =	vst v40;
	v41 =	vld.idx.msk [tilespmem:v26+s18+$0x0], $0xffff  }
0x18a: {  	v55 =	vld.idx.msk [tilespmem:v30+s3+$0x0], $0xffff;
	[tilespmem:s10+$0x11C20] =	vst v42  }
0x18b: {  	v42 =	vld.idx.msk [tilespmem:v26+s9+$0x0], $0xffff;
	[tilespmem:s13+$0x11C20] =	vst v43  }
0x18c: {  	v43 =	vld.idx.msk [tilespmem:v26+s14+$0x0], $0xffff;
	[tilespmem:s5+$0x11C20] =	vst v54  }
0x18d: {  	[tilespmem:s11+$0x11C30] =	vst v39;
	v40 =	vld.idx.msk [tilespmem:v26+s19+$0x0], $0xffff  }
0x18e: {  	v39 =	vld.idx.msk [tilespmem:v27+s4+$0x0], $0xffff;
	[tilespmem:s17+$0x11C30] =	vst v41  }
0x18f: {  	[tilespmem:s2+$0x11C70] =	vst v55;
	v41 =	vld.idx.msk [tilespmem:v27+s18+$0x0], $0xffff  }
0x190: {  	v56 =	vld.idx.msk [tilespmem:v35+s16+$0x0], $0xffff;
	[tilespmem:s10+$0x11C30] =	vst v42  }
0x191: {  	v42 =	vld.idx.msk [tilespmem:v27+s9+$0x0], $0xffff;
	[tilespmem:s13+$0x11C30] =	vst v43  }
0x192: {  	v43 =	vld.idx.msk [tilespmem:v27+s14+$0x0], $0xffff;
	[tilespmem:s5+$0x11C30] =	vst v40  }
0x193: {  	[tilespmem:s11+$0x11C40] =	vst v39;
	v40 =	vld.idx.msk [tilespmem:v27+s19+$0x0], $0xffff  }
0x194: {  	v39 =	vld.idx.msk [tilespmem:v28+s4+$0x0], $0xffff;
	[tilespmem:s17+$0x11C40] =	vst v41  }
0x195: {  	[tilespmem:s15+$0x12040] =	vst v56;
	v41 =	vld.idx.msk [tilespmem:v28+s18+$0x0], $0xffff  }
0x196: {  	v57 =	vld.idx.msk [tilespmem:v31+s3+$0x0], $0xffff;
	[tilespmem:s10+$0x11C40] =	vst v42  }
0x197: {  	v42 =	vld.idx.msk [tilespmem:v28+s9+$0x0], $0xffff;
	[tilespmem:s13+$0x11C40] =	vst v43  }
0x198: {  	v43 =	vld.idx.msk [tilespmem:v28+s14+$0x0], $0xffff;
	[tilespmem:s5+$0x11C40] =	vst v40  }
0x199: {  	[tilespmem:s11+$0x11C50] =	vst v39;
	v40 =	vld.idx.msk [tilespmem:v28+s19+$0x0], $0xffff  }
0x19a: {  	v39 =	vld.idx.msk [tilespmem:v29+s4+$0x0], $0xffff;
	[tilespmem:s17+$0x11C50] =	vst v41  }
0x19b: {  	[tilespmem:s2+$0x12000] =	vst v57;
	v41 =	vld.idx.msk [tilespmem:v29+s18+$0x0], $0xffff  }
0x19c: {  	v58 =	vld.idx.msk [tilespmem:v36+s16+$0x0], $0xffff;
	[tilespmem:s10+$0x11C50] =	vst v42  }
0x19d: {  	v42 =	vld.idx.msk [tilespmem:v29+s9+$0x0], $0xffff;
	[tilespmem:s13+$0x11C50] =	vst v43  }
0x19e: {  	v43 =	vld.idx.msk [tilespmem:v29+s14+$0x0], $0xffff;
	[tilespmem:s5+$0x11C50] =	vst v40  }
0x19f: {  	[tilespmem:s11+$0x11C60] =	vst v39;
	v40 =	vld.idx.msk [tilespmem:v29+s19+$0x0], $0xffff  }
0x1a0: {  	v39 =	vld.idx.msk [tilespmem:v30+s4+$0x0], $0xffff;
	[tilespmem:s17+$0x11C60] =	vst v41  }
0x1a1: {  	[tilespmem:s15+$0x12050] =	vst v58;
	v41 =	vld.idx.msk [tilespmem:v30+s18+$0x0], $0xffff  }
0x1a2: {  	v59 =	vld.idx.msk [tilespmem:v32+s3+$0x0], $0xffff;
	[tilespmem:s10+$0x11C60] =	vst v42  }
0x1a3: {  	v42 =	vld.idx.msk [tilespmem:v30+s9+$0x0], $0xffff;
	[tilespmem:s13+$0x11C60] =	vst v43  }
0x1a4: {  	v43 =	vld.idx.msk [tilespmem:v30+s14+$0x0], $0xffff;
	[tilespmem:s5+$0x11C60] =	vst v40  }
0x1a5: {  	[tilespmem:s11+$0x11C70] =	vst v39;
	v40 =	vld.idx.msk [tilespmem:v30+s19+$0x0], $0xffff  }
0x1a6: {  	v39 =	vld.idx.msk [tilespmem:v31+s4+$0x0], $0xffff;
	[tilespmem:s17+$0x11C70] =	vst v41  }
0x1a7: {  	[tilespmem:s2+$0x12010] =	vst v59;
	v41 =	vld.idx.msk [tilespmem:v31+s18+$0x0], $0xffff  }
0x1a8: {  	v60 =	vld.idx.msk [tilespmem:v37+s16+$0x0], $0xffff;
	[tilespmem:s10+$0x11C70] =	vst v42  }
0x1a9: {  	v42 =	vld.idx.msk [tilespmem:v31+s9+$0x0], $0xffff;
	[tilespmem:s13+$0x11C70] =	vst v43  }
0x1aa: {  	v43 =	vld.idx.msk [tilespmem:v31+s14+$0x0], $0xffff;
	[tilespmem:s5+$0x11C70] =	vst v40  }
0x1ab: {  	[tilespmem:s11+$0x12000] =	vst v39;
	v40 =	vld.idx.msk [tilespmem:v31+s19+$0x0], $0xffff  }
0x1ac: {  	v39 =	vld.idx.msk [tilespmem:v32+s4+$0x0], $0xffff;
	[tilespmem:s17+$0x12000] =	vst v41  }
0x1ad: {  	[tilespmem:s15+$0x12060] =	vst v60;
	v41 =	vld.idx.msk [tilespmem:v32+s18+$0x0], $0xffff  }
0x1ae: {  	v61 =	vld.idx.msk [tilespmem:v33+s3+$0x0], $0xffff;
	[tilespmem:s10+$0x12000] =	vst v42  }
0x1af: {  	v42 =	vld.idx.msk [tilespmem:v32+s9+$0x0], $0xffff;
	[tilespmem:s13+$0x12000] =	vst v43  }
0x1b0: {  	v43 =	vld.idx.msk [tilespmem:v32+s14+$0x0], $0xffff;
	[tilespmem:s5+$0x12000] =	vst v40  }
0x1b1: {  	[tilespmem:s11+$0x12010] =	vst v39;
	v40 =	vld.idx.msk [tilespmem:v32+s19+$0x0], $0xffff  }
0x1b2: {  	v39 =	vld.idx.msk [tilespmem:v33+s4+$0x0], $0xffff;
	[tilespmem:s17+$0x12010] =	vst v41  }
0x1b3: {  	[tilespmem:s2+$0x12020] =	vst v61;
	v41 =	vld.idx.msk [tilespmem:v33+s18+$0x0], $0xffff  }
0x1b4: {  	v62 =	vld.idx.msk [tilespmem:v38+s16+$0x0], $0xffff;
	[tilespmem:s10+$0x12010] =	vst v42  }
0x1b5: {  	v42 =	vld.idx.msk [tilespmem:v33+s9+$0x0], $0xffff;
	[tilespmem:s13+$0x12010] =	vst v43  }
0x1b6: {  	v43 =	vld.idx.msk [tilespmem:v33+s14+$0x0], $0xffff;
	[tilespmem:s5+$0x12010] =	vst v40  }
0x1b7: {  	[tilespmem:s11+$0x12020] =	vst v39;
	v40 =	vld.idx.msk [tilespmem:v33+s19+$0x0], $0xffff  }
0x1b8: {  	v39 =	vld.idx.msk [tilespmem:v34+s4+$0x0], $0xffff;
	[tilespmem:s17+$0x12020] =	vst v41  }
0x1b9: {  	[tilespmem:s15+$0x12070] =	vst v62;
	v41 =	vld.idx.msk [tilespmem:v34+s18+$0x0], $0xffff  }
0x1ba: {  	v63 =	vld.idx.msk [tilespmem:v34+s3+$0x0], $0xffff;
	[tilespmem:s10+$0x12020] =	vst v42  }
0x1bb: {  	v42 =	vld.idx.msk [tilespmem:v34+s9+$0x0], $0xffff;
	[tilespmem:s13+$0x12020] =	vst v43  }
0x1bc: {  	v43 =	vld.idx.msk [tilespmem:v34+s14+$0x0], $0xffff;
	[tilespmem:s5+$0x12020] =	vst v40  }
0x1bd: {  	[tilespmem:s11+$0x12030] =	vst v39;
	v40 =	vld.idx.msk [tilespmem:v34+s19+$0x0], $0xffff  }
0x1be: {  	v39 =	vld.idx.msk [tilespmem:v35+s4+$0x0], $0xffff;
	[tilespmem:s17+$0x12030] =	vst v41  }
0x1bf: {  	[tilespmem:s2+$0x12030] =	vst v63;
	v41 =	vld.idx.msk [tilespmem:v35+s18+$0x0], $0xffff  }
0x1c0: {  	v44 =	vld.idx.msk [tilespmem:v35+s3+$0x0], $0xffff;
	[tilespmem:s10+$0x12030] =	vst v42  }
0x1c1: {  	v42 =	vld.idx.msk [tilespmem:v35+s9+$0x0], $0xffff;
	[tilespmem:s13+$0x12030] =	vst v43  }
0x1c2: {  	v43 =	vld.idx.msk [tilespmem:v35+s14+$0x0], $0xffff;
	[tilespmem:s5+$0x12030] =	vst v40  }
0x1c3: {  	[tilespmem:s11+$0x12040] =	vst v39;
	v40 =	vld.idx.msk [tilespmem:v35+s19+$0x0], $0xffff  }
0x1c4: {  	v39 =	vld.idx.msk [tilespmem:v36+s4+$0x0], $0xffff;
	[tilespmem:s17+$0x12040] =	vst v41  }
0x1c5: {  	v41 =	vld.idx.msk [tilespmem:v36+s18+$0x0], $0xffff;
	[tilespmem:s2+$0x12040] =	vst v44  }
0x1c6: {  	v44 =	vld.idx.msk [tilespmem:v36+s3+$0x0], $0xffff;
	[tilespmem:s10+$0x12040] =	vst v42  }
0x1c7: {  	v42 =	vld.idx.msk [tilespmem:v36+s9+$0x0], $0xffff;
	[tilespmem:s13+$0x12040] =	vst v43  }
0x1c8: {  	v43 =	vld.idx.msk [tilespmem:v36+s14+$0x0], $0xffff;
	[tilespmem:s5+$0x12040] =	vst v40  }
0x1c9: {  	[tilespmem:s11+$0x12050] =	vst v39;
	v40 =	vld.idx.msk [tilespmem:v36+s19+$0x0], $0xffff  }
0x1ca: {  	v39 =	vld.idx.msk [tilespmem:v37+s4+$0x0], $0xffff;
	[tilespmem:s17+$0x12050] =	vst v41  }
0x1cb: {  	v41 =	vld.idx.msk [tilespmem:v37+s18+$0x0], $0xffff;
	[tilespmem:s2+$0x12050] =	vst v44  }
0x1cc: {  	v44 =	vld.idx.msk [tilespmem:v37+s3+$0x0], $0xffff;
	[tilespmem:s10+$0x12050] =	vst v42  }
0x1cd: {  	v42 =	vld.idx.msk [tilespmem:v37+s9+$0x0], $0xffff;
	[tilespmem:s13+$0x12050] =	vst v43  }
0x1ce: {  	v43 =	vld.idx.msk [tilespmem:v37+s14+$0x0], $0xffff;
	[tilespmem:s5+$0x12050] =	vst v40  }
0x1cf: {  	[tilespmem:s11+$0x12060] =	vst v39;
	v40 =	vld.idx.msk [tilespmem:v37+s19+$0x0], $0xffff  }
0x1d0: {  	v39 =	vld.idx.msk [tilespmem:v38+s4+$0x0], $0xffff;
	[tilespmem:s17+$0x12060] =	vst v41  }
0x1d1: {  	v41 =	vld.idx.msk [tilespmem:v38+s18+$0x0], $0xffff;
	[tilespmem:s2+$0x12060] =	vst v44  }
0x1d2: {  	v44 =	vld.idx.msk [tilespmem:v38+s3+$0x0], $0xffff;
	[tilespmem:s10+$0x12060] =	vst v42  }
0x1d3: {  	v42 =	vld.idx.msk [tilespmem:v38+s9+$0x0], $0xffff;
	[tilespmem:s13+$0x12060] =	vst v43  }
0x1d4: {  	v43 =	vld.idx.msk [tilespmem:v38+s14+$0x0], $0xffff;
	[tilespmem:s5+$0x12060] =	vst v40  }
0x1d5: {  	[tilespmem:s11+$0x12070] =	vst v39;
	v40 =	vld.idx.msk [tilespmem:v38+s19+$0x0], $0xffff  }
0x1d6: {  	p1 =	sne.s32 s31, $0x7;
	[tilespmem:s17+$0x12070] =	vst v41  }
.Ltmp3:
0x1d7: {  	[tilespmem:s2+$0x12070] =	vst v44;
	(pc) =	sbr.rel @p1 .LBB2_10-.Ltmp3, $4  }
0x1d8: {  	[tilespmem:s10+$0x12070] =	vst v42  }
0x1d9: {  	s29 =	sshll.u32 s31, $0xD;
	[tilespmem:s13+$0x12070] =	vst v43  }
0x1da: {  	s2 =	sadd.s32 s29, s8;
	[tilespmem:s5+$0x12070] =	vst v40  }
0x1db: {  	[hbm4b:s2+s6] =	stream.linear.scatter [tilespmem:s22], [sflag:$0x5], $0x4000, $0x38;
	[tilespmem:$0x19400] =	vst v63  }
.Ltmp4:
0x1dc: {  	(pc) =	sbr.rel .LBB2_11-.Ltmp4, $4  }
0x1dd: {  	s2 =	simm.s32 $0x2  }
0x1de: {  	_ =	swait.ge [sflag:s2], $0x4000  }
0x1df: {  	[sflag:s2] =	ssyncset.done $0x0  }
0x1e0: {  	[sflag:s2] =	ssyncadd.s32 $0xFFFFC000  }
.LBB2_10:
0x1e1: {  	s2 =	sshll.u32 s31, $0x9  }
0x1e2: {  	s3 =	simm.s32 $0x80;
	s4 =	simm.s32 $0x1400;
	s2 =	sand.u32 $0x3FFFFE00, s2  }
.Ltmp5:
0x1e3: {  	s29 =	simm.s32 $0x2;
	s2 =	sadd.s32 $0x600, s2;
	(pc) =	sbr.rel @p0 .LBB2_12-.Ltmp5, $4  }
0x1e4: {  	[tilespmem:s4], [sflag:$0x1] =	stream.indirect.gather [hbm4b:s1+s3], $0x80, s2, s3, $0xb8;
	[tilespmem:$0x19400] =	vst v63  }
0x1e5: {  	_ =	swait.ge [sflag:s29], $0x4000  }
0x1e6: {  	[sflag:s29] =	ssyncset.done $0x0  }
0x1e7: {  	[sflag:s29] =	ssyncadd.s32 $0xFFFFC000  }
.LBB2_11:
0x1e8: {  	_ =	swait.ge [sflag:s23], $0x4000  }
0x1e9: {  	[sflag:s23] =	ssyncset.done $0x0  }
0x1ea: {  	[sflag:s23] =	ssyncadd.s32 $0xFFFFC000  }
.LBB2_12:
0x1eb: {  	_ =	sdelay $0x2  }
0x1ec: {  	s16 =	simm.s32 $0x5400  }
0x1ed: {  	v39 =	vld.idx.msk [tilespmem:v7+s16+$0x0], $0xffff  }
0x1ee: {  	s2 =	simm.s32 $0x0  }
0x1ef: {  	s3 =	sand.u32 $0x60, s2;
	s2 =	sand.u32 $0x7, s2  }
0x1f0: {  	s2 =	sor.u32 s2, s3  }
0x1f1: {  	s15 =	sshll.u32 s2, $0x7  }
0x1f2: {  	[tilespmem:s15+$0x15400] =	vst v39  }
0x1f3: {  	v39 =	vld.idx.msk [tilespmem:v8+s16+$0x0], $0xffff;
	_ =	sdelay $0x4  }
0x1f4: {  	[tilespmem:s15+$0x15410] =	vst v39  }
0x1f5: {  	v39 =	vld.idx.msk [tilespmem:v9+s16+$0x0], $0xffff;
	_ =	sdelay $0x4  }
0x1f6: {  	[tilespmem:s15+$0x15420] =	vst v39  }
0x1f7: {  	v39 =	vld.idx.msk [tilespmem:v10+s16+$0x0], $0xffff;
	_ =	sdelay $0x4  }
0x1f8: {  	[tilespmem:s15+$0x15430] =	vst v39  }
0x1f9: {  	v39 =	vld.idx.msk [tilespmem:v11+s16+$0x0], $0xffff;
	_ =	sdelay $0x1  }
0x1fa: {  	s3 =	simm.s32 $0x5600  }
0x1fb: {  	v40 =	vld.idx.msk [tilespmem:v7+s3+$0x0], $0xffff  }
0x1fc: {  	s18 =	simm.s32 $0x1;
	s4 =	simm.s32 $0x4  }
0x1fd: {  	s4 =	sand.u32 $0x60, s4;
	s2 =	sand.u32 $0x7, s18;
	[tilespmem:s15+$0x15440] =	vst v39  }
0x1fe: {  	s2 =	sor.u32 s2, s4;
	v39 =	vld.idx.msk [tilespmem:v12+s16+$0x0], $0xffff  }
0x1ff: {  	s2 =	sshll.u32 s2, $0x7  }
0x200: {  	[tilespmem:s2+$0x15400] =	vst v40  }
0x201: {  	v40 =	vld.idx.msk [tilespmem:v8+s3+$0x0], $0xffff;
	_ =	sdelay $0x1  }
0x202: {  	[tilespmem:s15+$0x15450] =	vst v39  }
0x203: {  	v39 =	vld.idx.msk [tilespmem:v13+s16+$0x0], $0xffff;
	_ =	sdelay $0x1  }
0x204: {  	[tilespmem:s2+$0x15410] =	vst v40  }
0x205: {  	v40 =	vld.idx.msk [tilespmem:v9+s3+$0x0], $0xffff;
	_ =	sdelay $0x1  }
0x206: {  	[tilespmem:s15+$0x15460] =	vst v39  }
0x207: {  	v39 =	vld.idx.msk [tilespmem:v14+s16+$0x0], $0xffff;
	_ =	sdelay $0x1  }
0x208: {  	[tilespmem:s2+$0x15420] =	vst v40  }
0x209: {  	v40 =	vld.idx.msk [tilespmem:v10+s3+$0x0], $0xffff;
	_ =	sdelay $0x1  }
0x20a: {  	[tilespmem:s15+$0x15470] =	vst v39  }
0x20b: {  	v39 =	vld.idx.msk [tilespmem:v15+s16+$0x0], $0xffff;
	_ =	sdelay $0x1  }
0x20c: {  	[tilespmem:s2+$0x15430] =	vst v40  }
0x20d: {  	v40 =	vld.idx.msk [tilespmem:v11+s3+$0x0], $0xffff;
	_ =	sdelay $0x1  }
0x20e: {  	[tilespmem:s15+$0x15800] =	vst v39  }
0x20f: {  	s4 =	simm.s32 $0x5800;
	v39 =	vld.idx.msk [tilespmem:v16+s16+$0x0], $0xffff  }
0x210: {  	v41 =	vld.idx.msk [tilespmem:v7+s4+$0x0], $0xffff  }
0x211: {  	s5 =	simm.s32 $0x2;
	s7 =	simm.s32 $0x8;
	[tilespmem:s2+$0x15440] =	vst v40  }
0x212: {  	s7 =	sand.u32 $0x60, s7;
	s5 =	sand.u32 $0x7, s5;
	v40 =	vld.idx.msk [tilespmem:v12+s3+$0x0], $0xffff  }
0x213: {  	s5 =	sor.u32 s5, s7  }
0x214: {  	s11 =	sshll.u32 s5, $0x7;
	[tilespmem:s15+$0x15810] =	vst v39  }
0x215: {  	[tilespmem:s11+$0x15400] =	vst v41;
	v39 =	vld.idx.msk [tilespmem:v17+s16+$0x0], $0xffff  }
0x216: {  	v41 =	vld.idx.msk [tilespmem:v8+s4+$0x0], $0xffff  }
0x217: {  	[tilespmem:s2+$0x15450] =	vst v40  }
0x218: {  	v40 =	vld.idx.msk [tilespmem:v13+s3+$0x0], $0xffff;
	_ =	sdelay $0x1  }
0x219: {  	[tilespmem:s15+$0x15820] =	vst v39  }
0x21a: {  	[tilespmem:s11+$0x15410] =	vst v41;
	v39 =	vld.idx.msk [tilespmem:v18+s16+$0x0], $0xffff  }
0x21b: {  	v41 =	vld.idx.msk [tilespmem:v9+s4+$0x0], $0xffff  }
0x21c: {  	[tilespmem:s2+$0x15460] =	vst v40  }
0x21d: {  	v40 =	vld.idx.msk [tilespmem:v14+s3+$0x0], $0xffff;
	_ =	sdelay $0x1  }
0x21e: {  	[tilespmem:s15+$0x15830] =	vst v39  }
0x21f: {  	[tilespmem:s11+$0x15420] =	vst v41;
	v39 =	vld.idx.msk [tilespmem:v19+s16+$0x0], $0xffff  }
0x220: {  	v41 =	vld.idx.msk [tilespmem:v10+s4+$0x0], $0xffff  }
0x221: {  	[tilespmem:s2+$0x15470] =	vst v40  }
0x222: {  	v40 =	vld.idx.msk [tilespmem:v15+s3+$0x0], $0xffff;
	_ =	sdelay $0x1  }
0x223: {  	[tilespmem:s15+$0x15840] =	vst v39  }
0x224: {  	[tilespmem:s11+$0x15430] =	vst v41;
	v39 =	vld.idx.msk [tilespmem:v20+s16+$0x0], $0xffff  }
0x225: {  	v41 =	vld.idx.msk [tilespmem:v11+s4+$0x0], $0xffff  }
0x226: {  	[tilespmem:s2+$0x15800] =	vst v40  }
0x227: {  	s18 =	simm.s32 $0x5A00;
	v40 =	vld.idx.msk [tilespmem:v16+s3+$0x0], $0xffff  }
0x228: {  	v42 =	vld.idx.msk [tilespmem:v7+s18+$0x0], $0xffff  }
0x229: {  	s19 =	simm.s32 $0x3;
	s21 =	simm.s32 $0xC;
	[tilespmem:s15+$0x15850] =	vst v39  }
0x22a: {  	s7 =	sand.u32 $0x60, s21;
	s5 =	sand.u32 $0x7, s19;
	[tilespmem:s11+$0x15440] =	vst v41;
	v39 =	vld.idx.msk [tilespmem:v21+s16+$0x0], $0xffff  }
0x22b: {  	s5 =	sor.u32 s5, s7;
	v41 =	vld.idx.msk [tilespmem:v12+s4+$0x0], $0xffff  }
0x22c: {  	s17 =	sshll.u32 s5, $0x7;
	[tilespmem:s2+$0x15810] =	vst v40  }
0x22d: {  	[tilespmem:s17+$0x15400] =	vst v42;
	v40 =	vld.idx.msk [tilespmem:v17+s3+$0x0], $0xffff  }
0x22e: {  	v42 =	vld.idx.msk [tilespmem:v8+s18+$0x0], $0xffff  }
0x22f: {  	[tilespmem:s15+$0x15860] =	vst v39  }
0x230: {  	[tilespmem:s11+$0x15450] =	vst v41;
	v39 =	vld.idx.msk [tilespmem:v22+s16+$0x0], $0xffff  }
0x231: {  	v41 =	vld.idx.msk [tilespmem:v13+s4+$0x0], $0xffff  }
0x232: {  	[tilespmem:s2+$0x15820] =	vst v40  }
0x233: {  	[tilespmem:s17+$0x15410] =	vst v42;
	v40 =	vld.idx.msk [tilespmem:v18+s3+$0x0], $0xffff  }
0x234: {  	v42 =	vld.idx.msk [tilespmem:v9+s18+$0x0], $0xffff  }
0x235: {  	[tilespmem:s15+$0x15870] =	vst v39  }
0x236: {  	[tilespmem:s11+$0x15460] =	vst v41;
	v39 =	vld.idx.msk [tilespmem:v23+s16+$0x0], $0xffff  }
0x237: {  	v41 =	vld.idx.msk [tilespmem:v14+s4+$0x0], $0xffff  }
0x238: {  	[tilespmem:s2+$0x15830] =	vst v40  }
0x239: {  	[tilespmem:s17+$0x15420] =	vst v42;
	v40 =	vld.idx.msk [tilespmem:v19+s3+$0x0], $0xffff  }
0x23a: {  	v42 =	vld.idx.msk [tilespmem:v10+s18+$0x0], $0xffff  }
0x23b: {  	[tilespmem:s15+$0x15C00] =	vst v39  }
0x23c: {  	[tilespmem:s11+$0x15470] =	vst v41;
	v39 =	vld.idx.msk [tilespmem:v24+s16+$0x0], $0xffff  }
0x23d: {  	v41 =	vld.idx.msk [tilespmem:v15+s4+$0x0], $0xffff  }
0x23e: {  	[tilespmem:s2+$0x15840] =	vst v40  }
0x23f: {  	[tilespmem:s17+$0x15430] =	vst v42;
	v40 =	vld.idx.msk [tilespmem:v20+s3+$0x0], $0xffff  }
0x240: {  	v42 =	vld.idx.msk [tilespmem:v11+s18+$0x0], $0xffff  }
0x241: {  	[tilespmem:s15+$0x15C10] =	vst v39  }
0x242: {  	[tilespmem:s11+$0x15800] =	vst v41;
	v39 =	vld.idx.msk [tilespmem:v25+s16+$0x0], $0xffff  }
0x243: {  	s9 =	simm.s32 $0x5C00;
	v41 =	vld.idx.msk [tilespmem:v16+s4+$0x0], $0xffff  }
0x244: {  	v43 =	vld.idx.msk [tilespmem:v7+s9+$0x0], $0xffff;
	[tilespmem:s2+$0x15850] =	vst v40  }
0x245: {  	s22 =	simm.s32 $0x4;
	s24 =	simm.s32 $0x10;
	[tilespmem:s17+$0x15440] =	vst v42;
	v40 =	vld.idx.msk [tilespmem:v21+s3+$0x0], $0xffff  }
0x246: {  	s7 =	sand.u32 $0x60, s24;
	s5 =	sand.u32 $0x7, s22;
	v42 =	vld.idx.msk [tilespmem:v12+s18+$0x0], $0xffff  }
0x247: {  	s5 =	sor.u32 s5, s7;
	[tilespmem:s15+$0x15C20] =	vst v39  }
0x248: {  	s10 =	sshll.u32 s5, $0x7;
	[tilespmem:s11+$0x15810] =	vst v41;
	v39 =	vld.idx.msk [tilespmem:v26+s16+$0x0], $0xffff  }
0x249: {  	[tilespmem:s10+$0x15400] =	vst v43;
	v41 =	vld.idx.msk [tilespmem:v17+s4+$0x0], $0xffff  }
0x24a: {  	v43 =	vld.idx.msk [tilespmem:v8+s9+$0x0], $0xffff;
	[tilespmem:s2+$0x15860] =	vst v40  }
0x24b: {  	[tilespmem:s17+$0x15450] =	vst v42;
	v40 =	vld.idx.msk [tilespmem:v22+s3+$0x0], $0xffff  }
0x24c: {  	v42 =	vld.idx.msk [tilespmem:v13+s18+$0x0], $0xffff  }
0x24d: {  	[tilespmem:s15+$0x15C30] =	vst v39  }
0x24e: {  	[tilespmem:s11+$0x15820] =	vst v41;
	v39 =	vld.idx.msk [tilespmem:v27+s16+$0x0], $0xffff  }
0x24f: {  	[tilespmem:s10+$0x15410] =	vst v43;
	v41 =	vld.idx.msk [tilespmem:v18+s4+$0x0], $0xffff  }
0x250: {  	v43 =	vld.idx.msk [tilespmem:v9+s9+$0x0], $0xffff;
	[tilespmem:s2+$0x15870] =	vst v40  }
0x251: {  	[tilespmem:s17+$0x15460] =	vst v42;
	v40 =	vld.idx.msk [tilespmem:v23+s3+$0x0], $0xffff  }
0x252: {  	v42 =	vld.idx.msk [tilespmem:v14+s18+$0x0], $0xffff  }
0x253: {  	[tilespmem:s15+$0x15C40] =	vst v39  }
0x254: {  	[tilespmem:s11+$0x15830] =	vst v41;
	v39 =	vld.idx.msk [tilespmem:v28+s16+$0x0], $0xffff  }
0x255: {  	[tilespmem:s10+$0x15420] =	vst v43;
	v41 =	vld.idx.msk [tilespmem:v19+s4+$0x0], $0xffff  }
0x256: {  	v43 =	vld.idx.msk [tilespmem:v10+s9+$0x0], $0xffff;
	[tilespmem:s2+$0x15C00] =	vst v40  }
0x257: {  	[tilespmem:s17+$0x15470] =	vst v42;
	v40 =	vld.idx.msk [tilespmem:v24+s3+$0x0], $0xffff  }
0x258: {  	s14 =	simm.s32 $0x5E00;
	v42 =	vld.idx.msk [tilespmem:v15+s18+$0x0], $0xffff  }
0x259: {  	v44 =	vld.idx.msk [tilespmem:v7+s14+$0x0], $0xffff;
	[tilespmem:s15+$0x15C50] =	vst v39  }
0x25a: {  	s29 =	simm.s32 $0x5;
	s5 =	simm.s32 $0x14;
	[tilespmem:s11+$0x15840] =	vst v41;
	v39 =	vld.idx.msk [tilespmem:v29+s16+$0x0], $0xffff  }
0x25b: {  	s7 =	sand.u32 $0x7, s29;
	s13 =	sand.u32 $0x60, s5;
	[tilespmem:s10+$0x15430] =	vst v43;
	v41 =	vld.idx.msk [tilespmem:v20+s4+$0x0], $0xffff  }
0x25c: {  	s7 =	sor.u32 s7, s13;
	v43 =	vld.idx.msk [tilespmem:v11+s9+$0x0], $0xffff;
	[tilespmem:s2+$0x15C10] =	vst v40  }
0x25d: {  	s19 =	sshll.u32 s7, $0x7;
	[tilespmem:s17+$0x15800] =	vst v42;
	v40 =	vld.idx.msk [tilespmem:v25+s3+$0x0], $0xffff  }
0x25e: {  	[tilespmem:s19+$0x15400] =	vst v44;
	v42 =	vld.idx.msk [tilespmem:v16+s18+$0x0], $0xffff  }
0x25f: {  	v44 =	vld.idx.msk [tilespmem:v8+s14+$0x0], $0xffff;
	[tilespmem:s15+$0x15C60] =	vst v39  }
0x260: {  	[tilespmem:s11+$0x15850] =	vst v41;
	v39 =	vld.idx.msk [tilespmem:v30+s16+$0x0], $0xffff  }
0x261: {  	[tilespmem:s10+$0x15440] =	vst v43;
	v41 =	vld.idx.msk [tilespmem:v21+s4+$0x0], $0xffff  }
0x262: {  	v43 =	vld.idx.msk [tilespmem:v12+s9+$0x0], $0xffff;
	[tilespmem:s2+$0x15C20] =	vst v40  }
0x263: {  	[tilespmem:s17+$0x15810] =	vst v42;
	v40 =	vld.idx.msk [tilespmem:v26+s3+$0x0], $0xffff  }
0x264: {  	[tilespmem:s19+$0x15410] =	vst v44;
	v42 =	vld.idx.msk [tilespmem:v17+s18+$0x0], $0xffff  }
0x265: {  	v44 =	vld.idx.msk [tilespmem:v9+s14+$0x0], $0xffff;
	[tilespmem:s15+$0x15C70] =	vst v39  }
0x266: {  	[tilespmem:s11+$0x15860] =	vst v41;
	v39 =	vld.idx.msk [tilespmem:v31+s16+$0x0], $0xffff  }
0x267: {  	[tilespmem:s10+$0x15450] =	vst v43;
	v41 =	vld.idx.msk [tilespmem:v22+s4+$0x0], $0xffff  }
0x268: {  	v43 =	vld.idx.msk [tilespmem:v13+s9+$0x0], $0xffff;
	[tilespmem:s2+$0x15C30] =	vst v40  }
0x269: {  	[tilespmem:s17+$0x15820] =	vst v42;
	v40 =	vld.idx.msk [tilespmem:v27+s3+$0x0], $0xffff  }
0x26a: {  	[tilespmem:s19+$0x15420] =	vst v44;
	v42 =	vld.idx.msk [tilespmem:v18+s18+$0x0], $0xffff  }
0x26b: {  	v44 =	vld.idx.msk [tilespmem:v10+s14+$0x0], $0xffff;
	[tilespmem:s15+$0x16000] =	vst v39  }
0x26c: {  	[tilespmem:s11+$0x15870] =	vst v41;
	v39 =	vld.idx.msk [tilespmem:v32+s16+$0x0], $0xffff  }
0x26d: {  	[tilespmem:s10+$0x15460] =	vst v43;
	v41 =	vld.idx.msk [tilespmem:v23+s4+$0x0], $0xffff  }
0x26e: {  	v43 =	vld.idx.msk [tilespmem:v14+s9+$0x0], $0xffff;
	[tilespmem:s2+$0x15C40] =	vst v40  }
0x26f: {  	[tilespmem:s17+$0x15830] =	vst v42;
	v40 =	vld.idx.msk [tilespmem:v28+s3+$0x0], $0xffff  }
0x270: {  	s13 =	simm.s32 $0x6000;
	[tilespmem:s19+$0x15430] =	vst v44;
	v42 =	vld.idx.msk [tilespmem:v19+s18+$0x0], $0xffff  }
0x271: {  	v44 =	vld.idx.msk [tilespmem:v7+s13+$0x0], $0xffff;
	[tilespmem:s15+$0x16010] =	vst v39  }
0x272: {  	[tilespmem:s11+$0x15C00] =	vst v41;
	v39 =	vld.idx.msk [tilespmem:v33+s16+$0x0], $0xffff  }
0x273: {  	[tilespmem:s10+$0x15470] =	vst v43;
	v45 =	vld.idx.msk [tilespmem:v24+s4+$0x0], $0xffff  }
0x274: {  	v46 =	vld.idx.msk [tilespmem:v15+s9+$0x0], $0xffff;
	[tilespmem:s2+$0x15C50] =	vst v40  }
0x275: {  	[tilespmem:s17+$0x15840] =	vst v42;
	v47 =	vld.idx.msk [tilespmem:v29+s3+$0x0], $0xffff  }
0x276: {  	v41 =	vld.idx.msk [tilespmem:v20+s18+$0x0], $0xffff  }
0x277: {  	v43 =	vld.idx.msk [tilespmem:v11+s14+$0x0], $0xffff;
	[tilespmem:s15+$0x16020] =	vst v39  }
0x278: {  	[tilespmem:s11+$0x15C10] =	vst v45;
	v40 =	vld.idx.msk [tilespmem:v34+s16+$0x0], $0xffff  }
0x279: {  	[tilespmem:s10+$0x15800] =	vst v46;
	v39 =	vld.idx.msk [tilespmem:v25+s4+$0x0], $0xffff  }
0x27a: {  	s21 =	simm.s32 $0x7;
	s7 =	simm.s32 $0x6;
	v42 =	vld.idx.msk [tilespmem:v16+s9+$0x0], $0xffff;
	[tilespmem:s2+$0x15C60] =	vst v47  }
.LBB2_13:
0x27b: {  	p0 =	sne.s32 s21, $0x1F;
	[tilespmem:s17+$0x15850] =	vst v41;
	v41 =	vld.idx.msk [tilespmem:v30+s3+$0x0], $0xffff;
	s24 =	smov.u32 s10;
	s10 =	smov.u32 s19  }
0x27c: {  	s5 =	sadd.s32 $0x4, s5;
	[tilespmem:s10+$0x15440] =	vst v43;
	v43 =	vld.idx.msk [tilespmem:v21+s18+$0x0], $0xffff  }
0x27d: {  	s29 =	sand.u32 $0x7, s7;
	s7 =	smov.u32 s21;
	s19 =	sand.u32 $0x60, s5;
	v45 =	vld.idx.msk [tilespmem:v12+s14+$0x0], $0xffff;
	[tilespmem:s15+$0x16030] =	vst v40  }
0x27e: {  	s19 =	sor.u32 s29, s19;
	[tilespmem:s11+$0x15C20] =	vst v39;
	v39 =	vld.idx.msk [tilespmem:v35+s16+$0x0], $0xffff  }
0x27f: {  	s19 =	sshll.u32 s19, $0x7;
	[tilespmem:s24+$0x15810] =	vst v42;
	v40 =	vld.idx.msk [tilespmem:v26+s4+$0x0], $0xffff  }
0x280: {  	[tilespmem:s19+$0x15400] =	vst v44;
	v42 =	vld.idx.msk [tilespmem:v17+s9+$0x0], $0xffff  }
0x281: {  	v44 =	vld.idx.msk [tilespmem:v8+s13+$0x0], $0xffff;
	[tilespmem:s2+$0x15C70] =	vst v41  }
0x282: {  	[tilespmem:s17+$0x15860] =	vst v43;
	v41 =	vld.idx.msk [tilespmem:v31+s3+$0x0], $0xffff  }
0x283: {  	[tilespmem:s10+$0x15450] =	vst v45;
	v43 =	vld.idx.msk [tilespmem:v22+s18+$0x0], $0xffff  }
0x284: {  	v45 =	vld.idx.msk [tilespmem:v13+s14+$0x0], $0xffff;
	[tilespmem:s15+$0x16040] =	vst v39  }
0x285: {  	[tilespmem:s11+$0x15C30] =	vst v40;
	v39 =	vld.idx.msk [tilespmem:v36+s16+$0x0], $0xffff  }
0x286: {  	[tilespmem:s24+$0x15820] =	vst v42;
	v40 =	vld.idx.msk [tilespmem:v27+s4+$0x0], $0xffff  }
0x287: {  	[tilespmem:s19+$0x15410] =	vst v44;
	v42 =	vld.idx.msk [tilespmem:v18+s9+$0x0], $0xffff  }
0x288: {  	v44 =	vld.idx.msk [tilespmem:v9+s13+$0x0], $0xffff;
	[tilespmem:s2+$0x16000] =	vst v41  }
0x289: {  	[tilespmem:s17+$0x15870] =	vst v43;
	v41 =	vld.idx.msk [tilespmem:v32+s3+$0x0], $0xffff  }
0x28a: {  	[tilespmem:s10+$0x15460] =	vst v45;
	v43 =	vld.idx.msk [tilespmem:v23+s18+$0x0], $0xffff  }
0x28b: {  	v45 =	vld.idx.msk [tilespmem:v14+s14+$0x0], $0xffff;
	[tilespmem:s15+$0x16050] =	vst v39  }
0x28c: {  	[tilespmem:s11+$0x15C40] =	vst v40;
	v39 =	vld.idx.msk [tilespmem:v37+s16+$0x0], $0xffff  }
0x28d: {  	[tilespmem:s24+$0x15830] =	vst v42;
	v40 =	vld.idx.msk [tilespmem:v28+s4+$0x0], $0xffff  }
0x28e: {  	[tilespmem:s19+$0x15420] =	vst v44;
	v42 =	vld.idx.msk [tilespmem:v19+s9+$0x0], $0xffff  }
0x28f: {  	v44 =	vld.idx.msk [tilespmem:v10+s13+$0x0], $0xffff;
	[tilespmem:s2+$0x16010] =	vst v41  }
0x290: {  	[tilespmem:s17+$0x15C00] =	vst v43;
	v46 =	vld.idx.msk [tilespmem:v33+s3+$0x0], $0xffff  }
0x291: {  	[tilespmem:s10+$0x15470] =	vst v45;
	v45 =	vld.idx.msk [tilespmem:v24+s18+$0x0], $0xffff  }
0x292: {  	v47 =	vld.idx.msk [tilespmem:v15+s14+$0x0], $0xffff;
	[tilespmem:s15+$0x16060] =	vst v39  }
0x293: {  	[tilespmem:s11+$0x15C50] =	vst v40;
	v48 =	vld.idx.msk [tilespmem:v38+s16+$0x0], $0xffff;
	s16 =	smov.u32 s3;
	s3 =	smov.u32 s4;
	s4 =	smov.u32 s18  }
0x294: {  	s18 =	smov.u32 s9;
	s9 =	smov.u32 s14;
	s14 =	smov.u32 s13;
	[tilespmem:s24+$0x15840] =	vst v42;
	v49 =	vld.idx.msk [tilespmem:v29+s3+$0x0], $0xffff  }
0x295: {  	[tilespmem:s19+$0x15430] =	vst v44;
	v41 =	vld.idx.msk [tilespmem:v20+s18+$0x0], $0xffff  }
.Ltmp6:
0x296: {  	v43 =	vld.idx.msk [tilespmem:v11+s13+$0x0], $0xffff;
	[tilespmem:s2+$0x16020] =	vst v46;
	(pc) =	sbr.rel @p0 .LBB2_13-.Ltmp6, $4  }
0x297: {  	[tilespmem:s17+$0x15C10] =	vst v45;
	v40 =	vld.idx.msk [tilespmem:v34+s16+$0x0], $0xffff  }
0x298: {  	[tilespmem:s10+$0x15800] =	vst v47;
	v39 =	vld.idx.msk [tilespmem:v25+s4+$0x0], $0xffff  }
0x299: {  	s13 =	sadd.s32 $0x200, s13;
	v42 =	vld.idx.msk [tilespmem:v16+s9+$0x0], $0xffff;
	[tilespmem:s15+$0x16070] =	vst v48;
	s15 =	smov.u32 s2;
	s2 =	smov.u32 s11  }
0x29a: {  	s21 =	sadd.s32 $0x1, s21;
	s11 =	smov.u32 s17;
	s17 =	smov.u32 s24;
	v44 =	vld.idx.msk [tilespmem:v7+s13+$0x0], $0xffff;
	[tilespmem:s2+$0x15C60] =	vst v49  }
0x29b: {  	s5 =	sadd.s32 $0x4, s5  }
0x29c: {  	s7 =	sand.u32 $0x7, s7;
	s5 =	sand.u32 $0x60, s5  }
0x29d: {  	s5 =	sor.u32 s7, s5  }
0x29e: {  	s5 =	sshll.u32 s5, $0x7  }
0x29f: {  	[tilespmem:s5+$0x15400] =	vst v44  }
0x2a0: {  	v44 =	vld.idx.msk [tilespmem:v8+s13+$0x0], $0xffff;
	_ =	sdelay $0x4  }
0x2a1: {  	[tilespmem:s5+$0x15410] =	vst v44  }
0x2a2: {  	v44 =	vld.idx.msk [tilespmem:v9+s13+$0x0], $0xffff;
	_ =	sdelay $0x4  }
0x2a3: {  	[tilespmem:s5+$0x15420] =	vst v44  }
0x2a4: {  	v44 =	vld.idx.msk [tilespmem:v10+s13+$0x0], $0xffff;
	_ =	sdelay $0x4  }
0x2a5: {  	[tilespmem:s5+$0x15430] =	vst v44  }
0x2a6: {  	v44 =	vld.idx.msk [tilespmem:v11+s13+$0x0], $0xffff;
	_ =	sdelay $0x3  }
0x2a7: {  	[tilespmem:s19+$0x15440] =	vst v43  }
0x2a8: {  	v43 =	vld.idx.msk [tilespmem:v12+s14+$0x0], $0xffff;
	[tilespmem:s5+$0x15440] =	vst v44  }
0x2a9: {  	v44 =	vld.idx.msk [tilespmem:v12+s13+$0x0], $0xffff;
	_ =	sdelay $0x3  }
0x2aa: {  	[tilespmem:s19+$0x15450] =	vst v43  }
0x2ab: {  	v43 =	vld.idx.msk [tilespmem:v13+s14+$0x0], $0xffff;
	[tilespmem:s5+$0x15450] =	vst v44  }
0x2ac: {  	v44 =	vld.idx.msk [tilespmem:v13+s13+$0x0], $0xffff;
	_ =	sdelay $0x3  }
0x2ad: {  	[tilespmem:s19+$0x15460] =	vst v43  }
0x2ae: {  	v43 =	vld.idx.msk [tilespmem:v14+s14+$0x0], $0xffff;
	[tilespmem:s5+$0x15460] =	vst v44  }
0x2af: {  	v44 =	vld.idx.msk [tilespmem:v14+s13+$0x0], $0xffff;
	_ =	sdelay $0x3  }
0x2b0: {  	[tilespmem:s19+$0x15470] =	vst v43  }
0x2b1: {  	v43 =	vld.idx.msk [tilespmem:v15+s14+$0x0], $0xffff;
	[tilespmem:s5+$0x15470] =	vst v44  }
0x2b2: {  	v44 =	vld.idx.msk [tilespmem:v15+s13+$0x0], $0xffff;
	_ =	sdelay $0x3  }
0x2b3: {  	[tilespmem:s19+$0x15800] =	vst v43  }
0x2b4: {  	v43 =	vld.idx.msk [tilespmem:v16+s14+$0x0], $0xffff;
	[tilespmem:s5+$0x15800] =	vst v44  }
0x2b5: {  	v44 =	vld.idx.msk [tilespmem:v16+s13+$0x0], $0xffff;
	_ =	sdelay $0x1  }
0x2b6: {  	[tilespmem:s10+$0x15810] =	vst v42  }
0x2b7: {  	v42 =	vld.idx.msk [tilespmem:v17+s9+$0x0], $0xffff  }
0x2b8: {  	[tilespmem:s19+$0x15810] =	vst v43  }
0x2b9: {  	v43 =	vld.idx.msk [tilespmem:v17+s14+$0x0], $0xffff;
	[tilespmem:s5+$0x15810] =	vst v44  }
0x2ba: {  	v44 =	vld.idx.msk [tilespmem:v17+s13+$0x0], $0xffff;
	_ =	sdelay $0x1  }
0x2bb: {  	[tilespmem:s10+$0x15820] =	vst v42  }
0x2bc: {  	v42 =	vld.idx.msk [tilespmem:v18+s9+$0x0], $0xffff  }
0x2bd: {  	[tilespmem:s19+$0x15820] =	vst v43  }
0x2be: {  	v43 =	vld.idx.msk [tilespmem:v18+s14+$0x0], $0xffff;
	[tilespmem:s5+$0x15820] =	vst v44  }
0x2bf: {  	v44 =	vld.idx.msk [tilespmem:v18+s13+$0x0], $0xffff;
	_ =	sdelay $0x1  }
0x2c0: {  	[tilespmem:s10+$0x15830] =	vst v42  }
0x2c1: {  	v42 =	vld.idx.msk [tilespmem:v19+s9+$0x0], $0xffff  }
0x2c2: {  	[tilespmem:s19+$0x15830] =	vst v43  }
0x2c3: {  	v43 =	vld.idx.msk [tilespmem:v19+s14+$0x0], $0xffff;
	[tilespmem:s5+$0x15830] =	vst v44  }
0x2c4: {  	v44 =	vld.idx.msk [tilespmem:v19+s13+$0x0], $0xffff;
	_ =	sdelay $0x1  }
0x2c5: {  	[tilespmem:s10+$0x15840] =	vst v42  }
0x2c6: {  	v42 =	vld.idx.msk [tilespmem:v20+s9+$0x0], $0xffff  }
0x2c7: {  	[tilespmem:s19+$0x15840] =	vst v43  }
0x2c8: {  	v43 =	vld.idx.msk [tilespmem:v20+s14+$0x0], $0xffff;
	[tilespmem:s5+$0x15840] =	vst v44  }
0x2c9: {  	v44 =	vld.idx.msk [tilespmem:v20+s13+$0x0], $0xffff  }
0x2ca: {  	[tilespmem:s17+$0x15850] =	vst v41  }
0x2cb: {  	v41 =	vld.idx.msk [tilespmem:v21+s18+$0x0], $0xffff;
	[tilespmem:s10+$0x15850] =	vst v42  }
0x2cc: {  	v42 =	vld.idx.msk [tilespmem:v21+s9+$0x0], $0xffff  }
0x2cd: {  	[tilespmem:s19+$0x15850] =	vst v43  }
0x2ce: {  	v43 =	vld.idx.msk [tilespmem:v21+s14+$0x0], $0xffff;
	[tilespmem:s5+$0x15850] =	vst v44  }
0x2cf: {  	v44 =	vld.idx.msk [tilespmem:v21+s13+$0x0], $0xffff  }
0x2d0: {  	[tilespmem:s17+$0x15860] =	vst v41  }
0x2d1: {  	v41 =	vld.idx.msk [tilespmem:v22+s18+$0x0], $0xffff;
	[tilespmem:s10+$0x15860] =	vst v42  }
0x2d2: {  	v42 =	vld.idx.msk [tilespmem:v22+s9+$0x0], $0xffff  }
0x2d3: {  	[tilespmem:s19+$0x15860] =	vst v43  }
0x2d4: {  	v43 =	vld.idx.msk [tilespmem:v22+s14+$0x0], $0xffff;
	[tilespmem:s5+$0x15860] =	vst v44  }
0x2d5: {  	v44 =	vld.idx.msk [tilespmem:v22+s13+$0x0], $0xffff  }
0x2d6: {  	[tilespmem:s17+$0x15870] =	vst v41  }
0x2d7: {  	v41 =	vld.idx.msk [tilespmem:v23+s18+$0x0], $0xffff;
	[tilespmem:s10+$0x15870] =	vst v42  }
0x2d8: {  	v42 =	vld.idx.msk [tilespmem:v23+s9+$0x0], $0xffff  }
0x2d9: {  	[tilespmem:s19+$0x15870] =	vst v43  }
0x2da: {  	v43 =	vld.idx.msk [tilespmem:v23+s14+$0x0], $0xffff;
	[tilespmem:s5+$0x15870] =	vst v44  }
0x2db: {  	v44 =	vld.idx.msk [tilespmem:v23+s13+$0x0], $0xffff  }
0x2dc: {  	[tilespmem:s17+$0x15C00] =	vst v41  }
0x2dd: {  	v41 =	vld.idx.msk [tilespmem:v24+s18+$0x0], $0xffff;
	[tilespmem:s10+$0x15C00] =	vst v42  }
0x2de: {  	v42 =	vld.idx.msk [tilespmem:v24+s9+$0x0], $0xffff  }
0x2df: {  	[tilespmem:s19+$0x15C00] =	vst v43  }
0x2e0: {  	v43 =	vld.idx.msk [tilespmem:v24+s14+$0x0], $0xffff;
	[tilespmem:s5+$0x15C00] =	vst v44  }
0x2e1: {  	[tilespmem:s11+$0x15C20] =	vst v39;
	v44 =	vld.idx.msk [tilespmem:v24+s13+$0x0], $0xffff  }
0x2e2: {  	v39 =	vld.idx.msk [tilespmem:v26+s4+$0x0], $0xffff;
	[tilespmem:s17+$0x15C10] =	vst v41  }
0x2e3: {  	v41 =	vld.idx.msk [tilespmem:v25+s18+$0x0], $0xffff;
	[tilespmem:s10+$0x15C10] =	vst v42  }
0x2e4: {  	[tilespmem:s15+$0x16030] =	vst v40;
	v42 =	vld.idx.msk [tilespmem:v25+s9+$0x0], $0xffff  }
0x2e5: {  	v49 =	vld.idx.msk [tilespmem:v30+s3+$0x0], $0xffff;
	[tilespmem:s19+$0x15C10] =	vst v43  }
0x2e6: {  	v43 =	vld.idx.msk [tilespmem:v25+s14+$0x0], $0xffff;
	[tilespmem:s5+$0x15C10] =	vst v44  }
0x2e7: {  	[tilespmem:s11+$0x15C30] =	vst v39;
	v48 =	vld.idx.msk [tilespmem:v25+s13+$0x0], $0xffff  }
0x2e8: {  	v39 =	vld.idx.msk [tilespmem:v27+s4+$0x0], $0xffff;
	[tilespmem:s17+$0x15C20] =	vst v41  }
0x2e9: {  	v41 =	vld.idx.msk [tilespmem:v26+s18+$0x0], $0xffff;
	[tilespmem:s10+$0x15C20] =	vst v42  }
0x2ea: {  	[tilespmem:s2+$0x15C70] =	vst v49;
	v42 =	vld.idx.msk [tilespmem:v26+s9+$0x0], $0xffff  }
0x2eb: {  	v50 =	vld.idx.msk [tilespmem:v35+s16+$0x0], $0xffff;
	[tilespmem:s19+$0x15C20] =	vst v43  }
0x2ec: {  	v43 =	vld.idx.msk [tilespmem:v26+s14+$0x0], $0xffff;
	[tilespmem:s5+$0x15C20] =	vst v48  }
0x2ed: {  	[tilespmem:s11+$0x15C40] =	vst v39;
	v40 =	vld.idx.msk [tilespmem:v26+s13+$0x0], $0xffff  }
0x2ee: {  	v39 =	vld.idx.msk [tilespmem:v28+s4+$0x0], $0xffff;
	[tilespmem:s17+$0x15C30] =	vst v41  }
0x2ef: {  	v41 =	vld.idx.msk [tilespmem:v27+s18+$0x0], $0xffff;
	[tilespmem:s10+$0x15C30] =	vst v42  }
0x2f0: {  	[tilespmem:s15+$0x16040] =	vst v50;
	v42 =	vld.idx.msk [tilespmem:v27+s9+$0x0], $0xffff  }
0x2f1: {  	v51 =	vld.idx.msk [tilespmem:v31+s3+$0x0], $0xffff;
	[tilespmem:s19+$0x15C30] =	vst v43  }
0x2f2: {  	v43 =	vld.idx.msk [tilespmem:v27+s14+$0x0], $0xffff;
	[tilespmem:s5+$0x15C30] =	vst v40  }
0x2f3: {  	[tilespmem:s11+$0x15C50] =	vst v39;
	v40 =	vld.idx.msk [tilespmem:v27+s13+$0x0], $0xffff  }
0x2f4: {  	v39 =	vld.idx.msk [tilespmem:v29+s4+$0x0], $0xffff;
	[tilespmem:s17+$0x15C40] =	vst v41  }
0x2f5: {  	v41 =	vld.idx.msk [tilespmem:v28+s18+$0x0], $0xffff;
	[tilespmem:s10+$0x15C40] =	vst v42  }
0x2f6: {  	[tilespmem:s2+$0x16000] =	vst v51;
	v42 =	vld.idx.msk [tilespmem:v28+s9+$0x0], $0xffff  }
0x2f7: {  	v52 =	vld.idx.msk [tilespmem:v36+s16+$0x0], $0xffff;
	[tilespmem:s19+$0x15C40] =	vst v43  }
0x2f8: {  	v43 =	vld.idx.msk [tilespmem:v28+s14+$0x0], $0xffff;
	[tilespmem:s5+$0x15C40] =	vst v40  }
0x2f9: {  	[tilespmem:s11+$0x15C60] =	vst v39;
	v40 =	vld.idx.msk [tilespmem:v28+s13+$0x0], $0xffff  }
0x2fa: {  	v39 =	vld.idx.msk [tilespmem:v30+s4+$0x0], $0xffff;
	[tilespmem:s17+$0x15C50] =	vst v41  }
0x2fb: {  	v41 =	vld.idx.msk [tilespmem:v29+s18+$0x0], $0xffff;
	[tilespmem:s10+$0x15C50] =	vst v42  }
0x2fc: {  	[tilespmem:s15+$0x16050] =	vst v52;
	v42 =	vld.idx.msk [tilespmem:v29+s9+$0x0], $0xffff  }
0x2fd: {  	v53 =	vld.idx.msk [tilespmem:v32+s3+$0x0], $0xffff;
	[tilespmem:s19+$0x15C50] =	vst v43  }
0x2fe: {  	v43 =	vld.idx.msk [tilespmem:v29+s14+$0x0], $0xffff;
	[tilespmem:s5+$0x15C50] =	vst v40  }
0x2ff: {  	[tilespmem:s11+$0x15C70] =	vst v39;
	v40 =	vld.idx.msk [tilespmem:v29+s13+$0x0], $0xffff  }
0x300: {  	v39 =	vld.idx.msk [tilespmem:v31+s4+$0x0], $0xffff;
	[tilespmem:s17+$0x15C60] =	vst v41  }
0x301: {  	v41 =	vld.idx.msk [tilespmem:v30+s18+$0x0], $0xffff;
	[tilespmem:s10+$0x15C60] =	vst v42  }
0x302: {  	[tilespmem:s2+$0x16010] =	vst v53;
	v42 =	vld.idx.msk [tilespmem:v30+s9+$0x0], $0xffff  }
0x303: {  	v54 =	vld.idx.msk [tilespmem:v37+s16+$0x0], $0xffff;
	[tilespmem:s19+$0x15C60] =	vst v43  }
0x304: {  	v43 =	vld.idx.msk [tilespmem:v30+s14+$0x0], $0xffff;
	[tilespmem:s5+$0x15C60] =	vst v40  }
0x305: {  	[tilespmem:s11+$0x16000] =	vst v39;
	v40 =	vld.idx.msk [tilespmem:v30+s13+$0x0], $0xffff  }
0x306: {  	v39 =	vld.idx.msk [tilespmem:v32+s4+$0x0], $0xffff;
	[tilespmem:s17+$0x15C70] =	vst v41  }
0x307: {  	v41 =	vld.idx.msk [tilespmem:v31+s18+$0x0], $0xffff;
	[tilespmem:s10+$0x15C70] =	vst v42  }
0x308: {  	[tilespmem:s15+$0x16060] =	vst v54;
	v42 =	vld.idx.msk [tilespmem:v31+s9+$0x0], $0xffff  }
0x309: {  	v55 =	vld.idx.msk [tilespmem:v33+s3+$0x0], $0xffff;
	[tilespmem:s19+$0x15C70] =	vst v43  }
0x30a: {  	v43 =	vld.idx.msk [tilespmem:v31+s14+$0x0], $0xffff;
	[tilespmem:s5+$0x15C70] =	vst v40  }
0x30b: {  	[tilespmem:s11+$0x16010] =	vst v39;
	v40 =	vld.idx.msk [tilespmem:v31+s13+$0x0], $0xffff  }
0x30c: {  	v39 =	vld.idx.msk [tilespmem:v33+s4+$0x0], $0xffff;
	[tilespmem:s17+$0x16000] =	vst v41  }
0x30d: {  	v41 =	vld.idx.msk [tilespmem:v32+s18+$0x0], $0xffff;
	[tilespmem:s10+$0x16000] =	vst v42  }
0x30e: {  	[tilespmem:s2+$0x16020] =	vst v55;
	v42 =	vld.idx.msk [tilespmem:v32+s9+$0x0], $0xffff  }
0x30f: {  	v56 =	vld.idx.msk [tilespmem:v38+s16+$0x0], $0xffff;
	[tilespmem:s19+$0x16000] =	vst v43  }
0x310: {  	v43 =	vld.idx.msk [tilespmem:v32+s14+$0x0], $0xffff;
	[tilespmem:s5+$0x16000] =	vst v40  }
0x311: {  	[tilespmem:s11+$0x16020] =	vst v39;
	v40 =	vld.idx.msk [tilespmem:v32+s13+$0x0], $0xffff  }
0x312: {  	v39 =	vld.idx.msk [tilespmem:v34+s4+$0x0], $0xffff;
	[tilespmem:s17+$0x16010] =	vst v41  }
0x313: {  	v41 =	vld.idx.msk [tilespmem:v33+s18+$0x0], $0xffff;
	[tilespmem:s10+$0x16010] =	vst v42  }
0x314: {  	[tilespmem:s15+$0x16070] =	vst v56;
	v42 =	vld.idx.msk [tilespmem:v33+s9+$0x0], $0xffff  }
0x315: {  	v57 =	vld.idx.msk [tilespmem:v34+s3+$0x0], $0xffff;
	[tilespmem:s19+$0x16010] =	vst v43  }
0x316: {  	v43 =	vld.idx.msk [tilespmem:v33+s14+$0x0], $0xffff;
	[tilespmem:s5+$0x16010] =	vst v40  }
0x317: {  	[tilespmem:s11+$0x16030] =	vst v39;
	v40 =	vld.idx.msk [tilespmem:v33+s13+$0x0], $0xffff  }
0x318: {  	v39 =	vld.idx.msk [tilespmem:v35+s4+$0x0], $0xffff;
	[tilespmem:s17+$0x16020] =	vst v41  }
0x319: {  	v41 =	vld.idx.msk [tilespmem:v34+s18+$0x0], $0xffff;
	[tilespmem:s10+$0x16020] =	vst v42  }
0x31a: {  	[tilespmem:s2+$0x16030] =	vst v57;
	v42 =	vld.idx.msk [tilespmem:v34+s9+$0x0], $0xffff  }
0x31b: {  	v44 =	vld.idx.msk [tilespmem:v35+s3+$0x0], $0xffff;
	[tilespmem:s19+$0x16020] =	vst v43  }
0x31c: {  	v43 =	vld.idx.msk [tilespmem:v34+s14+$0x0], $0xffff;
	[tilespmem:s5+$0x16020] =	vst v40  }
0x31d: {  	[tilespmem:s11+$0x16040] =	vst v39;
	v40 =	vld.idx.msk [tilespmem:v34+s13+$0x0], $0xffff  }
0x31e: {  	v39 =	vld.idx.msk [tilespmem:v36+s4+$0x0], $0xffff;
	[tilespmem:s17+$0x16030] =	vst v41  }
0x31f: {  	v41 =	vld.idx.msk [tilespmem:v35+s18+$0x0], $0xffff;
	[tilespmem:s10+$0x16030] =	vst v42  }
0x320: {  	[tilespmem:s2+$0x16040] =	vst v44;
	v42 =	vld.idx.msk [tilespmem:v35+s9+$0x0], $0xffff  }
0x321: {  	v44 =	vld.idx.msk [tilespmem:v36+s3+$0x0], $0xffff;
	[tilespmem:s19+$0x16030] =	vst v43  }
0x322: {  	v43 =	vld.idx.msk [tilespmem:v35+s14+$0x0], $0xffff;
	[tilespmem:s5+$0x16030] =	vst v40  }
0x323: {  	[tilespmem:s11+$0x16050] =	vst v39;
	v40 =	vld.idx.msk [tilespmem:v35+s13+$0x0], $0xffff  }
0x324: {  	v39 =	vld.idx.msk [tilespmem:v37+s4+$0x0], $0xffff;
	[tilespmem:s17+$0x16040] =	vst v41  }
0x325: {  	v41 =	vld.idx.msk [tilespmem:v36+s18+$0x0], $0xffff;
	[tilespmem:s10+$0x16040] =	vst v42  }
0x326: {  	[tilespmem:s2+$0x16050] =	vst v44;
	v42 =	vld.idx.msk [tilespmem:v36+s9+$0x0], $0xffff  }
0x327: {  	v44 =	vld.idx.msk [tilespmem:v37+s3+$0x0], $0xffff;
	[tilespmem:s19+$0x16040] =	vst v43  }
0x328: {  	v43 =	vld.idx.msk [tilespmem:v36+s14+$0x0], $0xffff;
	[tilespmem:s5+$0x16040] =	vst v40  }
0x329: {  	[tilespmem:s11+$0x16060] =	vst v39;
	v40 =	vld.idx.msk [tilespmem:v36+s13+$0x0], $0xffff  }
0x32a: {  	v39 =	vld.idx.msk [tilespmem:v38+s4+$0x0], $0xffff;
	[tilespmem:s17+$0x16050] =	vst v41  }
0x32b: {  	v41 =	vld.idx.msk [tilespmem:v37+s18+$0x0], $0xffff;
	[tilespmem:s10+$0x16050] =	vst v42  }
0x32c: {  	[tilespmem:s2+$0x16060] =	vst v44;
	v42 =	vld.idx.msk [tilespmem:v37+s9+$0x0], $0xffff  }
0x32d: {  	v44 =	vld.idx.msk [tilespmem:v38+s3+$0x0], $0xffff;
	[tilespmem:s19+$0x16050] =	vst v43  }
0x32e: {  	v43 =	vld.idx.msk [tilespmem:v37+s14+$0x0], $0xffff;
	[tilespmem:s5+$0x16050] =	vst v40  }
0x32f: {  	[tilespmem:s11+$0x16070] =	vst v39;
	v40 =	vld.idx.msk [tilespmem:v37+s13+$0x0], $0xffff  }
0x330: {  	[tilespmem:s17+$0x16060] =	vst v41  }
0x331: {  	[tilespmem:s10+$0x16060] =	vst v42  }
0x332: {  	v41 =	vld.idx.msk [tilespmem:v38+s18+$0x0], $0xffff;
	[tilespmem:s2+$0x16070] =	vst v44  }
0x333: {  	v42 =	vld.idx.msk [tilespmem:v38+s9+$0x0], $0xffff;
	[tilespmem:s19+$0x16060] =	vst v43  }
0x334: {  	v43 =	vld.idx.msk [tilespmem:v38+s14+$0x0], $0xffff;
	[tilespmem:s5+$0x16060] =	vst v40  }
0x335: {  	s21 =	sshll.u32 s31, $0x9;
	v40 =	vld.idx.msk [tilespmem:v38+s13+$0x0], $0xffff;
	s22 =	rddreg [dreg:$0x5]  }
0x336: {  	s2 =	sadd.s32 s21, s22  }
0x337: {  	[tilespmem:s17+$0x16070] =	vst v41;
	s3 =	sshll.u32 s2, $0x4  }
0x338: {  	[tilespmem:s10+$0x16070] =	vst v42;
	s2 =	sadd.s32 $0x800, s3  }
0x339: {  	[tilespmem:s19+$0x16070] =	vst v43;
	s2 =	sand.u32 $0x1FFFE800, s2  }
0x33a: {  	p0 =	seq.s32 s31, $0x7;
	[tilespmem:s5+$0x16070] =	vst v40;
	s2 =	sadd.s32 s30, s2  }
0x33b: {  	[hbm4b:s2+s6] =	stream.linear.scatter [tilespmem:s20], [sflag:$0x6], $0x4000, $0x38;
	[tilespmem:$0x19400] =	vst v63  }
0x33c: {  	s2 =	sshll.u32 @!p0 s31, $0x9  }
0x33d: {  	s2 =	sand.u32 @!p0 $0x3FFFFE00, s2  }
0x33e: {  	s7 =	simm.s32 @!p0 $0x5400;
	s5 =	simm.s32 @!p0 $0x80;
	s4 =	sadd.s32 @!p0 $0x680, s2  }
0x33f: {  	[tilespmem:s7], [sflag:$0x2] =	stream.indirect.gather @!p0 [hbm4b:s1+s5], $0x80, s4, s5, $0xb8;
	[tilespmem:$0x19400] =	vst v63  }
0x340: {  	_ =	swait.ge [sflag:s25], $0x4000  }
0x341: {  	[sflag:s25] =	ssyncset.done $0x0  }
0x342: {  	[sflag:s25] =	ssyncadd.s32 $0xFFFFC000  }
0x343: {  	_ =	swait.ge [sflag:s26], $0x4000  }
0x344: {  	[sflag:s26] =	ssyncset.done $0x0  }
0x345: {  	s18 =	simm.s32 $0x9400;
	[sflag:s26] =	ssyncadd.s32 $0xFFFFC000  }
0x346: {  	v58 =	vld.idx.msk [tilespmem:v7+s18+$0x0], $0xffff  }
0x347: {  	s24 =	simm.s32 $0x0  }
0x348: {  	s22 =	smov.u32 s30;
	s30 =	sand.u32 $0x60, s24;
	s4 =	sand.u32 $0x7, s24  }
0x349: {  	s4 =	sor.u32 s4, s30  }
0x34a: {  	s17 =	sshll.u32 s4, $0x7  }
0x34b: {  	[tilespmem:s17+$0x11400] =	vst v58  }
0x34c: {  	v39 =	vld.idx.msk [tilespmem:v8+s18+$0x0], $0xffff;
	_ =	sdelay $0x4  }
0x34d: {  	[tilespmem:s17+$0x11410] =	vst v39  }
0x34e: {  	v39 =	vld.idx.msk [tilespmem:v9+s18+$0x0], $0xffff;
	_ =	sdelay $0x4  }
0x34f: {  	[tilespmem:s17+$0x11420] =	vst v39  }
0x350: {  	v39 =	vld.idx.msk [tilespmem:v10+s18+$0x0], $0xffff;
	_ =	sdelay $0x4  }
0x351: {  	[tilespmem:s17+$0x11430] =	vst v39  }
0x352: {  	v39 =	vld.idx.msk [tilespmem:v11+s18+$0x0], $0xffff;
	_ =	sdelay $0x1  }
0x353: {  	s11 =	simm.s32 $0x9600  }
0x354: {  	v59 =	vld.idx.msk [tilespmem:v7+s11+$0x0], $0xffff  }
0x355: {  	s9 =	simm.s32 $0x4;
	s7 =	simm.s32 $0x1  }
0x356: {  	s5 =	sand.u32 $0x60, s9;
	s4 =	sand.u32 $0x7, s7;
	[tilespmem:s17+$0x11440] =	vst v39  }
0x357: {  	s4 =	sor.u32 s4, s5;
	v39 =	vld.idx.msk [tilespmem:v12+s18+$0x0], $0xffff  }
0x358: {  	s4 =	sshll.u32 s4, $0x7  }
0x359: {  	[tilespmem:s4+$0x11400] =	vst v59  }
0x35a: {  	v40 =	vld.idx.msk [tilespmem:v8+s11+$0x0], $0xffff;
	_ =	sdelay $0x1  }
0x35b: {  	[tilespmem:s17+$0x11450] =	vst v39  }
0x35c: {  	v39 =	vld.idx.msk [tilespmem:v13+s18+$0x0], $0xffff;
	_ =	sdelay $0x1  }
0x35d: {  	[tilespmem:s4+$0x11410] =	vst v40  }
0x35e: {  	v40 =	vld.idx.msk [tilespmem:v9+s11+$0x0], $0xffff;
	_ =	sdelay $0x1  }
0x35f: {  	[tilespmem:s17+$0x11460] =	vst v39  }
0x360: {  	v39 =	vld.idx.msk [tilespmem:v14+s18+$0x0], $0xffff;
	_ =	sdelay $0x1  }
0x361: {  	[tilespmem:s4+$0x11420] =	vst v40  }
0x362: {  	v40 =	vld.idx.msk [tilespmem:v10+s11+$0x0], $0xffff;
	_ =	sdelay $0x1  }
0x363: {  	[tilespmem:s17+$0x11470] =	vst v39  }
0x364: {  	v39 =	vld.idx.msk [tilespmem:v15+s18+$0x0], $0xffff;
	_ =	sdelay $0x1  }
0x365: {  	[tilespmem:s4+$0x11430] =	vst v40  }
0x366: {  	v40 =	vld.idx.msk [tilespmem:v11+s11+$0x0], $0xffff;
	_ =	sdelay $0x1  }
0x367: {  	[tilespmem:s17+$0x11800] =	vst v39  }
0x368: {  	s15 =	simm.s32 $0x9800;
	v39 =	vld.idx.msk [tilespmem:v16+s18+$0x0], $0xffff  }
0x369: {  	v60 =	vld.idx.msk [tilespmem:v7+s15+$0x0], $0xffff  }
0x36a: {  	s10 =	simm.s32 $0x2;
	s13 =	simm.s32 $0x8;
	[tilespmem:s4+$0x11440] =	vst v40  }
0x36b: {  	s7 =	sand.u32 $0x60, s13;
	s5 =	sand.u32 $0x7, s10;
	v40 =	vld.idx.msk [tilespmem:v12+s11+$0x0], $0xffff  }
0x36c: {  	s5 =	sor.u32 s5, s7  }
0x36d: {  	s16 =	sshll.u32 s5, $0x7;
	[tilespmem:s17+$0x11810] =	vst v39  }
0x36e: {  	[tilespmem:s16+$0x11400] =	vst v60;
	v39 =	vld.idx.msk [tilespmem:v17+s18+$0x0], $0xffff  }
0x36f: {  	v41 =	vld.idx.msk [tilespmem:v8+s15+$0x0], $0xffff  }
0x370: {  	[tilespmem:s4+$0x11450] =	vst v40  }
0x371: {  	v40 =	vld.idx.msk [tilespmem:v13+s11+$0x0], $0xffff;
	_ =	sdelay $0x1  }
0x372: {  	[tilespmem:s17+$0x11820] =	vst v39  }
0x373: {  	[tilespmem:s16+$0x11410] =	vst v41;
	v39 =	vld.idx.msk [tilespmem:v18+s18+$0x0], $0xffff  }
0x374: {  	v41 =	vld.idx.msk [tilespmem:v9+s15+$0x0], $0xffff  }
0x375: {  	[tilespmem:s4+$0x11460] =	vst v40  }
0x376: {  	v40 =	vld.idx.msk [tilespmem:v14+s11+$0x0], $0xffff;
	_ =	sdelay $0x1  }
0x377: {  	[tilespmem:s17+$0x11830] =	vst v39  }
0x378: {  	[tilespmem:s16+$0x11420] =	vst v41;
	v39 =	vld.idx.msk [tilespmem:v19+s18+$0x0], $0xffff  }
0x379: {  	v41 =	vld.idx.msk [tilespmem:v10+s15+$0x0], $0xffff  }
0x37a: {  	[tilespmem:s4+$0x11470] =	vst v40  }
0x37b: {  	v40 =	vld.idx.msk [tilespmem:v15+s11+$0x0], $0xffff;
	_ =	sdelay $0x1  }
0x37c: {  	[tilespmem:s17+$0x11840] =	vst v39  }
0x37d: {  	[tilespmem:s16+$0x11430] =	vst v41;
	v39 =	vld.idx.msk [tilespmem:v20+s18+$0x0], $0xffff  }
0x37e: {  	v41 =	vld.idx.msk [tilespmem:v11+s15+$0x0], $0xffff  }
0x37f: {  	[tilespmem:s4+$0x11800] =	vst v40  }
0x380: {  	s10 =	simm.s32 $0x9A00;
	v40 =	vld.idx.msk [tilespmem:v16+s11+$0x0], $0xffff  }
0x381: {  	v61 =	vld.idx.msk [tilespmem:v7+s10+$0x0], $0xffff  }
0x382: {  	s14 =	simm.s32 $0x3;
	s19 =	simm.s32 $0xC;
	[tilespmem:s17+$0x11850] =	vst v39  }
0x383: {  	s7 =	sand.u32 $0x60, s19;
	s5 =	sand.u32 $0x7, s14;
	[tilespmem:s16+$0x11440] =	vst v41;
	v39 =	vld.idx.msk [tilespmem:v21+s18+$0x0], $0xffff  }
0x384: {  	s5 =	sor.u32 s5, s7;
	v41 =	vld.idx.msk [tilespmem:v12+s15+$0x0], $0xffff  }
0x385: {  	s9 =	sshll.u32 s5, $0x7;
	[tilespmem:s4+$0x11810] =	vst v40  }
0x386: {  	[tilespmem:s9+$0x11400] =	vst v61;
	v40 =	vld.idx.msk [tilespmem:v17+s11+$0x0], $0xffff  }
0x387: {  	v42 =	vld.idx.msk [tilespmem:v8+s10+$0x0], $0xffff  }
0x388: {  	[tilespmem:s17+$0x11860] =	vst v39  }
0x389: {  	[tilespmem:s16+$0x11450] =	vst v41;
	v39 =	vld.idx.msk [tilespmem:v22+s18+$0x0], $0xffff  }
0x38a: {  	v41 =	vld.idx.msk [tilespmem:v13+s15+$0x0], $0xffff  }
0x38b: {  	[tilespmem:s4+$0x11820] =	vst v40  }
0x38c: {  	[tilespmem:s9+$0x11410] =	vst v42;
	v40 =	vld.idx.msk [tilespmem:v18+s11+$0x0], $0xffff  }
0x38d: {  	v42 =	vld.idx.msk [tilespmem:v9+s10+$0x0], $0xffff  }
0x38e: {  	[tilespmem:s17+$0x11870] =	vst v39  }
0x38f: {  	[tilespmem:s16+$0x11460] =	vst v41;
	v39 =	vld.idx.msk [tilespmem:v23+s18+$0x0], $0xffff  }
0x390: {  	v41 =	vld.idx.msk [tilespmem:v14+s15+$0x0], $0xffff  }
0x391: {  	[tilespmem:s4+$0x11830] =	vst v40  }
0x392: {  	[tilespmem:s9+$0x11420] =	vst v42;
	v40 =	vld.idx.msk [tilespmem:v19+s11+$0x0], $0xffff  }
0x393: {  	v42 =	vld.idx.msk [tilespmem:v10+s10+$0x0], $0xffff  }
0x394: {  	[tilespmem:s17+$0x11C00] =	vst v39  }
0x395: {  	[tilespmem:s16+$0x11470] =	vst v41;
	v39 =	vld.idx.msk [tilespmem:v24+s18+$0x0], $0xffff  }
0x396: {  	v41 =	vld.idx.msk [tilespmem:v15+s15+$0x0], $0xffff  }
0x397: {  	[tilespmem:s4+$0x11840] =	vst v40  }
0x398: {  	[tilespmem:s9+$0x11430] =	vst v42;
	v40 =	vld.idx.msk [tilespmem:v20+s11+$0x0], $0xffff  }
0x399: {  	v42 =	vld.idx.msk [tilespmem:v11+s10+$0x0], $0xffff  }
0x39a: {  	[tilespmem:s17+$0x11C10] =	vst v39  }
0x39b: {  	[tilespmem:s16+$0x11800] =	vst v41;
	v39 =	vld.idx.msk [tilespmem:v25+s18+$0x0], $0xffff  }
0x39c: {  	s29 =	simm.s32 $0x9C00;
	v41 =	vld.idx.msk [tilespmem:v16+s15+$0x0], $0xffff  }
0x39d: {  	v62 =	vld.idx.msk [tilespmem:v7+s29+$0x0], $0xffff;
	[tilespmem:s4+$0x11850] =	vst v40  }
0x39e: {  	s21 =	simm.s32 $0x10;
	s20 =	simm.s32 $0x4;
	[tilespmem:s9+$0x11440] =	vst v42;
	v40 =	vld.idx.msk [tilespmem:v21+s11+$0x0], $0xffff  }
0x39f: {  	s7 =	sand.u32 $0x60, s21;
	s5 =	sand.u32 $0x7, s20;
	v42 =	vld.idx.msk [tilespmem:v12+s10+$0x0], $0xffff  }
0x3a0: {  	s5 =	sor.u32 s5, s7;
	[tilespmem:s17+$0x11C20] =	vst v39  }
0x3a1: {  	s14 =	sshll.u32 s5, $0x7;
	[tilespmem:s16+$0x11810] =	vst v41;
	v39 =	vld.idx.msk [tilespmem:v26+s18+$0x0], $0xffff  }
0x3a2: {  	[tilespmem:s14+$0x11400] =	vst v62;
	v41 =	vld.idx.msk [tilespmem:v17+s15+$0x0], $0xffff  }
0x3a3: {  	v43 =	vld.idx.msk [tilespmem:v8+s29+$0x0], $0xffff;
	[tilespmem:s4+$0x11860] =	vst v40  }
0x3a4: {  	[tilespmem:s9+$0x11450] =	vst v42;
	v40 =	vld.idx.msk [tilespmem:v22+s11+$0x0], $0xffff  }
0x3a5: {  	v42 =	vld.idx.msk [tilespmem:v13+s10+$0x0], $0xffff  }
0x3a6: {  	[tilespmem:s17+$0x11C30] =	vst v39  }
0x3a7: {  	[tilespmem:s16+$0x11820] =	vst v41;
	v39 =	vld.idx.msk [tilespmem:v27+s18+$0x0], $0xffff  }
0x3a8: {  	[tilespmem:s14+$0x11410] =	vst v43;
	v41 =	vld.idx.msk [tilespmem:v18+s15+$0x0], $0xffff  }
0x3a9: {  	v43 =	vld.idx.msk [tilespmem:v9+s29+$0x0], $0xffff;
	[tilespmem:s4+$0x11870] =	vst v40  }
0x3aa: {  	[tilespmem:s9+$0x11460] =	vst v42;
	v40 =	vld.idx.msk [tilespmem:v23+s11+$0x0], $0xffff  }
0x3ab: {  	v42 =	vld.idx.msk [tilespmem:v14+s10+$0x0], $0xffff  }
0x3ac: {  	[tilespmem:s17+$0x11C40] =	vst v39  }
0x3ad: {  	[tilespmem:s16+$0x11830] =	vst v41;
	v39 =	vld.idx.msk [tilespmem:v28+s18+$0x0], $0xffff  }
0x3ae: {  	[tilespmem:s14+$0x11420] =	vst v43;
	v41 =	vld.idx.msk [tilespmem:v19+s15+$0x0], $0xffff  }
0x3af: {  	v43 =	vld.idx.msk [tilespmem:v10+s29+$0x0], $0xffff;
	[tilespmem:s4+$0x11C00] =	vst v40  }
0x3b0: {  	[tilespmem:s9+$0x11470] =	vst v42;
	v40 =	vld.idx.msk [tilespmem:v24+s11+$0x0], $0xffff  }
0x3b1: {  	s19 =	simm.s32 $0x9E00;
	v42 =	vld.idx.msk [tilespmem:v15+s10+$0x0], $0xffff  }
0x3b2: {  	v63 =	vld.idx.msk [tilespmem:v7+s19+$0x0], $0xffff;
	[tilespmem:s17+$0x11C50] =	vst v39  }
0x3b3: {  	s24 =	simm.s32 $0x5;
	s7 =	simm.s32 $0x14;
	[tilespmem:s16+$0x11840] =	vst v41;
	v39 =	vld.idx.msk [tilespmem:v29+s18+$0x0], $0xffff  }
0x3b4: {  	s30 =	sand.u32 $0x60, s7;
	s5 =	sand.u32 $0x7, s24;
	[tilespmem:s14+$0x11430] =	vst v43;
	v41 =	vld.idx.msk [tilespmem:v20+s15+$0x0], $0xffff  }
0x3b5: {  	s5 =	sor.u32 s5, s30;
	v43 =	vld.idx.msk [tilespmem:v11+s29+$0x0], $0xffff;
	[tilespmem:s4+$0x11C10] =	vst v40  }
0x3b6: {  	s13 =	sshll.u32 s5, $0x7;
	[tilespmem:s9+$0x11800] =	vst v42;
	v40 =	vld.idx.msk [tilespmem:v25+s11+$0x0], $0xffff  }
0x3b7: {  	[tilespmem:s13+$0x11400] =	vst v63;
	v42 =	vld.idx.msk [tilespmem:v16+s10+$0x0], $0xffff  }
0x3b8: {  	v44 =	vld.idx.msk [tilespmem:v8+s19+$0x0], $0xffff;
	[tilespmem:s17+$0x11C60] =	vst v39  }
0x3b9: {  	[tilespmem:s16+$0x11850] =	vst v41;
	v39 =	vld.idx.msk [tilespmem:v30+s18+$0x0], $0xffff  }
0x3ba: {  	[tilespmem:s14+$0x11440] =	vst v43;
	v41 =	vld.idx.msk [tilespmem:v21+s15+$0x0], $0xffff  }
0x3bb: {  	v43 =	vld.idx.msk [tilespmem:v12+s29+$0x0], $0xffff;
	[tilespmem:s4+$0x11C20] =	vst v40  }
0x3bc: {  	[tilespmem:s9+$0x11810] =	vst v42;
	v40 =	vld.idx.msk [tilespmem:v26+s11+$0x0], $0xffff  }
0x3bd: {  	[tilespmem:s13+$0x11410] =	vst v44;
	v42 =	vld.idx.msk [tilespmem:v17+s10+$0x0], $0xffff  }
0x3be: {  	v44 =	vld.idx.msk [tilespmem:v9+s19+$0x0], $0xffff;
	[tilespmem:s17+$0x11C70] =	vst v39  }
0x3bf: {  	[tilespmem:s16+$0x11860] =	vst v41;
	v39 =	vld.idx.msk [tilespmem:v31+s18+$0x0], $0xffff  }
0x3c0: {  	[tilespmem:s14+$0x11450] =	vst v43;
	v41 =	vld.idx.msk [tilespmem:v22+s15+$0x0], $0xffff  }
0x3c1: {  	v43 =	vld.idx.msk [tilespmem:v13+s29+$0x0], $0xffff;
	[tilespmem:s4+$0x11C30] =	vst v40  }
0x3c2: {  	[tilespmem:s9+$0x11820] =	vst v42;
	v40 =	vld.idx.msk [tilespmem:v27+s11+$0x0], $0xffff  }
0x3c3: {  	[tilespmem:s13+$0x11420] =	vst v44;
	v42 =	vld.idx.msk [tilespmem:v18+s10+$0x0], $0xffff  }
0x3c4: {  	v44 =	vld.idx.msk [tilespmem:v10+s19+$0x0], $0xffff;
	[tilespmem:s17+$0x12000] =	vst v39  }
0x3c5: {  	[tilespmem:s16+$0x11870] =	vst v41;
	v39 =	vld.idx.msk [tilespmem:v32+s18+$0x0], $0xffff  }
0x3c6: {  	[tilespmem:s14+$0x11460] =	vst v43;
	v41 =	vld.idx.msk [tilespmem:v23+s15+$0x0], $0xffff  }
0x3c7: {  	v43 =	vld.idx.msk [tilespmem:v14+s29+$0x0], $0xffff;
	[tilespmem:s4+$0x11C40] =	vst v40  }
0x3c8: {  	[tilespmem:s9+$0x11830] =	vst v42;
	v40 =	vld.idx.msk [tilespmem:v28+s11+$0x0], $0xffff  }
0x3c9: {  	s5 =	simm.s32 $0xA000;
	[tilespmem:s13+$0x11430] =	vst v44;
	v42 =	vld.idx.msk [tilespmem:v19+s10+$0x0], $0xffff  }
0x3ca: {  	v44 =	vld.idx.msk [tilespmem:v7+s5+$0x0], $0xffff;
	[tilespmem:s17+$0x12010] =	vst v39  }
0x3cb: {  	[tilespmem:s16+$0x11C00] =	vst v41;
	v39 =	vld.idx.msk [tilespmem:v33+s18+$0x0], $0xffff  }
0x3cc: {  	[tilespmem:s14+$0x11470] =	vst v43;
	v45 =	vld.idx.msk [tilespmem:v24+s15+$0x0], $0xffff  }
0x3cd: {  	v46 =	vld.idx.msk [tilespmem:v15+s29+$0x0], $0xffff;
	[tilespmem:s4+$0x11C50] =	vst v40  }
0x3ce: {  	[tilespmem:s9+$0x11840] =	vst v42;
	v47 =	vld.idx.msk [tilespmem:v29+s11+$0x0], $0xffff  }
0x3cf: {  	v41 =	vld.idx.msk [tilespmem:v20+s10+$0x0], $0xffff  }
0x3d0: {  	v43 =	vld.idx.msk [tilespmem:v11+s19+$0x0], $0xffff;
	[tilespmem:s17+$0x12020] =	vst v39  }
0x3d1: {  	[tilespmem:s16+$0x11C10] =	vst v45;
	v40 =	vld.idx.msk [tilespmem:v34+s18+$0x0], $0xffff  }
0x3d2: {  	[tilespmem:s14+$0x11800] =	vst v46;
	v39 =	vld.idx.msk [tilespmem:v25+s15+$0x0], $0xffff  }
0x3d3: {  	s21 =	simm.s32 $0x6;
	s24 =	simm.s32 $0x7;
	v42 =	vld.idx.msk [tilespmem:v16+s29+$0x0], $0xffff;
	[tilespmem:s4+$0x11C60] =	vst v47  }
.LBB2_15:
0x3d4: {  	p1 =	sne.s32 s24, $0x1F;
	[tilespmem:s9+$0x11850] =	vst v41;
	v41 =	vld.idx.msk [tilespmem:v30+s11+$0x0], $0xffff;
	s30 =	smov.u32 s14;
	s14 =	smov.u32 s13  }
0x3d5: {  	s7 =	sadd.s32 $0x4, s7;
	[tilespmem:s14+$0x11440] =	vst v43;
	v43 =	vld.idx.msk [tilespmem:v21+s10+$0x0], $0xffff  }
0x3d6: {  	s20 =	sand.u32 $0x7, s21;
	s21 =	smov.u32 s24;
	s13 =	sand.u32 $0x60, s7;
	v45 =	vld.idx.msk [tilespmem:v12+s19+$0x0], $0xffff;
	[tilespmem:s17+$0x12030] =	vst v40  }
0x3d7: {  	s13 =	sor.u32 s20, s13;
	[tilespmem:s16+$0x11C20] =	vst v39;
	v39 =	vld.idx.msk [tilespmem:v35+s18+$0x0], $0xffff  }
0x3d8: {  	s13 =	sshll.u32 s13, $0x7;
	[tilespmem:s30+$0x11810] =	vst v42;
	v40 =	vld.idx.msk [tilespmem:v26+s15+$0x0], $0xffff  }
0x3d9: {  	[tilespmem:s13+$0x11400] =	vst v44;
	v42 =	vld.idx.msk [tilespmem:v17+s29+$0x0], $0xffff  }
0x3da: {  	v44 =	vld.idx.msk [tilespmem:v8+s5+$0x0], $0xffff;
	[tilespmem:s4+$0x11C70] =	vst v41  }
0x3db: {  	[tilespmem:s9+$0x11860] =	vst v43;
	v41 =	vld.idx.msk [tilespmem:v31+s11+$0x0], $0xffff  }
0x3dc: {  	[tilespmem:s14+$0x11450] =	vst v45;
	v43 =	vld.idx.msk [tilespmem:v22+s10+$0x0], $0xffff  }
0x3dd: {  	v45 =	vld.idx.msk [tilespmem:v13+s19+$0x0], $0xffff;
	[tilespmem:s17+$0x12040] =	vst v39  }
0x3de: {  	[tilespmem:s16+$0x11C30] =	vst v40;
	v39 =	vld.idx.msk [tilespmem:v36+s18+$0x0], $0xffff  }
0x3df: {  	[tilespmem:s30+$0x11820] =	vst v42;
	v40 =	vld.idx.msk [tilespmem:v27+s15+$0x0], $0xffff  }
0x3e0: {  	[tilespmem:s13+$0x11410] =	vst v44;
	v42 =	vld.idx.msk [tilespmem:v18+s29+$0x0], $0xffff  }
0x3e1: {  	v44 =	vld.idx.msk [tilespmem:v9+s5+$0x0], $0xffff;
	[tilespmem:s4+$0x12000] =	vst v41  }
0x3e2: {  	[tilespmem:s9+$0x11870] =	vst v43;
	v41 =	vld.idx.msk [tilespmem:v32+s11+$0x0], $0xffff  }
0x3e3: {  	[tilespmem:s14+$0x11460] =	vst v45;
	v43 =	vld.idx.msk [tilespmem:v23+s10+$0x0], $0xffff  }
0x3e4: {  	v45 =	vld.idx.msk [tilespmem:v14+s19+$0x0], $0xffff;
	[tilespmem:s17+$0x12050] =	vst v39  }
0x3e5: {  	[tilespmem:s16+$0x11C40] =	vst v40;
	v39 =	vld.idx.msk [tilespmem:v37+s18+$0x0], $0xffff  }
0x3e6: {  	[tilespmem:s30+$0x11830] =	vst v42;
	v40 =	vld.idx.msk [tilespmem:v28+s15+$0x0], $0xffff  }
0x3e7: {  	[tilespmem:s13+$0x11420] =	vst v44;
	v42 =	vld.idx.msk [tilespmem:v19+s29+$0x0], $0xffff  }
0x3e8: {  	v44 =	vld.idx.msk [tilespmem:v10+s5+$0x0], $0xffff;
	[tilespmem:s4+$0x12010] =	vst v41  }
0x3e9: {  	[tilespmem:s9+$0x11C00] =	vst v43;
	v46 =	vld.idx.msk [tilespmem:v33+s11+$0x0], $0xffff  }
0x3ea: {  	[tilespmem:s14+$0x11470] =	vst v45;
	v45 =	vld.idx.msk [tilespmem:v24+s10+$0x0], $0xffff  }
0x3eb: {  	v47 =	vld.idx.msk [tilespmem:v15+s19+$0x0], $0xffff;
	[tilespmem:s17+$0x12060] =	vst v39  }
0x3ec: {  	[tilespmem:s16+$0x11C50] =	vst v40;
	v48 =	vld.idx.msk [tilespmem:v38+s18+$0x0], $0xffff;
	s18 =	smov.u32 s11;
	s11 =	smov.u32 s15;
	s15 =	smov.u32 s10  }
0x3ed: {  	s10 =	smov.u32 s29;
	s29 =	smov.u32 s19;
	s19 =	smov.u32 s5;
	[tilespmem:s30+$0x11840] =	vst v42;
	v49 =	vld.idx.msk [tilespmem:v29+s11+$0x0], $0xffff  }
0x3ee: {  	[tilespmem:s13+$0x11430] =	vst v44;
	v41 =	vld.idx.msk [tilespmem:v20+s10+$0x0], $0xffff  }
.Ltmp7:
0x3ef: {  	v43 =	vld.idx.msk [tilespmem:v11+s5+$0x0], $0xffff;
	[tilespmem:s4+$0x12020] =	vst v46;
	(pc) =	sbr.rel @p1 .LBB2_15-.Ltmp7, $4  }
0x3f0: {  	[tilespmem:s9+$0x11C10] =	vst v45;
	v40 =	vld.idx.msk [tilespmem:v34+s18+$0x0], $0xffff  }
0x3f1: {  	[tilespmem:s14+$0x11800] =	vst v47;
	v39 =	vld.idx.msk [tilespmem:v25+s15+$0x0], $0xffff  }
0x3f2: {  	s5 =	sadd.s32 $0x200, s5;
	v42 =	vld.idx.msk [tilespmem:v16+s29+$0x0], $0xffff;
	[tilespmem:s17+$0x12070] =	vst v48;
	s17 =	smov.u32 s4;
	s4 =	smov.u32 s16  }
0x3f3: {  	s24 =	sadd.s32 $0x1, s24;
	s16 =	smov.u32 s9;
	s9 =	smov.u32 s30;
	v44 =	vld.idx.msk [tilespmem:v7+s5+$0x0], $0xffff;
	[tilespmem:s4+$0x11C60] =	vst v49  }
0x3f4: {  	s7 =	sadd.s32 $0x4, s7  }
0x3f5: {  	s20 =	sand.u32 $0x7, s21;
	s7 =	sand.u32 $0x60, s7  }
0x3f6: {  	s7 =	sor.u32 s20, s7  }
0x3f7: {  	s7 =	sshll.u32 s7, $0x7  }
0x3f8: {  	[tilespmem:s7+$0x11400] =	vst v44  }
0x3f9: {  	v44 =	vld.idx.msk [tilespmem:v8+s5+$0x0], $0xffff;
	_ =	sdelay $0x4  }
0x3fa: {  	[tilespmem:s7+$0x11410] =	vst v44  }
0x3fb: {  	v44 =	vld.idx.msk [tilespmem:v9+s5+$0x0], $0xffff;
	_ =	sdelay $0x4  }
0x3fc: {  	[tilespmem:s7+$0x11420] =	vst v44  }
0x3fd: {  	v44 =	vld.idx.msk [tilespmem:v10+s5+$0x0], $0xffff;
	_ =	sdelay $0x4  }
0x3fe: {  	[tilespmem:s7+$0x11430] =	vst v44  }
0x3ff: {  	v44 =	vld.idx.msk [tilespmem:v11+s5+$0x0], $0xffff;
	_ =	sdelay $0x3  }
0x400: {  	[tilespmem:s13+$0x11440] =	vst v43  }
0x401: {  	v43 =	vld.idx.msk [tilespmem:v12+s19+$0x0], $0xffff;
	[tilespmem:s7+$0x11440] =	vst v44  }
0x402: {  	v44 =	vld.idx.msk [tilespmem:v12+s5+$0x0], $0xffff;
	_ =	sdelay $0x3  }
0x403: {  	[tilespmem:s13+$0x11450] =	vst v43  }
0x404: {  	v43 =	vld.idx.msk [tilespmem:v13+s19+$0x0], $0xffff;
	[tilespmem:s7+$0x11450] =	vst v44  }
0x405: {  	v44 =	vld.idx.msk [tilespmem:v13+s5+$0x0], $0xffff;
	_ =	sdelay $0x3  }
0x406: {  	[tilespmem:s13+$0x11460] =	vst v43  }
0x407: {  	v43 =	vld.idx.msk [tilespmem:v14+s19+$0x0], $0xffff;
	[tilespmem:s7+$0x11460] =	vst v44  }
0x408: {  	v44 =	vld.idx.msk [tilespmem:v14+s5+$0x0], $0xffff;
	_ =	sdelay $0x3  }
0x409: {  	[tilespmem:s13+$0x11470] =	vst v43  }
0x40a: {  	v43 =	vld.idx.msk [tilespmem:v15+s19+$0x0], $0xffff;
	[tilespmem:s7+$0x11470] =	vst v44  }
0x40b: {  	v44 =	vld.idx.msk [tilespmem:v15+s5+$0x0], $0xffff;
	_ =	sdelay $0x3  }
0x40c: {  	[tilespmem:s13+$0x11800] =	vst v43  }
0x40d: {  	v43 =	vld.idx.msk [tilespmem:v16+s19+$0x0], $0xffff;
	[tilespmem:s7+$0x11800] =	vst v44  }
0x40e: {  	v44 =	vld.idx.msk [tilespmem:v16+s5+$0x0], $0xffff;
	_ =	sdelay $0x2  }
0x40f: {  	[tilespmem:s14+$0x11810] =	vst v42  }
0x410: {  	v42 =	vld.idx.msk [tilespmem:v17+s29+$0x0], $0xffff;
	[tilespmem:s13+$0x11810] =	vst v43  }
0x411: {  	v43 =	vld.idx.msk [tilespmem:v17+s19+$0x0], $0xffff;
	[tilespmem:s7+$0x11810] =	vst v44  }
0x412: {  	v44 =	vld.idx.msk [tilespmem:v17+s5+$0x0], $0xffff;
	_ =	sdelay $0x2  }
0x413: {  	[tilespmem:s14+$0x11820] =	vst v42  }
0x414: {  	v42 =	vld.idx.msk [tilespmem:v18+s29+$0x0], $0xffff;
	[tilespmem:s13+$0x11820] =	vst v43  }
0x415: {  	v43 =	vld.idx.msk [tilespmem:v18+s19+$0x0], $0xffff;
	[tilespmem:s7+$0x11820] =	vst v44  }
0x416: {  	v44 =	vld.idx.msk [tilespmem:v18+s5+$0x0], $0xffff;
	_ =	sdelay $0x2  }
0x417: {  	[tilespmem:s14+$0x11830] =	vst v42  }
0x418: {  	v42 =	vld.idx.msk [tilespmem:v19+s29+$0x0], $0xffff;
	[tilespmem:s13+$0x11830] =	vst v43  }
0x419: {  	v43 =	vld.idx.msk [tilespmem:v19+s19+$0x0], $0xffff;
	[tilespmem:s7+$0x11830] =	vst v44  }
0x41a: {  	v44 =	vld.idx.msk [tilespmem:v19+s5+$0x0], $0xffff;
	_ =	sdelay $0x2  }
0x41b: {  	[tilespmem:s14+$0x11840] =	vst v42  }
0x41c: {  	v42 =	vld.idx.msk [tilespmem:v20+s29+$0x0], $0xffff;
	[tilespmem:s13+$0x11840] =	vst v43  }
0x41d: {  	v43 =	vld.idx.msk [tilespmem:v20+s19+$0x0], $0xffff;
	[tilespmem:s7+$0x11840] =	vst v44  }
0x41e: {  	v44 =	vld.idx.msk [tilespmem:v20+s5+$0x0], $0xffff  }
0x41f: {  	[tilespmem:s9+$0x11850] =	vst v41  }
0x420: {  	v41 =	vld.idx.msk [tilespmem:v21+s10+$0x0], $0xffff  }
0x421: {  	[tilespmem:s14+$0x11850] =	vst v42  }
0x422: {  	v42 =	vld.idx.msk [tilespmem:v21+s29+$0x0], $0xffff;
	[tilespmem:s13+$0x11850] =	vst v43  }
0x423: {  	v43 =	vld.idx.msk [tilespmem:v21+s19+$0x0], $0xffff;
	[tilespmem:s7+$0x11850] =	vst v44  }
0x424: {  	v44 =	vld.idx.msk [tilespmem:v21+s5+$0x0], $0xffff  }
0x425: {  	[tilespmem:s9+$0x11860] =	vst v41  }
0x426: {  	v41 =	vld.idx.msk [tilespmem:v22+s10+$0x0], $0xffff  }
0x427: {  	[tilespmem:s14+$0x11860] =	vst v42  }
0x428: {  	v42 =	vld.idx.msk [tilespmem:v22+s29+$0x0], $0xffff;
	[tilespmem:s13+$0x11860] =	vst v43  }
0x429: {  	v43 =	vld.idx.msk [tilespmem:v22+s19+$0x0], $0xffff;
	[tilespmem:s7+$0x11860] =	vst v44  }
0x42a: {  	v44 =	vld.idx.msk [tilespmem:v22+s5+$0x0], $0xffff  }
0x42b: {  	[tilespmem:s9+$0x11870] =	vst v41  }
0x42c: {  	v41 =	vld.idx.msk [tilespmem:v23+s10+$0x0], $0xffff  }
0x42d: {  	[tilespmem:s14+$0x11870] =	vst v42  }
0x42e: {  	v42 =	vld.idx.msk [tilespmem:v23+s29+$0x0], $0xffff;
	[tilespmem:s13+$0x11870] =	vst v43  }
0x42f: {  	v43 =	vld.idx.msk [tilespmem:v23+s19+$0x0], $0xffff;
	[tilespmem:s7+$0x11870] =	vst v44  }
0x430: {  	v44 =	vld.idx.msk [tilespmem:v23+s5+$0x0], $0xffff  }
0x431: {  	[tilespmem:s9+$0x11C00] =	vst v41  }
0x432: {  	v41 =	vld.idx.msk [tilespmem:v24+s10+$0x0], $0xffff  }
0x433: {  	[tilespmem:s14+$0x11C00] =	vst v42  }
0x434: {  	v42 =	vld.idx.msk [tilespmem:v24+s29+$0x0], $0xffff;
	[tilespmem:s13+$0x11C00] =	vst v43  }
0x435: {  	v43 =	vld.idx.msk [tilespmem:v24+s19+$0x0], $0xffff;
	[tilespmem:s7+$0x11C00] =	vst v44  }
0x436: {  	v44 =	vld.idx.msk [tilespmem:v24+s5+$0x0], $0xffff  }
0x437: {  	[tilespmem:s9+$0x11C10] =	vst v41  }
0x438: {  	v41 =	vld.idx.msk [tilespmem:v25+s10+$0x0], $0xffff  }
0x439: {  	[tilespmem:s14+$0x11C10] =	vst v42  }
0x43a: {  	v42 =	vld.idx.msk [tilespmem:v25+s29+$0x0], $0xffff;
	[tilespmem:s13+$0x11C10] =	vst v43  }
0x43b: {  	v43 =	vld.idx.msk [tilespmem:v25+s19+$0x0], $0xffff;
	[tilespmem:s7+$0x11C10] =	vst v44  }
0x43c: {  	[tilespmem:s16+$0x11C20] =	vst v39;
	v48 =	vld.idx.msk [tilespmem:v25+s5+$0x0], $0xffff  }
0x43d: {  	v39 =	vld.idx.msk [tilespmem:v26+s15+$0x0], $0xffff;
	[tilespmem:s9+$0x11C20] =	vst v41  }
0x43e: {  	[tilespmem:s17+$0x12030] =	vst v40;
	v41 =	vld.idx.msk [tilespmem:v26+s10+$0x0], $0xffff  }
0x43f: {  	v49 =	vld.idx.msk [tilespmem:v30+s11+$0x0], $0xffff;
	[tilespmem:s14+$0x11C20] =	vst v42  }
0x440: {  	v42 =	vld.idx.msk [tilespmem:v26+s29+$0x0], $0xffff;
	[tilespmem:s13+$0x11C20] =	vst v43  }
0x441: {  	v43 =	vld.idx.msk [tilespmem:v26+s19+$0x0], $0xffff;
	[tilespmem:s7+$0x11C20] =	vst v48  }
0x442: {  	[tilespmem:s16+$0x11C30] =	vst v39;
	v40 =	vld.idx.msk [tilespmem:v26+s5+$0x0], $0xffff  }
0x443: {  	v39 =	vld.idx.msk [tilespmem:v27+s15+$0x0], $0xffff;
	[tilespmem:s9+$0x11C30] =	vst v41  }
0x444: {  	[tilespmem:s4+$0x11C70] =	vst v49;
	v41 =	vld.idx.msk [tilespmem:v27+s10+$0x0], $0xffff  }
0x445: {  	v50 =	vld.idx.msk [tilespmem:v35+s18+$0x0], $0xffff;
	[tilespmem:s14+$0x11C30] =	vst v42  }
0x446: {  	v42 =	vld.idx.msk [tilespmem:v27+s29+$0x0], $0xffff;
	[tilespmem:s13+$0x11C30] =	vst v43  }
0x447: {  	v43 =	vld.idx.msk [tilespmem:v27+s19+$0x0], $0xffff;
	[tilespmem:s7+$0x11C30] =	vst v40  }
0x448: {  	[tilespmem:s16+$0x11C40] =	vst v39;
	v40 =	vld.idx.msk [tilespmem:v27+s5+$0x0], $0xffff  }
0x449: {  	v39 =	vld.idx.msk [tilespmem:v28+s15+$0x0], $0xffff;
	[tilespmem:s9+$0x11C40] =	vst v41  }
0x44a: {  	[tilespmem:s17+$0x12040] =	vst v50;
	v41 =	vld.idx.msk [tilespmem:v28+s10+$0x0], $0xffff  }
0x44b: {  	v51 =	vld.idx.msk [tilespmem:v31+s11+$0x0], $0xffff;
	[tilespmem:s14+$0x11C40] =	vst v42  }
0x44c: {  	v42 =	vld.idx.msk [tilespmem:v28+s29+$0x0], $0xffff;
	[tilespmem:s13+$0x11C40] =	vst v43  }
0x44d: {  	v43 =	vld.idx.msk [tilespmem:v28+s19+$0x0], $0xffff;
	[tilespmem:s7+$0x11C40] =	vst v40  }
0x44e: {  	[tilespmem:s16+$0x11C50] =	vst v39;
	v40 =	vld.idx.msk [tilespmem:v28+s5+$0x0], $0xffff  }
0x44f: {  	v39 =	vld.idx.msk [tilespmem:v29+s15+$0x0], $0xffff;
	[tilespmem:s9+$0x11C50] =	vst v41  }
0x450: {  	[tilespmem:s4+$0x12000] =	vst v51;
	v41 =	vld.idx.msk [tilespmem:v29+s10+$0x0], $0xffff  }
0x451: {  	v52 =	vld.idx.msk [tilespmem:v36+s18+$0x0], $0xffff;
	[tilespmem:s14+$0x11C50] =	vst v42  }
0x452: {  	v42 =	vld.idx.msk [tilespmem:v29+s29+$0x0], $0xffff;
	[tilespmem:s13+$0x11C50] =	vst v43  }
0x453: {  	v43 =	vld.idx.msk [tilespmem:v29+s19+$0x0], $0xffff;
	[tilespmem:s7+$0x11C50] =	vst v40  }
0x454: {  	[tilespmem:s16+$0x11C60] =	vst v39;
	v40 =	vld.idx.msk [tilespmem:v29+s5+$0x0], $0xffff  }
0x455: {  	v39 =	vld.idx.msk [tilespmem:v30+s15+$0x0], $0xffff;
	[tilespmem:s9+$0x11C60] =	vst v41  }
0x456: {  	[tilespmem:s17+$0x12050] =	vst v52;
	v41 =	vld.idx.msk [tilespmem:v30+s10+$0x0], $0xffff  }
0x457: {  	v53 =	vld.idx.msk [tilespmem:v32+s11+$0x0], $0xffff;
	[tilespmem:s14+$0x11C60] =	vst v42  }
0x458: {  	v42 =	vld.idx.msk [tilespmem:v30+s29+$0x0], $0xffff;
	[tilespmem:s13+$0x11C60] =	vst v43  }
0x459: {  	v43 =	vld.idx.msk [tilespmem:v30+s19+$0x0], $0xffff;
	[tilespmem:s7+$0x11C60] =	vst v40  }
0x45a: {  	[tilespmem:s16+$0x11C70] =	vst v39;
	v40 =	vld.idx.msk [tilespmem:v30+s5+$0x0], $0xffff  }
0x45b: {  	v39 =	vld.idx.msk [tilespmem:v31+s15+$0x0], $0xffff;
	[tilespmem:s9+$0x11C70] =	vst v41  }
0x45c: {  	[tilespmem:s4+$0x12010] =	vst v53;
	v41 =	vld.idx.msk [tilespmem:v31+s10+$0x0], $0xffff  }
0x45d: {  	v54 =	vld.idx.msk [tilespmem:v37+s18+$0x0], $0xffff;
	[tilespmem:s14+$0x11C70] =	vst v42  }
0x45e: {  	v42 =	vld.idx.msk [tilespmem:v31+s29+$0x0], $0xffff;
	[tilespmem:s13+$0x11C70] =	vst v43  }
0x45f: {  	v43 =	vld.idx.msk [tilespmem:v31+s19+$0x0], $0xffff;
	[tilespmem:s7+$0x11C70] =	vst v40  }
0x460: {  	[tilespmem:s16+$0x12000] =	vst v39;
	v40 =	vld.idx.msk [tilespmem:v31+s5+$0x0], $0xffff  }
0x461: {  	v39 =	vld.idx.msk [tilespmem:v32+s15+$0x0], $0xffff;
	[tilespmem:s9+$0x12000] =	vst v41  }
0x462: {  	[tilespmem:s17+$0x12060] =	vst v54;
	v41 =	vld.idx.msk [tilespmem:v32+s10+$0x0], $0xffff  }
0x463: {  	v55 =	vld.idx.msk [tilespmem:v33+s11+$0x0], $0xffff;
	[tilespmem:s14+$0x12000] =	vst v42  }
0x464: {  	v42 =	vld.idx.msk [tilespmem:v32+s29+$0x0], $0xffff;
	[tilespmem:s13+$0x12000] =	vst v43  }
0x465: {  	v43 =	vld.idx.msk [tilespmem:v32+s19+$0x0], $0xffff;
	[tilespmem:s7+$0x12000] =	vst v40  }
0x466: {  	[tilespmem:s16+$0x12010] =	vst v39;
	v40 =	vld.idx.msk [tilespmem:v32+s5+$0x0], $0xffff  }
0x467: {  	v39 =	vld.idx.msk [tilespmem:v33+s15+$0x0], $0xffff;
	[tilespmem:s9+$0x12010] =	vst v41  }
0x468: {  	[tilespmem:s4+$0x12020] =	vst v55;
	v41 =	vld.idx.msk [tilespmem:v33+s10+$0x0], $0xffff  }
0x469: {  	v56 =	vld.idx.msk [tilespmem:v38+s18+$0x0], $0xffff;
	[tilespmem:s14+$0x12010] =	vst v42  }
0x46a: {  	v42 =	vld.idx.msk [tilespmem:v33+s29+$0x0], $0xffff;
	[tilespmem:s13+$0x12010] =	vst v43  }
0x46b: {  	v43 =	vld.idx.msk [tilespmem:v33+s19+$0x0], $0xffff;
	[tilespmem:s7+$0x12010] =	vst v40  }
0x46c: {  	[tilespmem:s16+$0x12020] =	vst v39;
	v40 =	vld.idx.msk [tilespmem:v33+s5+$0x0], $0xffff  }
0x46d: {  	v39 =	vld.idx.msk [tilespmem:v34+s15+$0x0], $0xffff;
	[tilespmem:s9+$0x12020] =	vst v41  }
0x46e: {  	[tilespmem:s17+$0x12070] =	vst v56;
	v41 =	vld.idx.msk [tilespmem:v34+s10+$0x0], $0xffff  }
0x46f: {  	v57 =	vld.idx.msk [tilespmem:v34+s11+$0x0], $0xffff;
	[tilespmem:s14+$0x12020] =	vst v42  }
0x470: {  	v42 =	vld.idx.msk [tilespmem:v34+s29+$0x0], $0xffff;
	[tilespmem:s13+$0x12020] =	vst v43  }
0x471: {  	v43 =	vld.idx.msk [tilespmem:v34+s19+$0x0], $0xffff;
	[tilespmem:s7+$0x12020] =	vst v40  }
0x472: {  	[tilespmem:s16+$0x12030] =	vst v39;
	v40 =	vld.idx.msk [tilespmem:v34+s5+$0x0], $0xffff  }
0x473: {  	v39 =	vld.idx.msk [tilespmem:v35+s15+$0x0], $0xffff;
	[tilespmem:s9+$0x12030] =	vst v41  }
0x474: {  	[tilespmem:s4+$0x12030] =	vst v57;
	v41 =	vld.idx.msk [tilespmem:v35+s10+$0x0], $0xffff  }
0x475: {  	v44 =	vld.idx.msk [tilespmem:v35+s11+$0x0], $0xffff;
	[tilespmem:s14+$0x12030] =	vst v42  }
0x476: {  	v42 =	vld.idx.msk [tilespmem:v35+s29+$0x0], $0xffff;
	[tilespmem:s13+$0x12030] =	vst v43  }
0x477: {  	v43 =	vld.idx.msk [tilespmem:v35+s19+$0x0], $0xffff;
	[tilespmem:s7+$0x12030] =	vst v40  }
0x478: {  	[tilespmem:s16+$0x12040] =	vst v39;
	v40 =	vld.idx.msk [tilespmem:v35+s5+$0x0], $0xffff  }
0x479: {  	v39 =	vld.idx.msk [tilespmem:v36+s15+$0x0], $0xffff;
	[tilespmem:s9+$0x12040] =	vst v41  }
0x47a: {  	v41 =	vld.idx.msk [tilespmem:v36+s10+$0x0], $0xffff;
	[tilespmem:s4+$0x12040] =	vst v44  }
0x47b: {  	v44 =	vld.idx.msk [tilespmem:v36+s11+$0x0], $0xffff;
	[tilespmem:s14+$0x12040] =	vst v42  }
0x47c: {  	v42 =	vld.idx.msk [tilespmem:v36+s29+$0x0], $0xffff;
	[tilespmem:s13+$0x12040] =	vst v43  }
0x47d: {  	v43 =	vld.idx.msk [tilespmem:v36+s19+$0x0], $0xffff;
	[tilespmem:s7+$0x12040] =	vst v40  }
0x47e: {  	[tilespmem:s16+$0x12050] =	vst v39;
	v40 =	vld.idx.msk [tilespmem:v36+s5+$0x0], $0xffff  }
0x47f: {  	v39 =	vld.idx.msk [tilespmem:v37+s15+$0x0], $0xffff;
	[tilespmem:s9+$0x12050] =	vst v41  }
0x480: {  	v41 =	vld.idx.msk [tilespmem:v37+s10+$0x0], $0xffff;
	[tilespmem:s4+$0x12050] =	vst v44  }
0x481: {  	v44 =	vld.idx.msk [tilespmem:v37+s11+$0x0], $0xffff;
	[tilespmem:s14+$0x12050] =	vst v42  }
0x482: {  	v42 =	vld.idx.msk [tilespmem:v37+s29+$0x0], $0xffff;
	[tilespmem:s13+$0x12050] =	vst v43  }
0x483: {  	v43 =	vld.idx.msk [tilespmem:v37+s19+$0x0], $0xffff;
	[tilespmem:s7+$0x12050] =	vst v40  }
0x484: {  	[tilespmem:s16+$0x12060] =	vst v39;
	v40 =	vld.idx.msk [tilespmem:v37+s5+$0x0], $0xffff  }
0x485: {  	v39 =	vld.idx.msk [tilespmem:v38+s15+$0x0], $0xffff;
	[tilespmem:s9+$0x12060] =	vst v41  }
0x486: {  	v41 =	vld.idx.msk [tilespmem:v38+s10+$0x0], $0xffff;
	[tilespmem:s4+$0x12060] =	vst v44  }
0x487: {  	v44 =	vld.idx.msk [tilespmem:v38+s11+$0x0], $0xffff;
	[tilespmem:s14+$0x12060] =	vst v42  }
0x488: {  	v42 =	vld.idx.msk [tilespmem:v38+s29+$0x0], $0xffff;
	[tilespmem:s13+$0x12060] =	vst v43  }
0x489: {  	v43 =	vld.idx.msk [tilespmem:v38+s19+$0x0], $0xffff;
	[tilespmem:s7+$0x12060] =	vst v40  }
0x48a: {  	[tilespmem:s16+$0x12070] =	vst v39;
	v40 =	vld.idx.msk [tilespmem:v38+s5+$0x0], $0xffff  }
0x48b: {  	[tilespmem:s9+$0x12070] =	vst v41  }
0x48c: {  	[tilespmem:s4+$0x12070] =	vst v44  }
0x48d: {  	s3 =	sadd.s32 $0x1000, s3;
	[tilespmem:s14+$0x12070] =	vst v42  }
0x48e: {  	s3 =	sand.u32 $0x1FFFF000, s3;
	[tilespmem:s13+$0x12070] =	vst v43  }
0x48f: {  	s30 =	smov.u32 s22;
	s3 =	sadd.s32 s22, s3;
	s22 =	simm.s32 $0x11400;
	[tilespmem:s7+$0x12070] =	vst v40  }
0x490: {  	[hbm4b:s3+s6] =	stream.linear.scatter [tilespmem:s22], [sflag:$0x5], $0x4000, $0x38;
	[tilespmem:$0x19400] =	vst v63  }
0x491: {  	s2 =	sadd.s32 @!p0 $0x700, s2;
	s4 =	simm.s32 @!p0 $0x9400;
	s3 =	simm.s32 @!p0 $0x80  }
0x492: {  	[tilespmem:s4], [sflag:$0x3] =	stream.indirect.gather @!p0 [hbm4b:s1+s3], $0x80, s2, s3, $0xb8;
	[tilespmem:$0x19400] =	vst v63  }
0x493: {  	_ =	swait.ge [sflag:s28], $0x4000  }
0x494: {  	[sflag:s28] =	ssyncset.done $0x0  }
0x495: {  	[sflag:s28] =	ssyncadd.s32 $0xFFFFC000  }
0x496: {  	_ =	swait.ge [sflag:s23], $0x4000  }
0x497: {  	[sflag:s23] =	ssyncset.done $0x0  }
0x498: {  	s16 =	simm.s32 $0xD400;
	[sflag:s23] =	ssyncadd.s32 $0xFFFFC000  }
0x499: {  	v58 =	vld.idx.msk [tilespmem:v7+s16+$0x0], $0xffff  }
0x49a: {  	s9 =	simm.s32 $0x0  }
0x49b: {  	s10 =	sand.u32 $0x60, s9;
	s2 =	sand.u32 $0x7, s9  }
0x49c: {  	s2 =	sor.u32 s2, s10  }
0x49d: {  	s15 =	sshll.u32 s2, $0x7  }
0x49e: {  	[tilespmem:s15+$0x15400] =	vst v58  }
0x49f: {  	v39 =	vld.idx.msk [tilespmem:v8+s16+$0x0], $0xffff;
	_ =	sdelay $0x4  }
0x4a0: {  	[tilespmem:s15+$0x15410] =	vst v39  }
0x4a1: {  	v39 =	vld.idx.msk [tilespmem:v9+s16+$0x0], $0xffff;
	_ =	sdelay $0x4  }
0x4a2: {  	[tilespmem:s15+$0x15420] =	vst v39  }
0x4a3: {  	v39 =	vld.idx.msk [tilespmem:v10+s16+$0x0], $0xffff;
	_ =	sdelay $0x4  }
0x4a4: {  	[tilespmem:s15+$0x15430] =	vst v39  }
0x4a5: {  	v39 =	vld.idx.msk [tilespmem:v11+s16+$0x0], $0xffff;
	_ =	sdelay $0x1  }
0x4a6: {  	s3 =	simm.s32 $0xD600  }
0x4a7: {  	v59 =	vld.idx.msk [tilespmem:v7+s3+$0x0], $0xffff  }
0x4a8: {  	s11 =	simm.s32 $0x1;
	s13 =	simm.s32 $0x4  }
0x4a9: {  	s4 =	sand.u32 $0x60, s13;
	s2 =	sand.u32 $0x7, s11;
	[tilespmem:s15+$0x15440] =	vst v39  }
0x4aa: {  	s2 =	sor.u32 s2, s4;
	v39 =	vld.idx.msk [tilespmem:v12+s16+$0x0], $0xffff  }
0x4ab: {  	s2 =	sshll.u32 s2, $0x7  }
0x4ac: {  	[tilespmem:s2+$0x15400] =	vst v59  }
0x4ad: {  	v40 =	vld.idx.msk [tilespmem:v8+s3+$0x0], $0xffff;
	_ =	sdelay $0x1  }
0x4ae: {  	[tilespmem:s15+$0x15450] =	vst v39  }
0x4af: {  	v39 =	vld.idx.msk [tilespmem:v13+s16+$0x0], $0xffff;
	_ =	sdelay $0x1  }
0x4b0: {  	[tilespmem:s2+$0x15410] =	vst v40  }
0x4b1: {  	v40 =	vld.idx.msk [tilespmem:v9+s3+$0x0], $0xffff;
	_ =	sdelay $0x1  }
0x4b2: {  	[tilespmem:s15+$0x15460] =	vst v39  }
0x4b3: {  	v39 =	vld.idx.msk [tilespmem:v14+s16+$0x0], $0xffff;
	_ =	sdelay $0x1  }
0x4b4: {  	[tilespmem:s2+$0x15420] =	vst v40  }
0x4b5: {  	v40 =	vld.idx.msk [tilespmem:v10+s3+$0x0], $0xffff;
	_ =	sdelay $0x1  }
0x4b6: {  	[tilespmem:s15+$0x15470] =	vst v39  }
0x4b7: {  	v39 =	vld.idx.msk [tilespmem:v15+s16+$0x0], $0xffff;
	_ =	sdelay $0x1  }
0x4b8: {  	[tilespmem:s2+$0x15430] =	vst v40  }
0x4b9: {  	v40 =	vld.idx.msk [tilespmem:v11+s3+$0x0], $0xffff;
	_ =	sdelay $0x1  }
0x4ba: {  	[tilespmem:s15+$0x15800] =	vst v39  }
0x4bb: {  	s4 =	simm.s32 $0xD800;
	v39 =	vld.idx.msk [tilespmem:v16+s16+$0x0], $0xffff  }
0x4bc: {  	v60 =	vld.idx.msk [tilespmem:v7+s4+$0x0], $0xffff  }
0x4bd: {  	s17 =	simm.s32 $0x8;
	s14 =	simm.s32 $0x2;
	[tilespmem:s2+$0x15440] =	vst v40  }
0x4be: {  	s5 =	sand.u32 $0x7, s14;
	s7 =	sand.u32 $0x60, s17;
	v40 =	vld.idx.msk [tilespmem:v12+s3+$0x0], $0xffff  }
0x4bf: {  	s5 =	sor.u32 s5, s7  }
0x4c0: {  	s11 =	sshll.u32 s5, $0x7;
	[tilespmem:s15+$0x15810] =	vst v39  }
0x4c1: {  	[tilespmem:s11+$0x15400] =	vst v60;
	v39 =	vld.idx.msk [tilespmem:v17+s16+$0x0], $0xffff  }
0x4c2: {  	v41 =	vld.idx.msk [tilespmem:v8+s4+$0x0], $0xffff  }
0x4c3: {  	[tilespmem:s2+$0x15450] =	vst v40  }
0x4c4: {  	v40 =	vld.idx.msk [tilespmem:v13+s3+$0x0], $0xffff;
	_ =	sdelay $0x1  }
0x4c5: {  	[tilespmem:s15+$0x15820] =	vst v39  }
0x4c6: {  	[tilespmem:s11+$0x15410] =	vst v41;
	v39 =	vld.idx.msk [tilespmem:v18+s16+$0x0], $0xffff  }
0x4c7: {  	v41 =	vld.idx.msk [tilespmem:v9+s4+$0x0], $0xffff  }
0x4c8: {  	[tilespmem:s2+$0x15460] =	vst v40  }
0x4c9: {  	v40 =	vld.idx.msk [tilespmem:v14+s3+$0x0], $0xffff;
	_ =	sdelay $0x1  }
0x4ca: {  	[tilespmem:s15+$0x15830] =	vst v39  }
0x4cb: {  	[tilespmem:s11+$0x15420] =	vst v41;
	v39 =	vld.idx.msk [tilespmem:v19+s16+$0x0], $0xffff  }
0x4cc: {  	v41 =	vld.idx.msk [tilespmem:v10+s4+$0x0], $0xffff  }
0x4cd: {  	[tilespmem:s2+$0x15470] =	vst v40  }
0x4ce: {  	v40 =	vld.idx.msk [tilespmem:v15+s3+$0x0], $0xffff;
	_ =	sdelay $0x1  }
0x4cf: {  	[tilespmem:s15+$0x15840] =	vst v39  }
0x4d0: {  	[tilespmem:s11+$0x15430] =	vst v41;
	v39 =	vld.idx.msk [tilespmem:v20+s16+$0x0], $0xffff  }
0x4d1: {  	v41 =	vld.idx.msk [tilespmem:v11+s4+$0x0], $0xffff  }
0x4d2: {  	[tilespmem:s2+$0x15800] =	vst v40  }
0x4d3: {  	s10 =	simm.s32 $0xDA00;
	v40 =	vld.idx.msk [tilespmem:v16+s3+$0x0], $0xffff  }
0x4d4: {  	v61 =	vld.idx.msk [tilespmem:v7+s10+$0x0], $0xffff  }
0x4d5: {  	s18 =	simm.s32 $0x3;
	s19 =	simm.s32 $0xC;
	[tilespmem:s15+$0x15850] =	vst v39  }
0x4d6: {  	s7 =	sand.u32 $0x60, s19;
	s5 =	sand.u32 $0x7, s18;
	[tilespmem:s11+$0x15440] =	vst v41;
	v39 =	vld.idx.msk [tilespmem:v21+s16+$0x0], $0xffff  }
0x4d7: {  	s5 =	sor.u32 s5, s7;
	v41 =	vld.idx.msk [tilespmem:v12+s4+$0x0], $0xffff  }
0x4d8: {  	s9 =	sshll.u32 s5, $0x7;
	[tilespmem:s2+$0x15810] =	vst v40  }
0x4d9: {  	[tilespmem:s9+$0x15400] =	vst v61;
	v40 =	vld.idx.msk [tilespmem:v17+s3+$0x0], $0xffff  }
0x4da: {  	v42 =	vld.idx.msk [tilespmem:v8+s10+$0x0], $0xffff  }
0x4db: {  	[tilespmem:s15+$0x15860] =	vst v39  }
0x4dc: {  	[tilespmem:s11+$0x15450] =	vst v41;
	v39 =	vld.idx.msk [tilespmem:v22+s16+$0x0], $0xffff  }
0x4dd: {  	v41 =	vld.idx.msk [tilespmem:v13+s4+$0x0], $0xffff  }
0x4de: {  	[tilespmem:s2+$0x15820] =	vst v40  }
0x4df: {  	[tilespmem:s9+$0x15410] =	vst v42;
	v40 =	vld.idx.msk [tilespmem:v18+s3+$0x0], $0xffff  }
0x4e0: {  	v42 =	vld.idx.msk [tilespmem:v9+s10+$0x0], $0xffff  }
0x4e1: {  	[tilespmem:s15+$0x15870] =	vst v39  }
0x4e2: {  	[tilespmem:s11+$0x15460] =	vst v41;
	v39 =	vld.idx.msk [tilespmem:v23+s16+$0x0], $0xffff  }
0x4e3: {  	v41 =	vld.idx.msk [tilespmem:v14+s4+$0x0], $0xffff  }
0x4e4: {  	[tilespmem:s2+$0x15830] =	vst v40  }
0x4e5: {  	[tilespmem:s9+$0x15420] =	vst v42;
	v40 =	vld.idx.msk [tilespmem:v19+s3+$0x0], $0xffff  }
0x4e6: {  	v42 =	vld.idx.msk [tilespmem:v10+s10+$0x0], $0xffff  }
0x4e7: {  	[tilespmem:s15+$0x15C00] =	vst v39  }
0x4e8: {  	[tilespmem:s11+$0x15470] =	vst v41;
	v39 =	vld.idx.msk [tilespmem:v24+s16+$0x0], $0xffff  }
0x4e9: {  	v41 =	vld.idx.msk [tilespmem:v15+s4+$0x0], $0xffff  }
0x4ea: {  	[tilespmem:s2+$0x15840] =	vst v40  }
0x4eb: {  	[tilespmem:s9+$0x15430] =	vst v42;
	v40 =	vld.idx.msk [tilespmem:v20+s3+$0x0], $0xffff  }
0x4ec: {  	v42 =	vld.idx.msk [tilespmem:v11+s10+$0x0], $0xffff  }
0x4ed: {  	[tilespmem:s15+$0x15C10] =	vst v39  }
0x4ee: {  	[tilespmem:s11+$0x15800] =	vst v41;
	v39 =	vld.idx.msk [tilespmem:v25+s16+$0x0], $0xffff  }
0x4ef: {  	s17 =	simm.s32 $0xDC00;
	v41 =	vld.idx.msk [tilespmem:v16+s4+$0x0], $0xffff  }
0x4f0: {  	v62 =	vld.idx.msk [tilespmem:v7+s17+$0x0], $0xffff;
	[tilespmem:s2+$0x15850] =	vst v40  }
0x4f1: {  	s21 =	simm.s32 $0x10;
	s20 =	simm.s32 $0x4;
	[tilespmem:s9+$0x15440] =	vst v42;
	v40 =	vld.idx.msk [tilespmem:v21+s3+$0x0], $0xffff  }
0x4f2: {  	s7 =	sand.u32 $0x60, s21;
	s5 =	sand.u32 $0x7, s20;
	v42 =	vld.idx.msk [tilespmem:v12+s10+$0x0], $0xffff  }
0x4f3: {  	s5 =	sor.u32 s5, s7;
	[tilespmem:s15+$0x15C20] =	vst v39  }
0x4f4: {  	s14 =	sshll.u32 s5, $0x7;
	[tilespmem:s11+$0x15810] =	vst v41;
	v39 =	vld.idx.msk [tilespmem:v26+s16+$0x0], $0xffff  }
0x4f5: {  	[tilespmem:s14+$0x15400] =	vst v62;
	v41 =	vld.idx.msk [tilespmem:v17+s4+$0x0], $0xffff  }
0x4f6: {  	v43 =	vld.idx.msk [tilespmem:v8+s17+$0x0], $0xffff;
	[tilespmem:s2+$0x15860] =	vst v40  }
0x4f7: {  	[tilespmem:s9+$0x15450] =	vst v42;
	v40 =	vld.idx.msk [tilespmem:v22+s3+$0x0], $0xffff  }
0x4f8: {  	v42 =	vld.idx.msk [tilespmem:v13+s10+$0x0], $0xffff  }
0x4f9: {  	[tilespmem:s15+$0x15C30] =	vst v39  }
0x4fa: {  	[tilespmem:s11+$0x15820] =	vst v41;
	v39 =	vld.idx.msk [tilespmem:v27+s16+$0x0], $0xffff  }
0x4fb: {  	[tilespmem:s14+$0x15410] =	vst v43;
	v41 =	vld.idx.msk [tilespmem:v18+s4+$0x0], $0xffff  }
0x4fc: {  	v43 =	vld.idx.msk [tilespmem:v9+s17+$0x0], $0xffff;
	[tilespmem:s2+$0x15870] =	vst v40  }
0x4fd: {  	[tilespmem:s9+$0x15460] =	vst v42;
	v40 =	vld.idx.msk [tilespmem:v23+s3+$0x0], $0xffff  }
0x4fe: {  	v42 =	vld.idx.msk [tilespmem:v14+s10+$0x0], $0xffff  }
0x4ff: {  	[tilespmem:s15+$0x15C40] =	vst v39  }
0x500: {  	[tilespmem:s11+$0x15830] =	vst v41;
	v39 =	vld.idx.msk [tilespmem:v28+s16+$0x0], $0xffff  }
0x501: {  	[tilespmem:s14+$0x15420] =	vst v43;
	v41 =	vld.idx.msk [tilespmem:v19+s4+$0x0], $0xffff  }
0x502: {  	v43 =	vld.idx.msk [tilespmem:v10+s17+$0x0], $0xffff;
	[tilespmem:s2+$0x15C00] =	vst v40  }
0x503: {  	[tilespmem:s9+$0x15470] =	vst v42;
	v40 =	vld.idx.msk [tilespmem:v24+s3+$0x0], $0xffff  }
0x504: {  	s18 =	simm.s32 $0xDE00;
	v42 =	vld.idx.msk [tilespmem:v15+s10+$0x0], $0xffff  }
0x505: {  	v63 =	vld.idx.msk [tilespmem:v7+s18+$0x0], $0xffff;
	[tilespmem:s15+$0x15C50] =	vst v39  }
0x506: {  	s24 =	simm.s32 $0x5;
	s7 =	simm.s32 $0x14;
	[tilespmem:s11+$0x15840] =	vst v41;
	v39 =	vld.idx.msk [tilespmem:v29+s16+$0x0], $0xffff  }
0x507: {  	s29 =	sand.u32 $0x60, s7;
	s5 =	sand.u32 $0x7, s24;
	[tilespmem:s14+$0x15430] =	vst v43;
	v41 =	vld.idx.msk [tilespmem:v20+s4+$0x0], $0xffff  }
0x508: {  	s5 =	sor.u32 s5, s29;
	v43 =	vld.idx.msk [tilespmem:v11+s17+$0x0], $0xffff;
	[tilespmem:s2+$0x15C10] =	vst v40  }
0x509: {  	s13 =	sshll.u32 s5, $0x7;
	[tilespmem:s9+$0x15800] =	vst v42;
	v40 =	vld.idx.msk [tilespmem:v25+s3+$0x0], $0xffff  }
0x50a: {  	[tilespmem:s13+$0x15400] =	vst v63;
	v42 =	vld.idx.msk [tilespmem:v16+s10+$0x0], $0xffff  }
0x50b: {  	v44 =	vld.idx.msk [tilespmem:v8+s18+$0x0], $0xffff;
	[tilespmem:s15+$0x15C60] =	vst v39  }
0x50c: {  	[tilespmem:s11+$0x15850] =	vst v41;
	v39 =	vld.idx.msk [tilespmem:v30+s16+$0x0], $0xffff  }
0x50d: {  	[tilespmem:s14+$0x15440] =	vst v43;
	v41 =	vld.idx.msk [tilespmem:v21+s4+$0x0], $0xffff  }
0x50e: {  	v43 =	vld.idx.msk [tilespmem:v12+s17+$0x0], $0xffff;
	[tilespmem:s2+$0x15C20] =	vst v40  }
0x50f: {  	[tilespmem:s9+$0x15810] =	vst v42;
	v40 =	vld.idx.msk [tilespmem:v26+s3+$0x0], $0xffff  }
0x510: {  	[tilespmem:s13+$0x15410] =	vst v44;
	v42 =	vld.idx.msk [tilespmem:v17+s10+$0x0], $0xffff  }
0x511: {  	v44 =	vld.idx.msk [tilespmem:v9+s18+$0x0], $0xffff;
	[tilespmem:s15+$0x15C70] =	vst v39  }
0x512: {  	[tilespmem:s11+$0x15860] =	vst v41;
	v39 =	vld.idx.msk [tilespmem:v31+s16+$0x0], $0xffff  }
0x513: {  	[tilespmem:s14+$0x15450] =	vst v43;
	v41 =	vld.idx.msk [tilespmem:v22+s4+$0x0], $0xffff  }
0x514: {  	v43 =	vld.idx.msk [tilespmem:v13+s17+$0x0], $0xffff;
	[tilespmem:s2+$0x15C30] =	vst v40  }
0x515: {  	[tilespmem:s9+$0x15820] =	vst v42;
	v40 =	vld.idx.msk [tilespmem:v27+s3+$0x0], $0xffff  }
0x516: {  	[tilespmem:s13+$0x15420] =	vst v44;
	v42 =	vld.idx.msk [tilespmem:v18+s10+$0x0], $0xffff  }
0x517: {  	v44 =	vld.idx.msk [tilespmem:v10+s18+$0x0], $0xffff;
	[tilespmem:s15+$0x16000] =	vst v39  }
0x518: {  	[tilespmem:s11+$0x15870] =	vst v41;
	v39 =	vld.idx.msk [tilespmem:v32+s16+$0x0], $0xffff  }
0x519: {  	[tilespmem:s14+$0x15460] =	vst v43;
	v41 =	vld.idx.msk [tilespmem:v23+s4+$0x0], $0xffff  }
0x51a: {  	v43 =	vld.idx.msk [tilespmem:v14+s17+$0x0], $0xffff;
	[tilespmem:s2+$0x15C40] =	vst v40  }
0x51b: {  	[tilespmem:s9+$0x15830] =	vst v42;
	v40 =	vld.idx.msk [tilespmem:v28+s3+$0x0], $0xffff  }
0x51c: {  	s5 =	simm.s32 $0xE000;
	[tilespmem:s13+$0x15430] =	vst v44;
	v42 =	vld.idx.msk [tilespmem:v19+s10+$0x0], $0xffff  }
0x51d: {  	v44 =	vld.idx.msk [tilespmem:v7+s5+$0x0], $0xffff;
	[tilespmem:s15+$0x16010] =	vst v39  }
0x51e: {  	[tilespmem:s11+$0x15C00] =	vst v41;
	v39 =	vld.idx.msk [tilespmem:v33+s16+$0x0], $0xffff  }
0x51f: {  	[tilespmem:s14+$0x15470] =	vst v43;
	v45 =	vld.idx.msk [tilespmem:v24+s4+$0x0], $0xffff  }
0x520: {  	v46 =	vld.idx.msk [tilespmem:v15+s17+$0x0], $0xffff;
	[tilespmem:s2+$0x15C50] =	vst v40  }
0x521: {  	[tilespmem:s9+$0x15840] =	vst v42;
	v47 =	vld.idx.msk [tilespmem:v29+s3+$0x0], $0xffff  }
0x522: {  	v41 =	vld.idx.msk [tilespmem:v20+s10+$0x0], $0xffff  }
0x523: {  	v43 =	vld.idx.msk [tilespmem:v11+s18+$0x0], $0xffff;
	[tilespmem:s15+$0x16020] =	vst v39  }
0x524: {  	[tilespmem:s11+$0x15C10] =	vst v45;
	v40 =	vld.idx.msk [tilespmem:v34+s16+$0x0], $0xffff  }
0x525: {  	[tilespmem:s14+$0x15800] =	vst v46;
	v39 =	vld.idx.msk [tilespmem:v25+s4+$0x0], $0xffff  }
0x526: {  	s19 =	simm.s32 $0x6;
	s21 =	simm.s32 $0x7;
	v42 =	vld.idx.msk [tilespmem:v16+s17+$0x0], $0xffff;
	[tilespmem:s2+$0x15C60] =	vst v47  }
.LBB2_17:
0x527: {  	p0 =	sne.s32 s21, $0x1F;
	[tilespmem:s9+$0x15850] =	vst v41;
	v41 =	vld.idx.msk [tilespmem:v30+s3+$0x0], $0xffff;
	s24 =	smov.u32 s14;
	s14 =	smov.u32 s13  }
0x528: {  	s7 =	sadd.s32 $0x4, s7;
	[tilespmem:s14+$0x15440] =	vst v43;
	v43 =	vld.idx.msk [tilespmem:v21+s10+$0x0], $0xffff  }
0x529: {  	s20 =	sand.u32 $0x7, s19;
	s19 =	smov.u32 s21;
	s13 =	sand.u32 $0x60, s7;
	v45 =	vld.idx.msk [tilespmem:v12+s18+$0x0], $0xffff;
	[tilespmem:s15+$0x16030] =	vst v40  }
0x52a: {  	s13 =	sor.u32 s20, s13;
	[tilespmem:s11+$0x15C20] =	vst v39;
	v39 =	vld.idx.msk [tilespmem:v35+s16+$0x0], $0xffff  }
0x52b: {  	s13 =	sshll.u32 s13, $0x7;
	[tilespmem:s24+$0x15810] =	vst v42;
	v40 =	vld.idx.msk [tilespmem:v26+s4+$0x0], $0xffff  }
0x52c: {  	[tilespmem:s13+$0x15400] =	vst v44;
	v42 =	vld.idx.msk [tilespmem:v17+s17+$0x0], $0xffff  }
0x52d: {  	v44 =	vld.idx.msk [tilespmem:v8+s5+$0x0], $0xffff;
	[tilespmem:s2+$0x15C70] =	vst v41  }
0x52e: {  	[tilespmem:s9+$0x15860] =	vst v43;
	v41 =	vld.idx.msk [tilespmem:v31+s3+$0x0], $0xffff  }
0x52f: {  	[tilespmem:s14+$0x15450] =	vst v45;
	v43 =	vld.idx.msk [tilespmem:v22+s10+$0x0], $0xffff  }
0x530: {  	v45 =	vld.idx.msk [tilespmem:v13+s18+$0x0], $0xffff;
	[tilespmem:s15+$0x16040] =	vst v39  }
0x531: {  	[tilespmem:s11+$0x15C30] =	vst v40;
	v39 =	vld.idx.msk [tilespmem:v36+s16+$0x0], $0xffff  }
0x532: {  	[tilespmem:s24+$0x15820] =	vst v42;
	v40 =	vld.idx.msk [tilespmem:v27+s4+$0x0], $0xffff  }
0x533: {  	[tilespmem:s13+$0x15410] =	vst v44;
	v42 =	vld.idx.msk [tilespmem:v18+s17+$0x0], $0xffff  }
0x534: {  	v44 =	vld.idx.msk [tilespmem:v9+s5+$0x0], $0xffff;
	[tilespmem:s2+$0x16000] =	vst v41  }
0x535: {  	[tilespmem:s9+$0x15870] =	vst v43;
	v41 =	vld.idx.msk [tilespmem:v32+s3+$0x0], $0xffff  }
0x536: {  	[tilespmem:s14+$0x15460] =	vst v45;
	v43 =	vld.idx.msk [tilespmem:v23+s10+$0x0], $0xffff  }
0x537: {  	v45 =	vld.idx.msk [tilespmem:v14+s18+$0x0], $0xffff;
	[tilespmem:s15+$0x16050] =	vst v39  }
0x538: {  	[tilespmem:s11+$0x15C40] =	vst v40;
	v39 =	vld.idx.msk [tilespmem:v37+s16+$0x0], $0xffff  }
0x539: {  	[tilespmem:s24+$0x15830] =	vst v42;
	v40 =	vld.idx.msk [tilespmem:v28+s4+$0x0], $0xffff  }
0x53a: {  	[tilespmem:s13+$0x15420] =	vst v44;
	v42 =	vld.idx.msk [tilespmem:v19+s17+$0x0], $0xffff  }
0x53b: {  	v44 =	vld.idx.msk [tilespmem:v10+s5+$0x0], $0xffff;
	[tilespmem:s2+$0x16010] =	vst v41  }
0x53c: {  	[tilespmem:s9+$0x15C00] =	vst v43;
	v46 =	vld.idx.msk [tilespmem:v33+s3+$0x0], $0xffff  }
0x53d: {  	[tilespmem:s14+$0x15470] =	vst v45;
	v45 =	vld.idx.msk [tilespmem:v24+s10+$0x0], $0xffff  }
0x53e: {  	v47 =	vld.idx.msk [tilespmem:v15+s18+$0x0], $0xffff;
	[tilespmem:s15+$0x16060] =	vst v39  }
0x53f: {  	[tilespmem:s11+$0x15C50] =	vst v40;
	v48 =	vld.idx.msk [tilespmem:v38+s16+$0x0], $0xffff;
	s16 =	smov.u32 s3;
	s3 =	smov.u32 s4;
	s4 =	smov.u32 s10  }
0x540: {  	s10 =	smov.u32 s17;
	s17 =	smov.u32 s18;
	s18 =	smov.u32 s5;
	[tilespmem:s24+$0x15840] =	vst v42;
	v49 =	vld.idx.msk [tilespmem:v29+s3+$0x0], $0xffff  }
0x541: {  	[tilespmem:s13+$0x15430] =	vst v44;
	v41 =	vld.idx.msk [tilespmem:v20+s10+$0x0], $0xffff  }
.Ltmp8:
0x542: {  	v43 =	vld.idx.msk [tilespmem:v11+s5+$0x0], $0xffff;
	[tilespmem:s2+$0x16020] =	vst v46;
	(pc) =	sbr.rel @p0 .LBB2_17-.Ltmp8, $4  }
0x543: {  	[tilespmem:s9+$0x15C10] =	vst v45;
	v40 =	vld.idx.msk [tilespmem:v34+s16+$0x0], $0xffff  }
0x544: {  	[tilespmem:s14+$0x15800] =	vst v47;
	v39 =	vld.idx.msk [tilespmem:v25+s4+$0x0], $0xffff  }
0x545: {  	s5 =	sadd.s32 $0x200, s5;
	v42 =	vld.idx.msk [tilespmem:v16+s17+$0x0], $0xffff;
	[tilespmem:s15+$0x16070] =	vst v48;
	s15 =	smov.u32 s2;
	s2 =	smov.u32 s11  }
0x546: {  	s21 =	sadd.s32 $0x1, s21;
	s11 =	smov.u32 s9;
	s9 =	smov.u32 s24;
	v44 =	vld.idx.msk [tilespmem:v7+s5+$0x0], $0xffff;
	[tilespmem:s2+$0x15C60] =	vst v49  }
0x547: {  	s7 =	sadd.s32 $0x4, s7  }
0x548: {  	s19 =	sand.u32 $0x7, s19;
	s7 =	sand.u32 $0x60, s7  }
0x549: {  	s7 =	sor.u32 s19, s7  }
0x54a: {  	s7 =	sshll.u32 s7, $0x7  }
0x54b: {  	[tilespmem:s7+$0x15400] =	vst v44  }
0x54c: {  	v44 =	vld.idx.msk [tilespmem:v8+s5+$0x0], $0xffff;
	_ =	sdelay $0x4  }
0x54d: {  	[tilespmem:s7+$0x15410] =	vst v44  }
0x54e: {  	v44 =	vld.idx.msk [tilespmem:v9+s5+$0x0], $0xffff;
	_ =	sdelay $0x4  }
0x54f: {  	[tilespmem:s7+$0x15420] =	vst v44  }
0x550: {  	v44 =	vld.idx.msk [tilespmem:v10+s5+$0x0], $0xffff;
	_ =	sdelay $0x4  }
0x551: {  	[tilespmem:s7+$0x15430] =	vst v44  }
0x552: {  	v44 =	vld.idx.msk [tilespmem:v11+s5+$0x0], $0xffff;
	_ =	sdelay $0x3  }
0x553: {  	[tilespmem:s13+$0x15440] =	vst v43  }
0x554: {  	v43 =	vld.idx.msk [tilespmem:v12+s18+$0x0], $0xffff;
	[tilespmem:s7+$0x15440] =	vst v44  }
0x555: {  	v44 =	vld.idx.msk [tilespmem:v12+s5+$0x0], $0xffff;
	_ =	sdelay $0x3  }
0x556: {  	[tilespmem:s13+$0x15450] =	vst v43  }
0x557: {  	v43 =	vld.idx.msk [tilespmem:v13+s18+$0x0], $0xffff;
	[tilespmem:s7+$0x15450] =	vst v44  }
0x558: {  	v44 =	vld.idx.msk [tilespmem:v13+s5+$0x0], $0xffff;
	_ =	sdelay $0x3  }
0x559: {  	[tilespmem:s13+$0x15460] =	vst v43  }
0x55a: {  	v43 =	vld.idx.msk [tilespmem:v14+s18+$0x0], $0xffff;
	[tilespmem:s7+$0x15460] =	vst v44  }
0x55b: {  	v44 =	vld.idx.msk [tilespmem:v14+s5+$0x0], $0xffff;
	_ =	sdelay $0x3  }
0x55c: {  	[tilespmem:s13+$0x15470] =	vst v43  }
0x55d: {  	v43 =	vld.idx.msk [tilespmem:v15+s18+$0x0], $0xffff;
	[tilespmem:s7+$0x15470] =	vst v44  }
0x55e: {  	v44 =	vld.idx.msk [tilespmem:v15+s5+$0x0], $0xffff;
	_ =	sdelay $0x3  }
0x55f: {  	[tilespmem:s13+$0x15800] =	vst v43  }
0x560: {  	v43 =	vld.idx.msk [tilespmem:v16+s18+$0x0], $0xffff;
	[tilespmem:s7+$0x15800] =	vst v44  }
0x561: {  	v44 =	vld.idx.msk [tilespmem:v16+s5+$0x0], $0xffff;
	_ =	sdelay $0x2  }
0x562: {  	[tilespmem:s14+$0x15810] =	vst v42  }
0x563: {  	v42 =	vld.idx.msk [tilespmem:v17+s17+$0x0], $0xffff;
	[tilespmem:s13+$0x15810] =	vst v43  }
0x564: {  	v43 =	vld.idx.msk [tilespmem:v17+s18+$0x0], $0xffff;
	[tilespmem:s7+$0x15810] =	vst v44  }
0x565: {  	v44 =	vld.idx.msk [tilespmem:v17+s5+$0x0], $0xffff;
	_ =	sdelay $0x2  }
0x566: {  	[tilespmem:s14+$0x15820] =	vst v42  }
0x567: {  	v42 =	vld.idx.msk [tilespmem:v18+s17+$0x0], $0xffff;
	[tilespmem:s13+$0x15820] =	vst v43  }
0x568: {  	v43 =	vld.idx.msk [tilespmem:v18+s18+$0x0], $0xffff;
	[tilespmem:s7+$0x15820] =	vst v44  }
0x569: {  	v44 =	vld.idx.msk [tilespmem:v18+s5+$0x0], $0xffff;
	_ =	sdelay $0x2  }
0x56a: {  	[tilespmem:s14+$0x15830] =	vst v42  }
0x56b: {  	v42 =	vld.idx.msk [tilespmem:v19+s17+$0x0], $0xffff;
	[tilespmem:s13+$0x15830] =	vst v43  }
0x56c: {  	v43 =	vld.idx.msk [tilespmem:v19+s18+$0x0], $0xffff;
	[tilespmem:s7+$0x15830] =	vst v44  }
0x56d: {  	v44 =	vld.idx.msk [tilespmem:v19+s5+$0x0], $0xffff;
	_ =	sdelay $0x2  }
0x56e: {  	[tilespmem:s14+$0x15840] =	vst v42  }
0x56f: {  	v42 =	vld.idx.msk [tilespmem:v20+s17+$0x0], $0xffff;
	[tilespmem:s13+$0x15840] =	vst v43  }
0x570: {  	v43 =	vld.idx.msk [tilespmem:v20+s18+$0x0], $0xffff;
	[tilespmem:s7+$0x15840] =	vst v44  }
0x571: {  	v44 =	vld.idx.msk [tilespmem:v20+s5+$0x0], $0xffff  }
0x572: {  	[tilespmem:s9+$0x15850] =	vst v41  }
0x573: {  	v41 =	vld.idx.msk [tilespmem:v21+s10+$0x0], $0xffff  }
0x574: {  	[tilespmem:s14+$0x15850] =	vst v42  }
0x575: {  	v42 =	vld.idx.msk [tilespmem:v21+s17+$0x0], $0xffff;
	[tilespmem:s13+$0x15850] =	vst v43  }
0x576: {  	v43 =	vld.idx.msk [tilespmem:v21+s18+$0x0], $0xffff;
	[tilespmem:s7+$0x15850] =	vst v44  }
0x577: {  	v44 =	vld.idx.msk [tilespmem:v21+s5+$0x0], $0xffff  }
0x578: {  	[tilespmem:s9+$0x15860] =	vst v41  }
0x579: {  	v41 =	vld.idx.msk [tilespmem:v22+s10+$0x0], $0xffff  }
0x57a: {  	[tilespmem:s14+$0x15860] =	vst v42  }
0x57b: {  	v42 =	vld.idx.msk [tilespmem:v22+s17+$0x0], $0xffff;
	[tilespmem:s13+$0x15860] =	vst v43  }
0x57c: {  	v43 =	vld.idx.msk [tilespmem:v22+s18+$0x0], $0xffff;
	[tilespmem:s7+$0x15860] =	vst v44  }
0x57d: {  	v44 =	vld.idx.msk [tilespmem:v22+s5+$0x0], $0xffff  }
0x57e: {  	[tilespmem:s9+$0x15870] =	vst v41  }
0x57f: {  	v41 =	vld.idx.msk [tilespmem:v23+s10+$0x0], $0xffff  }
0x580: {  	[tilespmem:s14+$0x15870] =	vst v42  }
0x581: {  	v42 =	vld.idx.msk [tilespmem:v23+s17+$0x0], $0xffff;
	[tilespmem:s13+$0x15870] =	vst v43  }
0x582: {  	v43 =	vld.idx.msk [tilespmem:v23+s18+$0x0], $0xffff;
	[tilespmem:s7+$0x15870] =	vst v44  }
0x583: {  	v44 =	vld.idx.msk [tilespmem:v23+s5+$0x0], $0xffff  }
0x584: {  	[tilespmem:s9+$0x15C00] =	vst v41  }
0x585: {  	v41 =	vld.idx.msk [tilespmem:v24+s10+$0x0], $0xffff  }
0x586: {  	[tilespmem:s14+$0x15C00] =	vst v42  }
0x587: {  	v42 =	vld.idx.msk [tilespmem:v24+s17+$0x0], $0xffff;
	[tilespmem:s13+$0x15C00] =	vst v43  }
0x588: {  	v43 =	vld.idx.msk [tilespmem:v24+s18+$0x0], $0xffff;
	[tilespmem:s7+$0x15C00] =	vst v44  }
0x589: {  	v44 =	vld.idx.msk [tilespmem:v24+s5+$0x0], $0xffff  }
0x58a: {  	[tilespmem:s9+$0x15C10] =	vst v41  }
0x58b: {  	v41 =	vld.idx.msk [tilespmem:v25+s10+$0x0], $0xffff  }
0x58c: {  	[tilespmem:s14+$0x15C10] =	vst v42  }
0x58d: {  	v42 =	vld.idx.msk [tilespmem:v25+s17+$0x0], $0xffff;
	[tilespmem:s13+$0x15C10] =	vst v43  }
0x58e: {  	v43 =	vld.idx.msk [tilespmem:v25+s18+$0x0], $0xffff;
	[tilespmem:s7+$0x15C10] =	vst v44  }
0x58f: {  	[tilespmem:s11+$0x15C20] =	vst v39;
	v54 =	vld.idx.msk [tilespmem:v25+s5+$0x0], $0xffff  }
0x590: {  	v39 =	vld.idx.msk [tilespmem:v26+s4+$0x0], $0xffff;
	[tilespmem:s9+$0x15C20] =	vst v41  }
0x591: {  	[tilespmem:s15+$0x16030] =	vst v40;
	v41 =	vld.idx.msk [tilespmem:v26+s10+$0x0], $0xffff  }
0x592: {  	v55 =	vld.idx.msk [tilespmem:v30+s3+$0x0], $0xffff;
	[tilespmem:s14+$0x15C20] =	vst v42  }
0x593: {  	v42 =	vld.idx.msk [tilespmem:v26+s17+$0x0], $0xffff;
	[tilespmem:s13+$0x15C20] =	vst v43  }
0x594: {  	v43 =	vld.idx.msk [tilespmem:v26+s18+$0x0], $0xffff;
	[tilespmem:s7+$0x15C20] =	vst v54  }
0x595: {  	[tilespmem:s11+$0x15C30] =	vst v39;
	v40 =	vld.idx.msk [tilespmem:v26+s5+$0x0], $0xffff  }
0x596: {  	v39 =	vld.idx.msk [tilespmem:v27+s4+$0x0], $0xffff;
	[tilespmem:s9+$0x15C30] =	vst v41  }
0x597: {  	[tilespmem:s2+$0x15C70] =	vst v55;
	v41 =	vld.idx.msk [tilespmem:v27+s10+$0x0], $0xffff  }
0x598: {  	v56 =	vld.idx.msk [tilespmem:v35+s16+$0x0], $0xffff;
	[tilespmem:s14+$0x15C30] =	vst v42  }
0x599: {  	v42 =	vld.idx.msk [tilespmem:v27+s17+$0x0], $0xffff;
	[tilespmem:s13+$0x15C30] =	vst v43  }
0x59a: {  	v43 =	vld.idx.msk [tilespmem:v27+s18+$0x0], $0xffff;
	[tilespmem:s7+$0x15C30] =	vst v40  }
0x59b: {  	[tilespmem:s11+$0x15C40] =	vst v39;
	v40 =	vld.idx.msk [tilespmem:v27+s5+$0x0], $0xffff  }
0x59c: {  	v39 =	vld.idx.msk [tilespmem:v28+s4+$0x0], $0xffff;
	[tilespmem:s9+$0x15C40] =	vst v41  }
0x59d: {  	[tilespmem:s15+$0x16040] =	vst v56;
	v41 =	vld.idx.msk [tilespmem:v28+s10+$0x0], $0xffff  }
0x59e: {  	v57 =	vld.idx.msk [tilespmem:v31+s3+$0x0], $0xffff;
	[tilespmem:s14+$0x15C40] =	vst v42  }
0x59f: {  	v42 =	vld.idx.msk [tilespmem:v28+s17+$0x0], $0xffff;
	[tilespmem:s13+$0x15C40] =	vst v43  }
0x5a0: {  	v43 =	vld.idx.msk [tilespmem:v28+s18+$0x0], $0xffff;
	[tilespmem:s7+$0x15C40] =	vst v40  }
0x5a1: {  	[tilespmem:s11+$0x15C50] =	vst v39;
	v40 =	vld.idx.msk [tilespmem:v28+s5+$0x0], $0xffff  }
0x5a2: {  	v39 =	vld.idx.msk [tilespmem:v29+s4+$0x0], $0xffff;
	[tilespmem:s9+$0x15C50] =	vst v41  }
0x5a3: {  	[tilespmem:s2+$0x16000] =	vst v57;
	v41 =	vld.idx.msk [tilespmem:v29+s10+$0x0], $0xffff  }
0x5a4: {  	v58 =	vld.idx.msk [tilespmem:v36+s16+$0x0], $0xffff;
	[tilespmem:s14+$0x15C50] =	vst v42  }
0x5a5: {  	v42 =	vld.idx.msk [tilespmem:v29+s17+$0x0], $0xffff;
	[tilespmem:s13+$0x15C50] =	vst v43  }
0x5a6: {  	v43 =	vld.idx.msk [tilespmem:v29+s18+$0x0], $0xffff;
	[tilespmem:s7+$0x15C50] =	vst v40  }
0x5a7: {  	[tilespmem:s11+$0x15C60] =	vst v39;
	v40 =	vld.idx.msk [tilespmem:v29+s5+$0x0], $0xffff  }
0x5a8: {  	v39 =	vld.idx.msk [tilespmem:v30+s4+$0x0], $0xffff;
	[tilespmem:s9+$0x15C60] =	vst v41  }
0x5a9: {  	[tilespmem:s15+$0x16050] =	vst v58;
	v41 =	vld.idx.msk [tilespmem:v30+s10+$0x0], $0xffff  }
0x5aa: {  	v59 =	vld.idx.msk [tilespmem:v32+s3+$0x0], $0xffff;
	[tilespmem:s14+$0x15C60] =	vst v42  }
0x5ab: {  	v42 =	vld.idx.msk [tilespmem:v30+s17+$0x0], $0xffff;
	[tilespmem:s13+$0x15C60] =	vst v43  }
0x5ac: {  	v43 =	vld.idx.msk [tilespmem:v30+s18+$0x0], $0xffff;
	[tilespmem:s7+$0x15C60] =	vst v40  }
0x5ad: {  	[tilespmem:s11+$0x15C70] =	vst v39;
	v40 =	vld.idx.msk [tilespmem:v30+s5+$0x0], $0xffff  }
0x5ae: {  	v39 =	vld.idx.msk [tilespmem:v31+s4+$0x0], $0xffff;
	[tilespmem:s9+$0x15C70] =	vst v41  }
0x5af: {  	[tilespmem:s2+$0x16010] =	vst v59;
	v41 =	vld.idx.msk [tilespmem:v31+s10+$0x0], $0xffff  }
0x5b0: {  	v60 =	vld.idx.msk [tilespmem:v37+s16+$0x0], $0xffff;
	[tilespmem:s14+$0x15C70] =	vst v42  }
0x5b1: {  	v42 =	vld.idx.msk [tilespmem:v31+s17+$0x0], $0xffff;
	[tilespmem:s13+$0x15C70] =	vst v43  }
0x5b2: {  	v43 =	vld.idx.msk [tilespmem:v31+s18+$0x0], $0xffff;
	[tilespmem:s7+$0x15C70] =	vst v40  }
0x5b3: {  	[tilespmem:s11+$0x16000] =	vst v39;
	v40 =	vld.idx.msk [tilespmem:v31+s5+$0x0], $0xffff  }
0x5b4: {  	v39 =	vld.idx.msk [tilespmem:v32+s4+$0x0], $0xffff;
	[tilespmem:s9+$0x16000] =	vst v41  }
0x5b5: {  	[tilespmem:s15+$0x16060] =	vst v60;
	v41 =	vld.idx.msk [tilespmem:v32+s10+$0x0], $0xffff  }
0x5b6: {  	v61 =	vld.idx.msk [tilespmem:v33+s3+$0x0], $0xffff;
	[tilespmem:s14+$0x16000] =	vst v42  }
0x5b7: {  	v42 =	vld.idx.msk [tilespmem:v32+s17+$0x0], $0xffff;
	[tilespmem:s13+$0x16000] =	vst v43  }
0x5b8: {  	v43 =	vld.idx.msk [tilespmem:v32+s18+$0x0], $0xffff;
	[tilespmem:s7+$0x16000] =	vst v40  }
0x5b9: {  	[tilespmem:s11+$0x16010] =	vst v39;
	v40 =	vld.idx.msk [tilespmem:v32+s5+$0x0], $0xffff  }
0x5ba: {  	v39 =	vld.idx.msk [tilespmem:v33+s4+$0x0], $0xffff;
	[tilespmem:s9+$0x16010] =	vst v41  }
0x5bb: {  	[tilespmem:s2+$0x16020] =	vst v61;
	v41 =	vld.idx.msk [tilespmem:v33+s10+$0x0], $0xffff  }
0x5bc: {  	v62 =	vld.idx.msk [tilespmem:v38+s16+$0x0], $0xffff;
	[tilespmem:s14+$0x16010] =	vst v42  }
0x5bd: {  	v42 =	vld.idx.msk [tilespmem:v33+s17+$0x0], $0xffff;
	[tilespmem:s13+$0x16010] =	vst v43  }
0x5be: {  	v43 =	vld.idx.msk [tilespmem:v33+s18+$0x0], $0xffff;
	[tilespmem:s7+$0x16010] =	vst v40  }
0x5bf: {  	[tilespmem:s11+$0x16020] =	vst v39;
	v40 =	vld.idx.msk [tilespmem:v33+s5+$0x0], $0xffff  }
0x5c0: {  	v39 =	vld.idx.msk [tilespmem:v34+s4+$0x0], $0xffff;
	[tilespmem:s9+$0x16020] =	vst v41  }
0x5c1: {  	[tilespmem:s15+$0x16070] =	vst v62;
	v41 =	vld.idx.msk [tilespmem:v34+s10+$0x0], $0xffff  }
0x5c2: {  	v63 =	vld.idx.msk [tilespmem:v34+s3+$0x0], $0xffff;
	[tilespmem:s14+$0x16020] =	vst v42  }
0x5c3: {  	v42 =	vld.idx.msk [tilespmem:v34+s17+$0x0], $0xffff;
	[tilespmem:s13+$0x16020] =	vst v43  }
0x5c4: {  	v43 =	vld.idx.msk [tilespmem:v34+s18+$0x0], $0xffff;
	[tilespmem:s7+$0x16020] =	vst v40  }
0x5c5: {  	[tilespmem:s11+$0x16030] =	vst v39;
	v40 =	vld.idx.msk [tilespmem:v34+s5+$0x0], $0xffff  }
0x5c6: {  	v39 =	vld.idx.msk [tilespmem:v35+s4+$0x0], $0xffff;
	[tilespmem:s9+$0x16030] =	vst v41  }
0x5c7: {  	[tilespmem:s2+$0x16030] =	vst v63;
	v41 =	vld.idx.msk [tilespmem:v35+s10+$0x0], $0xffff  }
0x5c8: {  	v44 =	vld.idx.msk [tilespmem:v35+s3+$0x0], $0xffff;
	[tilespmem:s14+$0x16030] =	vst v42  }
0x5c9: {  	v42 =	vld.idx.msk [tilespmem:v35+s17+$0x0], $0xffff;
	[tilespmem:s13+$0x16030] =	vst v43  }
0x5ca: {  	v43 =	vld.idx.msk [tilespmem:v35+s18+$0x0], $0xffff;
	[tilespmem:s7+$0x16030] =	vst v40  }
0x5cb: {  	[tilespmem:s11+$0x16040] =	vst v39;
	v40 =	vld.idx.msk [tilespmem:v35+s5+$0x0], $0xffff  }
0x5cc: {  	v39 =	vld.idx.msk [tilespmem:v36+s4+$0x0], $0xffff;
	[tilespmem:s9+$0x16040] =	vst v41  }
0x5cd: {  	v41 =	vld.idx.msk [tilespmem:v36+s10+$0x0], $0xffff;
	[tilespmem:s2+$0x16040] =	vst v44  }
0x5ce: {  	v44 =	vld.idx.msk [tilespmem:v36+s3+$0x0], $0xffff;
	[tilespmem:s14+$0x16040] =	vst v42  }
0x5cf: {  	v42 =	vld.idx.msk [tilespmem:v36+s17+$0x0], $0xffff;
	[tilespmem:s13+$0x16040] =	vst v43  }
0x5d0: {  	v43 =	vld.idx.msk [tilespmem:v36+s18+$0x0], $0xffff;
	[tilespmem:s7+$0x16040] =	vst v40  }
0x5d1: {  	[tilespmem:s11+$0x16050] =	vst v39;
	v40 =	vld.idx.msk [tilespmem:v36+s5+$0x0], $0xffff  }
0x5d2: {  	v39 =	vld.idx.msk [tilespmem:v37+s4+$0x0], $0xffff;
	[tilespmem:s9+$0x16050] =	vst v41  }
0x5d3: {  	v41 =	vld.idx.msk [tilespmem:v37+s10+$0x0], $0xffff;
	[tilespmem:s2+$0x16050] =	vst v44  }
0x5d4: {  	v44 =	vld.idx.msk [tilespmem:v37+s3+$0x0], $0xffff;
	[tilespmem:s14+$0x16050] =	vst v42  }
0x5d5: {  	v42 =	vld.idx.msk [tilespmem:v37+s17+$0x0], $0xffff;
	[tilespmem:s13+$0x16050] =	vst v43  }
0x5d6: {  	v43 =	vld.idx.msk [tilespmem:v37+s18+$0x0], $0xffff;
	[tilespmem:s7+$0x16050] =	vst v40  }
0x5d7: {  	[tilespmem:s11+$0x16060] =	vst v39;
	v40 =	vld.idx.msk [tilespmem:v37+s5+$0x0], $0xffff  }
0x5d8: {  	v39 =	vld.idx.msk [tilespmem:v38+s4+$0x0], $0xffff;
	[tilespmem:s9+$0x16060] =	vst v41  }
0x5d9: {  	v41 =	vld.idx.msk [tilespmem:v38+s10+$0x0], $0xffff;
	[tilespmem:s2+$0x16060] =	vst v44  }
0x5da: {  	v44 =	vld.idx.msk [tilespmem:v38+s3+$0x0], $0xffff;
	[tilespmem:s14+$0x16060] =	vst v42  }
0x5db: {  	v42 =	vld.idx.msk [tilespmem:v38+s17+$0x0], $0xffff;
	[tilespmem:s13+$0x16060] =	vst v43  }
0x5dc: {  	v43 =	vld.idx.msk [tilespmem:v38+s18+$0x0], $0xffff;
	[tilespmem:s7+$0x16060] =	vst v40  }
0x5dd: {  	s31 =	sadd.s32 $0x1, s31;
	[tilespmem:s11+$0x16070] =	vst v39;
	v40 =	vld.idx.msk [tilespmem:v38+s5+$0x0], $0xffff  }
0x5de: {  	p0 =	sne.s32 s31, $0x8;
	[tilespmem:s9+$0x16070] =	vst v41  }
.Ltmp9:
0x5df: {  	[tilespmem:s2+$0x16070] =	vst v44;
	(pc) =	sbr.rel @p0 .LBB2_6-.Ltmp9, $4  }
0x5e0: {  	[tilespmem:s14+$0x16070] =	vst v42  }
0x5e1: {  	s0 =	sshll.u32 s0, $0xB;
	[tilespmem:s13+$0x16070] =	vst v43  }
0x5e2: {  	s20 =	simm.s32 $0x15400;
	s0 =	sadd.s32 s0, s8;
	[tilespmem:s7+$0x16070] =	vst v40  }
0x5e3: {  	[hbm4b:s0+s6] =	stream.linear.scatter [tilespmem:s20], [sflag:$0x6], $0x4000, $0x38;
	[tilespmem:$0x19400] =	vst v63  }
0x5e4: {  	_ =	swait.ge [sflag:s26], $0x4000  }
0x5e5: {  	[sflag:s26] =	ssyncset.done $0x0  }
0x5e6: {  	[sflag:s26] =	ssyncadd.s32 $0xFFFFC000  }
0x5e7: {  	_ =	swait.ge [sflag:s23], $0x4000  }
0x5e8: {  	s2 =	rddreg [dreg:$0x7]  }
0x5e9: {  	s0 =	rddreg [dreg:$0x6];
	s2 =	sadd.s32 $0x1, s2  }
0x5ea: {  	p0 =	sne.s32 s2, s0  }
.Ltmp10:
0x5eb: {  	_ = 	snop;
	(pc) =	sbr.rel @p0 .LBB2_1-.Ltmp10, $3  }
0x5ec: {  	_ =	sdelay $0x1  }
0x5ed: {  	[sflag:s23] =	ssyncset.done $0x0  }
0x5ee: {  	[sflag:s23] =	ssyncadd.s32 $0xFFFFC000  }
0x5ef: {  	_ =	sfence.sel $0x180000  }
0x5f0: {  	[bflag:$0x0] =	sbarrier.arrive $0xFFFF  }
0x5f1: {  	_ =	strace $0x90000047  }
0x5f2: {  	s0 =	stileid.u32;
	[bflag:$0x2] =	sbarrier.arrive $0xFFFF  }
0x5f3: {  	p0 =	sne.s32 s0, $0x0;
	s0 =	rddreg [dreg:$0x4]  }
0x5f4: {  	s0 =	sadd.s32 @!p0 $0x100000, s0  }
0x5f5: {  	[sflag:s0] =	ssyncadd.tile.s32 @!p0 $0x1;
	_ =	shalt  }
.Lfunc_end2:
_tile_overlayer_lowered:
.L_overlay_start_2:
0x5f6: {  	(tag) =	ssettag $0x2  }
0x5f7: {  	s0 =	rddreg [dreg:$0x0];
	s2 =	stileid.u32  }
0x5f8: {  	s1 =	rddreg [dreg:$0x1];
	p0 =	sne.s32 s2, $0x0  }
0x5f9: {  	s3 =	rddreg [dreg:$0x2];
	[bflag:$0x3] =	sbarrier.arrive $0xFFFF;
	s2 =	simm.s32 @!p0 $0x1C07  }
0x5fa: {  	[timem:s3], [sflag:s2] =	dma.local @!p0 [hbm:s0], s1  }
0x5fb: {  	s0 =	simm.s32 @!p0 $0x7  }
0x5fc: {  	_ =	swait.ge @!p0 [sflag:s0], s1  }
0x5fd: {  	s1 =	ssub.s32 @!p0 $0x0, s1;
	[sflag:s0] =	ssyncset.done @!p0 $0x0  }
0x5fe: {  	[sflag:s0] =	ssyncadd.s32 @!p0 s1  }
0x5ff: {  	[bflag:$0x3] =	sbarrier.arrive $0xFFFF  }
0x600: {  	_ =	shalt  }

</sc_bundles>
